<compile_context>
chip_gen: v7x
topology: tpu7x:2x2x1
jax: 0.10.2.dev20260603
libtpu: 0.0.44.dev20260713+nightly
codegen_flags: <defaults>
</compile_context>

<pallas_src>
import jax
import jax.numpy as jnp
from jax import lax
from jax.experimental import pallas as pl
from jax.experimental.pallas import tpu as pltpu
from jax.experimental.pallas import tpu_sc as plsc

N = 10000
E = 320000
D = 128
NC = 2
NS = 16
K = 128
CHUNKS = E // K
CHC = CHUNKS // NC
FULL = CHC // NS
RPT = 624
REM = N - NS * RPT
NPAD = 10240
QPT = NPAD // NS


def _seg_sum_kernel(with_count: bool):
    mesh = plsc.VectorSubcoreMesh(core_axis_name="c", subcore_axis_name="s")
    out_type = [jax.ShapeDtypeStruct((NC, N, D), jnp.float32)]
    scratch = [
        pltpu.VMEM_SHARED((N, D), jnp.float32),
    ]
    scratch += [pltpu.VMEM((K,), jnp.int32)] * 4
    scratch += [pltpu.VMEM((1, K), jnp.int32)] * 4
    scratch += [pltpu.VMEM((K, D), jnp.float32)] * 2
    scratch += [pltpu.SemaphoreType.DMA] * 6
    if with_count:
        out_type.append(jax.ShapeDtypeStruct((NC, NPAD), jnp.float32))
        scratch += [
            pltpu.VMEM_SHARED((NPAD,), jnp.float32),
            pltpu.VMEM((K,), jnp.float32),
            pltpu.VMEM((QPT,), jnp.float32),
        ]

    def body(feat, edges, zf, *rest):
        if with_count:
            (zc, ones_h, out, cnt_out, acc, *pipe, cacc, ones_v, cbuf) = rest
        else:
            (out, acc, *pipe) = rest
        srcs = pipe[0:4]
        dsts = pipe[4:8]
        rows = pipe[8:10]
        isems = pipe[10:14]
        gsems = pipe[14:16]
        rows0 = rows[0]
        c = lax.axis_index("c")
        w = lax.axis_index("s")
        r0 = w * RPT
        ebase = c * (CHC * K) + w * K
        pltpu.sync_copy(zf.at[pl.ds(0, K)], rows0)
        for j in range(RPT // K):
            pltpu.sync_copy(rows0, acc.at[pl.ds(r0 + j * K, K)])
        tail = RPT % K
        pltpu.sync_copy(rows0.at[pl.ds(0, tail)],
                        acc.at[pl.ds(r0 + RPT - tail, tail)])

        @pl.when(w == 0)
        def _():
            pltpu.sync_copy(rows0.at[pl.ds(0, REM)],
                            acc.at[pl.ds(NS * RPT, REM)])
        if with_count:
            q0 = w * QPT
            pltpu.sync_copy(ones_h, ones_v)
            pltpu.sync_copy(zc.at[pl.ds(q0, QPT)], cbuf)
            pltpu.sync_copy(cbuf, cacc.at[pl.ds(q0, QPT)])
        plsc.subcore_barrier()

        def iload(k, j):
            off = ebase + k * (NS * K)
            pltpu.async_copy(edges.at[0, pl.ds(off, K)], srcs[j], isems[j])
            pltpu.async_copy(edges.at[1, pl.ds(off, K)], dsts[j].at[0],
                             isems[j])

        def iwait(k, j):
            off = ebase + k * (NS * K)
            pltpu.make_async_copy(edges.at[0, pl.ds(off, K)],
                                  srcs[j], isems[j]).wait()
            pltpu.make_async_copy(edges.at[1, pl.ds(off, K)],
                                  dsts[j].at[0], isems[j]).wait()

        def gissue(j, r):
            pltpu.async_copy(feat.at[srcs[j]], rows[r], gsems[r])

        def gwait(j, r):
            pltpu.make_async_copy(feat.at[srcs[j]], rows[r], gsems[r]).wait()

        def do_scatter(j, r):
            didx = dsts[j].at[0]
            pltpu.sync_copy(rows[r], acc.at[didx], add=True)
            if with_count:
                pltpu.sync_copy(ones_v, cacc.at[didx], add=True)

        extra = w < (CHC - NS * FULL)

        def valid(k):
            return (k < FULL) | ((k == FULL) & extra)

        for j in range(4):
            iload(j, j)
        iwait(0, 0)
        gissue(0, 0)
        iwait(1, 1)
        gissue(1, 1)

        def substep(k, j, r, in_loop):
            gwait(j, r)
            do_scatter(j, r)
            if in_loop:
                @pl.when(valid(k + 4))
                def _():
                    iload(k + 4, j)

                iwait(k + 2, (j + 2) % 4)
                gissue((j + 2) % 4, r)
            else:
                @pl.when(valid(k + 2))
                def _():
                    iwait(k + 2, (j + 2) % 4)
                    gissue((j + 2) % 4, r)

        def step(k4, carry):
            k = 4 * k4
            for j in range(4):
                substep(k + j, j, j % 2, in_loop=True)
            return carry

        nloop = (FULL - 2) // 4
        lax.fori_loop(0, nloop, step, 0)
        substep(4 * nloop, 0, 0, in_loop=False)
        substep(4 * nloop + 1, 1, 1, in_loop=False)

        @pl.when(extra)
        def _():
            gwait(2, 0)
            do_scatter(2, 0)
        plsc.subcore_barrier()
        for j in range(RPT // K):
            pltpu.sync_copy(acc.at[pl.ds(r0 + j * K, K)], rows0)
            pltpu.sync_copy(rows0, out.at[c, pl.ds(r0 + j * K, K)])
        pltpu.sync_copy(acc.at[pl.ds(r0 + RPT - tail, tail)],
                        rows0.at[pl.ds(0, tail)])
        pltpu.sync_copy(rows0.at[pl.ds(0, tail)],
                        out.at[c, pl.ds(r0 + RPT - tail, tail)])

        @pl.when(w == 0)
        def _():
            pltpu.sync_copy(acc.at[pl.ds(NS * RPT, REM)],
                            rows0.at[pl.ds(0, REM)])
            pltpu.sync_copy(rows0.at[pl.ds(0, REM)],
                            out.at[c, pl.ds(NS * RPT, REM)])
        if with_count:
            pltpu.sync_copy(cacc.at[pl.ds(q0, QPT)], cbuf)
            pltpu.sync_copy(cbuf, cnt_out.at[c, pl.ds(q0, QPT)])

    out = out_type if with_count else out_type[0]
    return pl.kernel(body, out_type=out, mesh=mesh, scratch_types=scratch)


_seg_sum_cnt = _seg_sum_kernel(with_count=True)
_seg_sum = _seg_sum_kernel(with_count=False)

_BN = 1000


def _sage_combine(relu: bool):

    def body(parts_ref, cnt_ref, x_ref, wl_ref, wr_ref, b_ref, o_ref):
        s = parts_ref[0] + parts_ref[1]
        cnt1 = cnt_ref[0] + cnt_ref[1]
        mean = s / jnp.maximum(cnt1, 1.0)
        acc = jnp.dot(mean, wl_ref[...], preferred_element_type=jnp.float32)
        acc = acc + jnp.dot(x_ref[...], wr_ref[...],
                            preferred_element_type=jnp.float32)
        acc = acc + b_ref[...]
        o_ref[...] = jnp.maximum(acc, 0.0) if relu else acc

    return pl.pallas_call(
        body,
        grid=(N // _BN,),
        in_specs=[
            pl.BlockSpec((NC, _BN, D), lambda i: (0, i, 0)),
            pl.BlockSpec((NC, _BN, 1), lambda i: (0, i, 0)),
            pl.BlockSpec((_BN, D), lambda i: (i, 0)),
            pl.BlockSpec((D, D), lambda i: (0, 0)),
            pl.BlockSpec((D, D), lambda i: (0, 0)),
            pl.BlockSpec((1, D), lambda i: (0, 0)),
        ],
        out_specs=pl.BlockSpec((_BN, D), lambda i: (i, 0)),
        out_shape=jax.ShapeDtypeStruct((N, D), jnp.float32),
    )


_combine_relu = _sage_combine(relu=True)
_combine_lin = _sage_combine(relu=False)


def kernel(x, edge_index, W1l, b1, W1r, W2l, b2, W2r):
    zf = jnp.zeros((N, D), jnp.float32)
    zc = jnp.zeros((NPAD,), jnp.float32)
    ones = jnp.ones((K,), jnp.float32)
    parts1, cnt_p = _seg_sum_cnt(x, edge_index, zf, zc, ones)
    cnts = cnt_p[:, :N, None]
    h = _combine_relu(parts1, cnts, x, W1l, W1r, b1.reshape(1, D))
    parts2 = _seg_sum(h, edge_index, zf)
    return _combine_lin(parts2, cnts, h, W2l, W2r, b2.reshape(1, D))

# --- scband reference (transcript-rebuilt; emitter-appended) ---
"""Pipeline reference for scband-model-47656957116899 (READ-ONLY COPY).

The authoritative reference and input builder live on the scoring server;
editing this copy changes nothing except your own understanding.
"""

import jax, jax.numpy as jnp
import numpy as np

N = 10000
E = 320000
D = 128
H = 128


def _sage_conv(x, edge_index, Wl, bl, Wr):
    # PyG SAGEConv with mean aggregation:
    #   out = lin_l(mean_{j in N(i)} x_j) + lin_r(x_i)
    # lin_l carries the bias, lin_r has no bias (PyG default).
    src = edge_index[0]
    dst = edge_index[1]
    msg = x[src]  # gather over source nodes: [E, d]
    num_nodes = x.shape[0]
    summed = jax.ops.segment_sum(msg, dst, num_segments=num_nodes)
    cnt = jax.ops.segment_sum(jnp.ones((edge_index.shape[1],), dtype=x.dtype), dst, num_segments=num_nodes)
    mean = summed / jnp.clip(cnt, 1.0, None)[:, None]
    return mean @ Wl + bl + x @ Wr


def setup_inputs(seed: int = 0) -> dict:
    key = jax.random.key(seed)
    ks = jax.random.split(key, 8)
    x = jax.random.normal(ks[0], (N, D), dtype=jnp.float32)
    edge_index = jax.random.randint(ks[1], (2, E), 0, N, dtype=jnp.int32)
    s1 = 1.0 / np.sqrt(D)
    s2 = 1.0 / np.sqrt(H)
    W1l = jax.random.uniform(ks[2], (D, H), jnp.float32, -s1, s1)
    b1 = jax.random.uniform(ks[3], (H,), jnp.float32, -s1, s1)
    W1r = jax.random.uniform(ks[4], (D, H), jnp.float32, -s1, s1)
    W2l = jax.random.uniform(ks[5], (H, H), jnp.float32, -s2, s2)
    b2 = jax.random.uniform(ks[6], (H,), jnp.float32, -s2, s2)
    W2r = jax.random.uniform(ks[7], (H, H), jnp.float32, -s2, s2)
    return {"x": x, "edge_index": edge_index, "W1l": W1l, "b1": b1, "W1r": W1r, "W2l": W2l, "b2": b2, "W2r": W2r}


def reference(x, edge_index, W1l, b1, W1r, W2l, b2, W2r):
    h = _sage_conv(x, edge_index, W1l, b1, W1r)
    h = jax.nn.relu(h)
    out = _sage_conv(h, edge_index, W2l, b2, W2r)
    return out

if __name__ == "__main__":
    import jax
    _d = setup_inputs()
    print(jax.jit(kernel)(*tuple(_d.values())))

</pallas_src>

<mosaic_0001>
#map = affine_map<(d0, d1) -> (0, 0)>
#map1 = affine_map<(d0, d1) -> (0)>
#map2 = affine_map<(d0, d1) -> (0, 0, 0)>
module attributes {stable_mosaic.version = 14 : i64} {
  func.func @body(%arg0: i32, %arg1: i32, %arg2: memref<10000x128xf32, #tpu.memory_space<hbm>>, %arg3: memref<2x320000xi32, #tpu.memory_space<hbm>>, %arg4: memref<10000x128xf32, #tpu.memory_space<hbm>>, %arg5: memref<10240xf32, #tpu.memory_space<hbm>>, %arg6: memref<128xf32, #tpu.memory_space<hbm>>, %arg7: memref<2x10000x128xf32, #tpu.memory_space<hbm>>, %arg8: memref<2x10240xf32, #tpu.memory_space<hbm>>, %arg9: memref<10000x128xf32, #tpu.memory_space<vmem_shared>>, %arg10: memref<128xi32, #tpu.memory_space<vmem>>, %arg11: memref<128xi32, #tpu.memory_space<vmem>>, %arg12: memref<128xi32, #tpu.memory_space<vmem>>, %arg13: memref<128xi32, #tpu.memory_space<vmem>>, %arg14: memref<1x128xi32, #tpu.memory_space<vmem>>, %arg15: memref<1x128xi32, #tpu.memory_space<vmem>>, %arg16: memref<1x128xi32, #tpu.memory_space<vmem>>, %arg17: memref<1x128xi32, #tpu.memory_space<vmem>>, %arg18: memref<128x128xf32, #tpu.memory_space<vmem>>, %arg19: memref<128x128xf32, #tpu.memory_space<vmem>>, %arg20: memref<!tpu.dma_semaphore, #tpu.memory_space<semaphore_mem>>, %arg21: memref<!tpu.dma_semaphore, #tpu.memory_space<semaphore_mem>>, %arg22: memref<!tpu.dma_semaphore, #tpu.memory_space<semaphore_mem>>, %arg23: memref<!tpu.dma_semaphore, #tpu.memory_space<semaphore_mem>>, %arg24: memref<!tpu.dma_semaphore, #tpu.memory_space<semaphore_mem>>, %arg25: memref<!tpu.dma_semaphore, #tpu.memory_space<semaphore_mem>>, %arg26: memref<10240xf32, #tpu.memory_space<vmem_shared>>, %arg27: memref<128xf32, #tpu.memory_space<vmem>>, %arg28: memref<640xf32, #tpu.memory_space<vmem>>) attributes {dimension_semantics = [#tpu.dimension_semantics<core_parallel>, #tpu.dimension_semantics<subcore_parallel>], iteration_bounds = array<i64: 2, 16>, scalar_prefetch = 0 : i64, scratch_operands = 20 : i64, tpu.core_type = #tpu.core_type<sc_vector_subcore>, window_params = [{transform_indices = #map}, {transform_indices = #map}, {transform_indices = #map}, {transform_indices = #map1}, {transform_indices = #map1}, {transform_indices = #map2}, {transform_indices = #map}]} {
    %mul3A = arith.constant 624 : i32
    %mul3A_0 = arith.muli %arg1, %mul3A : i32
    %mul3A_1 = arith.constant 160000 : i32
    %mul3A_2 = arith.muli %arg0, %mul3A_1 : i32
    %mul3A_3 = arith.constant 128 : i32
    %mul3A_4 = arith.muli %arg1, %mul3A_3 : i32
    %add3A = arith.addi %mul3A_2, %mul3A_4 : i32
    "tpu.region"() ({
      %run_scoped3A_198 = tpu.sem_alloc : memref<!tpu.dma_semaphore, #tpu.memory_space<semaphore_mem>>
      %dma_start3A_199 = arith.constant 0 : i32
      %dma_start3A_200 = arith.constant 0 : i32
      %dma_start3A_201 = tpu.memref_slice %arg4[%dma_start3A_199, %dma_start3A_200] : memref<10000x128xf32, #tpu.memory_space<hbm>> -> memref<128x128xf32, #tpu.memory_space<hbm>>
      %dma_start3A_202 = arith.constant 0 : i32
      %dma_start3A_203 = arith.constant 0 : i32
      %dma_start3A_204 = tpu.memref_slice %arg4[%dma_start3A_202, %dma_start3A_203] : memref<10000x128xf32, #tpu.memory_space<hbm>> -> memref<128x128xf32, #tpu.memory_space<hbm>>
      tpu.enqueue_dma source(%dma_start3A_204 : memref<128x128xf32, #tpu.memory_space<hbm>>) target(%arg18 : memref<128x128xf32, #tpu.memory_space<vmem>>) target_semaphore(%run_scoped3A_198 : memref<!tpu.dma_semaphore, #tpu.memory_space<semaphore_mem>>)
      %dma_wait3A_205 = arith.constant 0 : i32
      %dma_wait3A_206 = arith.constant 0 : i32
      %dma_wait3A_207 = tpu.memref_slice %arg4[%dma_wait3A_205, %dma_wait3A_206] : memref<10000x128xf32, #tpu.memory_space<hbm>> -> memref<128x128xf32, #tpu.memory_space<hbm>>
      %dma_wait3A_208 = arith.constant 0 : i32
      %dma_wait3A_209 = arith.constant 0 : i32
      %dma_wait3A_210 = tpu.memref_slice %arg4[%dma_wait3A_208, %dma_wait3A_209] : memref<10000x128xf32, #tpu.memory_space<hbm>> -> memref<128x128xf32, #tpu.memory_space<hbm>>
      tpu.wait_dma2 semaphore(%run_scoped3A_198 : memref<!tpu.dma_semaphore, #tpu.memory_space<semaphore_mem>>) src(%dma_wait3A_210 : memref<128x128xf32, #tpu.memory_space<hbm>>) dst(%arg18 : memref<128x128xf32, #tpu.memory_space<vmem>>)
      tpu.yield
    }) : () -> ()
    %add3A_5 = arith.constant 0 : i32
    %add3A_6 = arith.addi %mul3A_0, %add3A_5 : i32
    "tpu.region"() ({
      %run_scoped3A_198 = tpu.sem_alloc : memref<!tpu.dma_semaphore, #tpu.memory_space<semaphore_mem>>
      %dma_start3A_199 = arith.constant 0 : i32
      %dma_start3A_200 = tpu.memref_slice %arg9[%add3A_6, %dma_start3A_199] : memref<10000x128xf32, #tpu.memory_space<vmem_shared>> -> memref<128x128xf32, #tpu.memory_space<vmem_shared>>
      %dma_start3A_201 = arith.constant 0 : i32
      %dma_start3A_202 = tpu.memref_slice %arg9[%add3A_6, %dma_start3A_201] : memref<10000x128xf32, #tpu.memory_space<vmem_shared>> -> memref<128x128xf32, #tpu.memory_space<vmem_shared>>
      tpu.enqueue_dma source(%arg18 : memref<128x128xf32, #tpu.memory_space<vmem>>) target(%dma_start3A_202 : memref<128x128xf32, #tpu.memory_space<vmem_shared>>) target_semaphore(%run_scoped3A_198 : memref<!tpu.dma_semaphore, #tpu.memory_space<semaphore_mem>>)
      %dma_wait3A_203 = arith.constant 0 : i32
      %dma_wait3A_204 = tpu.memref_slice %arg9[%add3A_6, %dma_wait3A_203] : memref<10000x128xf32, #tpu.memory_space<vmem_shared>> -> memref<128x128xf32, #tpu.memory_space<vmem_shared>>
      %dma_wait3A_205 = arith.constant 0 : i32
      %dma_wait3A_206 = tpu.memref_slice %arg9[%add3A_6, %dma_wait3A_205] : memref<10000x128xf32, #tpu.memory_space<vmem_shared>> -> memref<128x128xf32, #tpu.memory_space<vmem_shared>>
      tpu.wait_dma2 semaphore(%run_scoped3A_198 : memref<!tpu.dma_semaphore, #tpu.memory_space<semaphore_mem>>) src(%arg18 : memref<128x128xf32, #tpu.memory_space<vmem>>) dst(%dma_wait3A_206 : memref<128x128xf32, #tpu.memory_space<vmem_shared>>)
      tpu.yield
    }) : () -> ()
    %add3A_7 = arith.constant 128 : i32
    %add3A_8 = arith.addi %mul3A_0, %add3A_7 : i32
    "tpu.region"() ({
      %run_scoped3A_198 = tpu.sem_alloc : memref<!tpu.dma_semaphore, #tpu.memory_space<semaphore_mem>>
      %dma_start3A_199 = arith.constant 0 : i32
      %dma_start3A_200 = tpu.memref_slice %arg9[%add3A_8, %dma_start3A_199] : memref<10000x128xf32, #tpu.memory_space<vmem_shared>> -> memref<128x128xf32, #tpu.memory_space<vmem_shared>>
      %dma_start3A_201 = arith.constant 0 : i32
      %dma_start3A_202 = tpu.memref_slice %arg9[%add3A_8, %dma_start3A_201] : memref<10000x128xf32, #tpu.memory_space<vmem_shared>> -> memref<128x128xf32, #tpu.memory_space<vmem_shared>>
      tpu.enqueue_dma source(%arg18 : memref<128x128xf32, #tpu.memory_space<vmem>>) target(%dma_start3A_202 : memref<128x128xf32, #tpu.memory_space<vmem_shared>>) target_semaphore(%run_scoped3A_198 : memref<!tpu.dma_semaphore, #tpu.memory_space<semaphore_mem>>)
      %dma_wait3A_203 = arith.constant 0 : i32
      %dma_wait3A_204 = tpu.memref_slice %arg9[%add3A_8, %dma_wait3A_203] : memref<10000x128xf32, #tpu.memory_space<vmem_shared>> -> memref<128x128xf32, #tpu.memory_space<vmem_shared>>
      %dma_wait3A_205 = arith.constant 0 : i32
      %dma_wait3A_206 = tpu.memref_slice %arg9[%add3A_8, %dma_wait3A_205] : memref<10000x128xf32, #tpu.memory_space<vmem_shared>> -> memref<128x128xf32, #tpu.memory_space<vmem_shared>>
      tpu.wait_dma2 semaphore(%run_scoped3A_198 : memref<!tpu.dma_semaphore, #tpu.memory_space<semaphore_mem>>) src(%arg18 : memref<128x128xf32, #tpu.memory_space<vmem>>) dst(%dma_wait3A_206 : memref<128x128xf32, #tpu.memory_space<vmem_shared>>)
      tpu.yield
    }) : () -> ()
    %add3A_9 = arith.constant 256 : i32
    %add3A_10 = arith.addi %mul3A_0, %add3A_9 : i32
    "tpu.region"() ({
      %run_scoped3A_198 = tpu.sem_alloc : memref<!tpu.dma_semaphore, #tpu.memory_space<semaphore_mem>>
      %dma_start3A_199 = arith.constant 0 : i32
      %dma_start3A_200 = tpu.memref_slice %arg9[%add3A_10, %dma_start3A_199] : memref<10000x128xf32, #tpu.memory_space<vmem_shared>> -> memref<128x128xf32, #tpu.memory_space<vmem_shared>>
      %dma_start3A_201 = arith.constant 0 : i32
      %dma_start3A_202 = tpu.memref_slice %arg9[%add3A_10, %dma_start3A_201] : memref<10000x128xf32, #tpu.memory_space<vmem_shared>> -> memref<128x128xf32, #tpu.memory_space<vmem_shared>>
      tpu.enqueue_dma source(%arg18 : memref<128x128xf32, #tpu.memory_space<vmem>>) target(%dma_start3A_202 : memref<128x128xf32, #tpu.memory_space<vmem_shared>>) target_semaphore(%run_scoped3A_198 : memref<!tpu.dma_semaphore, #tpu.memory_space<semaphore_mem>>)
      %dma_wait3A_203 = arith.constant 0 : i32
      %dma_wait3A_204 = tpu.memref_slice %arg9[%add3A_10, %dma_wait3A_203] : memref<10000x128xf32, #tpu.memory_space<vmem_shared>> -> memref<128x128xf32, #tpu.memory_space<vmem_shared>>
      %dma_wait3A_205 = arith.constant 0 : i32
      %dma_wait3A_206 = tpu.memref_slice %arg9[%add3A_10, %dma_wait3A_205] : memref<10000x128xf32, #tpu.memory_space<vmem_shared>> -> memref<128x128xf32, #tpu.memory_space<vmem_shared>>
      tpu.wait_dma2 semaphore(%run_scoped3A_198 : memref<!tpu.dma_semaphore, #tpu.memory_space<semaphore_mem>>) src(%arg18 : memref<128x128xf32, #tpu.memory_space<vmem>>) dst(%dma_wait3A_206 : memref<128x128xf32, #tpu.memory_space<vmem_shared>>)
      tpu.yield
    }) : () -> ()
    %add3A_11 = arith.constant 384 : i32
    %add3A_12 = arith.addi %mul3A_0, %add3A_11 : i32
    "tpu.region"() ({
      %run_scoped3A_198 = tpu.sem_alloc : memref<!tpu.dma_semaphore, #tpu.memory_space<semaphore_mem>>
      %dma_start3A_199 = arith.constant 0 : i32
      %dma_start3A_200 = tpu.memref_slice %arg9[%add3A_12, %dma_start3A_199] : memref<10000x128xf32, #tpu.memory_space<vmem_shared>> -> memref<128x128xf32, #tpu.memory_space<vmem_shared>>
      %dma_start3A_201 = arith.constant 0 : i32
      %dma_start3A_202 = tpu.memref_slice %arg9[%add3A_12, %dma_start3A_201] : memref<10000x128xf32, #tpu.memory_space<vmem_shared>> -> memref<128x128xf32, #tpu.memory_space<vmem_shared>>
      tpu.enqueue_dma source(%arg18 : memref<128x128xf32, #tpu.memory_space<vmem>>) target(%dma_start3A_202 : memref<128x128xf32, #tpu.memory_space<vmem_shared>>) target_semaphore(%run_scoped3A_198 : memref<!tpu.dma_semaphore, #tpu.memory_space<semaphore_mem>>)
      %dma_wait3A_203 = arith.constant 0 : i32
      %dma_wait3A_204 = tpu.memref_slice %arg9[%add3A_12, %dma_wait3A_203] : memref<10000x128xf32, #tpu.memory_space<vmem_shared>> -> memref<128x128xf32, #tpu.memory_space<vmem_shared>>
      %dma_wait3A_205 = arith.constant 0 : i32
      %dma_wait3A_206 = tpu.memref_slice %arg9[%add3A_12, %dma_wait3A_205] : memref<10000x128xf32, #tpu.memory_space<vmem_shared>> -> memref<128x128xf32, #tpu.memory_space<vmem_shared>>
      tpu.wait_dma2 semaphore(%run_scoped3A_198 : memref<!tpu.dma_semaphore, #tpu.memory_space<semaphore_mem>>) src(%arg18 : memref<128x128xf32, #tpu.memory_space<vmem>>) dst(%dma_wait3A_206 : memref<128x128xf32, #tpu.memory_space<vmem_shared>>)
      tpu.yield
    }) : () -> ()
    %add3A_13 = arith.constant 624 : i32
    %add3A_14 = arith.addi %mul3A_0, %add3A_13 : i32
    %sub3A = arith.constant 112 : i32
    %sub3A_15 = arith.subi %add3A_14, %sub3A : i32
    "tpu.region"() ({
      %run_scoped3A_198 = tpu.sem_alloc : memref<!tpu.dma_semaphore, #tpu.memory_space<semaphore_mem>>
      %dma_start3A_199 = arith.constant 0 : i32
      %dma_start3A_200 = arith.constant 0 : i32
      %dma_start3A_201 = tpu.memref_slice %arg18[%dma_start3A_199, %dma_start3A_200] : memref<128x128xf32, #tpu.memory_space<vmem>> -> memref<112x128xf32, #tpu.memory_space<vmem>>
      %dma_start3A_202 = arith.constant 0 : i32
      %dma_start3A_203 = tpu.memref_slice %arg9[%sub3A_15, %dma_start3A_202] : memref<10000x128xf32, #tpu.memory_space<vmem_shared>> -> memref<112x128xf32, #tpu.memory_space<vmem_shared>>
      %dma_start3A_204 = arith.constant 0 : i32
      %dma_start3A_205 = tpu.memref_slice %arg9[%sub3A_15, %dma_start3A_204] : memref<10000x128xf32, #tpu.memory_space<vmem_shared>> -> memref<112x128xf32, #tpu.memory_space<vmem_shared>>
      %dma_start3A_206 = arith.constant 0 : i32
      %dma_start3A_207 = arith.constant 0 : i32
      %dma_start3A_208 = tpu.memref_slice %arg18[%dma_start3A_206, %dma_start3A_207] : memref<128x128xf32, #tpu.memory_space<vmem>> -> memref<112x128xf32, #tpu.memory_space<vmem>>
      tpu.enqueue_dma source(%dma_start3A_208 : memref<112x128xf32, #tpu.memory_space<vmem>>) target(%dma_start3A_205 : memref<112x128xf32, #tpu.memory_space<vmem_shared>>) target_semaphore(%run_scoped3A_198 : memref<!tpu.dma_semaphore, #tpu.memory_space<semaphore_mem>>)
      %dma_wait3A_209 = arith.constant 0 : i32
      %dma_wait3A_210 = arith.constant 0 : i32
      %dma_wait3A_211 = tpu.memref_slice %arg18[%dma_wait3A_209, %dma_wait3A_210] : memref<128x128xf32, #tpu.memory_space<vmem>> -> memref<112x128xf32, #tpu.memory_space<vmem>>
      %dma_wait3A_212 = arith.constant 0 : i32
      %dma_wait3A_213 = tpu.memref_slice %arg9[%sub3A_15, %dma_wait3A_212] : memref<10000x128xf32, #tpu.memory_space<vmem_shared>> -> memref<112x128xf32, #tpu.memory_space<vmem_shared>>
      %dma_wait3A_214 = arith.constant 0 : i32
      %dma_wait3A_215 = tpu.memref_slice %arg9[%sub3A_15, %dma_wait3A_214] : memref<10000x128xf32, #tpu.memory_space<vmem_shared>> -> memref<112x128xf32, #tpu.memory_space<vmem_shared>>
      %dma_wait3A_216 = arith.constant 0 : i32
      %dma_wait3A_217 = arith.constant 0 : i32
      %dma_wait3A_218 = tpu.memref_slice %arg18[%dma_wait3A_216, %dma_wait3A_217] : memref<128x128xf32, #tpu.memory_space<vmem>> -> memref<112x128xf32, #tpu.memory_space<vmem>>
      tpu.wait_dma2 semaphore(%run_scoped3A_198 : memref<!tpu.dma_semaphore, #tpu.memory_space<semaphore_mem>>) src(%dma_wait3A_218 : memref<112x128xf32, #tpu.memory_space<vmem>>) dst(%dma_wait3A_215 : memref<112x128xf32, #tpu.memory_space<vmem_shared>>)
      tpu.yield
    }) : () -> ()
    %eq3A = arith.constant 0 : i32
    %eq3A_16 = arith.cmpi eq, %arg1, %eq3A : i32
    %convert_element_type3A = arith.extui %eq3A_16 : i1 to i32
    %cond3A = arith.constant 0 : i32
    %cond3A_17 = arith.cmpi ne, %convert_element_type3A, %cond3A : i32
    scf.if %cond3A_17 {
      "tpu.region"() ({
        %run_scoped3A_198 = tpu.sem_alloc : memref<!tpu.dma_semaphore, #tpu.memory_space<semaphore_mem>>
        %dma_start3A_199 = arith.constant 0 : i32
        %dma_start3A_200 = arith.constant 0 : i32
        %dma_start3A_201 = tpu.memref_slice %arg18[%dma_start3A_199, %dma_start3A_200] : memref<128x128xf32, #tpu.memory_space<vmem>> -> memref<16x128xf32, #tpu.memory_space<vmem>>
        %dma_start3A_202 = arith.constant 9984 : i32
        %dma_start3A_203 = arith.constant 0 : i32
        %dma_start3A_204 = tpu.memref_slice %arg9[%dma_start3A_202, %dma_start3A_203] : memref<10000x128xf32, #tpu.memory_space<vmem_shared>> -> memref<16x128xf32, #tpu.memory_space<vmem_shared>>
        %dma_start3A_205 = arith.constant 9984 : i32
        %dma_start3A_206 = arith.constant 0 : i32
        %dma_start3A_207 = tpu.memref_slice %arg9[%dma_start3A_205, %dma_start3A_206] : memref<10000x128xf32, #tpu.memory_space<vmem_shared>> -> memref<16x128xf32, #tpu.memory_space<vmem_shared>>
        %dma_start3A_208 = arith.constant 0 : i32
        %dma_start3A_209 = arith.constant 0 : i32
        %dma_start3A_210 = tpu.memref_slice %arg18[%dma_start3A_208, %dma_start3A_209] : memref<128x128xf32, #tpu.memory_space<vmem>> -> memref<16x128xf32, #tpu.memory_space<vmem>>
        tpu.enqueue_dma source(%dma_start3A_210 : memref<16x128xf32, #tpu.memory_space<vmem>>) target(%dma_start3A_207 : memref<16x128xf32, #tpu.memory_space<vmem_shared>>) target_semaphore(%run_scoped3A_198 : memref<!tpu.dma_semaphore, #tpu.memory_space<semaphore_mem>>)
        %dma_wait3A_211 = arith.constant 0 : i32
        %dma_wait3A_212 = arith.constant 0 : i32
        %dma_wait3A_213 = tpu.memref_slice %arg18[%dma_wait3A_211, %dma_wait3A_212] : memref<128x128xf32, #tpu.memory_space<vmem>> -> memref<16x128xf32, #tpu.memory_space<vmem>>
        %dma_wait3A_214 = arith.constant 9984 : i32
        %dma_wait3A_215 = arith.constant 0 : i32
        %dma_wait3A_216 = tpu.memref_slice %arg9[%dma_wait3A_214, %dma_wait3A_215] : memref<10000x128xf32, #tpu.memory_space<vmem_shared>> -> memref<16x128xf32, #tpu.memory_space<vmem_shared>>
        %dma_wait3A_217 = arith.constant 9984 : i32
        %dma_wait3A_218 = arith.constant 0 : i32
        %dma_wait3A_219 = tpu.memref_slice %arg9[%dma_wait3A_217, %dma_wait3A_218] : memref<10000x128xf32, #tpu.memory_space<vmem_shared>> -> memref<16x128xf32, #tpu.memory_space<vmem_shared>>
        %dma_wait3A_220 = arith.constant 0 : i32
        %dma_wait3A_221 = arith.constant 0 : i32
        %dma_wait3A_222 = tpu.memref_slice %arg18[%dma_wait3A_220, %dma_wait3A_221] : memref<128x128xf32, #tpu.memory_space<vmem>> -> memref<16x128xf32, #tpu.memory_space<vmem>>
        tpu.wait_dma2 semaphore(%run_scoped3A_198 : memref<!tpu.dma_semaphore, #tpu.memory_space<semaphore_mem>>) src(%dma_wait3A_222 : memref<16x128xf32, #tpu.memory_space<vmem>>) dst(%dma_wait3A_219 : memref<16x128xf32, #tpu.memory_space<vmem_shared>>)
        tpu.yield
      }) : () -> ()
    } else {
    }
    %mul3A_18 = arith.constant 640 : i32
    %mul3A_19 = arith.muli %arg1, %mul3A_18 : i32
    "tpu.region"() ({
      %run_scoped3A_198 = tpu.sem_alloc : memref<!tpu.dma_semaphore, #tpu.memory_space<semaphore_mem>>
      tpu.enqueue_dma source(%arg6 : memref<128xf32, #tpu.memory_space<hbm>>) target(%arg27 : memref<128xf32, #tpu.memory_space<vmem>>) target_semaphore(%run_scoped3A_198 : memref<!tpu.dma_semaphore, #tpu.memory_space<semaphore_mem>>)
      tpu.wait_dma2 semaphore(%run_scoped3A_198 : memref<!tpu.dma_semaphore, #tpu.memory_space<semaphore_mem>>) src(%arg6 : memref<128xf32, #tpu.memory_space<hbm>>) dst(%arg27 : memref<128xf32, #tpu.memory_space<vmem>>)
      tpu.yield
    }) : () -> ()
    "tpu.region"() ({
      %run_scoped3A_198 = tpu.sem_alloc : memref<!tpu.dma_semaphore, #tpu.memory_space<semaphore_mem>>
      %dma_start3A_199 = tpu.memref_slice %arg5[%mul3A_19] : memref<10240xf32, #tpu.memory_space<hbm>> -> memref<640xf32, #tpu.memory_space<hbm>>
      %dma_start3A_200 = tpu.memref_slice %arg5[%mul3A_19] : memref<10240xf32, #tpu.memory_space<hbm>> -> memref<640xf32, #tpu.memory_space<hbm>>
      tpu.enqueue_dma source(%dma_start3A_200 : memref<640xf32, #tpu.memory_space<hbm>>) target(%arg28 : memref<640xf32, #tpu.memory_space<vmem>>) target_semaphore(%run_scoped3A_198 : memref<!tpu.dma_semaphore, #tpu.memory_space<semaphore_mem>>)
      %dma_wait3A_201 = tpu.memref_slice %arg5[%mul3A_19] : memref<10240xf32, #tpu.memory_space<hbm>> -> memref<640xf32, #tpu.memory_space<hbm>>
      %dma_wait3A_202 = tpu.memref_slice %arg5[%mul3A_19] : memref<10240xf32, #tpu.memory_space<hbm>> -> memref<640xf32, #tpu.memory_space<hbm>>
      tpu.wait_dma2 semaphore(%run_scoped3A_198 : memref<!tpu.dma_semaphore, #tpu.memory_space<semaphore_mem>>) src(%dma_wait3A_202 : memref<640xf32, #tpu.memory_space<hbm>>) dst(%arg28 : memref<640xf32, #tpu.memory_space<vmem>>)
      tpu.yield
    }) : () -> ()
    "tpu.region"() ({
      %run_scoped3A_198 = tpu.sem_alloc : memref<!tpu.dma_semaphore, #tpu.memory_space<semaphore_mem>>
      %dma_start3A_199 = tpu.memref_slice %arg26[%mul3A_19] : memref<10240xf32, #tpu.memory_space<vmem_shared>> -> memref<640xf32, #tpu.memory_space<vmem_shared>>
      %dma_start3A_200 = tpu.memref_slice %arg26[%mul3A_19] : memref<10240xf32, #tpu.memory_space<vmem_shared>> -> memref<640xf32, #tpu.memory_space<vmem_shared>>
      tpu.enqueue_dma source(%arg28 : memref<640xf32, #tpu.memory_space<vmem>>) target(%dma_start3A_200 : memref<640xf32, #tpu.memory_space<vmem_shared>>) target_semaphore(%run_scoped3A_198 : memref<!tpu.dma_semaphore, #tpu.memory_space<semaphore_mem>>)
      %dma_wait3A_201 = tpu.memref_slice %arg26[%mul3A_19] : memref<10240xf32, #tpu.memory_space<vmem_shared>> -> memref<640xf32, #tpu.memory_space<vmem_shared>>
      %dma_wait3A_202 = tpu.memref_slice %arg26[%mul3A_19] : memref<10240xf32, #tpu.memory_space<vmem_shared>> -> memref<640xf32, #tpu.memory_space<vmem_shared>>
      tpu.wait_dma2 semaphore(%run_scoped3A_198 : memref<!tpu.dma_semaphore, #tpu.memory_space<semaphore_mem>>) src(%arg28 : memref<640xf32, #tpu.memory_space<vmem>>) dst(%dma_wait3A_202 : memref<640xf32, #tpu.memory_space<vmem_shared>>)
      tpu.yield
    }) : () -> ()
    %barrier3A = arith.constant 0 : index
    tpu.barrier barrier_id(%barrier3A)
    %lt3A = arith.constant 2 : i32
    %lt3A_20 = arith.cmpi slt, %arg1, %lt3A : i32
    %add3A_21 = arith.constant 0 : i32
    %add3A_22 = arith.addi %add3A, %add3A_21 : i32
    %dma_start3A = arith.constant 0 : i32
    %dma_start3A_23 = tpu.memref_slice %arg3[%dma_start3A, %add3A_22] : memref<2x320000xi32, #tpu.memory_space<hbm>> -> memref<1x128xi32, #tpu.memory_space<hbm>>
    %dma_start3A_24 = tpu.memref_squeeze %dma_start3A_23 : memref<1x128xi32, #tpu.memory_space<hbm>> -> memref<128xi32, #tpu.memory_space<hbm>>
    %dma_start3A_25 = tpu.memref_slice %arg3[%dma_start3A, %add3A_22] : memref<2x320000xi32, #tpu.memory_space<hbm>> -> memref<1x128xi32, #tpu.memory_space<hbm>>
    %dma_start3A_26 = tpu.memref_squeeze %dma_start3A_25 : memref<1x128xi32, #tpu.memory_space<hbm>> -> memref<128xi32, #tpu.memory_space<hbm>>
    tpu.enqueue_dma source(%dma_start3A_26 : memref<128xi32, #tpu.memory_space<hbm>>) target(%arg10 : memref<128xi32, #tpu.memory_space<vmem>>) target_semaphore(%arg20 : memref<!tpu.dma_semaphore, #tpu.memory_space<semaphore_mem>>)
    %dma_start3A_27 = arith.constant 1 : i32
    %dma_start3A_28 = arith.constant 0 : i32
    %dma_start3A_29 = arith.constant 0 : i32
    %dma_start3A_30 = tpu.memref_slice %arg14[%dma_start3A_28, %dma_start3A_29] : memref<1x128xi32, #tpu.memory_space<vmem>> -> memref<1x128xi32, #tpu.memory_space<vmem>>
    %dma_start3A_31 = tpu.memref_squeeze %dma_start3A_30 : memref<1x128xi32, #tpu.memory_space<vmem>> -> memref<128xi32, #tpu.memory_space<vmem>>
    %dma_start3A_32 = tpu.memref_slice %arg3[%dma_start3A_27, %add3A_22] : memref<2x320000xi32, #tpu.memory_space<hbm>> -> memref<1x128xi32, #tpu.memory_space<hbm>>
    %dma_start3A_33 = tpu.memref_squeeze %dma_start3A_32 : memref<1x128xi32, #tpu.memory_space<hbm>> -> memref<128xi32, #tpu.memory_space<hbm>>
    %dma_start3A_34 = arith.constant 0 : i32
    %dma_start3A_35 = tpu.memref_slice %arg14[%dma_start3A_28, %dma_start3A_34] : memref<1x128xi32, #tpu.memory_space<vmem>> -> memref<1x128xi32, #tpu.memory_space<vmem>>
    %dma_start3A_36 = tpu.memref_squeeze %dma_start3A_35 : memref<1x128xi32, #tpu.memory_space<vmem>> -> memref<128xi32, #tpu.memory_space<vmem>>
    %dma_start3A_37 = tpu.memref_slice %arg3[%dma_start3A_27, %add3A_22] : memref<2x320000xi32, #tpu.memory_space<hbm>> -> memref<1x128xi32, #tpu.memory_space<hbm>>
    %dma_start3A_38 = tpu.memref_squeeze %dma_start3A_37 : memref<1x128xi32, #tpu.memory_space<hbm>> -> memref<128xi32, #tpu.memory_space<hbm>>
    tpu.enqueue_dma source(%dma_start3A_38 : memref<128xi32, #tpu.memory_space<hbm>>) target(%dma_start3A_36 : memref<128xi32, #tpu.memory_space<vmem>>) target_semaphore(%arg20 : memref<!tpu.dma_semaphore, #tpu.memory_space<semaphore_mem>>)
    %add3A_39 = arith.constant 2048 : i32
    %add3A_40 = arith.addi %add3A, %add3A_39 : i32
    %dma_start3A_41 = arith.constant 0 : i32
    %dma_start3A_42 = tpu.memref_slice %arg3[%dma_start3A_41, %add3A_40] : memref<2x320000xi32, #tpu.memory_space<hbm>> -> memref<1x128xi32, #tpu.memory_space<hbm>>
    %dma_start3A_43 = tpu.memref_squeeze %dma_start3A_42 : memref<1x128xi32, #tpu.memory_space<hbm>> -> memref<128xi32, #tpu.memory_space<hbm>>
    %dma_start3A_44 = tpu.memref_slice %arg3[%dma_start3A_41, %add3A_40] : memref<2x320000xi32, #tpu.memory_space<hbm>> -> memref<1x128xi32, #tpu.memory_space<hbm>>
    %dma_start3A_45 = tpu.memref_squeeze %dma_start3A_44 : memref<1x128xi32, #tpu.memory_space<hbm>> -> memref<128xi32, #tpu.memory_space<hbm>>
    tpu.enqueue_dma source(%dma_start3A_45 : memref<128xi32, #tpu.memory_space<hbm>>) target(%arg11 : memref<128xi32, #tpu.memory_space<vmem>>) target_semaphore(%arg21 : memref<!tpu.dma_semaphore, #tpu.memory_space<semaphore_mem>>)
    %dma_start3A_46 = arith.constant 1 : i32
    %dma_start3A_47 = arith.constant 0 : i32
    %dma_start3A_48 = arith.constant 0 : i32
    %dma_start3A_49 = tpu.memref_slice %arg15[%dma_start3A_47, %dma_start3A_48] : memref<1x128xi32, #tpu.memory_space<vmem>> -> memref<1x128xi32, #tpu.memory_space<vmem>>
    %dma_start3A_50 = tpu.memref_squeeze %dma_start3A_49 : memref<1x128xi32, #tpu.memory_space<vmem>> -> memref<128xi32, #tpu.memory_space<vmem>>
    %dma_start3A_51 = tpu.memref_slice %arg3[%dma_start3A_46, %add3A_40] : memref<2x320000xi32, #tpu.memory_space<hbm>> -> memref<1x128xi32, #tpu.memory_space<hbm>>
    %dma_start3A_52 = tpu.memref_squeeze %dma_start3A_51 : memref<1x128xi32, #tpu.memory_space<hbm>> -> memref<128xi32, #tpu.memory_space<hbm>>
    %dma_start3A_53 = arith.constant 0 : i32
    %dma_start3A_54 = tpu.memref_slice %arg15[%dma_start3A_47, %dma_start3A_53] : memref<1x128xi32, #tpu.memory_space<vmem>> -> memref<1x128xi32, #tpu.memory_space<vmem>>
    %dma_start3A_55 = tpu.memref_squeeze %dma_start3A_54 : memref<1x128xi32, #tpu.memory_space<vmem>> -> memref<128xi32, #tpu.memory_space<vmem>>
    %dma_start3A_56 = tpu.memref_slice %arg3[%dma_start3A_46, %add3A_40] : memref<2x320000xi32, #tpu.memory_space<hbm>> -> memref<1x128xi32, #tpu.memory_space<hbm>>
    %dma_start3A_57 = tpu.memref_squeeze %dma_start3A_56 : memref<1x128xi32, #tpu.memory_space<hbm>> -> memref<128xi32, #tpu.memory_space<hbm>>
    tpu.enqueue_dma source(%dma_start3A_57 : memref<128xi32, #tpu.memory_space<hbm>>) target(%dma_start3A_55 : memref<128xi32, #tpu.memory_space<vmem>>) target_semaphore(%arg21 : memref<!tpu.dma_semaphore, #tpu.memory_space<semaphore_mem>>)
    %add3A_58 = arith.constant 4096 : i32
    %add3A_59 = arith.addi %add3A, %add3A_58 : i32
    %dma_start3A_60 = arith.constant 0 : i32
    %dma_start3A_61 = tpu.memref_slice %arg3[%dma_start3A_60, %add3A_59] : memref<2x320000xi32, #tpu.memory_space<hbm>> -> memref<1x128xi32, #tpu.memory_space<hbm>>
    %dma_start3A_62 = tpu.memref_squeeze %dma_start3A_61 : memref<1x128xi32, #tpu.memory_space<hbm>> -> memref<128xi32, #tpu.memory_space<hbm>>
    %dma_start3A_63 = tpu.memref_slice %arg3[%dma_start3A_60, %add3A_59] : memref<2x320000xi32, #tpu.memory_space<hbm>> -> memref<1x128xi32, #tpu.memory_space<hbm>>
    %dma_start3A_64 = tpu.memref_squeeze %dma_start3A_63 : memref<1x128xi32, #tpu.memory_space<hbm>> -> memref<128xi32, #tpu.memory_space<hbm>>
    tpu.enqueue_dma source(%dma_start3A_64 : memref<128xi32, #tpu.memory_space<hbm>>) target(%arg12 : memref<128xi32, #tpu.memory_space<vmem>>) target_semaphore(%arg22 : memref<!tpu.dma_semaphore, #tpu.memory_space<semaphore_mem>>)
    %dma_start3A_65 = arith.constant 1 : i32
    %dma_start3A_66 = arith.constant 0 : i32
    %dma_start3A_67 = arith.constant 0 : i32
    %dma_start3A_68 = tpu.memref_slice %arg16[%dma_start3A_66, %dma_start3A_67] : memref<1x128xi32, #tpu.memory_space<vmem>> -> memref<1x128xi32, #tpu.memory_space<vmem>>
    %dma_start3A_69 = tpu.memref_squeeze %dma_start3A_68 : memref<1x128xi32, #tpu.memory_space<vmem>> -> memref<128xi32, #tpu.memory_space<vmem>>
    %dma_start3A_70 = tpu.memref_slice %arg3[%dma_start3A_65, %add3A_59] : memref<2x320000xi32, #tpu.memory_space<hbm>> -> memref<1x128xi32, #tpu.memory_space<hbm>>
    %dma_start3A_71 = tpu.memref_squeeze %dma_start3A_70 : memref<1x128xi32, #tpu.memory_space<hbm>> -> memref<128xi32, #tpu.memory_space<hbm>>
    %dma_start3A_72 = arith.constant 0 : i32
    %dma_start3A_73 = tpu.memref_slice %arg16[%dma_start3A_66, %dma_start3A_72] : memref<1x128xi32, #tpu.memory_space<vmem>> -> memref<1x128xi32, #tpu.memory_space<vmem>>
    %dma_start3A_74 = tpu.memref_squeeze %dma_start3A_73 : memref<1x128xi32, #tpu.memory_space<vmem>> -> memref<128xi32, #tpu.memory_space<vmem>>
    %dma_start3A_75 = tpu.memref_slice %arg3[%dma_start3A_65, %add3A_59] : memref<2x320000xi32, #tpu.memory_space<hbm>> -> memref<1x128xi32, #tpu.memory_space<hbm>>
    %dma_start3A_76 = tpu.memref_squeeze %dma_start3A_75 : memref<1x128xi32, #tpu.memory_space<hbm>> -> memref<128xi32, #tpu.memory_space<hbm>>
    tpu.enqueue_dma source(%dma_start3A_76 : memref<128xi32, #tpu.memory_space<hbm>>) target(%dma_start3A_74 : memref<128xi32, #tpu.memory_space<vmem>>) target_semaphore(%arg22 : memref<!tpu.dma_semaphore, #tpu.memory_space<semaphore_mem>>)
    %add3A_77 = arith.constant 6144 : i32
    %add3A_78 = arith.addi %add3A, %add3A_77 : i32
    %dma_start3A_79 = arith.constant 0 : i32
    %dma_start3A_80 = tpu.memref_slice %arg3[%dma_start3A_79, %add3A_78] : memref<2x320000xi32, #tpu.memory_space<hbm>> -> memref<1x128xi32, #tpu.memory_space<hbm>>
    %dma_start3A_81 = tpu.memref_squeeze %dma_start3A_80 : memref<1x128xi32, #tpu.memory_space<hbm>> -> memref<128xi32, #tpu.memory_space<hbm>>
    %dma_start3A_82 = tpu.memref_slice %arg3[%dma_start3A_79, %add3A_78] : memref<2x320000xi32, #tpu.memory_space<hbm>> -> memref<1x128xi32, #tpu.memory_space<hbm>>
    %dma_start3A_83 = tpu.memref_squeeze %dma_start3A_82 : memref<1x128xi32, #tpu.memory_space<hbm>> -> memref<128xi32, #tpu.memory_space<hbm>>
    tpu.enqueue_dma source(%dma_start3A_83 : memref<128xi32, #tpu.memory_space<hbm>>) target(%arg13 : memref<128xi32, #tpu.memory_space<vmem>>) target_semaphore(%arg23 : memref<!tpu.dma_semaphore, #tpu.memory_space<semaphore_mem>>)
    %dma_start3A_84 = arith.constant 1 : i32
    %dma_start3A_85 = arith.constant 0 : i32
    %dma_start3A_86 = arith.constant 0 : i32
    %dma_start3A_87 = tpu.memref_slice %arg17[%dma_start3A_85, %dma_start3A_86] : memref<1x128xi32, #tpu.memory_space<vmem>> -> memref<1x128xi32, #tpu.memory_space<vmem>>
    %dma_start3A_88 = tpu.memref_squeeze %dma_start3A_87 : memref<1x128xi32, #tpu.memory_space<vmem>> -> memref<128xi32, #tpu.memory_space<vmem>>
    %dma_start3A_89 = tpu.memref_slice %arg3[%dma_start3A_84, %add3A_78] : memref<2x320000xi32, #tpu.memory_space<hbm>> -> memref<1x128xi32, #tpu.memory_space<hbm>>
    %dma_start3A_90 = tpu.memref_squeeze %dma_start3A_89 : memref<1x128xi32, #tpu.memory_space<hbm>> -> memref<128xi32, #tpu.memory_space<hbm>>
    %dma_start3A_91 = arith.constant 0 : i32
    %dma_start3A_92 = tpu.memref_slice %arg17[%dma_start3A_85, %dma_start3A_91] : memref<1x128xi32, #tpu.memory_space<vmem>> -> memref<1x128xi32, #tpu.memory_space<vmem>>
    %dma_start3A_93 = tpu.memref_squeeze %dma_start3A_92 : memref<1x128xi32, #tpu.memory_space<vmem>> -> memref<128xi32, #tpu.memory_space<vmem>>
    %dma_start3A_94 = tpu.memref_slice %arg3[%dma_start3A_84, %add3A_78] : memref<2x320000xi32, #tpu.memory_space<hbm>> -> memref<1x128xi32, #tpu.memory_space<hbm>>
    %dma_start3A_95 = tpu.memref_squeeze %dma_start3A_94 : memref<1x128xi32, #tpu.memory_space<hbm>> -> memref<128xi32, #tpu.memory_space<hbm>>
    tpu.enqueue_dma source(%dma_start3A_95 : memref<128xi32, #tpu.memory_space<hbm>>) target(%dma_start3A_93 : memref<128xi32, #tpu.memory_space<vmem>>) target_semaphore(%arg23 : memref<!tpu.dma_semaphore, #tpu.memory_space<semaphore_mem>>)
    %add3A_96 = arith.constant 0 : i32
    %add3A_97 = arith.addi %add3A, %add3A_96 : i32
    %dma_wait3A = arith.constant 0 : i32
    %dma_wait3A_98 = tpu.memref_slice %arg3[%dma_wait3A, %add3A_97] : memref<2x320000xi32, #tpu.memory_space<hbm>> -> memref<1x128xi32, #tpu.memory_space<hbm>>
    %dma_wait3A_99 = tpu.memref_squeeze %dma_wait3A_98 : memref<1x128xi32, #tpu.memory_space<hbm>> -> memref<128xi32, #tpu.memory_space<hbm>>
    %dma_wait3A_100 = tpu.memref_slice %arg3[%dma_wait3A, %add3A_97] : memref<2x320000xi32, #tpu.memory_space<hbm>> -> memref<1x128xi32, #tpu.memory_space<hbm>>
    %dma_wait3A_101 = tpu.memref_squeeze %dma_wait3A_100 : memref<1x128xi32, #tpu.memory_space<hbm>> -> memref<128xi32, #tpu.memory_space<hbm>>
    tpu.wait_dma2 semaphore(%arg20 : memref<!tpu.dma_semaphore, #tpu.memory_space<semaphore_mem>>) src(%dma_wait3A_101 : memref<128xi32, #tpu.memory_space<hbm>>) dst(%arg10 : memref<128xi32, #tpu.memory_space<vmem>>)
    %dma_wait3A_102 = arith.constant 1 : i32
    %dma_wait3A_103 = arith.constant 0 : i32
    %dma_wait3A_104 = arith.constant 0 : i32
    %dma_wait3A_105 = tpu.memref_slice %arg14[%dma_wait3A_103, %dma_wait3A_104] : memref<1x128xi32, #tpu.memory_space<vmem>> -> memref<1x128xi32, #tpu.memory_space<vmem>>
    %dma_wait3A_106 = tpu.memref_squeeze %dma_wait3A_105 : memref<1x128xi32, #tpu.memory_space<vmem>> -> memref<128xi32, #tpu.memory_space<vmem>>
    %dma_wait3A_107 = tpu.memref_slice %arg3[%dma_wait3A_102, %add3A_97] : memref<2x320000xi32, #tpu.memory_space<hbm>> -> memref<1x128xi32, #tpu.memory_space<hbm>>
    %dma_wait3A_108 = tpu.memref_squeeze %dma_wait3A_107 : memref<1x128xi32, #tpu.memory_space<hbm>> -> memref<128xi32, #tpu.memory_space<hbm>>
    %dma_wait3A_109 = arith.constant 0 : i32
    %dma_wait3A_110 = tpu.memref_slice %arg14[%dma_wait3A_103, %dma_wait3A_109] : memref<1x128xi32, #tpu.memory_space<vmem>> -> memref<1x128xi32, #tpu.memory_space<vmem>>
    %dma_wait3A_111 = tpu.memref_squeeze %dma_wait3A_110 : memref<1x128xi32, #tpu.memory_space<vmem>> -> memref<128xi32, #tpu.memory_space<vmem>>
    %dma_wait3A_112 = tpu.memref_slice %arg3[%dma_wait3A_102, %add3A_97] : memref<2x320000xi32, #tpu.memory_space<hbm>> -> memref<1x128xi32, #tpu.memory_space<hbm>>
    %dma_wait3A_113 = tpu.memref_squeeze %dma_wait3A_112 : memref<1x128xi32, #tpu.memory_space<hbm>> -> memref<128xi32, #tpu.memory_space<hbm>>
    tpu.wait_dma2 semaphore(%arg20 : memref<!tpu.dma_semaphore, #tpu.memory_space<semaphore_mem>>) src(%dma_wait3A_113 : memref<128xi32, #tpu.memory_space<hbm>>) dst(%dma_wait3A_111 : memref<128xi32, #tpu.memory_space<vmem>>)
    %dma_start3A_114 = arith.constant 0 : i32
    %dma_start3A_115 = arith.constant 0 : i32
    %dma_start3A_116 = tpu.memref_slice %arg2[%dma_start3A_114, %dma_start3A_115] : memref<10000x128xf32, #tpu.memory_space<hbm>> -> memref<10000x128xf32, #tpu.memory_space<hbm>>
    tpu.enqueue_indirect_dma source(%dma_start3A_116 : memref<10000x128xf32, #tpu.memory_space<hbm>>) target(%arg18 : memref<128x128xf32, #tpu.memory_space<vmem>>) offsets(%arg10 : memref<128xi32, #tpu.memory_space<vmem>>) semaphore(%arg24 : memref<!tpu.dma_semaphore, #tpu.memory_space<semaphore_mem>>)
    %add3A_117 = arith.constant 2048 : i32
    %add3A_118 = arith.addi %add3A, %add3A_117 : i32
    %dma_wait3A_119 = arith.constant 0 : i32
    %dma_wait3A_120 = tpu.memref_slice %arg3[%dma_wait3A_119, %add3A_118] : memref<2x320000xi32, #tpu.memory_space<hbm>> -> memref<1x128xi32, #tpu.memory_space<hbm>>
    %dma_wait3A_121 = tpu.memref_squeeze %dma_wait3A_120 : memref<1x128xi32, #tpu.memory_space<hbm>> -> memref<128xi32, #tpu.memory_space<hbm>>
    %dma_wait3A_122 = tpu.memref_slice %arg3[%dma_wait3A_119, %add3A_118] : memref<2x320000xi32, #tpu.memory_space<hbm>> -> memref<1x128xi32, #tpu.memory_space<hbm>>
    %dma_wait3A_123 = tpu.memref_squeeze %dma_wait3A_122 : memref<1x128xi32, #tpu.memory_space<hbm>> -> memref<128xi32, #tpu.memory_space<hbm>>
    tpu.wait_dma2 semaphore(%arg21 : memref<!tpu.dma_semaphore, #tpu.memory_space<semaphore_mem>>) src(%dma_wait3A_123 : memref<128xi32, #tpu.memory_space<hbm>>) dst(%arg11 : memref<128xi32, #tpu.memory_space<vmem>>)
    %dma_wait3A_124 = arith.constant 1 : i32
    %dma_wait3A_125 = arith.constant 0 : i32
    %dma_wait3A_126 = arith.constant 0 : i32
    %dma_wait3A_127 = tpu.memref_slice %arg15[%dma_wait3A_125, %dma_wait3A_126] : memref<1x128xi32, #tpu.memory_space<vmem>> -> memref<1x128xi32, #tpu.memory_space<vmem>>
    %dma_wait3A_128 = tpu.memref_squeeze %dma_wait3A_127 : memref<1x128xi32, #tpu.memory_space<vmem>> -> memref<128xi32, #tpu.memory_space<vmem>>
    %dma_wait3A_129 = tpu.memref_slice %arg3[%dma_wait3A_124, %add3A_118] : memref<2x320000xi32, #tpu.memory_space<hbm>> -> memref<1x128xi32, #tpu.memory_space<hbm>>
    %dma_wait3A_130 = tpu.memref_squeeze %dma_wait3A_129 : memref<1x128xi32, #tpu.memory_space<hbm>> -> memref<128xi32, #tpu.memory_space<hbm>>
    %dma_wait3A_131 = arith.constant 0 : i32
    %dma_wait3A_132 = tpu.memref_slice %arg15[%dma_wait3A_125, %dma_wait3A_131] : memref<1x128xi32, #tpu.memory_space<vmem>> -> memref<1x128xi32, #tpu.memory_space<vmem>>
    %dma_wait3A_133 = tpu.memref_squeeze %dma_wait3A_132 : memref<1x128xi32, #tpu.memory_space<vmem>> -> memref<128xi32, #tpu.memory_space<vmem>>
    %dma_wait3A_134 = tpu.memref_slice %arg3[%dma_wait3A_124, %add3A_118] : memref<2x320000xi32, #tpu.memory_space<hbm>> -> memref<1x128xi32, #tpu.memory_space<hbm>>
    %dma_wait3A_135 = tpu.memref_squeeze %dma_wait3A_134 : memref<1x128xi32, #tpu.memory_space<hbm>> -> memref<128xi32, #tpu.memory_space<hbm>>
    tpu.wait_dma2 semaphore(%arg21 : memref<!tpu.dma_semaphore, #tpu.memory_space<semaphore_mem>>) src(%dma_wait3A_135 : memref<128xi32, #tpu.memory_space<hbm>>) dst(%dma_wait3A_133 : memref<128xi32, #tpu.memory_space<vmem>>)
    %dma_start3A_136 = arith.constant 0 : i32
    %dma_start3A_137 = arith.constant 0 : i32
    %dma_start3A_138 = tpu.memref_slice %arg2[%dma_start3A_136, %dma_start3A_137] : memref<10000x128xf32, #tpu.memory_space<hbm>> -> memref<10000x128xf32, #tpu.memory_space<hbm>>
    tpu.enqueue_indirect_dma source(%dma_start3A_138 : memref<10000x128xf32, #tpu.memory_space<hbm>>) target(%arg19 : memref<128x128xf32, #tpu.memory_space<vmem>>) offsets(%arg11 : memref<128xi32, #tpu.memory_space<vmem>>) semaphore(%arg25 : memref<!tpu.dma_semaphore, #tpu.memory_space<semaphore_mem>>)
    %scan3A = arith.constant 0 : i32
    %scan3A_139 = arith.constant 0 : i32
    %scan3A_140 = arith.constant 19 : i32
    %scan3A_141 = arith.addi %scan3A_139, %scan3A_140 : i32
    %scan3A_142 = arith.constant 1 : i32
    scf.for %scan3A_198 = %scan3A_139 to %scan3A_141 step %scan3A_142  : i32 {
      %mul3A_199 = arith.constant 4 : i32
      %mul3A_200 = arith.muli %mul3A_199, %scan3A_198 : i32
      %add3A_201 = arith.constant 0 : i32
      %add3A_202 = arith.addi %mul3A_200, %add3A_201 : i32
      %dma_wait3A_203 = arith.constant 0 : i32
      %dma_wait3A_204 = arith.constant 0 : i32
      %dma_wait3A_205 = tpu.memref_slice %arg2[%dma_wait3A_203, %dma_wait3A_204] : memref<10000x128xf32, #tpu.memory_space<hbm>> -> memref<10000x128xf32, #tpu.memory_space<hbm>>
      tpu.wait_indirect_dma semaphore(%arg24 : memref<!tpu.dma_semaphore, #tpu.memory_space<semaphore_mem>>) src(%dma_wait3A_205 : memref<10000x128xf32, #tpu.memory_space<hbm>>) dst(%arg18 : memref<128x128xf32, #tpu.memory_space<vmem>>)
      %run_scoped3A_206 = arith.constant 0 : i32
      "tpu.region"() ({
        %run_scoped3A_373 = tpu.sem_alloc : memref<!tpu.dma_semaphore, #tpu.memory_space<semaphore_mem>>
        %dma_start3A_374 = arith.constant 0 : i32
        %dma_start3A_375 = tpu.memref_slice %arg14[%run_scoped3A_206, %dma_start3A_374] : memref<1x128xi32, #tpu.memory_space<vmem>> -> memref<1x128xi32, #tpu.memory_space<vmem>>
        %dma_start3A_376 = tpu.memref_squeeze %dma_start3A_375 : memref<1x128xi32, #tpu.memory_space<vmem>> -> memref<128xi32, #tpu.memory_space<vmem>>
        %dma_start3A_377 = arith.constant 0 : i32
        %dma_start3A_378 = arith.constant 0 : i32
        %dma_start3A_379 = tpu.memref_slice %arg9[%dma_start3A_377, %dma_start3A_378] : memref<10000x128xf32, #tpu.memory_space<vmem_shared>> -> memref<10000x128xf32, #tpu.memory_space<vmem_shared>>
        tpu.enqueue_indirect_dma source(%arg18 : memref<128x128xf32, #tpu.memory_space<vmem>>) target(%dma_start3A_379 : memref<10000x128xf32, #tpu.memory_space<vmem_shared>>) offsets(%dma_start3A_376 : memref<128xi32, #tpu.memory_space<vmem>>) semaphore(%run_scoped3A_373 : memref<!tpu.dma_semaphore, #tpu.memory_space<semaphore_mem>>) {add = true}
        %dma_wait3A_380 = arith.constant 0 : i32
        %dma_wait3A_381 = tpu.memref_slice %arg14[%run_scoped3A_206, %dma_wait3A_380] : memref<1x128xi32, #tpu.memory_space<vmem>> -> memref<1x128xi32, #tpu.memory_space<vmem>>
        %dma_wait3A_382 = tpu.memref_squeeze %dma_wait3A_381 : memref<1x128xi32, #tpu.memory_space<vmem>> -> memref<128xi32, #tpu.memory_space<vmem>>
        %dma_wait3A_383 = arith.constant 0 : i32
        %dma_wait3A_384 = arith.constant 0 : i32
        %dma_wait3A_385 = tpu.memref_slice %arg9[%dma_wait3A_383, %dma_wait3A_384] : memref<10000x128xf32, #tpu.memory_space<vmem_shared>> -> memref<10000x128xf32, #tpu.memory_space<vmem_shared>>
        tpu.wait_indirect_dma semaphore(%run_scoped3A_373 : memref<!tpu.dma_semaphore, #tpu.memory_space<semaphore_mem>>) src(%arg18 : memref<128x128xf32, #tpu.memory_space<vmem>>) dst(%dma_wait3A_385 : memref<10000x128xf32, #tpu.memory_space<vmem_shared>>)
        tpu.yield
      }) : () -> ()
      %run_scoped3A_207 = arith.constant 0 : i32
      "tpu.region"() ({
        %run_scoped3A_373 = tpu.sem_alloc : memref<!tpu.dma_semaphore, #tpu.memory_space<semaphore_mem>>
        %dma_start3A_374 = arith.constant 0 : i32
        %dma_start3A_375 = tpu.memref_slice %arg14[%run_scoped3A_207, %dma_start3A_374] : memref<1x128xi32, #tpu.memory_space<vmem>> -> memref<1x128xi32, #tpu.memory_space<vmem>>
        %dma_start3A_376 = tpu.memref_squeeze %dma_start3A_375 : memref<1x128xi32, #tpu.memory_space<vmem>> -> memref<128xi32, #tpu.memory_space<vmem>>
        %dma_start3A_377 = arith.constant 0 : i32
        %dma_start3A_378 = tpu.memref_slice %arg26[%dma_start3A_377] : memref<10240xf32, #tpu.memory_space<vmem_shared>> -> memref<10240xf32, #tpu.memory_space<vmem_shared>>
        tpu.enqueue_indirect_dma source(%arg27 : memref<128xf32, #tpu.memory_space<vmem>>) target(%dma_start3A_378 : memref<10240xf32, #tpu.memory_space<vmem_shared>>) offsets(%dma_start3A_376 : memref<128xi32, #tpu.memory_space<vmem>>) semaphore(%run_scoped3A_373 : memref<!tpu.dma_semaphore, #tpu.memory_space<semaphore_mem>>) {add = true}
        %dma_wait3A_379 = arith.constant 0 : i32
        %dma_wait3A_380 = tpu.memref_slice %arg14[%run_scoped3A_207, %dma_wait3A_379] : memref<1x128xi32, #tpu.memory_space<vmem>> -> memref<1x128xi32, #tpu.memory_space<vmem>>
        %dma_wait3A_381 = tpu.memref_squeeze %dma_wait3A_380 : memref<1x128xi32, #tpu.memory_space<vmem>> -> memref<128xi32, #tpu.memory_space<vmem>>
        %dma_wait3A_382 = arith.constant 0 : i32
        %dma_wait3A_383 = tpu.memref_slice %arg26[%dma_wait3A_382] : memref<10240xf32, #tpu.memory_space<vmem_shared>> -> memref<10240xf32, #tpu.memory_space<vmem_shared>>
        tpu.wait_indirect_dma semaphore(%run_scoped3A_373 : memref<!tpu.dma_semaphore, #tpu.memory_space<semaphore_mem>>) src(%arg27 : memref<128xf32, #tpu.memory_space<vmem>>) dst(%dma_wait3A_383 : memref<10240xf32, #tpu.memory_space<vmem_shared>>)
        tpu.yield
      }) : () -> ()
      %add3A_208 = arith.constant 4 : i32
      %add3A_209 = arith.addi %add3A_202, %add3A_208 : i32
      %lt3A_210 = arith.constant 78 : i32
      %lt3A_211 = arith.cmpi slt, %add3A_209, %lt3A_210 : i32
      %eq3A_212 = arith.constant 78 : i32
      %eq3A_213 = arith.cmpi eq, %add3A_209, %eq3A_212 : i32
      %and3A_214 = arith.andi %eq3A_213, %lt3A_20 : i1
      %or3A_215 = arith.ori %lt3A_211, %and3A_214 : i1
      %convert_element_type3A_216 = arith.extui %or3A_215 : i1 to i32
      %cond3A_217 = arith.constant 0 : i32
      %cond3A_218 = arith.cmpi ne, %convert_element_type3A_216, %cond3A_217 : i32
      scf.if %cond3A_218 {
        %add3A_373 = arith.constant 4 : i32
        %add3A_374 = arith.addi %add3A_202, %add3A_373 : i32
        %mul3A_375 = arith.constant 2048 : i32
        %mul3A_376 = arith.muli %add3A_374, %mul3A_375 : i32
        %add3A_377 = arith.addi %add3A, %mul3A_376 : i32
        %dma_start3A_378 = arith.constant 0 : i32
        %dma_start3A_379 = tpu.memref_slice %arg3[%dma_start3A_378, %add3A_377] : memref<2x320000xi32, #tpu.memory_space<hbm>> -> memref<1x128xi32, #tpu.memory_space<hbm>>
        %dma_start3A_380 = tpu.memref_squeeze %dma_start3A_379 : memref<1x128xi32, #tpu.memory_space<hbm>> -> memref<128xi32, #tpu.memory_space<hbm>>
        %dma_start3A_381 = tpu.memref_slice %arg3[%dma_start3A_378, %add3A_377] : memref<2x320000xi32, #tpu.memory_space<hbm>> -> memref<1x128xi32, #tpu.memory_space<hbm>>
        %dma_start3A_382 = tpu.memref_squeeze %dma_start3A_381 : memref<1x128xi32, #tpu.memory_space<hbm>> -> memref<128xi32, #tpu.memory_space<hbm>>
        tpu.enqueue_dma source(%dma_start3A_382 : memref<128xi32, #tpu.memory_space<hbm>>) target(%arg10 : memref<128xi32, #tpu.memory_space<vmem>>) target_semaphore(%arg20 : memref<!tpu.dma_semaphore, #tpu.memory_space<semaphore_mem>>)
        %dma_start3A_383 = arith.constant 1 : i32
        %dma_start3A_384 = arith.constant 0 : i32
        %dma_start3A_385 = arith.constant 0 : i32
        %dma_start3A_386 = tpu.memref_slice %arg14[%dma_start3A_384, %dma_start3A_385] : memref<1x128xi32, #tpu.memory_space<vmem>> -> memref<1x128xi32, #tpu.memory_space<vmem>>
        %dma_start3A_387 = tpu.memref_squeeze %dma_start3A_386 : memref<1x128xi32, #tpu.memory_space<vmem>> -> memref<128xi32, #tpu.memory_space<vmem>>
        %dma_start3A_388 = tpu.memref_slice %arg3[%dma_start3A_383, %add3A_377] : memref<2x320000xi32, #tpu.memory_space<hbm>> -> memref<1x128xi32, #tpu.memory_space<hbm>>
        %dma_start3A_389 = tpu.memref_squeeze %dma_start3A_388 : memref<1x128xi32, #tpu.memory_space<hbm>> -> memref<128xi32, #tpu.memory_space<hbm>>
        %dma_start3A_390 = arith.constant 0 : i32
        %dma_start3A_391 = tpu.memref_slice %arg14[%dma_start3A_384, %dma_start3A_390] : memref<1x128xi32, #tpu.memory_space<vmem>> -> memref<1x128xi32, #tpu.memory_space<vmem>>
        %dma_start3A_392 = tpu.memref_squeeze %dma_start3A_391 : memref<1x128xi32, #tpu.memory_space<vmem>> -> memref<128xi32, #tpu.memory_space<vmem>>
        %dma_start3A_393 = tpu.memref_slice %arg3[%dma_start3A_383, %add3A_377] : memref<2x320000xi32, #tpu.memory_space<hbm>> -> memref<1x128xi32, #tpu.memory_space<hbm>>
        %dma_start3A_394 = tpu.memref_squeeze %dma_start3A_393 : memref<1x128xi32, #tpu.memory_space<hbm>> -> memref<128xi32, #tpu.memory_space<hbm>>
        tpu.enqueue_dma source(%dma_start3A_394 : memref<128xi32, #tpu.memory_space<hbm>>) target(%dma_start3A_392 : memref<128xi32, #tpu.memory_space<vmem>>) target_semaphore(%arg20 : memref<!tpu.dma_semaphore, #tpu.memory_space<semaphore_mem>>)
      } else {
      }
      %add3A_219 = arith.constant 2 : i32
      %add3A_220 = arith.addi %add3A_202, %add3A_219 : i32
      %mul3A_221 = arith.constant 2048 : i32
      %mul3A_222 = arith.muli %add3A_220, %mul3A_221 : i32
      %add3A_223 = arith.addi %add3A, %mul3A_222 : i32
      %dma_wait3A_224 = arith.constant 0 : i32
      %dma_wait3A_225 = tpu.memref_slice %arg3[%dma_wait3A_224, %add3A_223] : memref<2x320000xi32, #tpu.memory_space<hbm>> -> memref<1x128xi32, #tpu.memory_space<hbm>>
      %dma_wait3A_226 = tpu.memref_squeeze %dma_wait3A_225 : memref<1x128xi32, #tpu.memory_space<hbm>> -> memref<128xi32, #tpu.memory_space<hbm>>
      %dma_wait3A_227 = tpu.memref_slice %arg3[%dma_wait3A_224, %add3A_223] : memref<2x320000xi32, #tpu.memory_space<hbm>> -> memref<1x128xi32, #tpu.memory_space<hbm>>
      %dma_wait3A_228 = tpu.memref_squeeze %dma_wait3A_227 : memref<1x128xi32, #tpu.memory_space<hbm>> -> memref<128xi32, #tpu.memory_space<hbm>>
      tpu.wait_dma2 semaphore(%arg22 : memref<!tpu.dma_semaphore, #tpu.memory_space<semaphore_mem>>) src(%dma_wait3A_228 : memref<128xi32, #tpu.memory_space<hbm>>) dst(%arg12 : memref<128xi32, #tpu.memory_space<vmem>>)
      %dma_wait3A_229 = arith.constant 1 : i32
      %dma_wait3A_230 = arith.constant 0 : i32
      %dma_wait3A_231 = arith.constant 0 : i32
      %dma_wait3A_232 = tpu.memref_slice %arg16[%dma_wait3A_230, %dma_wait3A_231] : memref<1x128xi32, #tpu.memory_space<vmem>> -> memref<1x128xi32, #tpu.memory_space<vmem>>
      %dma_wait3A_233 = tpu.memref_squeeze %dma_wait3A_232 : memref<1x128xi32, #tpu.memory_space<vmem>> -> memref<128xi32, #tpu.memory_space<vmem>>
      %dma_wait3A_234 = tpu.memref_slice %arg3[%dma_wait3A_229, %add3A_223] : memref<2x320000xi32, #tpu.memory_space<hbm>> -> memref<1x128xi32, #tpu.memory_space<hbm>>
      %dma_wait3A_235 = tpu.memref_squeeze %dma_wait3A_234 : memref<1x128xi32, #tpu.memory_space<hbm>> -> memref<128xi32, #tpu.memory_space<hbm>>
      %dma_wait3A_236 = arith.constant 0 : i32
      %dma_wait3A_237 = tpu.memref_slice %arg16[%dma_wait3A_230, %dma_wait3A_236] : memref<1x128xi32, #tpu.memory_space<vmem>> -> memref<1x128xi32, #tpu.memory_space<vmem>>
      %dma_wait3A_238 = tpu.memref_squeeze %dma_wait3A_237 : memref<1x128xi32, #tpu.memory_space<vmem>> -> memref<128xi32, #tpu.memory_space<vmem>>
      %dma_wait3A_239 = tpu.memref_slice %arg3[%dma_wait3A_229, %add3A_223] : memref<2x320000xi32, #tpu.memory_space<hbm>> -> memref<1x128xi32, #tpu.memory_space<hbm>>
      %dma_wait3A_240 = tpu.memref_squeeze %dma_wait3A_239 : memref<1x128xi32, #tpu.memory_space<hbm>> -> memref<128xi32, #tpu.memory_space<hbm>>
      tpu.wait_dma2 semaphore(%arg22 : memref<!tpu.dma_semaphore, #tpu.memory_space<semaphore_mem>>) src(%dma_wait3A_240 : memref<128xi32, #tpu.memory_space<hbm>>) dst(%dma_wait3A_238 : memref<128xi32, #tpu.memory_space<vmem>>)
      %dma_start3A_241 = arith.constant 0 : i32
      %dma_start3A_242 = arith.constant 0 : i32
      %dma_start3A_243 = tpu.memref_slice %arg2[%dma_start3A_241, %dma_start3A_242] : memref<10000x128xf32, #tpu.memory_space<hbm>> -> memref<10000x128xf32, #tpu.memory_space<hbm>>
      tpu.enqueue_indirect_dma source(%dma_start3A_243 : memref<10000x128xf32, #tpu.memory_space<hbm>>) target(%arg18 : memref<128x128xf32, #tpu.memory_space<vmem>>) offsets(%arg12 : memref<128xi32, #tpu.memory_space<vmem>>) semaphore(%arg24 : memref<!tpu.dma_semaphore, #tpu.memory_space<semaphore_mem>>)
      %add3A_244 = arith.constant 1 : i32
      %add3A_245 = arith.addi %mul3A_200, %add3A_244 : i32
      %dma_wait3A_246 = arith.constant 0 : i32
      %dma_wait3A_247 = arith.constant 0 : i32
      %dma_wait3A_248 = tpu.memref_slice %arg2[%dma_wait3A_246, %dma_wait3A_247] : memref<10000x128xf32, #tpu.memory_space<hbm>> -> memref<10000x128xf32, #tpu.memory_space<hbm>>
      tpu.wait_indirect_dma semaphore(%arg25 : memref<!tpu.dma_semaphore, #tpu.memory_space<semaphore_mem>>) src(%dma_wait3A_248 : memref<10000x128xf32, #tpu.memory_space<hbm>>) dst(%arg19 : memref<128x128xf32, #tpu.memory_space<vmem>>)
      %run_scoped3A_249 = arith.constant 0 : i32
      "tpu.region"() ({
        %run_scoped3A_373 = tpu.sem_alloc : memref<!tpu.dma_semaphore, #tpu.memory_space<semaphore_mem>>
        %dma_start3A_374 = arith.constant 0 : i32
        %dma_start3A_375 = tpu.memref_slice %arg15[%run_scoped3A_249, %dma_start3A_374] : memref<1x128xi32, #tpu.memory_space<vmem>> -> memref<1x128xi32, #tpu.memory_space<vmem>>
        %dma_start3A_376 = tpu.memref_squeeze %dma_start3A_375 : memref<1x128xi32, #tpu.memory_space<vmem>> -> memref<128xi32, #tpu.memory_space<vmem>>
        %dma_start3A_377 = arith.constant 0 : i32
        %dma_start3A_378 = arith.constant 0 : i32
        %dma_start3A_379 = tpu.memref_slice %arg9[%dma_start3A_377, %dma_start3A_378] : memref<10000x128xf32, #tpu.memory_space<vmem_shared>> -> memref<10000x128xf32, #tpu.memory_space<vmem_shared>>
        tpu.enqueue_indirect_dma source(%arg19 : memref<128x128xf32, #tpu.memory_space<vmem>>) target(%dma_start3A_379 : memref<10000x128xf32, #tpu.memory_space<vmem_shared>>) offsets(%dma_start3A_376 : memref<128xi32, #tpu.memory_space<vmem>>) semaphore(%run_scoped3A_373 : memref<!tpu.dma_semaphore, #tpu.memory_space<semaphore_mem>>) {add = true}
        %dma_wait3A_380 = arith.constant 0 : i32
        %dma_wait3A_381 = tpu.memref_slice %arg15[%run_scoped3A_249, %dma_wait3A_380] : memref<1x128xi32, #tpu.memory_space<vmem>> -> memref<1x128xi32, #tpu.memory_space<vmem>>
        %dma_wait3A_382 = tpu.memref_squeeze %dma_wait3A_381 : memref<1x128xi32, #tpu.memory_space<vmem>> -> memref<128xi32, #tpu.memory_space<vmem>>
        %dma_wait3A_383 = arith.constant 0 : i32
        %dma_wait3A_384 = arith.constant 0 : i32
        %dma_wait3A_385 = tpu.memref_slice %arg9[%dma_wait3A_383, %dma_wait3A_384] : memref<10000x128xf32, #tpu.memory_space<vmem_shared>> -> memref<10000x128xf32, #tpu.memory_space<vmem_shared>>
        tpu.wait_indirect_dma semaphore(%run_scoped3A_373 : memref<!tpu.dma_semaphore, #tpu.memory_space<semaphore_mem>>) src(%arg19 : memref<128x128xf32, #tpu.memory_space<vmem>>) dst(%dma_wait3A_385 : memref<10000x128xf32, #tpu.memory_space<vmem_shared>>)
        tpu.yield
      }) : () -> ()
      %run_scoped3A_250 = arith.constant 0 : i32
      "tpu.region"() ({
        %run_scoped3A_373 = tpu.sem_alloc : memref<!tpu.dma_semaphore, #tpu.memory_space<semaphore_mem>>
        %dma_start3A_374 = arith.constant 0 : i32
        %dma_start3A_375 = tpu.memref_slice %arg15[%run_scoped3A_250, %dma_start3A_374] : memref<1x128xi32, #tpu.memory_space<vmem>> -> memref<1x128xi32, #tpu.memory_space<vmem>>
        %dma_start3A_376 = tpu.memref_squeeze %dma_start3A_375 : memref<1x128xi32, #tpu.memory_space<vmem>> -> memref<128xi32, #tpu.memory_space<vmem>>
        %dma_start3A_377 = arith.constant 0 : i32
        %dma_start3A_378 = tpu.memref_slice %arg26[%dma_start3A_377] : memref<10240xf32, #tpu.memory_space<vmem_shared>> -> memref<10240xf32, #tpu.memory_space<vmem_shared>>
        tpu.enqueue_indirect_dma source(%arg27 : memref<128xf32, #tpu.memory_space<vmem>>) target(%dma_start3A_378 : memref<10240xf32, #tpu.memory_space<vmem_shared>>) offsets(%dma_start3A_376 : memref<128xi32, #tpu.memory_space<vmem>>) semaphore(%run_scoped3A_373 : memref<!tpu.dma_semaphore, #tpu.memory_space<semaphore_mem>>) {add = true}
        %dma_wait3A_379 = arith.constant 0 : i32
        %dma_wait3A_380 = tpu.memref_slice %arg15[%run_scoped3A_250, %dma_wait3A_379] : memref<1x128xi32, #tpu.memory_space<vmem>> -> memref<1x128xi32, #tpu.memory_space<vmem>>
        %dma_wait3A_381 = tpu.memref_squeeze %dma_wait3A_380 : memref<1x128xi32, #tpu.memory_space<vmem>> -> memref<128xi32, #tpu.memory_space<vmem>>
        %dma_wait3A_382 = arith.constant 0 : i32
        %dma_wait3A_383 = tpu.memref_slice %arg26[%dma_wait3A_382] : memref<10240xf32, #tpu.memory_space<vmem_shared>> -> memref<10240xf32, #tpu.memory_space<vmem_shared>>
        tpu.wait_indirect_dma semaphore(%run_scoped3A_373 : memref<!tpu.dma_semaphore, #tpu.memory_space<semaphore_mem>>) src(%arg27 : memref<128xf32, #tpu.memory_space<vmem>>) dst(%dma_wait3A_383 : memref<10240xf32, #tpu.memory_space<vmem_shared>>)
        tpu.yield
      }) : () -> ()
      %add3A_251 = arith.constant 4 : i32
      %add3A_252 = arith.addi %add3A_245, %add3A_251 : i32
      %lt3A_253 = arith.constant 78 : i32
      %lt3A_254 = arith.cmpi slt, %add3A_252, %lt3A_253 : i32
      %eq3A_255 = arith.constant 78 : i32
      %eq3A_256 = arith.cmpi eq, %add3A_252, %eq3A_255 : i32
      %and3A_257 = arith.andi %eq3A_256, %lt3A_20 : i1
      %or3A_258 = arith.ori %lt3A_254, %and3A_257 : i1
      %convert_element_type3A_259 = arith.extui %or3A_258 : i1 to i32
      %cond3A_260 = arith.constant 0 : i32
      %cond3A_261 = arith.cmpi ne, %convert_element_type3A_259, %cond3A_260 : i32
      scf.if %cond3A_261 {
        %add3A_373 = arith.constant 4 : i32
        %add3A_374 = arith.addi %add3A_245, %add3A_373 : i32
        %mul3A_375 = arith.constant 2048 : i32
        %mul3A_376 = arith.muli %add3A_374, %mul3A_375 : i32
        %add3A_377 = arith.addi %add3A, %mul3A_376 : i32
        %dma_start3A_378 = arith.constant 0 : i32
        %dma_start3A_379 = tpu.memref_slice %arg3[%dma_start3A_378, %add3A_377] : memref<2x320000xi32, #tpu.memory_space<hbm>> -> memref<1x128xi32, #tpu.memory_space<hbm>>
        %dma_start3A_380 = tpu.memref_squeeze %dma_start3A_379 : memref<1x128xi32, #tpu.memory_space<hbm>> -> memref<128xi32, #tpu.memory_space<hbm>>
        %dma_start3A_381 = tpu.memref_slice %arg3[%dma_start3A_378, %add3A_377] : memref<2x320000xi32, #tpu.memory_space<hbm>> -> memref<1x128xi32, #tpu.memory_space<hbm>>
        %dma_start3A_382 = tpu.memref_squeeze %dma_start3A_381 : memref<1x128xi32, #tpu.memory_space<hbm>> -> memref<128xi32, #tpu.memory_space<hbm>>
        tpu.enqueue_dma source(%dma_start3A_382 : memref<128xi32, #tpu.memory_space<hbm>>) target(%arg11 : memref<128xi32, #tpu.memory_space<vmem>>) target_semaphore(%arg21 : memref<!tpu.dma_semaphore, #tpu.memory_space<semaphore_mem>>)
        %dma_start3A_383 = arith.constant 1 : i32
        %dma_start3A_384 = arith.constant 0 : i32
        %dma_start3A_385 = arith.constant 0 : i32
        %dma_start3A_386 = tpu.memref_slice %arg15[%dma_start3A_384, %dma_start3A_385] : memref<1x128xi32, #tpu.memory_space<vmem>> -> memref<1x128xi32, #tpu.memory_space<vmem>>
        %dma_start3A_387 = tpu.memref_squeeze %dma_start3A_386 : memref<1x128xi32, #tpu.memory_space<vmem>> -> memref<128xi32, #tpu.memory_space<vmem>>
        %dma_start3A_388 = tpu.memref_slice %arg3[%dma_start3A_383, %add3A_377] : memref<2x320000xi32, #tpu.memory_space<hbm>> -> memref<1x128xi32, #tpu.memory_space<hbm>>
        %dma_start3A_389 = tpu.memref_squeeze %dma_start3A_388 : memref<1x128xi32, #tpu.memory_space<hbm>> -> memref<128xi32, #tpu.memory_space<hbm>>
        %dma_start3A_390 = arith.constant 0 : i32
        %dma_start3A_391 = tpu.memref_slice %arg15[%dma_start3A_384, %dma_start3A_390] : memref<1x128xi32, #tpu.memory_space<vmem>> -> memref<1x128xi32, #tpu.memory_space<vmem>>
        %dma_start3A_392 = tpu.memref_squeeze %dma_start3A_391 : memref<1x128xi32, #tpu.memory_space<vmem>> -> memref<128xi32, #tpu.memory_space<vmem>>
        %dma_start3A_393 = tpu.memref_slice %arg3[%dma_start3A_383, %add3A_377] : memref<2x320000xi32, #tpu.memory_space<hbm>> -> memref<1x128xi32, #tpu.memory_space<hbm>>
        %dma_start3A_394 = tpu.memref_squeeze %dma_start3A_393 : memref<1x128xi32, #tpu.memory_space<hbm>> -> memref<128xi32, #tpu.memory_space<hbm>>
        tpu.enqueue_dma source(%dma_start3A_394 : memref<128xi32, #tpu.memory_space<hbm>>) target(%dma_start3A_392 : memref<128xi32, #tpu.memory_space<vmem>>) target_semaphore(%arg21 : memref<!tpu.dma_semaphore, #tpu.memory_space<semaphore_mem>>)
      } else {
      }
      %add3A_262 = arith.constant 2 : i32
      %add3A_263 = arith.addi %add3A_245, %add3A_262 : i32
      %mul3A_264 = arith.constant 2048 : i32
      %mul3A_265 = arith.muli %add3A_263, %mul3A_264 : i32
      %add3A_266 = arith.addi %add3A, %mul3A_265 : i32
      %dma_wait3A_267 = arith.constant 0 : i32
      %dma_wait3A_268 = tpu.memref_slice %arg3[%dma_wait3A_267, %add3A_266] : memref<2x320000xi32, #tpu.memory_space<hbm>> -> memref<1x128xi32, #tpu.memory_space<hbm>>
      %dma_wait3A_269 = tpu.memref_squeeze %dma_wait3A_268 : memref<1x128xi32, #tpu.memory_space<hbm>> -> memref<128xi32, #tpu.memory_space<hbm>>
      %dma_wait3A_270 = tpu.memref_slice %arg3[%dma_wait3A_267, %add3A_266] : memref<2x320000xi32, #tpu.memory_space<hbm>> -> memref<1x128xi32, #tpu.memory_space<hbm>>
      %dma_wait3A_271 = tpu.memref_squeeze %dma_wait3A_270 : memref<1x128xi32, #tpu.memory_space<hbm>> -> memref<128xi32, #tpu.memory_space<hbm>>
      tpu.wait_dma2 semaphore(%arg23 : memref<!tpu.dma_semaphore, #tpu.memory_space<semaphore_mem>>) src(%dma_wait3A_271 : memref<128xi32, #tpu.memory_space<hbm>>) dst(%arg13 : memref<128xi32, #tpu.memory_space<vmem>>)
      %dma_wait3A_272 = arith.constant 1 : i32
      %dma_wait3A_273 = arith.constant 0 : i32
      %dma_wait3A_274 = arith.constant 0 : i32
      %dma_wait3A_275 = tpu.memref_slice %arg17[%dma_wait3A_273, %dma_wait3A_274] : memref<1x128xi32, #tpu.memory_space<vmem>> -> memref<1x128xi32, #tpu.memory_space<vmem>>
      %dma_wait3A_276 = tpu.memref_squeeze %dma_wait3A_275 : memref<1x128xi32, #tpu.memory_space<vmem>> -> memref<128xi32, #tpu.memory_space<vmem>>
      %dma_wait3A_277 = tpu.memref_slice %arg3[%dma_wait3A_272, %add3A_266] : memref<2x320000xi32, #tpu.memory_space<hbm>> -> memref<1x128xi32, #tpu.memory_space<hbm>>
      %dma_wait3A_278 = tpu.memref_squeeze %dma_wait3A_277 : memref<1x128xi32, #tpu.memory_space<hbm>> -> memref<128xi32, #tpu.memory_space<hbm>>
      %dma_wait3A_279 = arith.constant 0 : i32
      %dma_wait3A_280 = tpu.memref_slice %arg17[%dma_wait3A_273, %dma_wait3A_279] : memref<1x128xi32, #tpu.memory_space<vmem>> -> memref<1x128xi32, #tpu.memory_space<vmem>>
      %dma_wait3A_281 = tpu.memref_squeeze %dma_wait3A_280 : memref<1x128xi32, #tpu.memory_space<vmem>> -> memref<128xi32, #tpu.memory_space<vmem>>
      %dma_wait3A_282 = tpu.memref_slice %arg3[%dma_wait3A_272, %add3A_266] : memref<2x320000xi32, #tpu.memory_space<hbm>> -> memref<1x128xi32, #tpu.memory_space<hbm>>
      %dma_wait3A_283 = tpu.memref_squeeze %dma_wait3A_282 : memref<1x128xi32, #tpu.memory_space<hbm>> -> memref<128xi32, #tpu.memory_space<hbm>>
      tpu.wait_dma2 semaphore(%arg23 : memref<!tpu.dma_semaphore, #tpu.memory_space<semaphore_mem>>) src(%dma_wait3A_283 : memref<128xi32, #tpu.memory_space<hbm>>) dst(%dma_wait3A_281 : memref<128xi32, #tpu.memory_space<vmem>>)
      %dma_start3A_284 = arith.constant 0 : i32
      %dma_start3A_285 = arith.constant 0 : i32
      %dma_start3A_286 = tpu.memref_slice %arg2[%dma_start3A_284, %dma_start3A_285] : memref<10000x128xf32, #tpu.memory_space<hbm>> -> memref<10000x128xf32, #tpu.memory_space<hbm>>
      tpu.enqueue_indirect_dma source(%dma_start3A_286 : memref<10000x128xf32, #tpu.memory_space<hbm>>) target(%arg19 : memref<128x128xf32, #tpu.memory_space<vmem>>) offsets(%arg13 : memref<128xi32, #tpu.memory_space<vmem>>) semaphore(%arg25 : memref<!tpu.dma_semaphore, #tpu.memory_space<semaphore_mem>>)
      %add3A_287 = arith.constant 2 : i32
      %add3A_288 = arith.addi %mul3A_200, %add3A_287 : i32
      %dma_wait3A_289 = arith.constant 0 : i32
      %dma_wait3A_290 = arith.constant 0 : i32
      %dma_wait3A_291 = tpu.memref_slice %arg2[%dma_wait3A_289, %dma_wait3A_290] : memref<10000x128xf32, #tpu.memory_space<hbm>> -> memref<10000x128xf32, #tpu.memory_space<hbm>>
      tpu.wait_indirect_dma semaphore(%arg24 : memref<!tpu.dma_semaphore, #tpu.memory_space<semaphore_mem>>) src(%dma_wait3A_291 : memref<10000x128xf32, #tpu.memory_space<hbm>>) dst(%arg18 : memref<128x128xf32, #tpu.memory_space<vmem>>)
      %run_scoped3A_292 = arith.constant 0 : i32
      "tpu.region"() ({
        %run_scoped3A_373 = tpu.sem_alloc : memref<!tpu.dma_semaphore, #tpu.memory_space<semaphore_mem>>
        %dma_start3A_374 = arith.constant 0 : i32
        %dma_start3A_375 = tpu.memref_slice %arg16[%run_scoped3A_292, %dma_start3A_374] : memref<1x128xi32, #tpu.memory_space<vmem>> -> memref<1x128xi32, #tpu.memory_space<vmem>>
        %dma_start3A_376 = tpu.memref_squeeze %dma_start3A_375 : memref<1x128xi32, #tpu.memory_space<vmem>> -> memref<128xi32, #tpu.memory_space<vmem>>
        %dma_start3A_377 = arith.constant 0 : i32
        %dma_start3A_378 = arith.constant 0 : i32
        %dma_start3A_379 = tpu.memref_slice %arg9[%dma_start3A_377, %dma_start3A_378] : memref<10000x128xf32, #tpu.memory_space<vmem_shared>> -> memref<10000x128xf32, #tpu.memory_space<vmem_shared>>
        tpu.enqueue_indirect_dma source(%arg18 : memref<128x128xf32, #tpu.memory_space<vmem>>) target(%dma_start3A_379 : memref<10000x128xf32, #tpu.memory_space<vmem_shared>>) offsets(%dma_start3A_376 : memref<128xi32, #tpu.memory_space<vmem>>) semaphore(%run_scoped3A_373 : memref<!tpu.dma_semaphore, #tpu.memory_space<semaphore_mem>>) {add = true}
        %dma_wait3A_380 = arith.constant 0 : i32
        %dma_wait3A_381 = tpu.memref_slice %arg16[%run_scoped3A_292, %dma_wait3A_380] : memref<1x128xi32, #tpu.memory_space<vmem>> -> memref<1x128xi32, #tpu.memory_space<vmem>>
        %dma_wait3A_382 = tpu.memref_squeeze %dma_wait3A_381 : memref<1x128xi32, #tpu.memory_space<vmem>> -> memref<128xi32, #tpu.memory_space<vmem>>
        %dma_wait3A_383 = arith.constant 0 : i32
        %dma_wait3A_384 = arith.constant 0 : i32
        %dma_wait3A_385 = tpu.memref_slice %arg9[%dma_wait3A_383, %dma_wait3A_384] : memref<10000x128xf32, #tpu.memory_space<vmem_shared>> -> memref<10000x128xf32, #tpu.memory_space<vmem_shared>>
        tpu.wait_indirect_dma semaphore(%run_scoped3A_373 : memref<!tpu.dma_semaphore, #tpu.memory_space<semaphore_mem>>) src(%arg18 : memref<128x128xf32, #tpu.memory_space<vmem>>) dst(%dma_wait3A_385 : memref<10000x128xf32, #tpu.memory_space<vmem_shared>>)
        tpu.yield
      }) : () -> ()
      %run_scoped3A_293 = arith.constant 0 : i32
      "tpu.region"() ({
        %run_scoped3A_373 = tpu.sem_alloc : memref<!tpu.dma_semaphore, #tpu.memory_space<semaphore_mem>>
        %dma_start3A_374 = arith.constant 0 : i32
        %dma_start3A_375 = tpu.memref_slice %arg16[%run_scoped3A_293, %dma_start3A_374] : memref<1x128xi32, #tpu.memory_space<vmem>> -> memref<1x128xi32, #tpu.memory_space<vmem>>
        %dma_start3A_376 = tpu.memref_squeeze %dma_start3A_375 : memref<1x128xi32, #tpu.memory_space<vmem>> -> memref<128xi32, #tpu.memory_space<vmem>>
        %dma_start3A_377 = arith.constant 0 : i32
        %dma_start3A_378 = tpu.memref_slice %arg26[%dma_start3A_377] : memref<10240xf32, #tpu.memory_space<vmem_shared>> -> memref<10240xf32, #tpu.memory_space<vmem_shared>>
        tpu.enqueue_indirect_dma source(%arg27 : memref<128xf32, #tpu.memory_space<vmem>>) target(%dma_start3A_378 : memref<10240xf32, #tpu.memory_space<vmem_shared>>) offsets(%dma_start3A_376 : memref<128xi32, #tpu.memory_space<vmem>>) semaphore(%run_scoped3A_373 : memref<!tpu.dma_semaphore, #tpu.memory_space<semaphore_mem>>) {add = true}
        %dma_wait3A_379 = arith.constant 0 : i32
        %dma_wait3A_380 = tpu.memref_slice %arg16[%run_scoped3A_293, %dma_wait3A_379] : memref<1x128xi32, #tpu.memory_space<vmem>> -> memref<1x128xi32, #tpu.memory_space<vmem>>
        %dma_wait3A_381 = tpu.memref_squeeze %dma_wait3A_380 : memref<1x128xi32, #tpu.memory_space<vmem>> -> memref<128xi32, #tpu.memory_space<vmem>>
        %dma_wait3A_382 = arith.constant 0 : i32
        %dma_wait3A_383 = tpu.memref_slice %arg26[%dma_wait3A_382] : memref<10240xf32, #tpu.memory_space<vmem_shared>> -> memref<10240xf32, #tpu.memory_space<vmem_shared>>
        tpu.wait_indirect_dma semaphore(%run_scoped3A_373 : memref<!tpu.dma_semaphore, #tpu.memory_space<semaphore_mem>>) src(%arg27 : memref<128xf32, #tpu.memory_space<vmem>>) dst(%dma_wait3A_383 : memref<10240xf32, #tpu.memory_space<vmem_shared>>)
        tpu.yield
      }) : () -> ()
      %add3A_294 = arith.constant 4 : i32
      %add3A_295 = arith.addi %add3A_288, %add3A_294 : i32
      %lt3A_296 = arith.constant 78 : i32
      %lt3A_297 = arith.cmpi slt, %add3A_295, %lt3A_296 : i32
      %eq3A_298 = arith.constant 78 : i32
      %eq3A_299 = arith.cmpi eq, %add3A_295, %eq3A_298 : i32
      %and3A_300 = arith.andi %eq3A_299, %lt3A_20 : i1
      %or3A_301 = arith.ori %lt3A_297, %and3A_300 : i1
      %convert_element_type3A_302 = arith.extui %or3A_301 : i1 to i32
      %cond3A_303 = arith.constant 0 : i32
      %cond3A_304 = arith.cmpi ne, %convert_element_type3A_302, %cond3A_303 : i32
      scf.if %cond3A_304 {
        %add3A_373 = arith.constant 4 : i32
        %add3A_374 = arith.addi %add3A_288, %add3A_373 : i32
        %mul3A_375 = arith.constant 2048 : i32
        %mul3A_376 = arith.muli %add3A_374, %mul3A_375 : i32
        %add3A_377 = arith.addi %add3A, %mul3A_376 : i32
        %dma_start3A_378 = arith.constant 0 : i32
        %dma_start3A_379 = tpu.memref_slice %arg3[%dma_start3A_378, %add3A_377] : memref<2x320000xi32, #tpu.memory_space<hbm>> -> memref<1x128xi32, #tpu.memory_space<hbm>>
        %dma_start3A_380 = tpu.memref_squeeze %dma_start3A_379 : memref<1x128xi32, #tpu.memory_space<hbm>> -> memref<128xi32, #tpu.memory_space<hbm>>
        %dma_start3A_381 = tpu.memref_slice %arg3[%dma_start3A_378, %add3A_377] : memref<2x320000xi32, #tpu.memory_space<hbm>> -> memref<1x128xi32, #tpu.memory_space<hbm>>
        %dma_start3A_382 = tpu.memref_squeeze %dma_start3A_381 : memref<1x128xi32, #tpu.memory_space<hbm>> -> memref<128xi32, #tpu.memory_space<hbm>>
        tpu.enqueue_dma source(%dma_start3A_382 : memref<128xi32, #tpu.memory_space<hbm>>) target(%arg12 : memref<128xi32, #tpu.memory_space<vmem>>) target_semaphore(%arg22 : memref<!tpu.dma_semaphore, #tpu.memory_space<semaphore_mem>>)
        %dma_start3A_383 = arith.constant 1 : i32
        %dma_start3A_384 = arith.constant 0 : i32
        %dma_start3A_385 = arith.constant 0 : i32
        %dma_start3A_386 = tpu.memref_slice %arg16[%dma_start3A_384, %dma_start3A_385] : memref<1x128xi32, #tpu.memory_space<vmem>> -> memref<1x128xi32, #tpu.memory_space<vmem>>
        %dma_start3A_387 = tpu.memref_squeeze %dma_start3A_386 : memref<1x128xi32, #tpu.memory_space<vmem>> -> memref<128xi32, #tpu.memory_space<vmem>>
        %dma_start3A_388 = tpu.memref_slice %arg3[%dma_start3A_383, %add3A_377] : memref<2x320000xi32, #tpu.memory_space<hbm>> -> memref<1x128xi32, #tpu.memory_space<hbm>>
        %dma_start3A_389 = tpu.memref_squeeze %dma_start3A_388 : memref<1x128xi32, #tpu.memory_space<hbm>> -> memref<128xi32, #tpu.memory_space<hbm>>
        %dma_start3A_390 = arith.constant 0 : i32
        %dma_start3A_391 = tpu.memref_slice %arg16[%dma_start3A_384, %dma_start3A_390] : memref<1x128xi32, #tpu.memory_space<vmem>> -> memref<1x128xi32, #tpu.memory_space<vmem>>
        %dma_start3A_392 = tpu.memref_squeeze %dma_start3A_391 : memref<1x128xi32, #tpu.memory_space<vmem>> -> memref<128xi32, #tpu.memory_space<vmem>>
        %dma_start3A_393 = tpu.memref_slice %arg3[%dma_start3A_383, %add3A_377] : memref<2x320000xi32, #tpu.memory_space<hbm>> -> memref<1x128xi32, #tpu.memory_space<hbm>>
        %dma_start3A_394 = tpu.memref_squeeze %dma_start3A_393 : memref<1x128xi32, #tpu.memory_space<hbm>> -> memref<128xi32, #tpu.memory_space<hbm>>
        tpu.enqueue_dma source(%dma_start3A_394 : memref<128xi32, #tpu.memory_space<hbm>>) target(%dma_start3A_392 : memref<128xi32, #tpu.memory_space<vmem>>) target_semaphore(%arg22 : memref<!tpu.dma_semaphore, #tpu.memory_space<semaphore_mem>>)
      } else {
      }
      %add3A_305 = arith.constant 2 : i32
      %add3A_306 = arith.addi %add3A_288, %add3A_305 : i32
      %mul3A_307 = arith.constant 2048 : i32
      %mul3A_308 = arith.muli %add3A_306, %mul3A_307 : i32
      %add3A_309 = arith.addi %add3A, %mul3A_308 : i32
      %dma_wait3A_310 = arith.constant 0 : i32
      %dma_wait3A_311 = tpu.memref_slice %arg3[%dma_wait3A_310, %add3A_309] : memref<2x320000xi32, #tpu.memory_space<hbm>> -> memref<1x128xi32, #tpu.memory_space<hbm>>
      %dma_wait3A_312 = tpu.memref_squeeze %dma_wait3A_311 : memref<1x128xi32, #tpu.memory_space<hbm>> -> memref<128xi32, #tpu.memory_space<hbm>>
      %dma_wait3A_313 = tpu.memref_slice %arg3[%dma_wait3A_310, %add3A_309] : memref<2x320000xi32, #tpu.memory_space<hbm>> -> memref<1x128xi32, #tpu.memory_space<hbm>>
      %dma_wait3A_314 = tpu.memref_squeeze %dma_wait3A_313 : memref<1x128xi32, #tpu.memory_space<hbm>> -> memref<128xi32, #tpu.memory_space<hbm>>
      tpu.wait_dma2 semaphore(%arg20 : memref<!tpu.dma_semaphore, #tpu.memory_space<semaphore_mem>>) src(%dma_wait3A_314 : memref<128xi32, #tpu.memory_space<hbm>>) dst(%arg10 : memref<128xi32, #tpu.memory_space<vmem>>)
      %dma_wait3A_315 = arith.constant 1 : i32
      %dma_wait3A_316 = arith.constant 0 : i32
      %dma_wait3A_317 = arith.constant 0 : i32
      %dma_wait3A_318 = tpu.memref_slice %arg14[%dma_wait3A_316, %dma_wait3A_317] : memref<1x128xi32, #tpu.memory_space<vmem>> -> memref<1x128xi32, #tpu.memory_space<vmem>>
      %dma_wait3A_319 = tpu.memref_squeeze %dma_wait3A_318 : memref<1x128xi32, #tpu.memory_space<vmem>> -> memref<128xi32, #tpu.memory_space<vmem>>
      %dma_wait3A_320 = tpu.memref_slice %arg3[%dma_wait3A_315, %add3A_309] : memref<2x320000xi32, #tpu.memory_space<hbm>> -> memref<1x128xi32, #tpu.memory_space<hbm>>
      %dma_wait3A_321 = tpu.memref_squeeze %dma_wait3A_320 : memref<1x128xi32, #tpu.memory_space<hbm>> -> memref<128xi32, #tpu.memory_space<hbm>>
      %dma_wait3A_322 = arith.constant 0 : i32
      %dma_wait3A_323 = tpu.memref_slice %arg14[%dma_wait3A_316, %dma_wait3A_322] : memref<1x128xi32, #tpu.memory_space<vmem>> -> memref<1x128xi32, #tpu.memory_space<vmem>>
      %dma_wait3A_324 = tpu.memref_squeeze %dma_wait3A_323 : memref<1x128xi32, #tpu.memory_space<vmem>> -> memref<128xi32, #tpu.memory_space<vmem>>
      %dma_wait3A_325 = tpu.memref_slice %arg3[%dma_wait3A_315, %add3A_309] : memref<2x320000xi32, #tpu.memory_space<hbm>> -> memref<1x128xi32, #tpu.memory_space<hbm>>
      %dma_wait3A_326 = tpu.memref_squeeze %dma_wait3A_325 : memref<1x128xi32, #tpu.memory_space<hbm>> -> memref<128xi32, #tpu.memory_space<hbm>>
      tpu.wait_dma2 semaphore(%arg20 : memref<!tpu.dma_semaphore, #tpu.memory_space<semaphore_mem>>) src(%dma_wait3A_326 : memref<128xi32, #tpu.memory_space<hbm>>) dst(%dma_wait3A_324 : memref<128xi32, #tpu.memory_space<vmem>>)
      %dma_start3A_327 = arith.constant 0 : i32
      %dma_start3A_328 = arith.constant 0 : i32
      %dma_start3A_329 = tpu.memref_slice %arg2[%dma_start3A_327, %dma_start3A_328] : memref<10000x128xf32, #tpu.memory_space<hbm>> -> memref<10000x128xf32, #tpu.memory_space<hbm>>
      tpu.enqueue_indirect_dma source(%dma_start3A_329 : memref<10000x128xf32, #tpu.memory_space<hbm>>) target(%arg18 : memref<128x128xf32, #tpu.memory_space<vmem>>) offsets(%arg10 : memref<128xi32, #tpu.memory_space<vmem>>) semaphore(%arg24 : memref<!tpu.dma_semaphore, #tpu.memory_space<semaphore_mem>>)
      %add3A_330 = arith.constant 3 : i32
      %add3A_331 = arith.addi %mul3A_200, %add3A_330 : i32
      %dma_wait3A_332 = arith.constant 0 : i32
      %dma_wait3A_333 = arith.constant 0 : i32
      %dma_wait3A_334 = tpu.memref_slice %arg2[%dma_wait3A_332, %dma_wait3A_333] : memref<10000x128xf32, #tpu.memory_space<hbm>> -> memref<10000x128xf32, #tpu.memory_space<hbm>>
      tpu.wait_indirect_dma semaphore(%arg25 : memref<!tpu.dma_semaphore, #tpu.memory_space<semaphore_mem>>) src(%dma_wait3A_334 : memref<10000x128xf32, #tpu.memory_space<hbm>>) dst(%arg19 : memref<128x128xf32, #tpu.memory_space<vmem>>)
      %run_scoped3A_335 = arith.constant 0 : i32
      "tpu.region"() ({
        %run_scoped3A_373 = tpu.sem_alloc : memref<!tpu.dma_semaphore, #tpu.memory_space<semaphore_mem>>
        %dma_start3A_374 = arith.constant 0 : i32
        %dma_start3A_375 = tpu.memref_slice %arg17[%run_scoped3A_335, %dma_start3A_374] : memref<1x128xi32, #tpu.memory_space<vmem>> -> memref<1x128xi32, #tpu.memory_space<vmem>>
        %dma_start3A_376 = tpu.memref_squeeze %dma_start3A_375 : memref<1x128xi32, #tpu.memory_space<vmem>> -> memref<128xi32, #tpu.memory_space<vmem>>
        %dma_start3A_377 = arith.constant 0 : i32
        %dma_start3A_378 = arith.constant 0 : i32
        %dma_start3A_379 = tpu.memref_slice %arg9[%dma_start3A_377, %dma_start3A_378] : memref<10000x128xf32, #tpu.memory_space<vmem_shared>> -> memref<10000x128xf32, #tpu.memory_space<vmem_shared>>
        tpu.enqueue_indirect_dma source(%arg19 : memref<128x128xf32, #tpu.memory_space<vmem>>) target(%dma_start3A_379 : memref<10000x128xf32, #tpu.memory_space<vmem_shared>>) offsets(%dma_start3A_376 : memref<128xi32, #tpu.memory_space<vmem>>) semaphore(%run_scoped3A_373 : memref<!tpu.dma_semaphore, #tpu.memory_space<semaphore_mem>>) {add = true}
        %dma_wait3A_380 = arith.constant 0 : i32
        %dma_wait3A_381 = tpu.memref_slice %arg17[%run_scoped3A_335, %dma_wait3A_380] : memref<1x128xi32, #tpu.memory_space<vmem>> -> memref<1x128xi32, #tpu.memory_space<vmem>>
        %dma_wait3A_382 = tpu.memref_squeeze %dma_wait3A_381 : memref<1x128xi32, #tpu.memory_space<vmem>> -> memref<128xi32, #tpu.memory_space<vmem>>
        %dma_wait3A_383 = arith.constant 0 : i32
        %dma_wait3A_384 = arith.constant 0 : i32
        %dma_wait3A_385 = tpu.memref_slice %arg9[%dma_wait3A_383, %dma_wait3A_384] : memref<10000x128xf32, #tpu.memory_space<vmem_shared>> -> memref<10000x128xf32, #tpu.memory_space<vmem_shared>>
        tpu.wait_indirect_dma semaphore(%run_scoped3A_373 : memref<!tpu.dma_semaphore, #tpu.memory_space<semaphore_mem>>) src(%arg19 : memref<128x128xf32, #tpu.memory_space<vmem>>) dst(%dma_wait3A_385 : memref<10000x128xf32, #tpu.memory_space<vmem_shared>>)
        tpu.yield
      }) : () -> ()
      %run_scoped3A_336 = arith.constant 0 : i32
      "tpu.region"() ({
        %run_scoped3A_373 = tpu.sem_alloc : memref<!tpu.dma_semaphore, #tpu.memory_space<semaphore_mem>>
        %dma_start3A_374 = arith.constant 0 : i32
        %dma_start3A_375 = tpu.memref_slice %arg17[%run_scoped3A_336, %dma_start3A_374] : memref<1x128xi32, #tpu.memory_space<vmem>> -> memref<1x128xi32, #tpu.memory_space<vmem>>
        %dma_start3A_376 = tpu.memref_squeeze %dma_start3A_375 : memref<1x128xi32, #tpu.memory_space<vmem>> -> memref<128xi32, #tpu.memory_space<vmem>>
        %dma_start3A_377 = arith.constant 0 : i32
        %dma_start3A_378 = tpu.memref_slice %arg26[%dma_start3A_377] : memref<10240xf32, #tpu.memory_space<vmem_shared>> -> memref<10240xf32, #tpu.memory_space<vmem_shared>>
        tpu.enqueue_indirect_dma source(%arg27 : memref<128xf32, #tpu.memory_space<vmem>>) target(%dma_start3A_378 : memref<10240xf32, #tpu.memory_space<vmem_shared>>) offsets(%dma_start3A_376 : memref<128xi32, #tpu.memory_space<vmem>>) semaphore(%run_scoped3A_373 : memref<!tpu.dma_semaphore, #tpu.memory_space<semaphore_mem>>) {add = true}
        %dma_wait3A_379 = arith.constant 0 : i32
        %dma_wait3A_380 = tpu.memref_slice %arg17[%run_scoped3A_336, %dma_wait3A_379] : memref<1x128xi32, #tpu.memory_space<vmem>> -> memref<1x128xi32, #tpu.memory_space<vmem>>
        %dma_wait3A_381 = tpu.memref_squeeze %dma_wait3A_380 : memref<1x128xi32, #tpu.memory_space<vmem>> -> memref<128xi32, #tpu.memory_space<vmem>>
        %dma_wait3A_382 = arith.constant 0 : i32
        %dma_wait3A_383 = tpu.memref_slice %arg26[%dma_wait3A_382] : memref<10240xf32, #tpu.memory_space<vmem_shared>> -> memref<10240xf32, #tpu.memory_space<vmem_shared>>
        tpu.wait_indirect_dma semaphore(%run_scoped3A_373 : memref<!tpu.dma_semaphore, #tpu.memory_space<semaphore_mem>>) src(%arg27 : memref<128xf32, #tpu.memory_space<vmem>>) dst(%dma_wait3A_383 : memref<10240xf32, #tpu.memory_space<vmem_shared>>)
        tpu.yield
      }) : () -> ()
      %add3A_337 = arith.constant 4 : i32
      %add3A_338 = arith.addi %add3A_331, %add3A_337 : i32
      %lt3A_339 = arith.constant 78 : i32
      %lt3A_340 = arith.cmpi slt, %add3A_338, %lt3A_339 : i32
      %eq3A_341 = arith.constant 78 : i32
      %eq3A_342 = arith.cmpi eq, %add3A_338, %eq3A_341 : i32
      %and3A_343 = arith.andi %eq3A_342, %lt3A_20 : i1
      %or3A_344 = arith.ori %lt3A_340, %and3A_343 : i1
      %convert_element_type3A_345 = arith.extui %or3A_344 : i1 to i32
      %cond3A_346 = arith.constant 0 : i32
      %cond3A_347 = arith.cmpi ne, %convert_element_type3A_345, %cond3A_346 : i32
      scf.if %cond3A_347 {
        %add3A_373 = arith.constant 4 : i32
        %add3A_374 = arith.addi %add3A_331, %add3A_373 : i32
        %mul3A_375 = arith.constant 2048 : i32
        %mul3A_376 = arith.muli %add3A_374, %mul3A_375 : i32
        %add3A_377 = arith.addi %add3A, %mul3A_376 : i32
        %dma_start3A_378 = arith.constant 0 : i32
        %dma_start3A_379 = tpu.memref_slice %arg3[%dma_start3A_378, %add3A_377] : memref<2x320000xi32, #tpu.memory_space<hbm>> -> memref<1x128xi32, #tpu.memory_space<hbm>>
        %dma_start3A_380 = tpu.memref_squeeze %dma_start3A_379 : memref<1x128xi32, #tpu.memory_space<hbm>> -> memref<128xi32, #tpu.memory_space<hbm>>
        %dma_start3A_381 = tpu.memref_slice %arg3[%dma_start3A_378, %add3A_377] : memref<2x320000xi32, #tpu.memory_space<hbm>> -> memref<1x128xi32, #tpu.memory_space<hbm>>
        %dma_start3A_382 = tpu.memref_squeeze %dma_start3A_381 : memref<1x128xi32, #tpu.memory_space<hbm>> -> memref<128xi32, #tpu.memory_space<hbm>>
        tpu.enqueue_dma source(%dma_start3A_382 : memref<128xi32, #tpu.memory_space<hbm>>) target(%arg13 : memref<128xi32, #tpu.memory_space<vmem>>) target_semaphore(%arg23 : memref<!tpu.dma_semaphore, #tpu.memory_space<semaphore_mem>>)
        %dma_start3A_383 = arith.constant 1 : i32
        %dma_start3A_384 = arith.constant 0 : i32
        %dma_start3A_385 = arith.constant 0 : i32
        %dma_start3A_386 = tpu.memref_slice %arg17[%dma_start3A_384, %dma_start3A_385] : memref<1x128xi32, #tpu.memory_space<vmem>> -> memref<1x128xi32, #tpu.memory_space<vmem>>
        %dma_start3A_387 = tpu.memref_squeeze %dma_start3A_386 : memref<1x128xi32, #tpu.memory_space<vmem>> -> memref<128xi32, #tpu.memory_space<vmem>>
        %dma_start3A_388 = tpu.memref_slice %arg3[%dma_start3A_383, %add3A_377] : memref<2x320000xi32, #tpu.memory_space<hbm>> -> memref<1x128xi32, #tpu.memory_space<hbm>>
        %dma_start3A_389 = tpu.memref_squeeze %dma_start3A_388 : memref<1x128xi32, #tpu.memory_space<hbm>> -> memref<128xi32, #tpu.memory_space<hbm>>
        %dma_start3A_390 = arith.constant 0 : i32
        %dma_start3A_391 = tpu.memref_slice %arg17[%dma_start3A_384, %dma_start3A_390] : memref<1x128xi32, #tpu.memory_space<vmem>> -> memref<1x128xi32, #tpu.memory_space<vmem>>
        %dma_start3A_392 = tpu.memref_squeeze %dma_start3A_391 : memref<1x128xi32, #tpu.memory_space<vmem>> -> memref<128xi32, #tpu.memory_space<vmem>>
        %dma_start3A_393 = tpu.memref_slice %arg3[%dma_start3A_383, %add3A_377] : memref<2x320000xi32, #tpu.memory_space<hbm>> -> memref<1x128xi32, #tpu.memory_space<hbm>>
        %dma_start3A_394 = tpu.memref_squeeze %dma_start3A_393 : memref<1x128xi32, #tpu.memory_space<hbm>> -> memref<128xi32, #tpu.memory_space<hbm>>
        tpu.enqueue_dma source(%dma_start3A_394 : memref<128xi32, #tpu.memory_space<hbm>>) target(%dma_start3A_392 : memref<128xi32, #tpu.memory_space<vmem>>) target_semaphore(%arg23 : memref<!tpu.dma_semaphore, #tpu.memory_space<semaphore_mem>>)
      } else {
      }
      %add3A_348 = arith.constant 2 : i32
      %add3A_349 = arith.addi %add3A_331, %add3A_348 : i32
      %mul3A_350 = arith.constant 2048 : i32
      %mul3A_351 = arith.muli %add3A_349, %mul3A_350 : i32
      %add3A_352 = arith.addi %add3A, %mul3A_351 : i32
      %dma_wait3A_353 = arith.constant 0 : i32
      %dma_wait3A_354 = tpu.memref_slice %arg3[%dma_wait3A_353, %add3A_352] : memref<2x320000xi32, #tpu.memory_space<hbm>> -> memref<1x128xi32, #tpu.memory_space<hbm>>
      %dma_wait3A_355 = tpu.memref_squeeze %dma_wait3A_354 : memref<1x128xi32, #tpu.memory_space<hbm>> -> memref<128xi32, #tpu.memory_space<hbm>>
      %dma_wait3A_356 = tpu.memref_slice %arg3[%dma_wait3A_353, %add3A_352] : memref<2x320000xi32, #tpu.memory_space<hbm>> -> memref<1x128xi32, #tpu.memory_space<hbm>>
      %dma_wait3A_357 = tpu.memref_squeeze %dma_wait3A_356 : memref<1x128xi32, #tpu.memory_space<hbm>> -> memref<128xi32, #tpu.memory_space<hbm>>
      tpu.wait_dma2 semaphore(%arg21 : memref<!tpu.dma_semaphore, #tpu.memory_space<semaphore_mem>>) src(%dma_wait3A_357 : memref<128xi32, #tpu.memory_space<hbm>>) dst(%arg11 : memref<128xi32, #tpu.memory_space<vmem>>)
      %dma_wait3A_358 = arith.constant 1 : i32
      %dma_wait3A_359 = arith.constant 0 : i32
      %dma_wait3A_360 = arith.constant 0 : i32
      %dma_wait3A_361 = tpu.memref_slice %arg15[%dma_wait3A_359, %dma_wait3A_360] : memref<1x128xi32, #tpu.memory_space<vmem>> -> memref<1x128xi32, #tpu.memory_space<vmem>>
      %dma_wait3A_362 = tpu.memref_squeeze %dma_wait3A_361 : memref<1x128xi32, #tpu.memory_space<vmem>> -> memref<128xi32, #tpu.memory_space<vmem>>
      %dma_wait3A_363 = tpu.memref_slice %arg3[%dma_wait3A_358, %add3A_352] : memref<2x320000xi32, #tpu.memory_space<hbm>> -> memref<1x128xi32, #tpu.memory_space<hbm>>
      %dma_wait3A_364 = tpu.memref_squeeze %dma_wait3A_363 : memref<1x128xi32, #tpu.memory_space<hbm>> -> memref<128xi32, #tpu.memory_space<hbm>>
      %dma_wait3A_365 = arith.constant 0 : i32
      %dma_wait3A_366 = tpu.memref_slice %arg15[%dma_wait3A_359, %dma_wait3A_365] : memref<1x128xi32, #tpu.memory_space<vmem>> -> memref<1x128xi32, #tpu.memory_space<vmem>>
      %dma_wait3A_367 = tpu.memref_squeeze %dma_wait3A_366 : memref<1x128xi32, #tpu.memory_space<vmem>> -> memref<128xi32, #tpu.memory_space<vmem>>
      %dma_wait3A_368 = tpu.memref_slice %arg3[%dma_wait3A_358, %add3A_352] : memref<2x320000xi32, #tpu.memory_space<hbm>> -> memref<1x128xi32, #tpu.memory_space<hbm>>
      %dma_wait3A_369 = tpu.memref_squeeze %dma_wait3A_368 : memref<1x128xi32, #tpu.memory_space<hbm>> -> memref<128xi32, #tpu.memory_space<hbm>>
      tpu.wait_dma2 semaphore(%arg21 : memref<!tpu.dma_semaphore, #tpu.memory_space<semaphore_mem>>) src(%dma_wait3A_369 : memref<128xi32, #tpu.memory_space<hbm>>) dst(%dma_wait3A_367 : memref<128xi32, #tpu.memory_space<vmem>>)
      %dma_start3A_370 = arith.constant 0 : i32
      %dma_start3A_371 = arith.constant 0 : i32
      %dma_start3A_372 = tpu.memref_slice %arg2[%dma_start3A_370, %dma_start3A_371] : memref<10000x128xf32, #tpu.memory_space<hbm>> -> memref<10000x128xf32, #tpu.memory_space<hbm>>
      tpu.enqueue_indirect_dma source(%dma_start3A_372 : memref<10000x128xf32, #tpu.memory_space<hbm>>) target(%arg19 : memref<128x128xf32, #tpu.memory_space<vmem>>) offsets(%arg11 : memref<128xi32, #tpu.memory_space<vmem>>) semaphore(%arg25 : memref<!tpu.dma_semaphore, #tpu.memory_space<semaphore_mem>>)
    }
    %scan3A_143 = arith.constant 19 : i32
    %dma_wait3A_144 = arith.constant 0 : i32
    %dma_wait3A_145 = arith.constant 0 : i32
    %dma_wait3A_146 = tpu.memref_slice %arg2[%dma_wait3A_144, %dma_wait3A_145] : memref<10000x128xf32, #tpu.memory_space<hbm>> -> memref<10000x128xf32, #tpu.memory_space<hbm>>
    tpu.wait_indirect_dma semaphore(%arg24 : memref<!tpu.dma_semaphore, #tpu.memory_space<semaphore_mem>>) src(%dma_wait3A_146 : memref<10000x128xf32, #tpu.memory_space<hbm>>) dst(%arg18 : memref<128x128xf32, #tpu.memory_space<vmem>>)
    %run_scoped3A = arith.constant 0 : i32
    "tpu.region"() ({
      %run_scoped3A_198 = tpu.sem_alloc : memref<!tpu.dma_semaphore, #tpu.memory_space<semaphore_mem>>
      %dma_start3A_199 = arith.constant 0 : i32
      %dma_start3A_200 = tpu.memref_slice %arg14[%run_scoped3A, %dma_start3A_199] : memref<1x128xi32, #tpu.memory_space<vmem>> -> memref<1x128xi32, #tpu.memory_space<vmem>>
      %dma_start3A_201 = tpu.memref_squeeze %dma_start3A_200 : memref<1x128xi32, #tpu.memory_space<vmem>> -> memref<128xi32, #tpu.memory_space<vmem>>
      %dma_start3A_202 = arith.constant 0 : i32
      %dma_start3A_203 = arith.constant 0 : i32
      %dma_start3A_204 = tpu.memref_slice %arg9[%dma_start3A_202, %dma_start3A_203] : memref<10000x128xf32, #tpu.memory_space<vmem_shared>> -> memref<10000x128xf32, #tpu.memory_space<vmem_shared>>
      tpu.enqueue_indirect_dma source(%arg18 : memref<128x128xf32, #tpu.memory_space<vmem>>) target(%dma_start3A_204 : memref<10000x128xf32, #tpu.memory_space<vmem_shared>>) offsets(%dma_start3A_201 : memref<128xi32, #tpu.memory_space<vmem>>) semaphore(%run_scoped3A_198 : memref<!tpu.dma_semaphore, #tpu.memory_space<semaphore_mem>>) {add = true}
      %dma_wait3A_205 = arith.constant 0 : i32
      %dma_wait3A_206 = tpu.memref_slice %arg14[%run_scoped3A, %dma_wait3A_205] : memref<1x128xi32, #tpu.memory_space<vmem>> -> memref<1x128xi32, #tpu.memory_space<vmem>>
      %dma_wait3A_207 = tpu.memref_squeeze %dma_wait3A_206 : memref<1x128xi32, #tpu.memory_space<vmem>> -> memref<128xi32, #tpu.memory_space<vmem>>
      %dma_wait3A_208 = arith.constant 0 : i32
      %dma_wait3A_209 = arith.constant 0 : i32
      %dma_wait3A_210 = tpu.memref_slice %arg9[%dma_wait3A_208, %dma_wait3A_209] : memref<10000x128xf32, #tpu.memory_space<vmem_shared>> -> memref<10000x128xf32, #tpu.memory_space<vmem_shared>>
      tpu.wait_indirect_dma semaphore(%run_scoped3A_198 : memref<!tpu.dma_semaphore, #tpu.memory_space<semaphore_mem>>) src(%arg18 : memref<128x128xf32, #tpu.memory_space<vmem>>) dst(%dma_wait3A_210 : memref<10000x128xf32, #tpu.memory_space<vmem_shared>>)
      tpu.yield
    }) : () -> ()
    %run_scoped3A_147 = arith.constant 0 : i32
    "tpu.region"() ({
      %run_scoped3A_198 = tpu.sem_alloc : memref<!tpu.dma_semaphore, #tpu.memory_space<semaphore_mem>>
      %dma_start3A_199 = arith.constant 0 : i32
      %dma_start3A_200 = tpu.memref_slice %arg14[%run_scoped3A_147, %dma_start3A_199] : memref<1x128xi32, #tpu.memory_space<vmem>> -> memref<1x128xi32, #tpu.memory_space<vmem>>
      %dma_start3A_201 = tpu.memref_squeeze %dma_start3A_200 : memref<1x128xi32, #tpu.memory_space<vmem>> -> memref<128xi32, #tpu.memory_space<vmem>>
      %dma_start3A_202 = arith.constant 0 : i32
      %dma_start3A_203 = tpu.memref_slice %arg26[%dma_start3A_202] : memref<10240xf32, #tpu.memory_space<vmem_shared>> -> memref<10240xf32, #tpu.memory_space<vmem_shared>>
      tpu.enqueue_indirect_dma source(%arg27 : memref<128xf32, #tpu.memory_space<vmem>>) target(%dma_start3A_203 : memref<10240xf32, #tpu.memory_space<vmem_shared>>) offsets(%dma_start3A_201 : memref<128xi32, #tpu.memory_space<vmem>>) semaphore(%run_scoped3A_198 : memref<!tpu.dma_semaphore, #tpu.memory_space<semaphore_mem>>) {add = true}
      %dma_wait3A_204 = arith.constant 0 : i32
      %dma_wait3A_205 = tpu.memref_slice %arg14[%run_scoped3A_147, %dma_wait3A_204] : memref<1x128xi32, #tpu.memory_space<vmem>> -> memref<1x128xi32, #tpu.memory_space<vmem>>
      %dma_wait3A_206 = tpu.memref_squeeze %dma_wait3A_205 : memref<1x128xi32, #tpu.memory_space<vmem>> -> memref<128xi32, #tpu.memory_space<vmem>>
      %dma_wait3A_207 = arith.constant 0 : i32
      %dma_wait3A_208 = tpu.memref_slice %arg26[%dma_wait3A_207] : memref<10240xf32, #tpu.memory_space<vmem_shared>> -> memref<10240xf32, #tpu.memory_space<vmem_shared>>
      tpu.wait_indirect_dma semaphore(%run_scoped3A_198 : memref<!tpu.dma_semaphore, #tpu.memory_space<semaphore_mem>>) src(%arg27 : memref<128xf32, #tpu.memory_space<vmem>>) dst(%dma_wait3A_208 : memref<10240xf32, #tpu.memory_space<vmem_shared>>)
      tpu.yield
    }) : () -> ()
    %and3A = arith.constant true
    %and3A_148 = arith.andi %and3A, %lt3A_20 : i1
    %or3A = arith.constant false
    %or3A_149 = arith.ori %or3A, %and3A_148 : i1
    %convert_element_type3A_150 = arith.extui %or3A_149 : i1 to i32
    %cond3A_151 = arith.constant 0 : i32
    %cond3A_152 = arith.cmpi ne, %convert_element_type3A_150, %cond3A_151 : i32
    scf.if %cond3A_152 {
      %add3A_198 = arith.constant 159744 : i32
      %add3A_199 = arith.addi %add3A, %add3A_198 : i32
      %dma_wait3A_200 = arith.constant 0 : i32
      %dma_wait3A_201 = tpu.memref_slice %arg3[%dma_wait3A_200, %add3A_199] : memref<2x320000xi32, #tpu.memory_space<hbm>> -> memref<1x128xi32, #tpu.memory_space<hbm>>
      %dma_wait3A_202 = tpu.memref_squeeze %dma_wait3A_201 : memref<1x128xi32, #tpu.memory_space<hbm>> -> memref<128xi32, #tpu.memory_space<hbm>>
      %dma_wait3A_203 = tpu.memref_slice %arg3[%dma_wait3A_200, %add3A_199] : memref<2x320000xi32, #tpu.memory_space<hbm>> -> memref<1x128xi32, #tpu.memory_space<hbm>>
      %dma_wait3A_204 = tpu.memref_squeeze %dma_wait3A_203 : memref<1x128xi32, #tpu.memory_space<hbm>> -> memref<128xi32, #tpu.memory_space<hbm>>
      tpu.wait_dma2 semaphore(%arg22 : memref<!tpu.dma_semaphore, #tpu.memory_space<semaphore_mem>>) src(%dma_wait3A_204 : memref<128xi32, #tpu.memory_space<hbm>>) dst(%arg12 : memref<128xi32, #tpu.memory_space<vmem>>)
      %dma_wait3A_205 = arith.constant 1 : i32
      %dma_wait3A_206 = arith.constant 0 : i32
      %dma_wait3A_207 = arith.constant 0 : i32
      %dma_wait3A_208 = tpu.memref_slice %arg16[%dma_wait3A_206, %dma_wait3A_207] : memref<1x128xi32, #tpu.memory_space<vmem>> -> memref<1x128xi32, #tpu.memory_space<vmem>>
      %dma_wait3A_209 = tpu.memref_squeeze %dma_wait3A_208 : memref<1x128xi32, #tpu.memory_space<vmem>> -> memref<128xi32, #tpu.memory_space<vmem>>
      %dma_wait3A_210 = tpu.memref_slice %arg3[%dma_wait3A_205, %add3A_199] : memref<2x320000xi32, #tpu.memory_space<hbm>> -> memref<1x128xi32, #tpu.memory_space<hbm>>
      %dma_wait3A_211 = tpu.memref_squeeze %dma_wait3A_210 : memref<1x128xi32, #tpu.memory_space<hbm>> -> memref<128xi32, #tpu.memory_space<hbm>>
      %dma_wait3A_212 = arith.constant 0 : i32
      %dma_wait3A_213 = tpu.memref_slice %arg16[%dma_wait3A_206, %dma_wait3A_212] : memref<1x128xi32, #tpu.memory_space<vmem>> -> memref<1x128xi32, #tpu.memory_space<vmem>>
      %dma_wait3A_214 = tpu.memref_squeeze %dma_wait3A_213 : memref<1x128xi32, #tpu.memory_space<vmem>> -> memref<128xi32, #tpu.memory_space<vmem>>
      %dma_wait3A_215 = tpu.memref_slice %arg3[%dma_wait3A_205, %add3A_199] : memref<2x320000xi32, #tpu.memory_space<hbm>> -> memref<1x128xi32, #tpu.memory_space<hbm>>
      %dma_wait3A_216 = tpu.memref_squeeze %dma_wait3A_215 : memref<1x128xi32, #tpu.memory_space<hbm>> -> memref<128xi32, #tpu.memory_space<hbm>>
      tpu.wait_dma2 semaphore(%arg22 : memref<!tpu.dma_semaphore, #tpu.memory_space<semaphore_mem>>) src(%dma_wait3A_216 : memref<128xi32, #tpu.memory_space<hbm>>) dst(%dma_wait3A_214 : memref<128xi32, #tpu.memory_space<vmem>>)
      %dma_start3A_217 = arith.constant 0 : i32
      %dma_start3A_218 = arith.constant 0 : i32
      %dma_start3A_219 = tpu.memref_slice %arg2[%dma_start3A_217, %dma_start3A_218] : memref<10000x128xf32, #tpu.memory_space<hbm>> -> memref<10000x128xf32, #tpu.memory_space<hbm>>
      tpu.enqueue_indirect_dma source(%dma_start3A_219 : memref<10000x128xf32, #tpu.memory_space<hbm>>) target(%arg18 : memref<128x128xf32, #tpu.memory_space<vmem>>) offsets(%arg12 : memref<128xi32, #tpu.memory_space<vmem>>) semaphore(%arg24 : memref<!tpu.dma_semaphore, #tpu.memory_space<semaphore_mem>>)
    } else {
    }
    %dma_wait3A_153 = arith.constant 0 : i32
    %dma_wait3A_154 = arith.constant 0 : i32
    %dma_wait3A_155 = tpu.memref_slice %arg2[%dma_wait3A_153, %dma_wait3A_154] : memref<10000x128xf32, #tpu.memory_space<hbm>> -> memref<10000x128xf32, #tpu.memory_space<hbm>>
    tpu.wait_indirect_dma semaphore(%arg25 : memref<!tpu.dma_semaphore, #tpu.memory_space<semaphore_mem>>) src(%dma_wait3A_155 : memref<10000x128xf32, #tpu.memory_space<hbm>>) dst(%arg19 : memref<128x128xf32, #tpu.memory_space<vmem>>)
    %run_scoped3A_156 = arith.constant 0 : i32
    "tpu.region"() ({
      %run_scoped3A_198 = tpu.sem_alloc : memref<!tpu.dma_semaphore, #tpu.memory_space<semaphore_mem>>
      %dma_start3A_199 = arith.constant 0 : i32
      %dma_start3A_200 = tpu.memref_slice %arg15[%run_scoped3A_156, %dma_start3A_199] : memref<1x128xi32, #tpu.memory_space<vmem>> -> memref<1x128xi32, #tpu.memory_space<vmem>>
      %dma_start3A_201 = tpu.memref_squeeze %dma_start3A_200 : memref<1x128xi32, #tpu.memory_space<vmem>> -> memref<128xi32, #tpu.memory_space<vmem>>
      %dma_start3A_202 = arith.constant 0 : i32
      %dma_start3A_203 = arith.constant 0 : i32
      %dma_start3A_204 = tpu.memref_slice %arg9[%dma_start3A_202, %dma_start3A_203] : memref<10000x128xf32, #tpu.memory_space<vmem_shared>> -> memref<10000x128xf32, #tpu.memory_space<vmem_shared>>
      tpu.enqueue_indirect_dma source(%arg19 : memref<128x128xf32, #tpu.memory_space<vmem>>) target(%dma_start3A_204 : memref<10000x128xf32, #tpu.memory_space<vmem_shared>>) offsets(%dma_start3A_201 : memref<128xi32, #tpu.memory_space<vmem>>) semaphore(%run_scoped3A_198 : memref<!tpu.dma_semaphore, #tpu.memory_space<semaphore_mem>>) {add = true}
      %dma_wait3A_205 = arith.constant 0 : i32
      %dma_wait3A_206 = tpu.memref_slice %arg15[%run_scoped3A_156, %dma_wait3A_205] : memref<1x128xi32, #tpu.memory_space<vmem>> -> memref<1x128xi32, #tpu.memory_space<vmem>>
      %dma_wait3A_207 = tpu.memref_squeeze %dma_wait3A_206 : memref<1x128xi32, #tpu.memory_space<vmem>> -> memref<128xi32, #tpu.memory_space<vmem>>
      %dma_wait3A_208 = arith.constant 0 : i32
      %dma_wait3A_209 = arith.constant 0 : i32
      %dma_wait3A_210 = tpu.memref_slice %arg9[%dma_wait3A_208, %dma_wait3A_209] : memref<10000x128xf32, #tpu.memory_space<vmem_shared>> -> memref<10000x128xf32, #tpu.memory_space<vmem_shared>>
      tpu.wait_indirect_dma semaphore(%run_scoped3A_198 : memref<!tpu.dma_semaphore, #tpu.memory_space<semaphore_mem>>) src(%arg19 : memref<128x128xf32, #tpu.memory_space<vmem>>) dst(%dma_wait3A_210 : memref<10000x128xf32, #tpu.memory_space<vmem_shared>>)
      tpu.yield
    }) : () -> ()
    %run_scoped3A_157 = arith.constant 0 : i32
    "tpu.region"() ({
      %run_scoped3A_198 = tpu.sem_alloc : memref<!tpu.dma_semaphore, #tpu.memory_space<semaphore_mem>>
      %dma_start3A_199 = arith.constant 0 : i32
      %dma_start3A_200 = tpu.memref_slice %arg15[%run_scoped3A_157, %dma_start3A_199] : memref<1x128xi32, #tpu.memory_space<vmem>> -> memref<1x128xi32, #tpu.memory_space<vmem>>
      %dma_start3A_201 = tpu.memref_squeeze %dma_start3A_200 : memref<1x128xi32, #tpu.memory_space<vmem>> -> memref<128xi32, #tpu.memory_space<vmem>>
      %dma_start3A_202 = arith.constant 0 : i32
      %dma_start3A_203 = tpu.memref_slice %arg26[%dma_start3A_202] : memref<10240xf32, #tpu.memory_space<vmem_shared>> -> memref<10240xf32, #tpu.memory_space<vmem_shared>>
      tpu.enqueue_indirect_dma source(%arg27 : memref<128xf32, #tpu.memory_space<vmem>>) target(%dma_start3A_203 : memref<10240xf32, #tpu.memory_space<vmem_shared>>) offsets(%dma_start3A_201 : memref<128xi32, #tpu.memory_space<vmem>>) semaphore(%run_scoped3A_198 : memref<!tpu.dma_semaphore, #tpu.memory_space<semaphore_mem>>) {add = true}
      %dma_wait3A_204 = arith.constant 0 : i32
      %dma_wait3A_205 = tpu.memref_slice %arg15[%run_scoped3A_157, %dma_wait3A_204] : memref<1x128xi32, #tpu.memory_space<vmem>> -> memref<1x128xi32, #tpu.memory_space<vmem>>
      %dma_wait3A_206 = tpu.memref_squeeze %dma_wait3A_205 : memref<1x128xi32, #tpu.memory_space<vmem>> -> memref<128xi32, #tpu.memory_space<vmem>>
      %dma_wait3A_207 = arith.constant 0 : i32
      %dma_wait3A_208 = tpu.memref_slice %arg26[%dma_wait3A_207] : memref<10240xf32, #tpu.memory_space<vmem_shared>> -> memref<10240xf32, #tpu.memory_space<vmem_shared>>
      tpu.wait_indirect_dma semaphore(%run_scoped3A_198 : memref<!tpu.dma_semaphore, #tpu.memory_space<semaphore_mem>>) src(%arg27 : memref<128xf32, #tpu.memory_space<vmem>>) dst(%dma_wait3A_208 : memref<10240xf32, #tpu.memory_space<vmem_shared>>)
      tpu.yield
    }) : () -> ()
    %and3A_158 = arith.constant false
    %and3A_159 = arith.andi %and3A_158, %lt3A_20 : i1
    %or3A_160 = arith.constant false
    %or3A_161 = arith.ori %or3A_160, %and3A_159 : i1
    %convert_element_type3A_162 = arith.extui %or3A_161 : i1 to i32
    %cond3A_163 = arith.constant 0 : i32
    %cond3A_164 = arith.cmpi ne, %convert_element_type3A_162, %cond3A_163 : i32
    scf.if %cond3A_164 {
      %add3A_198 = arith.constant 161792 : i32
      %add3A_199 = arith.addi %add3A, %add3A_198 : i32
      %dma_wait3A_200 = arith.constant 0 : i32
      %dma_wait3A_201 = tpu.memref_slice %arg3[%dma_wait3A_200, %add3A_199] : memref<2x320000xi32, #tpu.memory_space<hbm>> -> memref<1x128xi32, #tpu.memory_space<hbm>>
      %dma_wait3A_202 = tpu.memref_squeeze %dma_wait3A_201 : memref<1x128xi32, #tpu.memory_space<hbm>> -> memref<128xi32, #tpu.memory_space<hbm>>
      %dma_wait3A_203 = tpu.memref_slice %arg3[%dma_wait3A_200, %add3A_199] : memref<2x320000xi32, #tpu.memory_space<hbm>> -> memref<1x128xi32, #tpu.memory_space<hbm>>
      %dma_wait3A_204 = tpu.memref_squeeze %dma_wait3A_203 : memref<1x128xi32, #tpu.memory_space<hbm>> -> memref<128xi32, #tpu.memory_space<hbm>>
      tpu.wait_dma2 semaphore(%arg23 : memref<!tpu.dma_semaphore, #tpu.memory_space<semaphore_mem>>) src(%dma_wait3A_204 : memref<128xi32, #tpu.memory_space<hbm>>) dst(%arg13 : memref<128xi32, #tpu.memory_space<vmem>>)
      %dma_wait3A_205 = arith.constant 1 : i32
      %dma_wait3A_206 = arith.constant 0 : i32
      %dma_wait3A_207 = arith.constant 0 : i32
      %dma_wait3A_208 = tpu.memref_slice %arg17[%dma_wait3A_206, %dma_wait3A_207] : memref<1x128xi32, #tpu.memory_space<vmem>> -> memref<1x128xi32, #tpu.memory_space<vmem>>
      %dma_wait3A_209 = tpu.memref_squeeze %dma_wait3A_208 : memref<1x128xi32, #tpu.memory_space<vmem>> -> memref<128xi32, #tpu.memory_space<vmem>>
      %dma_wait3A_210 = tpu.memref_slice %arg3[%dma_wait3A_205, %add3A_199] : memref<2x320000xi32, #tpu.memory_space<hbm>> -> memref<1x128xi32, #tpu.memory_space<hbm>>
      %dma_wait3A_211 = tpu.memref_squeeze %dma_wait3A_210 : memref<1x128xi32, #tpu.memory_space<hbm>> -> memref<128xi32, #tpu.memory_space<hbm>>
      %dma_wait3A_212 = arith.constant 0 : i32
      %dma_wait3A_213 = tpu.memref_slice %arg17[%dma_wait3A_206, %dma_wait3A_212] : memref<1x128xi32, #tpu.memory_space<vmem>> -> memref<1x128xi32, #tpu.memory_space<vmem>>
      %dma_wait3A_214 = tpu.memref_squeeze %dma_wait3A_213 : memref<1x128xi32, #tpu.memory_space<vmem>> -> memref<128xi32, #tpu.memory_space<vmem>>
      %dma_wait3A_215 = tpu.memref_slice %arg3[%dma_wait3A_205, %add3A_199] : memref<2x320000xi32, #tpu.memory_space<hbm>> -> memref<1x128xi32, #tpu.memory_space<hbm>>
      %dma_wait3A_216 = tpu.memref_squeeze %dma_wait3A_215 : memref<1x128xi32, #tpu.memory_space<hbm>> -> memref<128xi32, #tpu.memory_space<hbm>>
      tpu.wait_dma2 semaphore(%arg23 : memref<!tpu.dma_semaphore, #tpu.memory_space<semaphore_mem>>) src(%dma_wait3A_216 : memref<128xi32, #tpu.memory_space<hbm>>) dst(%dma_wait3A_214 : memref<128xi32, #tpu.memory_space<vmem>>)
      %dma_start3A_217 = arith.constant 0 : i32
      %dma_start3A_218 = arith.constant 0 : i32
      %dma_start3A_219 = tpu.memref_slice %arg2[%dma_start3A_217, %dma_start3A_218] : memref<10000x128xf32, #tpu.memory_space<hbm>> -> memref<10000x128xf32, #tpu.memory_space<hbm>>
      tpu.enqueue_indirect_dma source(%dma_start3A_219 : memref<10000x128xf32, #tpu.memory_space<hbm>>) target(%arg19 : memref<128x128xf32, #tpu.memory_space<vmem>>) offsets(%arg13 : memref<128xi32, #tpu.memory_space<vmem>>) semaphore(%arg25 : memref<!tpu.dma_semaphore, #tpu.memory_space<semaphore_mem>>)
    } else {
    }
    %convert_element_type3A_165 = arith.extui %lt3A_20 : i1 to i32
    %cond3A_166 = arith.constant 0 : i32
    %cond3A_167 = arith.cmpi ne, %convert_element_type3A_165, %cond3A_166 : i32
    scf.if %cond3A_167 {
      %dma_wait3A_198 = arith.constant 0 : i32
      %dma_wait3A_199 = arith.constant 0 : i32
      %dma_wait3A_200 = tpu.memref_slice %arg2[%dma_wait3A_198, %dma_wait3A_199] : memref<10000x128xf32, #tpu.memory_space<hbm>> -> memref<10000x128xf32, #tpu.memory_space<hbm>>
      tpu.wait_indirect_dma semaphore(%arg24 : memref<!tpu.dma_semaphore, #tpu.memory_space<semaphore_mem>>) src(%dma_wait3A_200 : memref<10000x128xf32, #tpu.memory_space<hbm>>) dst(%arg18 : memref<128x128xf32, #tpu.memory_space<vmem>>)
      %run_scoped3A_201 = arith.constant 0 : i32
      "tpu.region"() ({
        %run_scoped3A_203 = tpu.sem_alloc : memref<!tpu.dma_semaphore, #tpu.memory_space<semaphore_mem>>
        %dma_start3A_204 = arith.constant 0 : i32
        %dma_start3A_205 = tpu.memref_slice %arg16[%run_scoped3A_201, %dma_start3A_204] : memref<1x128xi32, #tpu.memory_space<vmem>> -> memref<1x128xi32, #tpu.memory_space<vmem>>
        %dma_start3A_206 = tpu.memref_squeeze %dma_start3A_205 : memref<1x128xi32, #tpu.memory_space<vmem>> -> memref<128xi32, #tpu.memory_space<vmem>>
        %dma_start3A_207 = arith.constant 0 : i32
        %dma_start3A_208 = arith.constant 0 : i32
        %dma_start3A_209 = tpu.memref_slice %arg9[%dma_start3A_207, %dma_start3A_208] : memref<10000x128xf32, #tpu.memory_space<vmem_shared>> -> memref<10000x128xf32, #tpu.memory_space<vmem_shared>>
        tpu.enqueue_indirect_dma source(%arg18 : memref<128x128xf32, #tpu.memory_space<vmem>>) target(%dma_start3A_209 : memref<10000x128xf32, #tpu.memory_space<vmem_shared>>) offsets(%dma_start3A_206 : memref<128xi32, #tpu.memory_space<vmem>>) semaphore(%run_scoped3A_203 : memref<!tpu.dma_semaphore, #tpu.memory_space<semaphore_mem>>) {add = true}
        %dma_wait3A_210 = arith.constant 0 : i32
        %dma_wait3A_211 = tpu.memref_slice %arg16[%run_scoped3A_201, %dma_wait3A_210] : memref<1x128xi32, #tpu.memory_space<vmem>> -> memref<1x128xi32, #tpu.memory_space<vmem>>
        %dma_wait3A_212 = tpu.memref_squeeze %dma_wait3A_211 : memref<1x128xi32, #tpu.memory_space<vmem>> -> memref<128xi32, #tpu.memory_space<vmem>>
        %dma_wait3A_213 = arith.constant 0 : i32
        %dma_wait3A_214 = arith.constant 0 : i32
        %dma_wait3A_215 = tpu.memref_slice %arg9[%dma_wait3A_213, %dma_wait3A_214] : memref<10000x128xf32, #tpu.memory_space<vmem_shared>> -> memref<10000x128xf32, #tpu.memory_space<vmem_shared>>
        tpu.wait_indirect_dma semaphore(%run_scoped3A_203 : memref<!tpu.dma_semaphore, #tpu.memory_space<semaphore_mem>>) src(%arg18 : memref<128x128xf32, #tpu.memory_space<vmem>>) dst(%dma_wait3A_215 : memref<10000x128xf32, #tpu.memory_space<vmem_shared>>)
        tpu.yield
      }) : () -> ()
      %run_scoped3A_202 = arith.constant 0 : i32
      "tpu.region"() ({
        %run_scoped3A_203 = tpu.sem_alloc : memref<!tpu.dma_semaphore, #tpu.memory_space<semaphore_mem>>
        %dma_start3A_204 = arith.constant 0 : i32
        %dma_start3A_205 = tpu.memref_slice %arg16[%run_scoped3A_202, %dma_start3A_204] : memref<1x128xi32, #tpu.memory_space<vmem>> -> memref<1x128xi32, #tpu.memory_space<vmem>>
        %dma_start3A_206 = tpu.memref_squeeze %dma_start3A_205 : memref<1x128xi32, #tpu.memory_space<vmem>> -> memref<128xi32, #tpu.memory_space<vmem>>
        %dma_start3A_207 = arith.constant 0 : i32
        %dma_start3A_208 = tpu.memref_slice %arg26[%dma_start3A_207] : memref<10240xf32, #tpu.memory_space<vmem_shared>> -> memref<10240xf32, #tpu.memory_space<vmem_shared>>
        tpu.enqueue_indirect_dma source(%arg27 : memref<128xf32, #tpu.memory_space<vmem>>) target(%dma_start3A_208 : memref<10240xf32, #tpu.memory_space<vmem_shared>>) offsets(%dma_start3A_206 : memref<128xi32, #tpu.memory_space<vmem>>) semaphore(%run_scoped3A_203 : memref<!tpu.dma_semaphore, #tpu.memory_space<semaphore_mem>>) {add = true}
        %dma_wait3A_209 = arith.constant 0 : i32
        %dma_wait3A_210 = tpu.memref_slice %arg16[%run_scoped3A_202, %dma_wait3A_209] : memref<1x128xi32, #tpu.memory_space<vmem>> -> memref<1x128xi32, #tpu.memory_space<vmem>>
        %dma_wait3A_211 = tpu.memref_squeeze %dma_wait3A_210 : memref<1x128xi32, #tpu.memory_space<vmem>> -> memref<128xi32, #tpu.memory_space<vmem>>
        %dma_wait3A_212 = arith.constant 0 : i32
        %dma_wait3A_213 = tpu.memref_slice %arg26[%dma_wait3A_212] : memref<10240xf32, #tpu.memory_space<vmem_shared>> -> memref<10240xf32, #tpu.memory_space<vmem_shared>>
        tpu.wait_indirect_dma semaphore(%run_scoped3A_203 : memref<!tpu.dma_semaphore, #tpu.memory_space<semaphore_mem>>) src(%arg27 : memref<128xf32, #tpu.memory_space<vmem>>) dst(%dma_wait3A_213 : memref<10240xf32, #tpu.memory_space<vmem_shared>>)
        tpu.yield
      }) : () -> ()
    } else {
    }
    %barrier3A_168 = arith.constant 0 : index
    tpu.barrier barrier_id(%barrier3A_168)
    %add3A_169 = arith.constant 0 : i32
    %add3A_170 = arith.addi %mul3A_0, %add3A_169 : i32
    "tpu.region"() ({
      %run_scoped3A_198 = tpu.sem_alloc : memref<!tpu.dma_semaphore, #tpu.memory_space<semaphore_mem>>
      %dma_start3A_199 = arith.constant 0 : i32
      %dma_start3A_200 = tpu.memref_slice %arg9[%add3A_170, %dma_start3A_199] : memref<10000x128xf32, #tpu.memory_space<vmem_shared>> -> memref<128x128xf32, #tpu.memory_space<vmem_shared>>
      %dma_start3A_201 = arith.constant 0 : i32
      %dma_start3A_202 = tpu.memref_slice %arg9[%add3A_170, %dma_start3A_201] : memref<10000x128xf32, #tpu.memory_space<vmem_shared>> -> memref<128x128xf32, #tpu.memory_space<vmem_shared>>
      tpu.enqueue_dma source(%dma_start3A_202 : memref<128x128xf32, #tpu.memory_space<vmem_shared>>) target(%arg18 : memref<128x128xf32, #tpu.memory_space<vmem>>) target_semaphore(%run_scoped3A_198 : memref<!tpu.dma_semaphore, #tpu.memory_space<semaphore_mem>>)
      %dma_wait3A_203 = arith.constant 0 : i32
      %dma_wait3A_204 = tpu.memref_slice %arg9[%add3A_170, %dma_wait3A_203] : memref<10000x128xf32, #tpu.memory_space<vmem_shared>> -> memref<128x128xf32, #tpu.memory_space<vmem_shared>>
      %dma_wait3A_205 = arith.constant 0 : i32
      %dma_wait3A_206 = tpu.memref_slice %arg9[%add3A_170, %dma_wait3A_205] : memref<10000x128xf32, #tpu.memory_space<vmem_shared>> -> memref<128x128xf32, #tpu.memory_space<vmem_shared>>
      tpu.wait_dma2 semaphore(%run_scoped3A_198 : memref<!tpu.dma_semaphore, #tpu.memory_space<semaphore_mem>>) src(%dma_wait3A_206 : memref<128x128xf32, #tpu.memory_space<vmem_shared>>) dst(%arg18 : memref<128x128xf32, #tpu.memory_space<vmem>>)
      tpu.yield
    }) : () -> ()
    %add3A_171 = arith.constant 0 : i32
    %add3A_172 = arith.addi %mul3A_0, %add3A_171 : i32
    "tpu.region"() ({
      %run_scoped3A_198 = tpu.sem_alloc : memref<!tpu.dma_semaphore, #tpu.memory_space<semaphore_mem>>
      %dma_start3A_199 = arith.constant 0 : i32
      %dma_start3A_200 = tpu.memref_slice %arg7[%arg0, %add3A_172, %dma_start3A_199] : memref<2x10000x128xf32, #tpu.memory_space<hbm>> -> memref<1x128x128xf32, #tpu.memory_space<hbm>>
      %dma_start3A_201 = tpu.memref_squeeze %dma_start3A_200 : memref<1x128x128xf32, #tpu.memory_space<hbm>> -> memref<128x128xf32, #tpu.memory_space<hbm>>
      %dma_start3A_202 = arith.constant 0 : i32
      %dma_start3A_203 = tpu.memref_slice %arg7[%arg0, %add3A_172, %dma_start3A_202] : memref<2x10000x128xf32, #tpu.memory_space<hbm>> -> memref<1x128x128xf32, #tpu.memory_space<hbm>>
      %dma_start3A_204 = tpu.memref_squeeze %dma_start3A_203 : memref<1x128x128xf32, #tpu.memory_space<hbm>> -> memref<128x128xf32, #tpu.memory_space<hbm>>
      tpu.enqueue_dma source(%arg18 : memref<128x128xf32, #tpu.memory_space<vmem>>) target(%dma_start3A_204 : memref<128x128xf32, #tpu.memory_space<hbm>>) target_semaphore(%run_scoped3A_198 : memref<!tpu.dma_semaphore, #tpu.memory_space<semaphore_mem>>)
      %dma_wait3A_205 = arith.constant 0 : i32
      %dma_wait3A_206 = tpu.memref_slice %arg7[%arg0, %add3A_172, %dma_wait3A_205] : memref<2x10000x128xf32, #tpu.memory_space<hbm>> -> memref<1x128x128xf32, #tpu.memory_space<hbm>>
      %dma_wait3A_207 = tpu.memref_squeeze %dma_wait3A_206 : memref<1x128x128xf32, #tpu.memory_space<hbm>> -> memref<128x128xf32, #tpu.memory_space<hbm>>
      %dma_wait3A_208 = arith.constant 0 : i32
      %dma_wait3A_209 = tpu.memref_slice %arg7[%arg0, %add3A_172, %dma_wait3A_208] : memref<2x10000x128xf32, #tpu.memory_space<hbm>> -> memref<1x128x128xf32, #tpu.memory_space<hbm>>
      %dma_wait3A_210 = tpu.memref_squeeze %dma_wait3A_209 : memref<1x128x128xf32, #tpu.memory_space<hbm>> -> memref<128x128xf32, #tpu.memory_space<hbm>>
      tpu.wait_dma2 semaphore(%run_scoped3A_198 : memref<!tpu.dma_semaphore, #tpu.memory_space<semaphore_mem>>) src(%arg18 : memref<128x128xf32, #tpu.memory_space<vmem>>) dst(%dma_wait3A_210 : memref<128x128xf32, #tpu.memory_space<hbm>>)
      tpu.yield
    }) : () -> ()
    %add3A_173 = arith.constant 128 : i32
    %add3A_174 = arith.addi %mul3A_0, %add3A_173 : i32
    "tpu.region"() ({
      %run_scoped3A_198 = tpu.sem_alloc : memref<!tpu.dma_semaphore, #tpu.memory_space<semaphore_mem>>
      %dma_start3A_199 = arith.constant 0 : i32
      %dma_start3A_200 = tpu.memref_slice %arg9[%add3A_174, %dma_start3A_199] : memref<10000x128xf32, #tpu.memory_space<vmem_shared>> -> memref<128x128xf32, #tpu.memory_space<vmem_shared>>
      %dma_start3A_201 = arith.constant 0 : i32
      %dma_start3A_202 = tpu.memref_slice %arg9[%add3A_174, %dma_start3A_201] : memref<10000x128xf32, #tpu.memory_space<vmem_shared>> -> memref<128x128xf32, #tpu.memory_space<vmem_shared>>
      tpu.enqueue_dma source(%dma_start3A_202 : memref<128x128xf32, #tpu.memory_space<vmem_shared>>) target(%arg18 : memref<128x128xf32, #tpu.memory_space<vmem>>) target_semaphore(%run_scoped3A_198 : memref<!tpu.dma_semaphore, #tpu.memory_space<semaphore_mem>>)
      %dma_wait3A_203 = arith.constant 0 : i32
      %dma_wait3A_204 = tpu.memref_slice %arg9[%add3A_174, %dma_wait3A_203] : memref<10000x128xf32, #tpu.memory_space<vmem_shared>> -> memref<128x128xf32, #tpu.memory_space<vmem_shared>>
      %dma_wait3A_205 = arith.constant 0 : i32
      %dma_wait3A_206 = tpu.memref_slice %arg9[%add3A_174, %dma_wait3A_205] : memref<10000x128xf32, #tpu.memory_space<vmem_shared>> -> memref<128x128xf32, #tpu.memory_space<vmem_shared>>
      tpu.wait_dma2 semaphore(%run_scoped3A_198 : memref<!tpu.dma_semaphore, #tpu.memory_space<semaphore_mem>>) src(%dma_wait3A_206 : memref<128x128xf32, #tpu.memory_space<vmem_shared>>) dst(%arg18 : memref<128x128xf32, #tpu.memory_space<vmem>>)
      tpu.yield
    }) : () -> ()
    %add3A_175 = arith.constant 128 : i32
    %add3A_176 = arith.addi %mul3A_0, %add3A_175 : i32
    "tpu.region"() ({
      %run_scoped3A_198 = tpu.sem_alloc : memref<!tpu.dma_semaphore, #tpu.memory_space<semaphore_mem>>
      %dma_start3A_199 = arith.constant 0 : i32
      %dma_start3A_200 = tpu.memref_slice %arg7[%arg0, %add3A_176, %dma_start3A_199] : memref<2x10000x128xf32, #tpu.memory_space<hbm>> -> memref<1x128x128xf32, #tpu.memory_space<hbm>>
      %dma_start3A_201 = tpu.memref_squeeze %dma_start3A_200 : memref<1x128x128xf32, #tpu.memory_space<hbm>> -> memref<128x128xf32, #tpu.memory_space<hbm>>
      %dma_start3A_202 = arith.constant 0 : i32
      %dma_start3A_203 = tpu.memref_slice %arg7[%arg0, %add3A_176, %dma_start3A_202] : memref<2x10000x128xf32, #tpu.memory_space<hbm>> -> memref<1x128x128xf32, #tpu.memory_space<hbm>>
      %dma_start3A_204 = tpu.memref_squeeze %dma_start3A_203 : memref<1x128x128xf32, #tpu.memory_space<hbm>> -> memref<128x128xf32, #tpu.memory_space<hbm>>
      tpu.enqueue_dma source(%arg18 : memref<128x128xf32, #tpu.memory_space<vmem>>) target(%dma_start3A_204 : memref<128x128xf32, #tpu.memory_space<hbm>>) target_semaphore(%run_scoped3A_198 : memref<!tpu.dma_semaphore, #tpu.memory_space<semaphore_mem>>)
      %dma_wait3A_205 = arith.constant 0 : i32
      %dma_wait3A_206 = tpu.memref_slice %arg7[%arg0, %add3A_176, %dma_wait3A_205] : memref<2x10000x128xf32, #tpu.memory_space<hbm>> -> memref<1x128x128xf32, #tpu.memory_space<hbm>>
      %dma_wait3A_207 = tpu.memref_squeeze %dma_wait3A_206 : memref<1x128x128xf32, #tpu.memory_space<hbm>> -> memref<128x128xf32, #tpu.memory_space<hbm>>
      %dma_wait3A_208 = arith.constant 0 : i32
      %dma_wait3A_209 = tpu.memref_slice %arg7[%arg0, %add3A_176, %dma_wait3A_208] : memref<2x10000x128xf32, #tpu.memory_space<hbm>> -> memref<1x128x128xf32, #tpu.memory_space<hbm>>
      %dma_wait3A_210 = tpu.memref_squeeze %dma_wait3A_209 : memref<1x128x128xf32, #tpu.memory_space<hbm>> -> memref<128x128xf32, #tpu.memory_space<hbm>>
      tpu.wait_dma2 semaphore(%run_scoped3A_198 : memref<!tpu.dma_semaphore, #tpu.memory_space<semaphore_mem>>) src(%arg18 : memref<128x128xf32, #tpu.memory_space<vmem>>) dst(%dma_wait3A_210 : memref<128x128xf32, #tpu.memory_space<hbm>>)
      tpu.yield
    }) : () -> ()
    %add3A_177 = arith.constant 256 : i32
    %add3A_178 = arith.addi %mul3A_0, %add3A_177 : i32
    "tpu.region"() ({
      %run_scoped3A_198 = tpu.sem_alloc : memref<!tpu.dma_semaphore, #tpu.memory_space<semaphore_mem>>
      %dma_start3A_199 = arith.constant 0 : i32
      %dma_start3A_200 = tpu.memref_slice %arg9[%add3A_178, %dma_start3A_199] : memref<10000x128xf32, #tpu.memory_space<vmem_shared>> -> memref<128x128xf32, #tpu.memory_space<vmem_shared>>
      %dma_start3A_201 = arith.constant 0 : i32
      %dma_start3A_202 = tpu.memref_slice %arg9[%add3A_178, %dma_start3A_201] : memref<10000x128xf32, #tpu.memory_space<vmem_shared>> -> memref<128x128xf32, #tpu.memory_space<vmem_shared>>
      tpu.enqueue_dma source(%dma_start3A_202 : memref<128x128xf32, #tpu.memory_space<vmem_shared>>) target(%arg18 : memref<128x128xf32, #tpu.memory_space<vmem>>) target_semaphore(%run_scoped3A_198 : memref<!tpu.dma_semaphore, #tpu.memory_space<semaphore_mem>>)
      %dma_wait3A_203 = arith.constant 0 : i32
      %dma_wait3A_204 = tpu.memref_slice %arg9[%add3A_178, %dma_wait3A_203] : memref<10000x128xf32, #tpu.memory_space<vmem_shared>> -> memref<128x128xf32, #tpu.memory_space<vmem_shared>>
      %dma_wait3A_205 = arith.constant 0 : i32
      %dma_wait3A_206 = tpu.memref_slice %arg9[%add3A_178, %dma_wait3A_205] : memref<10000x128xf32, #tpu.memory_space<vmem_shared>> -> memref<128x128xf32, #tpu.memory_space<vmem_shared>>
      tpu.wait_dma2 semaphore(%run_scoped3A_198 : memref<!tpu.dma_semaphore, #tpu.memory_space<semaphore_mem>>) src(%dma_wait3A_206 : memref<128x128xf32, #tpu.memory_space<vmem_shared>>) dst(%arg18 : memref<128x128xf32, #tpu.memory_space<vmem>>)
      tpu.yield
    }) : () -> ()
    %add3A_179 = arith.constant 256 : i32
    %add3A_180 = arith.addi %mul3A_0, %add3A_179 : i32
    "tpu.region"() ({
      %run_scoped3A_198 = tpu.sem_alloc : memref<!tpu.dma_semaphore, #tpu.memory_space<semaphore_mem>>
      %dma_start3A_199 = arith.constant 0 : i32
      %dma_start3A_200 = tpu.memref_slice %arg7[%arg0, %add3A_180, %dma_start3A_199] : memref<2x10000x128xf32, #tpu.memory_space<hbm>> -> memref<1x128x128xf32, #tpu.memory_space<hbm>>
      %dma_start3A_201 = tpu.memref_squeeze %dma_start3A_200 : memref<1x128x128xf32, #tpu.memory_space<hbm>> -> memref<128x128xf32, #tpu.memory_space<hbm>>
      %dma_start3A_202 = arith.constant 0 : i32
      %dma_start3A_203 = tpu.memref_slice %arg7[%arg0, %add3A_180, %dma_start3A_202] : memref<2x10000x128xf32, #tpu.memory_space<hbm>> -> memref<1x128x128xf32, #tpu.memory_space<hbm>>
      %dma_start3A_204 = tpu.memref_squeeze %dma_start3A_203 : memref<1x128x128xf32, #tpu.memory_space<hbm>> -> memref<128x128xf32, #tpu.memory_space<hbm>>
      tpu.enqueue_dma source(%arg18 : memref<128x128xf32, #tpu.memory_space<vmem>>) target(%dma_start3A_204 : memref<128x128xf32, #tpu.memory_space<hbm>>) target_semaphore(%run_scoped3A_198 : memref<!tpu.dma_semaphore, #tpu.memory_space<semaphore_mem>>)
      %dma_wait3A_205 = arith.constant 0 : i32
      %dma_wait3A_206 = tpu.memref_slice %arg7[%arg0, %add3A_180, %dma_wait3A_205] : memref<2x10000x128xf32, #tpu.memory_space<hbm>> -> memref<1x128x128xf32, #tpu.memory_space<hbm>>
      %dma_wait3A_207 = tpu.memref_squeeze %dma_wait3A_206 : memref<1x128x128xf32, #tpu.memory_space<hbm>> -> memref<128x128xf32, #tpu.memory_space<hbm>>
      %dma_wait3A_208 = arith.constant 0 : i32
      %dma_wait3A_209 = tpu.memref_slice %arg7[%arg0, %add3A_180, %dma_wait3A_208] : memref<2x10000x128xf32, #tpu.memory_space<hbm>> -> memref<1x128x128xf32, #tpu.memory_space<hbm>>
      %dma_wait3A_210 = tpu.memref_squeeze %dma_wait3A_209 : memref<1x128x128xf32, #tpu.memory_space<hbm>> -> memref<128x128xf32, #tpu.memory_space<hbm>>
      tpu.wait_dma2 semaphore(%run_scoped3A_198 : memref<!tpu.dma_semaphore, #tpu.memory_space<semaphore_mem>>) src(%arg18 : memref<128x128xf32, #tpu.memory_space<vmem>>) dst(%dma_wait3A_210 : memref<128x128xf32, #tpu.memory_space<hbm>>)
      tpu.yield
    }) : () -> ()
    %add3A_181 = arith.constant 384 : i32
    %add3A_182 = arith.addi %mul3A_0, %add3A_181 : i32
    "tpu.region"() ({
      %run_scoped3A_198 = tpu.sem_alloc : memref<!tpu.dma_semaphore, #tpu.memory_space<semaphore_mem>>
      %dma_start3A_199 = arith.constant 0 : i32
      %dma_start3A_200 = tpu.memref_slice %arg9[%add3A_182, %dma_start3A_199] : memref<10000x128xf32, #tpu.memory_space<vmem_shared>> -> memref<128x128xf32, #tpu.memory_space<vmem_shared>>
      %dma_start3A_201 = arith.constant 0 : i32
      %dma_start3A_202 = tpu.memref_slice %arg9[%add3A_182, %dma_start3A_201] : memref<10000x128xf32, #tpu.memory_space<vmem_shared>> -> memref<128x128xf32, #tpu.memory_space<vmem_shared>>
      tpu.enqueue_dma source(%dma_start3A_202 : memref<128x128xf32, #tpu.memory_space<vmem_shared>>) target(%arg18 : memref<128x128xf32, #tpu.memory_space<vmem>>) target_semaphore(%run_scoped3A_198 : memref<!tpu.dma_semaphore, #tpu.memory_space<semaphore_mem>>)
      %dma_wait3A_203 = arith.constant 0 : i32
      %dma_wait3A_204 = tpu.memref_slice %arg9[%add3A_182, %dma_wait3A_203] : memref<10000x128xf32, #tpu.memory_space<vmem_shared>> -> memref<128x128xf32, #tpu.memory_space<vmem_shared>>
      %dma_wait3A_205 = arith.constant 0 : i32
      %dma_wait3A_206 = tpu.memref_slice %arg9[%add3A_182, %dma_wait3A_205] : memref<10000x128xf32, #tpu.memory_space<vmem_shared>> -> memref<128x128xf32, #tpu.memory_space<vmem_shared>>
      tpu.wait_dma2 semaphore(%run_scoped3A_198 : memref<!tpu.dma_semaphore, #tpu.memory_space<semaphore_mem>>) src(%dma_wait3A_206 : memref<128x128xf32, #tpu.memory_space<vmem_shared>>) dst(%arg18 : memref<128x128xf32, #tpu.memory_space<vmem>>)
      tpu.yield
    }) : () -> ()
    %add3A_183 = arith.constant 384 : i32
    %add3A_184 = arith.addi %mul3A_0, %add3A_183 : i32
    "tpu.region"() ({
      %run_scoped3A_198 = tpu.sem_alloc : memref<!tpu.dma_semaphore, #tpu.memory_space<semaphore_mem>>
      %dma_start3A_199 = arith.constant 0 : i32
      %dma_start3A_200 = tpu.memref_slice %arg7[%arg0, %add3A_184, %dma_start3A_199] : memref<2x10000x128xf32, #tpu.memory_space<hbm>> -> memref<1x128x128xf32, #tpu.memory_space<hbm>>
      %dma_start3A_201 = tpu.memref_squeeze %dma_start3A_200 : memref<1x128x128xf32, #tpu.memory_space<hbm>> -> memref<128x128xf32, #tpu.memory_space<hbm>>
      %dma_start3A_202 = arith.constant 0 : i32
      %dma_start3A_203 = tpu.memref_slice %arg7[%arg0, %add3A_184, %dma_start3A_202] : memref<2x10000x128xf32, #tpu.memory_space<hbm>> -> memref<1x128x128xf32, #tpu.memory_space<hbm>>
      %dma_start3A_204 = tpu.memref_squeeze %dma_start3A_203 : memref<1x128x128xf32, #tpu.memory_space<hbm>> -> memref<128x128xf32, #tpu.memory_space<hbm>>
      tpu.enqueue_dma source(%arg18 : memref<128x128xf32, #tpu.memory_space<vmem>>) target(%dma_start3A_204 : memref<128x128xf32, #tpu.memory_space<hbm>>) target_semaphore(%run_scoped3A_198 : memref<!tpu.dma_semaphore, #tpu.memory_space<semaphore_mem>>)
      %dma_wait3A_205 = arith.constant 0 : i32
      %dma_wait3A_206 = tpu.memref_slice %arg7[%arg0, %add3A_184, %dma_wait3A_205] : memref<2x10000x128xf32, #tpu.memory_space<hbm>> -> memref<1x128x128xf32, #tpu.memory_space<hbm>>
      %dma_wait3A_207 = tpu.memref_squeeze %dma_wait3A_206 : memref<1x128x128xf32, #tpu.memory_space<hbm>> -> memref<128x128xf32, #tpu.memory_space<hbm>>
      %dma_wait3A_208 = arith.constant 0 : i32
      %dma_wait3A_209 = tpu.memref_slice %arg7[%arg0, %add3A_184, %dma_wait3A_208] : memref<2x10000x128xf32, #tpu.memory_space<hbm>> -> memref<1x128x128xf32, #tpu.memory_space<hbm>>
      %dma_wait3A_210 = tpu.memref_squeeze %dma_wait3A_209 : memref<1x128x128xf32, #tpu.memory_space<hbm>> -> memref<128x128xf32, #tpu.memory_space<hbm>>
      tpu.wait_dma2 semaphore(%run_scoped3A_198 : memref<!tpu.dma_semaphore, #tpu.memory_space<semaphore_mem>>) src(%arg18 : memref<128x128xf32, #tpu.memory_space<vmem>>) dst(%dma_wait3A_210 : memref<128x128xf32, #tpu.memory_space<hbm>>)
      tpu.yield
    }) : () -> ()
    %add3A_185 = arith.constant 624 : i32
    %add3A_186 = arith.addi %mul3A_0, %add3A_185 : i32
    %sub3A_187 = arith.constant 112 : i32
    %sub3A_188 = arith.subi %add3A_186, %sub3A_187 : i32
    "tpu.region"() ({
      %run_scoped3A_198 = tpu.sem_alloc : memref<!tpu.dma_semaphore, #tpu.memory_space<semaphore_mem>>
      %dma_start3A_199 = arith.constant 0 : i32
      %dma_start3A_200 = arith.constant 0 : i32
      %dma_start3A_201 = tpu.memref_slice %arg18[%dma_start3A_199, %dma_start3A_200] : memref<128x128xf32, #tpu.memory_space<vmem>> -> memref<112x128xf32, #tpu.memory_space<vmem>>
      %dma_start3A_202 = arith.constant 0 : i32
      %dma_start3A_203 = tpu.memref_slice %arg9[%sub3A_188, %dma_start3A_202] : memref<10000x128xf32, #tpu.memory_space<vmem_shared>> -> memref<112x128xf32, #tpu.memory_space<vmem_shared>>
      %dma_start3A_204 = arith.constant 0 : i32
      %dma_start3A_205 = arith.constant 0 : i32
      %dma_start3A_206 = tpu.memref_slice %arg18[%dma_start3A_204, %dma_start3A_205] : memref<128x128xf32, #tpu.memory_space<vmem>> -> memref<112x128xf32, #tpu.memory_space<vmem>>
      %dma_start3A_207 = arith.constant 0 : i32
      %dma_start3A_208 = tpu.memref_slice %arg9[%sub3A_188, %dma_start3A_207] : memref<10000x128xf32, #tpu.memory_space<vmem_shared>> -> memref<112x128xf32, #tpu.memory_space<vmem_shared>>
      tpu.enqueue_dma source(%dma_start3A_208 : memref<112x128xf32, #tpu.memory_space<vmem_shared>>) target(%dma_start3A_206 : memref<112x128xf32, #tpu.memory_space<vmem>>) target_semaphore(%run_scoped3A_198 : memref<!tpu.dma_semaphore, #tpu.memory_space<semaphore_mem>>)
      %dma_wait3A_209 = arith.constant 0 : i32
      %dma_wait3A_210 = arith.constant 0 : i32
      %dma_wait3A_211 = tpu.memref_slice %arg18[%dma_wait3A_209, %dma_wait3A_210] : memref<128x128xf32, #tpu.memory_space<vmem>> -> memref<112x128xf32, #tpu.memory_space<vmem>>
      %dma_wait3A_212 = arith.constant 0 : i32
      %dma_wait3A_213 = tpu.memref_slice %arg9[%sub3A_188, %dma_wait3A_212] : memref<10000x128xf32, #tpu.memory_space<vmem_shared>> -> memref<112x128xf32, #tpu.memory_space<vmem_shared>>
      %dma_wait3A_214 = arith.constant 0 : i32
      %dma_wait3A_215 = arith.constant 0 : i32
      %dma_wait3A_216 = tpu.memref_slice %arg18[%dma_wait3A_214, %dma_wait3A_215] : memref<128x128xf32, #tpu.memory_space<vmem>> -> memref<112x128xf32, #tpu.memory_space<vmem>>
      %dma_wait3A_217 = arith.constant 0 : i32
      %dma_wait3A_218 = tpu.memref_slice %arg9[%sub3A_188, %dma_wait3A_217] : memref<10000x128xf32, #tpu.memory_space<vmem_shared>> -> memref<112x128xf32, #tpu.memory_space<vmem_shared>>
      tpu.wait_dma2 semaphore(%run_scoped3A_198 : memref<!tpu.dma_semaphore, #tpu.memory_space<semaphore_mem>>) src(%dma_wait3A_218 : memref<112x128xf32, #tpu.memory_space<vmem_shared>>) dst(%dma_wait3A_216 : memref<112x128xf32, #tpu.memory_space<vmem>>)
      tpu.yield
    }) : () -> ()
    %add3A_189 = arith.constant 624 : i32
    %add3A_190 = arith.addi %mul3A_0, %add3A_189 : i32
    %sub3A_191 = arith.constant 112 : i32
    %sub3A_192 = arith.subi %add3A_190, %sub3A_191 : i32
    "tpu.region"() ({
      %run_scoped3A_198 = tpu.sem_alloc : memref<!tpu.dma_semaphore, #tpu.memory_space<semaphore_mem>>
      %dma_start3A_199 = arith.constant 0 : i32
      %dma_start3A_200 = arith.constant 0 : i32
      %dma_start3A_201 = tpu.memref_slice %arg18[%dma_start3A_199, %dma_start3A_200] : memref<128x128xf32, #tpu.memory_space<vmem>> -> memref<112x128xf32, #tpu.memory_space<vmem>>
      %dma_start3A_202 = arith.constant 0 : i32
      %dma_start3A_203 = tpu.memref_slice %arg7[%arg0, %sub3A_192, %dma_start3A_202] : memref<2x10000x128xf32, #tpu.memory_space<hbm>> -> memref<1x112x128xf32, #tpu.memory_space<hbm>>
      %dma_start3A_204 = tpu.memref_squeeze %dma_start3A_203 : memref<1x112x128xf32, #tpu.memory_space<hbm>> -> memref<112x128xf32, #tpu.memory_space<hbm>>
      %dma_start3A_205 = arith.constant 0 : i32
      %dma_start3A_206 = tpu.memref_slice %arg7[%arg0, %sub3A_192, %dma_start3A_205] : memref<2x10000x128xf32, #tpu.memory_space<hbm>> -> memref<1x112x128xf32, #tpu.memory_space<hbm>>
      %dma_start3A_207 = tpu.memref_squeeze %dma_start3A_206 : memref<1x112x128xf32, #tpu.memory_space<hbm>> -> memref<112x128xf32, #tpu.memory_space<hbm>>
      %dma_start3A_208 = arith.constant 0 : i32
      %dma_start3A_209 = arith.constant 0 : i32
      %dma_start3A_210 = tpu.memref_slice %arg18[%dma_start3A_208, %dma_start3A_209] : memref<128x128xf32, #tpu.memory_space<vmem>> -> memref<112x128xf32, #tpu.memory_space<vmem>>
      tpu.enqueue_dma source(%dma_start3A_210 : memref<112x128xf32, #tpu.memory_space<vmem>>) target(%dma_start3A_207 : memref<112x128xf32, #tpu.memory_space<hbm>>) target_semaphore(%run_scoped3A_198 : memref<!tpu.dma_semaphore, #tpu.memory_space<semaphore_mem>>)
      %dma_wait3A_211 = arith.constant 0 : i32
      %dma_wait3A_212 = arith.constant 0 : i32
      %dma_wait3A_213 = tpu.memref_slice %arg18[%dma_wait3A_211, %dma_wait3A_212] : memref<128x128xf32, #tpu.memory_space<vmem>> -> memref<112x128xf32, #tpu.memory_space<vmem>>
      %dma_wait3A_214 = arith.constant 0 : i32
      %dma_wait3A_215 = tpu.memref_slice %arg7[%arg0, %sub3A_192, %dma_wait3A_214] : memref<2x10000x128xf32, #tpu.memory_space<hbm>> -> memref<1x112x128xf32, #tpu.memory_space<hbm>>
      %dma_wait3A_216 = tpu.memref_squeeze %dma_wait3A_215 : memref<1x112x128xf32, #tpu.memory_space<hbm>> -> memref<112x128xf32, #tpu.memory_space<hbm>>
      %dma_wait3A_217 = arith.constant 0 : i32
      %dma_wait3A_218 = tpu.memref_slice %arg7[%arg0, %sub3A_192, %dma_wait3A_217] : memref<2x10000x128xf32, #tpu.memory_space<hbm>> -> memref<1x112x128xf32, #tpu.memory_space<hbm>>
      %dma_wait3A_219 = tpu.memref_squeeze %dma_wait3A_218 : memref<1x112x128xf32, #tpu.memory_space<hbm>> -> memref<112x128xf32, #tpu.memory_space<hbm>>
      %dma_wait3A_220 = arith.constant 0 : i32
      %dma_wait3A_221 = arith.constant 0 : i32
      %dma_wait3A_222 = tpu.memref_slice %arg18[%dma_wait3A_220, %dma_wait3A_221] : memref<128x128xf32, #tpu.memory_space<vmem>> -> memref<112x128xf32, #tpu.memory_space<vmem>>
      tpu.wait_dma2 semaphore(%run_scoped3A_198 : memref<!tpu.dma_semaphore, #tpu.memory_space<semaphore_mem>>) src(%dma_wait3A_222 : memref<112x128xf32, #tpu.memory_space<vmem>>) dst(%dma_wait3A_219 : memref<112x128xf32, #tpu.memory_space<hbm>>)
      tpu.yield
    }) : () -> ()
    %eq3A_193 = arith.constant 0 : i32
    %eq3A_194 = arith.cmpi eq, %arg1, %eq3A_193 : i32
    %convert_element_type3A_195 = arith.extui %eq3A_194 : i1 to i32
    %cond3A_196 = arith.constant 0 : i32
    %cond3A_197 = arith.cmpi ne, %convert_element_type3A_195, %cond3A_196 : i32
    scf.if %cond3A_197 {
      "tpu.region"() ({
        %run_scoped3A_198 = tpu.sem_alloc : memref<!tpu.dma_semaphore, #tpu.memory_space<semaphore_mem>>
        %dma_start3A_199 = arith.constant 0 : i32
        %dma_start3A_200 = arith.constant 0 : i32
        %dma_start3A_201 = tpu.memref_slice %arg18[%dma_start3A_199, %dma_start3A_200] : memref<128x128xf32, #tpu.memory_space<vmem>> -> memref<16x128xf32, #tpu.memory_space<vmem>>
        %dma_start3A_202 = arith.constant 9984 : i32
        %dma_start3A_203 = arith.constant 0 : i32
        %dma_start3A_204 = tpu.memref_slice %arg9[%dma_start3A_202, %dma_start3A_203] : memref<10000x128xf32, #tpu.memory_space<vmem_shared>> -> memref<16x128xf32, #tpu.memory_space<vmem_shared>>
        %dma_start3A_205 = arith.constant 0 : i32
        %dma_start3A_206 = arith.constant 0 : i32
        %dma_start3A_207 = tpu.memref_slice %arg18[%dma_start3A_205, %dma_start3A_206] : memref<128x128xf32, #tpu.memory_space<vmem>> -> memref<16x128xf32, #tpu.memory_space<vmem>>
        %dma_start3A_208 = arith.constant 9984 : i32
        %dma_start3A_209 = arith.constant 0 : i32
        %dma_start3A_210 = tpu.memref_slice %arg9[%dma_start3A_208, %dma_start3A_209] : memref<10000x128xf32, #tpu.memory_space<vmem_shared>> -> memref<16x128xf32, #tpu.memory_space<vmem_shared>>
        tpu.enqueue_dma source(%dma_start3A_210 : memref<16x128xf32, #tpu.memory_space<vmem_shared>>) target(%dma_start3A_207 : memref<16x128xf32, #tpu.memory_space<vmem>>) target_semaphore(%run_scoped3A_198 : memref<!tpu.dma_semaphore, #tpu.memory_space<semaphore_mem>>)
        %dma_wait3A_211 = arith.constant 0 : i32
        %dma_wait3A_212 = arith.constant 0 : i32
        %dma_wait3A_213 = tpu.memref_slice %arg18[%dma_wait3A_211, %dma_wait3A_212] : memref<128x128xf32, #tpu.memory_space<vmem>> -> memref<16x128xf32, #tpu.memory_space<vmem>>
        %dma_wait3A_214 = arith.constant 9984 : i32
        %dma_wait3A_215 = arith.constant 0 : i32
        %dma_wait3A_216 = tpu.memref_slice %arg9[%dma_wait3A_214, %dma_wait3A_215] : memref<10000x128xf32, #tpu.memory_space<vmem_shared>> -> memref<16x128xf32, #tpu.memory_space<vmem_shared>>
        %dma_wait3A_217 = arith.constant 0 : i32
        %dma_wait3A_218 = arith.constant 0 : i32
        %dma_wait3A_219 = tpu.memref_slice %arg18[%dma_wait3A_217, %dma_wait3A_218] : memref<128x128xf32, #tpu.memory_space<vmem>> -> memref<16x128xf32, #tpu.memory_space<vmem>>
        %dma_wait3A_220 = arith.constant 9984 : i32
        %dma_wait3A_221 = arith.constant 0 : i32
        %dma_wait3A_222 = tpu.memref_slice %arg9[%dma_wait3A_220, %dma_wait3A_221] : memref<10000x128xf32, #tpu.memory_space<vmem_shared>> -> memref<16x128xf32, #tpu.memory_space<vmem_shared>>
        tpu.wait_dma2 semaphore(%run_scoped3A_198 : memref<!tpu.dma_semaphore, #tpu.memory_space<semaphore_mem>>) src(%dma_wait3A_222 : memref<16x128xf32, #tpu.memory_space<vmem_shared>>) dst(%dma_wait3A_219 : memref<16x128xf32, #tpu.memory_space<vmem>>)
        tpu.yield
      }) : () -> ()
      "tpu.region"() ({
        %run_scoped3A_198 = tpu.sem_alloc : memref<!tpu.dma_semaphore, #tpu.memory_space<semaphore_mem>>
        %dma_start3A_199 = arith.constant 0 : i32
        %dma_start3A_200 = arith.constant 0 : i32
        %dma_start3A_201 = tpu.memref_slice %arg18[%dma_start3A_199, %dma_start3A_200] : memref<128x128xf32, #tpu.memory_space<vmem>> -> memref<16x128xf32, #tpu.memory_space<vmem>>
        %dma_start3A_202 = arith.constant 9984 : i32
        %dma_start3A_203 = arith.constant 0 : i32
        %dma_start3A_204 = tpu.memref_slice %arg7[%arg0, %dma_start3A_202, %dma_start3A_203] : memref<2x10000x128xf32, #tpu.memory_space<hbm>> -> memref<1x16x128xf32, #tpu.memory_space<hbm>>
        %dma_start3A_205 = tpu.memref_squeeze %dma_start3A_204 : memref<1x16x128xf32, #tpu.memory_space<hbm>> -> memref<16x128xf32, #tpu.memory_space<hbm>>
        %dma_start3A_206 = arith.constant 9984 : i32
        %dma_start3A_207 = arith.constant 0 : i32
        %dma_start3A_208 = tpu.memref_slice %arg7[%arg0, %dma_start3A_206, %dma_start3A_207] : memref<2x10000x128xf32, #tpu.memory_space<hbm>> -> memref<1x16x128xf32, #tpu.memory_space<hbm>>
        %dma_start3A_209 = tpu.memref_squeeze %dma_start3A_208 : memref<1x16x128xf32, #tpu.memory_space<hbm>> -> memref<16x128xf32, #tpu.memory_space<hbm>>
        %dma_start3A_210 = arith.constant 0 : i32
        %dma_start3A_211 = arith.constant 0 : i32
        %dma_start3A_212 = tpu.memref_slice %arg18[%dma_start3A_210, %dma_start3A_211] : memref<128x128xf32, #tpu.memory_space<vmem>> -> memref<16x128xf32, #tpu.memory_space<vmem>>
        tpu.enqueue_dma source(%dma_start3A_212 : memref<16x128xf32, #tpu.memory_space<vmem>>) target(%dma_start3A_209 : memref<16x128xf32, #tpu.memory_space<hbm>>) target_semaphore(%run_scoped3A_198 : memref<!tpu.dma_semaphore, #tpu.memory_space<semaphore_mem>>)
        %dma_wait3A_213 = arith.constant 0 : i32
        %dma_wait3A_214 = arith.constant 0 : i32
        %dma_wait3A_215 = tpu.memref_slice %arg18[%dma_wait3A_213, %dma_wait3A_214] : memref<128x128xf32, #tpu.memory_space<vmem>> -> memref<16x128xf32, #tpu.memory_space<vmem>>
        %dma_wait3A_216 = arith.constant 9984 : i32
        %dma_wait3A_217 = arith.constant 0 : i32
        %dma_wait3A_218 = tpu.memref_slice %arg7[%arg0, %dma_wait3A_216, %dma_wait3A_217] : memref<2x10000x128xf32, #tpu.memory_space<hbm>> -> memref<1x16x128xf32, #tpu.memory_space<hbm>>
        %dma_wait3A_219 = tpu.memref_squeeze %dma_wait3A_218 : memref<1x16x128xf32, #tpu.memory_space<hbm>> -> memref<16x128xf32, #tpu.memory_space<hbm>>
        %dma_wait3A_220 = arith.constant 9984 : i32
        %dma_wait3A_221 = arith.constant 0 : i32
        %dma_wait3A_222 = tpu.memref_slice %arg7[%arg0, %dma_wait3A_220, %dma_wait3A_221] : memref<2x10000x128xf32, #tpu.memory_space<hbm>> -> memref<1x16x128xf32, #tpu.memory_space<hbm>>
        %dma_wait3A_223 = tpu.memref_squeeze %dma_wait3A_222 : memref<1x16x128xf32, #tpu.memory_space<hbm>> -> memref<16x128xf32, #tpu.memory_space<hbm>>
        %dma_wait3A_224 = arith.constant 0 : i32
        %dma_wait3A_225 = arith.constant 0 : i32
        %dma_wait3A_226 = tpu.memref_slice %arg18[%dma_wait3A_224, %dma_wait3A_225] : memref<128x128xf32, #tpu.memory_space<vmem>> -> memref<16x128xf32, #tpu.memory_space<vmem>>
        tpu.wait_dma2 semaphore(%run_scoped3A_198 : memref<!tpu.dma_semaphore, #tpu.memory_space<semaphore_mem>>) src(%dma_wait3A_226 : memref<16x128xf32, #tpu.memory_space<vmem>>) dst(%dma_wait3A_223 : memref<16x128xf32, #tpu.memory_space<hbm>>)
        tpu.yield
      }) : () -> ()
    } else {
    }
    "tpu.region"() ({
      %run_scoped3A_198 = tpu.sem_alloc : memref<!tpu.dma_semaphore, #tpu.memory_space<semaphore_mem>>
      %dma_start3A_199 = tpu.memref_slice %arg26[%mul3A_19] : memref<10240xf32, #tpu.memory_space<vmem_shared>> -> memref<640xf32, #tpu.memory_space<vmem_shared>>
      %dma_start3A_200 = tpu.memref_slice %arg26[%mul3A_19] : memref<10240xf32, #tpu.memory_space<vmem_shared>> -> memref<640xf32, #tpu.memory_space<vmem_shared>>
      tpu.enqueue_dma source(%dma_start3A_200 : memref<640xf32, #tpu.memory_space<vmem_shared>>) target(%arg28 : memref<640xf32, #tpu.memory_space<vmem>>) target_semaphore(%run_scoped3A_198 : memref<!tpu.dma_semaphore, #tpu.memory_space<semaphore_mem>>)
      %dma_wait3A_201 = tpu.memref_slice %arg26[%mul3A_19] : memref<10240xf32, #tpu.memory_space<vmem_shared>> -> memref<640xf32, #tpu.memory_space<vmem_shared>>
      %dma_wait3A_202 = tpu.memref_slice %arg26[%mul3A_19] : memref<10240xf32, #tpu.memory_space<vmem_shared>> -> memref<640xf32, #tpu.memory_space<vmem_shared>>
      tpu.wait_dma2 semaphore(%run_scoped3A_198 : memref<!tpu.dma_semaphore, #tpu.memory_space<semaphore_mem>>) src(%dma_wait3A_202 : memref<640xf32, #tpu.memory_space<vmem_shared>>) dst(%arg28 : memref<640xf32, #tpu.memory_space<vmem>>)
      tpu.yield
    }) : () -> ()
    "tpu.region"() ({
      %run_scoped3A_198 = tpu.sem_alloc : memref<!tpu.dma_semaphore, #tpu.memory_space<semaphore_mem>>
      %dma_start3A_199 = tpu.memref_slice %arg8[%arg0, %mul3A_19] : memref<2x10240xf32, #tpu.memory_space<hbm>> -> memref<1x640xf32, #tpu.memory_space<hbm>>
      %dma_start3A_200 = tpu.memref_squeeze %dma_start3A_199 : memref<1x640xf32, #tpu.memory_space<hbm>> -> memref<640xf32, #tpu.memory_space<hbm>>
      %dma_start3A_201 = tpu.memref_slice %arg8[%arg0, %mul3A_19] : memref<2x10240xf32, #tpu.memory_space<hbm>> -> memref<1x640xf32, #tpu.memory_space<hbm>>
      %dma_start3A_202 = tpu.memref_squeeze %dma_start3A_201 : memref<1x640xf32, #tpu.memory_space<hbm>> -> memref<640xf32, #tpu.memory_space<hbm>>
      tpu.enqueue_dma source(%arg28 : memref<640xf32, #tpu.memory_space<vmem>>) target(%dma_start3A_202 : memref<640xf32, #tpu.memory_space<hbm>>) target_semaphore(%run_scoped3A_198 : memref<!tpu.dma_semaphore, #tpu.memory_space<semaphore_mem>>)
      %dma_wait3A_203 = tpu.memref_slice %arg8[%arg0, %mul3A_19] : memref<2x10240xf32, #tpu.memory_space<hbm>> -> memref<1x640xf32, #tpu.memory_space<hbm>>
      %dma_wait3A_204 = tpu.memref_squeeze %dma_wait3A_203 : memref<1x640xf32, #tpu.memory_space<hbm>> -> memref<640xf32, #tpu.memory_space<hbm>>
      %dma_wait3A_205 = tpu.memref_slice %arg8[%arg0, %mul3A_19] : memref<2x10240xf32, #tpu.memory_space<hbm>> -> memref<1x640xf32, #tpu.memory_space<hbm>>
      %dma_wait3A_206 = tpu.memref_squeeze %dma_wait3A_205 : memref<1x640xf32, #tpu.memory_space<hbm>> -> memref<640xf32, #tpu.memory_space<hbm>>
      tpu.wait_dma2 semaphore(%run_scoped3A_198 : memref<!tpu.dma_semaphore, #tpu.memory_space<semaphore_mem>>) src(%arg28 : memref<640xf32, #tpu.memory_space<vmem>>) dst(%dma_wait3A_206 : memref<640xf32, #tpu.memory_space<hbm>>)
      tpu.yield
    }) : () -> ()
    return
  }
}

#map = affine_map<(d0, d1) -> (0, 0)>
#map1 = affine_map<(d0, d1) -> (0, 0, 0)>
module attributes {stable_mosaic.version = 14 : i64} {
  func.func @body(%arg0: i32, %arg1: i32, %arg2: memref<10000x128xf32, #tpu.memory_space<hbm>>, %arg3: memref<2x320000xi32, #tpu.memory_space<hbm>>, %arg4: memref<10000x128xf32, #tpu.memory_space<hbm>>, %arg5: memref<2x10000x128xf32, #tpu.memory_space<hbm>>, %arg6: memref<10000x128xf32, #tpu.memory_space<vmem_shared>>, %arg7: memref<128xi32, #tpu.memory_space<vmem>>, %arg8: memref<128xi32, #tpu.memory_space<vmem>>, %arg9: memref<128xi32, #tpu.memory_space<vmem>>, %arg10: memref<128xi32, #tpu.memory_space<vmem>>, %arg11: memref<1x128xi32, #tpu.memory_space<vmem>>, %arg12: memref<1x128xi32, #tpu.memory_space<vmem>>, %arg13: memref<1x128xi32, #tpu.memory_space<vmem>>, %arg14: memref<1x128xi32, #tpu.memory_space<vmem>>, %arg15: memref<128x128xf32, #tpu.memory_space<vmem>>, %arg16: memref<128x128xf32, #tpu.memory_space<vmem>>, %arg17: memref<!tpu.dma_semaphore, #tpu.memory_space<semaphore_mem>>, %arg18: memref<!tpu.dma_semaphore, #tpu.memory_space<semaphore_mem>>, %arg19: memref<!tpu.dma_semaphore, #tpu.memory_space<semaphore_mem>>, %arg20: memref<!tpu.dma_semaphore, #tpu.memory_space<semaphore_mem>>, %arg21: memref<!tpu.dma_semaphore, #tpu.memory_space<semaphore_mem>>, %arg22: memref<!tpu.dma_semaphore, #tpu.memory_space<semaphore_mem>>) attributes {dimension_semantics = [#tpu.dimension_semantics<core_parallel>, #tpu.dimension_semantics<subcore_parallel>], iteration_bounds = array<i64: 2, 16>, scalar_prefetch = 0 : i64, scratch_operands = 17 : i64, tpu.core_type = #tpu.core_type<sc_vector_subcore>, window_params = [{transform_indices = #map}, {transform_indices = #map}, {transform_indices = #map}, {transform_indices = #map1}]} {
    %mul3A = arith.constant 624 : i32
    %mul3A_0 = arith.muli %arg1, %mul3A : i32
    %mul3A_1 = arith.constant 160000 : i32
    %mul3A_2 = arith.muli %arg0, %mul3A_1 : i32
    %mul3A_3 = arith.constant 128 : i32
    %mul3A_4 = arith.muli %arg1, %mul3A_3 : i32
    %add3A = arith.addi %mul3A_2, %mul3A_4 : i32
    "tpu.region"() ({
      %run_scoped3A_194 = tpu.sem_alloc : memref<!tpu.dma_semaphore, #tpu.memory_space<semaphore_mem>>
      %dma_start3A_195 = arith.constant 0 : i32
      %dma_start3A_196 = arith.constant 0 : i32
      %dma_start3A_197 = tpu.memref_slice %arg4[%dma_start3A_195, %dma_start3A_196] : memref<10000x128xf32, #tpu.memory_space<hbm>> -> memref<128x128xf32, #tpu.memory_space<hbm>>
      %dma_start3A_198 = arith.constant 0 : i32
      %dma_start3A_199 = arith.constant 0 : i32
      %dma_start3A_200 = tpu.memref_slice %arg4[%dma_start3A_198, %dma_start3A_199] : memref<10000x128xf32, #tpu.memory_space<hbm>> -> memref<128x128xf32, #tpu.memory_space<hbm>>
      tpu.enqueue_dma source(%dma_start3A_200 : memref<128x128xf32, #tpu.memory_space<hbm>>) target(%arg15 : memref<128x128xf32, #tpu.memory_space<vmem>>) target_semaphore(%run_scoped3A_194 : memref<!tpu.dma_semaphore, #tpu.memory_space<semaphore_mem>>)
      %dma_wait3A_201 = arith.constant 0 : i32
      %dma_wait3A_202 = arith.constant 0 : i32
      %dma_wait3A_203 = tpu.memref_slice %arg4[%dma_wait3A_201, %dma_wait3A_202] : memref<10000x128xf32, #tpu.memory_space<hbm>> -> memref<128x128xf32, #tpu.memory_space<hbm>>
      %dma_wait3A_204 = arith.constant 0 : i32
      %dma_wait3A_205 = arith.constant 0 : i32
      %dma_wait3A_206 = tpu.memref_slice %arg4[%dma_wait3A_204, %dma_wait3A_205] : memref<10000x128xf32, #tpu.memory_space<hbm>> -> memref<128x128xf32, #tpu.memory_space<hbm>>
      tpu.wait_dma2 semaphore(%run_scoped3A_194 : memref<!tpu.dma_semaphore, #tpu.memory_space<semaphore_mem>>) src(%dma_wait3A_206 : memref<128x128xf32, #tpu.memory_space<hbm>>) dst(%arg15 : memref<128x128xf32, #tpu.memory_space<vmem>>)
      tpu.yield
    }) : () -> ()
    %add3A_5 = arith.constant 0 : i32
    %add3A_6 = arith.addi %mul3A_0, %add3A_5 : i32
    "tpu.region"() ({
      %run_scoped3A_194 = tpu.sem_alloc : memref<!tpu.dma_semaphore, #tpu.memory_space<semaphore_mem>>
      %dma_start3A_195 = arith.constant 0 : i32
      %dma_start3A_196 = tpu.memref_slice %arg6[%add3A_6, %dma_start3A_195] : memref<10000x128xf32, #tpu.memory_space<vmem_shared>> -> memref<128x128xf32, #tpu.memory_space<vmem_shared>>
      %dma_start3A_197 = arith.constant 0 : i32
      %dma_start3A_198 = tpu.memref_slice %arg6[%add3A_6, %dma_start3A_197] : memref<10000x128xf32, #tpu.memory_space<vmem_shared>> -> memref<128x128xf32, #tpu.memory_space<vmem_shared>>
      tpu.enqueue_dma source(%arg15 : memref<128x128xf32, #tpu.memory_space<vmem>>) target(%dma_start3A_198 : memref<128x128xf32, #tpu.memory_space<vmem_shared>>) target_semaphore(%run_scoped3A_194 : memref<!tpu.dma_semaphore, #tpu.memory_space<semaphore_mem>>)
      %dma_wait3A_199 = arith.constant 0 : i32
      %dma_wait3A_200 = tpu.memref_slice %arg6[%add3A_6, %dma_wait3A_199] : memref<10000x128xf32, #tpu.memory_space<vmem_shared>> -> memref<128x128xf32, #tpu.memory_space<vmem_shared>>
      %dma_wait3A_201 = arith.constant 0 : i32
      %dma_wait3A_202 = tpu.memref_slice %arg6[%add3A_6, %dma_wait3A_201] : memref<10000x128xf32, #tpu.memory_space<vmem_shared>> -> memref<128x128xf32, #tpu.memory_space<vmem_shared>>
      tpu.wait_dma2 semaphore(%run_scoped3A_194 : memref<!tpu.dma_semaphore, #tpu.memory_space<semaphore_mem>>) src(%arg15 : memref<128x128xf32, #tpu.memory_space<vmem>>) dst(%dma_wait3A_202 : memref<128x128xf32, #tpu.memory_space<vmem_shared>>)
      tpu.yield
    }) : () -> ()
    %add3A_7 = arith.constant 128 : i32
    %add3A_8 = arith.addi %mul3A_0, %add3A_7 : i32
    "tpu.region"() ({
      %run_scoped3A_194 = tpu.sem_alloc : memref<!tpu.dma_semaphore, #tpu.memory_space<semaphore_mem>>
      %dma_start3A_195 = arith.constant 0 : i32
      %dma_start3A_196 = tpu.memref_slice %arg6[%add3A_8, %dma_start3A_195] : memref<10000x128xf32, #tpu.memory_space<vmem_shared>> -> memref<128x128xf32, #tpu.memory_space<vmem_shared>>
      %dma_start3A_197 = arith.constant 0 : i32
      %dma_start3A_198 = tpu.memref_slice %arg6[%add3A_8, %dma_start3A_197] : memref<10000x128xf32, #tpu.memory_space<vmem_shared>> -> memref<128x128xf32, #tpu.memory_space<vmem_shared>>
      tpu.enqueue_dma source(%arg15 : memref<128x128xf32, #tpu.memory_space<vmem>>) target(%dma_start3A_198 : memref<128x128xf32, #tpu.memory_space<vmem_shared>>) target_semaphore(%run_scoped3A_194 : memref<!tpu.dma_semaphore, #tpu.memory_space<semaphore_mem>>)
      %dma_wait3A_199 = arith.constant 0 : i32
      %dma_wait3A_200 = tpu.memref_slice %arg6[%add3A_8, %dma_wait3A_199] : memref<10000x128xf32, #tpu.memory_space<vmem_shared>> -> memref<128x128xf32, #tpu.memory_space<vmem_shared>>
      %dma_wait3A_201 = arith.constant 0 : i32
      %dma_wait3A_202 = tpu.memref_slice %arg6[%add3A_8, %dma_wait3A_201] : memref<10000x128xf32, #tpu.memory_space<vmem_shared>> -> memref<128x128xf32, #tpu.memory_space<vmem_shared>>
      tpu.wait_dma2 semaphore(%run_scoped3A_194 : memref<!tpu.dma_semaphore, #tpu.memory_space<semaphore_mem>>) src(%arg15 : memref<128x128xf32, #tpu.memory_space<vmem>>) dst(%dma_wait3A_202 : memref<128x128xf32, #tpu.memory_space<vmem_shared>>)
      tpu.yield
    }) : () -> ()
    %add3A_9 = arith.constant 256 : i32
    %add3A_10 = arith.addi %mul3A_0, %add3A_9 : i32
    "tpu.region"() ({
      %run_scoped3A_194 = tpu.sem_alloc : memref<!tpu.dma_semaphore, #tpu.memory_space<semaphore_mem>>
      %dma_start3A_195 = arith.constant 0 : i32
      %dma_start3A_196 = tpu.memref_slice %arg6[%add3A_10, %dma_start3A_195] : memref<10000x128xf32, #tpu.memory_space<vmem_shared>> -> memref<128x128xf32, #tpu.memory_space<vmem_shared>>
      %dma_start3A_197 = arith.constant 0 : i32
      %dma_start3A_198 = tpu.memref_slice %arg6[%add3A_10, %dma_start3A_197] : memref<10000x128xf32, #tpu.memory_space<vmem_shared>> -> memref<128x128xf32, #tpu.memory_space<vmem_shared>>
      tpu.enqueue_dma source(%arg15 : memref<128x128xf32, #tpu.memory_space<vmem>>) target(%dma_start3A_198 : memref<128x128xf32, #tpu.memory_space<vmem_shared>>) target_semaphore(%run_scoped3A_194 : memref<!tpu.dma_semaphore, #tpu.memory_space<semaphore_mem>>)
      %dma_wait3A_199 = arith.constant 0 : i32
      %dma_wait3A_200 = tpu.memref_slice %arg6[%add3A_10, %dma_wait3A_199] : memref<10000x128xf32, #tpu.memory_space<vmem_shared>> -> memref<128x128xf32, #tpu.memory_space<vmem_shared>>
      %dma_wait3A_201 = arith.constant 0 : i32
      %dma_wait3A_202 = tpu.memref_slice %arg6[%add3A_10, %dma_wait3A_201] : memref<10000x128xf32, #tpu.memory_space<vmem_shared>> -> memref<128x128xf32, #tpu.memory_space<vmem_shared>>
      tpu.wait_dma2 semaphore(%run_scoped3A_194 : memref<!tpu.dma_semaphore, #tpu.memory_space<semaphore_mem>>) src(%arg15 : memref<128x128xf32, #tpu.memory_space<vmem>>) dst(%dma_wait3A_202 : memref<128x128xf32, #tpu.memory_space<vmem_shared>>)
      tpu.yield
    }) : () -> ()
    %add3A_11 = arith.constant 384 : i32
    %add3A_12 = arith.addi %mul3A_0, %add3A_11 : i32
    "tpu.region"() ({
      %run_scoped3A_194 = tpu.sem_alloc : memref<!tpu.dma_semaphore, #tpu.memory_space<semaphore_mem>>
      %dma_start3A_195 = arith.constant 0 : i32
      %dma_start3A_196 = tpu.memref_slice %arg6[%add3A_12, %dma_start3A_195] : memref<10000x128xf32, #tpu.memory_space<vmem_shared>> -> memref<128x128xf32, #tpu.memory_space<vmem_shared>>
      %dma_start3A_197 = arith.constant 0 : i32
      %dma_start3A_198 = tpu.memref_slice %arg6[%add3A_12, %dma_start3A_197] : memref<10000x128xf32, #tpu.memory_space<vmem_shared>> -> memref<128x128xf32, #tpu.memory_space<vmem_shared>>
      tpu.enqueue_dma source(%arg15 : memref<128x128xf32, #tpu.memory_space<vmem>>) target(%dma_start3A_198 : memref<128x128xf32, #tpu.memory_space<vmem_shared>>) target_semaphore(%run_scoped3A_194 : memref<!tpu.dma_semaphore, #tpu.memory_space<semaphore_mem>>)
      %dma_wait3A_199 = arith.constant 0 : i32
      %dma_wait3A_200 = tpu.memref_slice %arg6[%add3A_12, %dma_wait3A_199] : memref<10000x128xf32, #tpu.memory_space<vmem_shared>> -> memref<128x128xf32, #tpu.memory_space<vmem_shared>>
      %dma_wait3A_201 = arith.constant 0 : i32
      %dma_wait3A_202 = tpu.memref_slice %arg6[%add3A_12, %dma_wait3A_201] : memref<10000x128xf32, #tpu.memory_space<vmem_shared>> -> memref<128x128xf32, #tpu.memory_space<vmem_shared>>
      tpu.wait_dma2 semaphore(%run_scoped3A_194 : memref<!tpu.dma_semaphore, #tpu.memory_space<semaphore_mem>>) src(%arg15 : memref<128x128xf32, #tpu.memory_space<vmem>>) dst(%dma_wait3A_202 : memref<128x128xf32, #tpu.memory_space<vmem_shared>>)
      tpu.yield
    }) : () -> ()
    %add3A_13 = arith.constant 624 : i32
    %add3A_14 = arith.addi %mul3A_0, %add3A_13 : i32
    %sub3A = arith.constant 112 : i32
    %sub3A_15 = arith.subi %add3A_14, %sub3A : i32
    "tpu.region"() ({
      %run_scoped3A_194 = tpu.sem_alloc : memref<!tpu.dma_semaphore, #tpu.memory_space<semaphore_mem>>
      %dma_start3A_195 = arith.constant 0 : i32
      %dma_start3A_196 = arith.constant 0 : i32
      %dma_start3A_197 = tpu.memref_slice %arg15[%dma_start3A_195, %dma_start3A_196] : memref<128x128xf32, #tpu.memory_space<vmem>> -> memref<112x128xf32, #tpu.memory_space<vmem>>
      %dma_start3A_198 = arith.constant 0 : i32
      %dma_start3A_199 = tpu.memref_slice %arg6[%sub3A_15, %dma_start3A_198] : memref<10000x128xf32, #tpu.memory_space<vmem_shared>> -> memref<112x128xf32, #tpu.memory_space<vmem_shared>>
      %dma_start3A_200 = arith.constant 0 : i32
      %dma_start3A_201 = tpu.memref_slice %arg6[%sub3A_15, %dma_start3A_200] : memref<10000x128xf32, #tpu.memory_space<vmem_shared>> -> memref<112x128xf32, #tpu.memory_space<vmem_shared>>
      %dma_start3A_202 = arith.constant 0 : i32
      %dma_start3A_203 = arith.constant 0 : i32
      %dma_start3A_204 = tpu.memref_slice %arg15[%dma_start3A_202, %dma_start3A_203] : memref<128x128xf32, #tpu.memory_space<vmem>> -> memref<112x128xf32, #tpu.memory_space<vmem>>
      tpu.enqueue_dma source(%dma_start3A_204 : memref<112x128xf32, #tpu.memory_space<vmem>>) target(%dma_start3A_201 : memref<112x128xf32, #tpu.memory_space<vmem_shared>>) target_semaphore(%run_scoped3A_194 : memref<!tpu.dma_semaphore, #tpu.memory_space<semaphore_mem>>)
      %dma_wait3A_205 = arith.constant 0 : i32
      %dma_wait3A_206 = arith.constant 0 : i32
      %dma_wait3A_207 = tpu.memref_slice %arg15[%dma_wait3A_205, %dma_wait3A_206] : memref<128x128xf32, #tpu.memory_space<vmem>> -> memref<112x128xf32, #tpu.memory_space<vmem>>
      %dma_wait3A_208 = arith.constant 0 : i32
      %dma_wait3A_209 = tpu.memref_slice %arg6[%sub3A_15, %dma_wait3A_208] : memref<10000x128xf32, #tpu.memory_space<vmem_shared>> -> memref<112x128xf32, #tpu.memory_space<vmem_shared>>
      %dma_wait3A_210 = arith.constant 0 : i32
      %dma_wait3A_211 = tpu.memref_slice %arg6[%sub3A_15, %dma_wait3A_210] : memref<10000x128xf32, #tpu.memory_space<vmem_shared>> -> memref<112x128xf32, #tpu.memory_space<vmem_shared>>
      %dma_wait3A_212 = arith.constant 0 : i32
      %dma_wait3A_213 = arith.constant 0 : i32
      %dma_wait3A_214 = tpu.memref_slice %arg15[%dma_wait3A_212, %dma_wait3A_213] : memref<128x128xf32, #tpu.memory_space<vmem>> -> memref<112x128xf32, #tpu.memory_space<vmem>>
      tpu.wait_dma2 semaphore(%run_scoped3A_194 : memref<!tpu.dma_semaphore, #tpu.memory_space<semaphore_mem>>) src(%dma_wait3A_214 : memref<112x128xf32, #tpu.memory_space<vmem>>) dst(%dma_wait3A_211 : memref<112x128xf32, #tpu.memory_space<vmem_shared>>)
      tpu.yield
    }) : () -> ()
    %eq3A = arith.constant 0 : i32
    %eq3A_16 = arith.cmpi eq, %arg1, %eq3A : i32
    %convert_element_type3A = arith.extui %eq3A_16 : i1 to i32
    %cond3A = arith.constant 0 : i32
    %cond3A_17 = arith.cmpi ne, %convert_element_type3A, %cond3A : i32
    scf.if %cond3A_17 {
      "tpu.region"() ({
        %run_scoped3A_194 = tpu.sem_alloc : memref<!tpu.dma_semaphore, #tpu.memory_space<semaphore_mem>>
        %dma_start3A_195 = arith.constant 0 : i32
        %dma_start3A_196 = arith.constant 0 : i32
        %dma_start3A_197 = tpu.memref_slice %arg15[%dma_start3A_195, %dma_start3A_196] : memref<128x128xf32, #tpu.memory_space<vmem>> -> memref<16x128xf32, #tpu.memory_space<vmem>>
        %dma_start3A_198 = arith.constant 9984 : i32
        %dma_start3A_199 = arith.constant 0 : i32
        %dma_start3A_200 = tpu.memref_slice %arg6[%dma_start3A_198, %dma_start3A_199] : memref<10000x128xf32, #tpu.memory_space<vmem_shared>> -> memref<16x128xf32, #tpu.memory_space<vmem_shared>>
        %dma_start3A_201 = arith.constant 9984 : i32
        %dma_start3A_202 = arith.constant 0 : i32
        %dma_start3A_203 = tpu.memref_slice %arg6[%dma_start3A_201, %dma_start3A_202] : memref<10000x128xf32, #tpu.memory_space<vmem_shared>> -> memref<16x128xf32, #tpu.memory_space<vmem_shared>>
        %dma_start3A_204 = arith.constant 0 : i32
        %dma_start3A_205 = arith.constant 0 : i32
        %dma_start3A_206 = tpu.memref_slice %arg15[%dma_start3A_204, %dma_start3A_205] : memref<128x128xf32, #tpu.memory_space<vmem>> -> memref<16x128xf32, #tpu.memory_space<vmem>>
        tpu.enqueue_dma source(%dma_start3A_206 : memref<16x128xf32, #tpu.memory_space<vmem>>) target(%dma_start3A_203 : memref<16x128xf32, #tpu.memory_space<vmem_shared>>) target_semaphore(%run_scoped3A_194 : memref<!tpu.dma_semaphore, #tpu.memory_space<semaphore_mem>>)
        %dma_wait3A_207 = arith.constant 0 : i32
        %dma_wait3A_208 = arith.constant 0 : i32
        %dma_wait3A_209 = tpu.memref_slice %arg15[%dma_wait3A_207, %dma_wait3A_208] : memref<128x128xf32, #tpu.memory_space<vmem>> -> memref<16x128xf32, #tpu.memory_space<vmem>>
        %dma_wait3A_210 = arith.constant 9984 : i32
        %dma_wait3A_211 = arith.constant 0 : i32
        %dma_wait3A_212 = tpu.memref_slice %arg6[%dma_wait3A_210, %dma_wait3A_211] : memref<10000x128xf32, #tpu.memory_space<vmem_shared>> -> memref<16x128xf32, #tpu.memory_space<vmem_shared>>
        %dma_wait3A_213 = arith.constant 9984 : i32
        %dma_wait3A_214 = arith.constant 0 : i32
        %dma_wait3A_215 = tpu.memref_slice %arg6[%dma_wait3A_213, %dma_wait3A_214] : memref<10000x128xf32, #tpu.memory_space<vmem_shared>> -> memref<16x128xf32, #tpu.memory_space<vmem_shared>>
        %dma_wait3A_216 = arith.constant 0 : i32
        %dma_wait3A_217 = arith.constant 0 : i32
        %dma_wait3A_218 = tpu.memref_slice %arg15[%dma_wait3A_216, %dma_wait3A_217] : memref<128x128xf32, #tpu.memory_space<vmem>> -> memref<16x128xf32, #tpu.memory_space<vmem>>
        tpu.wait_dma2 semaphore(%run_scoped3A_194 : memref<!tpu.dma_semaphore, #tpu.memory_space<semaphore_mem>>) src(%dma_wait3A_218 : memref<16x128xf32, #tpu.memory_space<vmem>>) dst(%dma_wait3A_215 : memref<16x128xf32, #tpu.memory_space<vmem_shared>>)
        tpu.yield
      }) : () -> ()
    } else {
    }
    %barrier3A = arith.constant 0 : index
    tpu.barrier barrier_id(%barrier3A)
    %lt3A = arith.constant 2 : i32
    %lt3A_18 = arith.cmpi slt, %arg1, %lt3A : i32
    %add3A_19 = arith.constant 0 : i32
    %add3A_20 = arith.addi %add3A, %add3A_19 : i32
    %dma_start3A = arith.constant 0 : i32
    %dma_start3A_21 = tpu.memref_slice %arg3[%dma_start3A, %add3A_20] : memref<2x320000xi32, #tpu.memory_space<hbm>> -> memref<1x128xi32, #tpu.memory_space<hbm>>
    %dma_start3A_22 = tpu.memref_squeeze %dma_start3A_21 : memref<1x128xi32, #tpu.memory_space<hbm>> -> memref<128xi32, #tpu.memory_space<hbm>>
    %dma_start3A_23 = tpu.memref_slice %arg3[%dma_start3A, %add3A_20] : memref<2x320000xi32, #tpu.memory_space<hbm>> -> memref<1x128xi32, #tpu.memory_space<hbm>>
    %dma_start3A_24 = tpu.memref_squeeze %dma_start3A_23 : memref<1x128xi32, #tpu.memory_space<hbm>> -> memref<128xi32, #tpu.memory_space<hbm>>
    tpu.enqueue_dma source(%dma_start3A_24 : memref<128xi32, #tpu.memory_space<hbm>>) target(%arg7 : memref<128xi32, #tpu.memory_space<vmem>>) target_semaphore(%arg17 : memref<!tpu.dma_semaphore, #tpu.memory_space<semaphore_mem>>)
    %dma_start3A_25 = arith.constant 1 : i32
    %dma_start3A_26 = arith.constant 0 : i32
    %dma_start3A_27 = arith.constant 0 : i32
    %dma_start3A_28 = tpu.memref_slice %arg11[%dma_start3A_26, %dma_start3A_27] : memref<1x128xi32, #tpu.memory_space<vmem>> -> memref<1x128xi32, #tpu.memory_space<vmem>>
    %dma_start3A_29 = tpu.memref_squeeze %dma_start3A_28 : memref<1x128xi32, #tpu.memory_space<vmem>> -> memref<128xi32, #tpu.memory_space<vmem>>
    %dma_start3A_30 = tpu.memref_slice %arg3[%dma_start3A_25, %add3A_20] : memref<2x320000xi32, #tpu.memory_space<hbm>> -> memref<1x128xi32, #tpu.memory_space<hbm>>
    %dma_start3A_31 = tpu.memref_squeeze %dma_start3A_30 : memref<1x128xi32, #tpu.memory_space<hbm>> -> memref<128xi32, #tpu.memory_space<hbm>>
    %dma_start3A_32 = arith.constant 0 : i32
    %dma_start3A_33 = tpu.memref_slice %arg11[%dma_start3A_26, %dma_start3A_32] : memref<1x128xi32, #tpu.memory_space<vmem>> -> memref<1x128xi32, #tpu.memory_space<vmem>>
    %dma_start3A_34 = tpu.memref_squeeze %dma_start3A_33 : memref<1x128xi32, #tpu.memory_space<vmem>> -> memref<128xi32, #tpu.memory_space<vmem>>
    %dma_start3A_35 = tpu.memref_slice %arg3[%dma_start3A_25, %add3A_20] : memref<2x320000xi32, #tpu.memory_space<hbm>> -> memref<1x128xi32, #tpu.memory_space<hbm>>
    %dma_start3A_36 = tpu.memref_squeeze %dma_start3A_35 : memref<1x128xi32, #tpu.memory_space<hbm>> -> memref<128xi32, #tpu.memory_space<hbm>>
    tpu.enqueue_dma source(%dma_start3A_36 : memref<128xi32, #tpu.memory_space<hbm>>) target(%dma_start3A_34 : memref<128xi32, #tpu.memory_space<vmem>>) target_semaphore(%arg17 : memref<!tpu.dma_semaphore, #tpu.memory_space<semaphore_mem>>)
    %add3A_37 = arith.constant 2048 : i32
    %add3A_38 = arith.addi %add3A, %add3A_37 : i32
    %dma_start3A_39 = arith.constant 0 : i32
    %dma_start3A_40 = tpu.memref_slice %arg3[%dma_start3A_39, %add3A_38] : memref<2x320000xi32, #tpu.memory_space<hbm>> -> memref<1x128xi32, #tpu.memory_space<hbm>>
    %dma_start3A_41 = tpu.memref_squeeze %dma_start3A_40 : memref<1x128xi32, #tpu.memory_space<hbm>> -> memref<128xi32, #tpu.memory_space<hbm>>
    %dma_start3A_42 = tpu.memref_slice %arg3[%dma_start3A_39, %add3A_38] : memref<2x320000xi32, #tpu.memory_space<hbm>> -> memref<1x128xi32, #tpu.memory_space<hbm>>
    %dma_start3A_43 = tpu.memref_squeeze %dma_start3A_42 : memref<1x128xi32, #tpu.memory_space<hbm>> -> memref<128xi32, #tpu.memory_space<hbm>>
    tpu.enqueue_dma source(%dma_start3A_43 : memref<128xi32, #tpu.memory_space<hbm>>) target(%arg8 : memref<128xi32, #tpu.memory_space<vmem>>) target_semaphore(%arg18 : memref<!tpu.dma_semaphore, #tpu.memory_space<semaphore_mem>>)
    %dma_start3A_44 = arith.constant 1 : i32
    %dma_start3A_45 = arith.constant 0 : i32
    %dma_start3A_46 = arith.constant 0 : i32
    %dma_start3A_47 = tpu.memref_slice %arg12[%dma_start3A_45, %dma_start3A_46] : memref<1x128xi32, #tpu.memory_space<vmem>> -> memref<1x128xi32, #tpu.memory_space<vmem>>
    %dma_start3A_48 = tpu.memref_squeeze %dma_start3A_47 : memref<1x128xi32, #tpu.memory_space<vmem>> -> memref<128xi32, #tpu.memory_space<vmem>>
    %dma_start3A_49 = tpu.memref_slice %arg3[%dma_start3A_44, %add3A_38] : memref<2x320000xi32, #tpu.memory_space<hbm>> -> memref<1x128xi32, #tpu.memory_space<hbm>>
    %dma_start3A_50 = tpu.memref_squeeze %dma_start3A_49 : memref<1x128xi32, #tpu.memory_space<hbm>> -> memref<128xi32, #tpu.memory_space<hbm>>
    %dma_start3A_51 = arith.constant 0 : i32
    %dma_start3A_52 = tpu.memref_slice %arg12[%dma_start3A_45, %dma_start3A_51] : memref<1x128xi32, #tpu.memory_space<vmem>> -> memref<1x128xi32, #tpu.memory_space<vmem>>
    %dma_start3A_53 = tpu.memref_squeeze %dma_start3A_52 : memref<1x128xi32, #tpu.memory_space<vmem>> -> memref<128xi32, #tpu.memory_space<vmem>>
    %dma_start3A_54 = tpu.memref_slice %arg3[%dma_start3A_44, %add3A_38] : memref<2x320000xi32, #tpu.memory_space<hbm>> -> memref<1x128xi32, #tpu.memory_space<hbm>>
    %dma_start3A_55 = tpu.memref_squeeze %dma_start3A_54 : memref<1x128xi32, #tpu.memory_space<hbm>> -> memref<128xi32, #tpu.memory_space<hbm>>
    tpu.enqueue_dma source(%dma_start3A_55 : memref<128xi32, #tpu.memory_space<hbm>>) target(%dma_start3A_53 : memref<128xi32, #tpu.memory_space<vmem>>) target_semaphore(%arg18 : memref<!tpu.dma_semaphore, #tpu.memory_space<semaphore_mem>>)
    %add3A_56 = arith.constant 4096 : i32
    %add3A_57 = arith.addi %add3A, %add3A_56 : i32
    %dma_start3A_58 = arith.constant 0 : i32
    %dma_start3A_59 = tpu.memref_slice %arg3[%dma_start3A_58, %add3A_57] : memref<2x320000xi32, #tpu.memory_space<hbm>> -> memref<1x128xi32, #tpu.memory_space<hbm>>
    %dma_start3A_60 = tpu.memref_squeeze %dma_start3A_59 : memref<1x128xi32, #tpu.memory_space<hbm>> -> memref<128xi32, #tpu.memory_space<hbm>>
    %dma_start3A_61 = tpu.memref_slice %arg3[%dma_start3A_58, %add3A_57] : memref<2x320000xi32, #tpu.memory_space<hbm>> -> memref<1x128xi32, #tpu.memory_space<hbm>>
    %dma_start3A_62 = tpu.memref_squeeze %dma_start3A_61 : memref<1x128xi32, #tpu.memory_space<hbm>> -> memref<128xi32, #tpu.memory_space<hbm>>
    tpu.enqueue_dma source(%dma_start3A_62 : memref<128xi32, #tpu.memory_space<hbm>>) target(%arg9 : memref<128xi32, #tpu.memory_space<vmem>>) target_semaphore(%arg19 : memref<!tpu.dma_semaphore, #tpu.memory_space<semaphore_mem>>)
    %dma_start3A_63 = arith.constant 1 : i32
    %dma_start3A_64 = arith.constant 0 : i32
    %dma_start3A_65 = arith.constant 0 : i32
    %dma_start3A_66 = tpu.memref_slice %arg13[%dma_start3A_64, %dma_start3A_65] : memref<1x128xi32, #tpu.memory_space<vmem>> -> memref<1x128xi32, #tpu.memory_space<vmem>>
    %dma_start3A_67 = tpu.memref_squeeze %dma_start3A_66 : memref<1x128xi32, #tpu.memory_space<vmem>> -> memref<128xi32, #tpu.memory_space<vmem>>
    %dma_start3A_68 = tpu.memref_slice %arg3[%dma_start3A_63, %add3A_57] : memref<2x320000xi32, #tpu.memory_space<hbm>> -> memref<1x128xi32, #tpu.memory_space<hbm>>
    %dma_start3A_69 = tpu.memref_squeeze %dma_start3A_68 : memref<1x128xi32, #tpu.memory_space<hbm>> -> memref<128xi32, #tpu.memory_space<hbm>>
    %dma_start3A_70 = arith.constant 0 : i32
    %dma_start3A_71 = tpu.memref_slice %arg13[%dma_start3A_64, %dma_start3A_70] : memref<1x128xi32, #tpu.memory_space<vmem>> -> memref<1x128xi32, #tpu.memory_space<vmem>>
    %dma_start3A_72 = tpu.memref_squeeze %dma_start3A_71 : memref<1x128xi32, #tpu.memory_space<vmem>> -> memref<128xi32, #tpu.memory_space<vmem>>
    %dma_start3A_73 = tpu.memref_slice %arg3[%dma_start3A_63, %add3A_57] : memref<2x320000xi32, #tpu.memory_space<hbm>> -> memref<1x128xi32, #tpu.memory_space<hbm>>
    %dma_start3A_74 = tpu.memref_squeeze %dma_start3A_73 : memref<1x128xi32, #tpu.memory_space<hbm>> -> memref<128xi32, #tpu.memory_space<hbm>>
    tpu.enqueue_dma source(%dma_start3A_74 : memref<128xi32, #tpu.memory_space<hbm>>) target(%dma_start3A_72 : memref<128xi32, #tpu.memory_space<vmem>>) target_semaphore(%arg19 : memref<!tpu.dma_semaphore, #tpu.memory_space<semaphore_mem>>)
    %add3A_75 = arith.constant 6144 : i32
    %add3A_76 = arith.addi %add3A, %add3A_75 : i32
    %dma_start3A_77 = arith.constant 0 : i32
    %dma_start3A_78 = tpu.memref_slice %arg3[%dma_start3A_77, %add3A_76] : memref<2x320000xi32, #tpu.memory_space<hbm>> -> memref<1x128xi32, #tpu.memory_space<hbm>>
    %dma_start3A_79 = tpu.memref_squeeze %dma_start3A_78 : memref<1x128xi32, #tpu.memory_space<hbm>> -> memref<128xi32, #tpu.memory_space<hbm>>
    %dma_start3A_80 = tpu.memref_slice %arg3[%dma_start3A_77, %add3A_76] : memref<2x320000xi32, #tpu.memory_space<hbm>> -> memref<1x128xi32, #tpu.memory_space<hbm>>
    %dma_start3A_81 = tpu.memref_squeeze %dma_start3A_80 : memref<1x128xi32, #tpu.memory_space<hbm>> -> memref<128xi32, #tpu.memory_space<hbm>>
    tpu.enqueue_dma source(%dma_start3A_81 : memref<128xi32, #tpu.memory_space<hbm>>) target(%arg10 : memref<128xi32, #tpu.memory_space<vmem>>) target_semaphore(%arg20 : memref<!tpu.dma_semaphore, #tpu.memory_space<semaphore_mem>>)
    %dma_start3A_82 = arith.constant 1 : i32
    %dma_start3A_83 = arith.constant 0 : i32
    %dma_start3A_84 = arith.constant 0 : i32
    %dma_start3A_85 = tpu.memref_slice %arg14[%dma_start3A_83, %dma_start3A_84] : memref<1x128xi32, #tpu.memory_space<vmem>> -> memref<1x128xi32, #tpu.memory_space<vmem>>
    %dma_start3A_86 = tpu.memref_squeeze %dma_start3A_85 : memref<1x128xi32, #tpu.memory_space<vmem>> -> memref<128xi32, #tpu.memory_space<vmem>>
    %dma_start3A_87 = tpu.memref_slice %arg3[%dma_start3A_82, %add3A_76] : memref<2x320000xi32, #tpu.memory_space<hbm>> -> memref<1x128xi32, #tpu.memory_space<hbm>>
    %dma_start3A_88 = tpu.memref_squeeze %dma_start3A_87 : memref<1x128xi32, #tpu.memory_space<hbm>> -> memref<128xi32, #tpu.memory_space<hbm>>
    %dma_start3A_89 = arith.constant 0 : i32
    %dma_start3A_90 = tpu.memref_slice %arg14[%dma_start3A_83, %dma_start3A_89] : memref<1x128xi32, #tpu.memory_space<vmem>> -> memref<1x128xi32, #tpu.memory_space<vmem>>
    %dma_start3A_91 = tpu.memref_squeeze %dma_start3A_90 : memref<1x128xi32, #tpu.memory_space<vmem>> -> memref<128xi32, #tpu.memory_space<vmem>>
    %dma_start3A_92 = tpu.memref_slice %arg3[%dma_start3A_82, %add3A_76] : memref<2x320000xi32, #tpu.memory_space<hbm>> -> memref<1x128xi32, #tpu.memory_space<hbm>>
    %dma_start3A_93 = tpu.memref_squeeze %dma_start3A_92 : memref<1x128xi32, #tpu.memory_space<hbm>> -> memref<128xi32, #tpu.memory_space<hbm>>
    tpu.enqueue_dma source(%dma_start3A_93 : memref<128xi32, #tpu.memory_space<hbm>>) target(%dma_start3A_91 : memref<128xi32, #tpu.memory_space<vmem>>) target_semaphore(%arg20 : memref<!tpu.dma_semaphore, #tpu.memory_space<semaphore_mem>>)
    %add3A_94 = arith.constant 0 : i32
    %add3A_95 = arith.addi %add3A, %add3A_94 : i32
    %dma_wait3A = arith.constant 0 : i32
    %dma_wait3A_96 = tpu.memref_slice %arg3[%dma_wait3A, %add3A_95] : memref<2x320000xi32, #tpu.memory_space<hbm>> -> memref<1x128xi32, #tpu.memory_space<hbm>>
    %dma_wait3A_97 = tpu.memref_squeeze %dma_wait3A_96 : memref<1x128xi32, #tpu.memory_space<hbm>> -> memref<128xi32, #tpu.memory_space<hbm>>
    %dma_wait3A_98 = tpu.memref_slice %arg3[%dma_wait3A, %add3A_95] : memref<2x320000xi32, #tpu.memory_space<hbm>> -> memref<1x128xi32, #tpu.memory_space<hbm>>
    %dma_wait3A_99 = tpu.memref_squeeze %dma_wait3A_98 : memref<1x128xi32, #tpu.memory_space<hbm>> -> memref<128xi32, #tpu.memory_space<hbm>>
    tpu.wait_dma2 semaphore(%arg17 : memref<!tpu.dma_semaphore, #tpu.memory_space<semaphore_mem>>) src(%dma_wait3A_99 : memref<128xi32, #tpu.memory_space<hbm>>) dst(%arg7 : memref<128xi32, #tpu.memory_space<vmem>>)
    %dma_wait3A_100 = arith.constant 1 : i32
    %dma_wait3A_101 = arith.constant 0 : i32
    %dma_wait3A_102 = arith.constant 0 : i32
    %dma_wait3A_103 = tpu.memref_slice %arg11[%dma_wait3A_101, %dma_wait3A_102] : memref<1x128xi32, #tpu.memory_space<vmem>> -> memref<1x128xi32, #tpu.memory_space<vmem>>
    %dma_wait3A_104 = tpu.memref_squeeze %dma_wait3A_103 : memref<1x128xi32, #tpu.memory_space<vmem>> -> memref<128xi32, #tpu.memory_space<vmem>>
    %dma_wait3A_105 = tpu.memref_slice %arg3[%dma_wait3A_100, %add3A_95] : memref<2x320000xi32, #tpu.memory_space<hbm>> -> memref<1x128xi32, #tpu.memory_space<hbm>>
    %dma_wait3A_106 = tpu.memref_squeeze %dma_wait3A_105 : memref<1x128xi32, #tpu.memory_space<hbm>> -> memref<128xi32, #tpu.memory_space<hbm>>
    %dma_wait3A_107 = arith.constant 0 : i32
    %dma_wait3A_108 = tpu.memref_slice %arg11[%dma_wait3A_101, %dma_wait3A_107] : memref<1x128xi32, #tpu.memory_space<vmem>> -> memref<1x128xi32, #tpu.memory_space<vmem>>
    %dma_wait3A_109 = tpu.memref_squeeze %dma_wait3A_108 : memref<1x128xi32, #tpu.memory_space<vmem>> -> memref<128xi32, #tpu.memory_space<vmem>>
    %dma_wait3A_110 = tpu.memref_slice %arg3[%dma_wait3A_100, %add3A_95] : memref<2x320000xi32, #tpu.memory_space<hbm>> -> memref<1x128xi32, #tpu.memory_space<hbm>>
    %dma_wait3A_111 = tpu.memref_squeeze %dma_wait3A_110 : memref<1x128xi32, #tpu.memory_space<hbm>> -> memref<128xi32, #tpu.memory_space<hbm>>
    tpu.wait_dma2 semaphore(%arg17 : memref<!tpu.dma_semaphore, #tpu.memory_space<semaphore_mem>>) src(%dma_wait3A_111 : memref<128xi32, #tpu.memory_space<hbm>>) dst(%dma_wait3A_109 : memref<128xi32, #tpu.memory_space<vmem>>)
    %dma_start3A_112 = arith.constant 0 : i32
    %dma_start3A_113 = arith.constant 0 : i32
    %dma_start3A_114 = tpu.memref_slice %arg2[%dma_start3A_112, %dma_start3A_113] : memref<10000x128xf32, #tpu.memory_space<hbm>> -> memref<10000x128xf32, #tpu.memory_space<hbm>>
    tpu.enqueue_indirect_dma source(%dma_start3A_114 : memref<10000x128xf32, #tpu.memory_space<hbm>>) target(%arg15 : memref<128x128xf32, #tpu.memory_space<vmem>>) offsets(%arg7 : memref<128xi32, #tpu.memory_space<vmem>>) semaphore(%arg21 : memref<!tpu.dma_semaphore, #tpu.memory_space<semaphore_mem>>)
    %add3A_115 = arith.constant 2048 : i32
    %add3A_116 = arith.addi %add3A, %add3A_115 : i32
    %dma_wait3A_117 = arith.constant 0 : i32
    %dma_wait3A_118 = tpu.memref_slice %arg3[%dma_wait3A_117, %add3A_116] : memref<2x320000xi32, #tpu.memory_space<hbm>> -> memref<1x128xi32, #tpu.memory_space<hbm>>
    %dma_wait3A_119 = tpu.memref_squeeze %dma_wait3A_118 : memref<1x128xi32, #tpu.memory_space<hbm>> -> memref<128xi32, #tpu.memory_space<hbm>>
    %dma_wait3A_120 = tpu.memref_slice %arg3[%dma_wait3A_117, %add3A_116] : memref<2x320000xi32, #tpu.memory_space<hbm>> -> memref<1x128xi32, #tpu.memory_space<hbm>>
    %dma_wait3A_121 = tpu.memref_squeeze %dma_wait3A_120 : memref<1x128xi32, #tpu.memory_space<hbm>> -> memref<128xi32, #tpu.memory_space<hbm>>
    tpu.wait_dma2 semaphore(%arg18 : memref<!tpu.dma_semaphore, #tpu.memory_space<semaphore_mem>>) src(%dma_wait3A_121 : memref<128xi32, #tpu.memory_space<hbm>>) dst(%arg8 : memref<128xi32, #tpu.memory_space<vmem>>)
    %dma_wait3A_122 = arith.constant 1 : i32
    %dma_wait3A_123 = arith.constant 0 : i32
    %dma_wait3A_124 = arith.constant 0 : i32
    %dma_wait3A_125 = tpu.memref_slice %arg12[%dma_wait3A_123, %dma_wait3A_124] : memref<1x128xi32, #tpu.memory_space<vmem>> -> memref<1x128xi32, #tpu.memory_space<vmem>>
    %dma_wait3A_126 = tpu.memref_squeeze %dma_wait3A_125 : memref<1x128xi32, #tpu.memory_space<vmem>> -> memref<128xi32, #tpu.memory_space<vmem>>
    %dma_wait3A_127 = tpu.memref_slice %arg3[%dma_wait3A_122, %add3A_116] : memref<2x320000xi32, #tpu.memory_space<hbm>> -> memref<1x128xi32, #tpu.memory_space<hbm>>
    %dma_wait3A_128 = tpu.memref_squeeze %dma_wait3A_127 : memref<1x128xi32, #tpu.memory_space<hbm>> -> memref<128xi32, #tpu.memory_space<hbm>>
    %dma_wait3A_129 = arith.constant 0 : i32
    %dma_wait3A_130 = tpu.memref_slice %arg12[%dma_wait3A_123, %dma_wait3A_129] : memref<1x128xi32, #tpu.memory_space<vmem>> -> memref<1x128xi32, #tpu.memory_space<vmem>>
    %dma_wait3A_131 = tpu.memref_squeeze %dma_wait3A_130 : memref<1x128xi32, #tpu.memory_space<vmem>> -> memref<128xi32, #tpu.memory_space<vmem>>
    %dma_wait3A_132 = tpu.memref_slice %arg3[%dma_wait3A_122, %add3A_116] : memref<2x320000xi32, #tpu.memory_space<hbm>> -> memref<1x128xi32, #tpu.memory_space<hbm>>
    %dma_wait3A_133 = tpu.memref_squeeze %dma_wait3A_132 : memref<1x128xi32, #tpu.memory_space<hbm>> -> memref<128xi32, #tpu.memory_space<hbm>>
    tpu.wait_dma2 semaphore(%arg18 : memref<!tpu.dma_semaphore, #tpu.memory_space<semaphore_mem>>) src(%dma_wait3A_133 : memref<128xi32, #tpu.memory_space<hbm>>) dst(%dma_wait3A_131 : memref<128xi32, #tpu.memory_space<vmem>>)
    %dma_start3A_134 = arith.constant 0 : i32
    %dma_start3A_135 = arith.constant 0 : i32
    %dma_start3A_136 = tpu.memref_slice %arg2[%dma_start3A_134, %dma_start3A_135] : memref<10000x128xf32, #tpu.memory_space<hbm>> -> memref<10000x128xf32, #tpu.memory_space<hbm>>
    tpu.enqueue_indirect_dma source(%dma_start3A_136 : memref<10000x128xf32, #tpu.memory_space<hbm>>) target(%arg16 : memref<128x128xf32, #tpu.memory_space<vmem>>) offsets(%arg8 : memref<128xi32, #tpu.memory_space<vmem>>) semaphore(%arg22 : memref<!tpu.dma_semaphore, #tpu.memory_space<semaphore_mem>>)
    %scan3A = arith.constant 0 : i32
    %scan3A_137 = arith.constant 0 : i32
    %scan3A_138 = arith.constant 19 : i32
    %scan3A_139 = arith.addi %scan3A_137, %scan3A_138 : i32
    %scan3A_140 = arith.constant 1 : i32
    scf.for %scan3A_194 = %scan3A_137 to %scan3A_139 step %scan3A_140  : i32 {
      %mul3A_195 = arith.constant 4 : i32
      %mul3A_196 = arith.muli %mul3A_195, %scan3A_194 : i32
      %add3A_197 = arith.constant 0 : i32
      %add3A_198 = arith.addi %mul3A_196, %add3A_197 : i32
      %dma_wait3A_199 = arith.constant 0 : i32
      %dma_wait3A_200 = arith.constant 0 : i32
      %dma_wait3A_201 = tpu.memref_slice %arg2[%dma_wait3A_199, %dma_wait3A_200] : memref<10000x128xf32, #tpu.memory_space<hbm>> -> memref<10000x128xf32, #tpu.memory_space<hbm>>
      tpu.wait_indirect_dma semaphore(%arg21 : memref<!tpu.dma_semaphore, #tpu.memory_space<semaphore_mem>>) src(%dma_wait3A_201 : memref<10000x128xf32, #tpu.memory_space<hbm>>) dst(%arg15 : memref<128x128xf32, #tpu.memory_space<vmem>>)
      %run_scoped3A_202 = arith.constant 0 : i32
      "tpu.region"() ({
        %run_scoped3A_365 = tpu.sem_alloc : memref<!tpu.dma_semaphore, #tpu.memory_space<semaphore_mem>>
        %dma_start3A_366 = arith.constant 0 : i32
        %dma_start3A_367 = tpu.memref_slice %arg11[%run_scoped3A_202, %dma_start3A_366] : memref<1x128xi32, #tpu.memory_space<vmem>> -> memref<1x128xi32, #tpu.memory_space<vmem>>
        %dma_start3A_368 = tpu.memref_squeeze %dma_start3A_367 : memref<1x128xi32, #tpu.memory_space<vmem>> -> memref<128xi32, #tpu.memory_space<vmem>>
        %dma_start3A_369 = arith.constant 0 : i32
        %dma_start3A_370 = arith.constant 0 : i32
        %dma_start3A_371 = tpu.memref_slice %arg6[%dma_start3A_369, %dma_start3A_370] : memref<10000x128xf32, #tpu.memory_space<vmem_shared>> -> memref<10000x128xf32, #tpu.memory_space<vmem_shared>>
        tpu.enqueue_indirect_dma source(%arg15 : memref<128x128xf32, #tpu.memory_space<vmem>>) target(%dma_start3A_371 : memref<10000x128xf32, #tpu.memory_space<vmem_shared>>) offsets(%dma_start3A_368 : memref<128xi32, #tpu.memory_space<vmem>>) semaphore(%run_scoped3A_365 : memref<!tpu.dma_semaphore, #tpu.memory_space<semaphore_mem>>) {add = true}
        %dma_wait3A_372 = arith.constant 0 : i32
        %dma_wait3A_373 = tpu.memref_slice %arg11[%run_scoped3A_202, %dma_wait3A_372] : memref<1x128xi32, #tpu.memory_space<vmem>> -> memref<1x128xi32, #tpu.memory_space<vmem>>
        %dma_wait3A_374 = tpu.memref_squeeze %dma_wait3A_373 : memref<1x128xi32, #tpu.memory_space<vmem>> -> memref<128xi32, #tpu.memory_space<vmem>>
        %dma_wait3A_375 = arith.constant 0 : i32
        %dma_wait3A_376 = arith.constant 0 : i32
        %dma_wait3A_377 = tpu.memref_slice %arg6[%dma_wait3A_375, %dma_wait3A_376] : memref<10000x128xf32, #tpu.memory_space<vmem_shared>> -> memref<10000x128xf32, #tpu.memory_space<vmem_shared>>
        tpu.wait_indirect_dma semaphore(%run_scoped3A_365 : memref<!tpu.dma_semaphore, #tpu.memory_space<semaphore_mem>>) src(%arg15 : memref<128x128xf32, #tpu.memory_space<vmem>>) dst(%dma_wait3A_377 : memref<10000x128xf32, #tpu.memory_space<vmem_shared>>)
        tpu.yield
      }) : () -> ()
      %add3A_203 = arith.constant 4 : i32
      %add3A_204 = arith.addi %add3A_198, %add3A_203 : i32
      %lt3A_205 = arith.constant 78 : i32
      %lt3A_206 = arith.cmpi slt, %add3A_204, %lt3A_205 : i32
      %eq3A_207 = arith.constant 78 : i32
      %eq3A_208 = arith.cmpi eq, %add3A_204, %eq3A_207 : i32
      %and3A_209 = arith.andi %eq3A_208, %lt3A_18 : i1
      %or3A_210 = arith.ori %lt3A_206, %and3A_209 : i1
      %convert_element_type3A_211 = arith.extui %or3A_210 : i1 to i32
      %cond3A_212 = arith.constant 0 : i32
      %cond3A_213 = arith.cmpi ne, %convert_element_type3A_211, %cond3A_212 : i32
      scf.if %cond3A_213 {
        %add3A_365 = arith.constant 4 : i32
        %add3A_366 = arith.addi %add3A_198, %add3A_365 : i32
        %mul3A_367 = arith.constant 2048 : i32
        %mul3A_368 = arith.muli %add3A_366, %mul3A_367 : i32
        %add3A_369 = arith.addi %add3A, %mul3A_368 : i32
        %dma_start3A_370 = arith.constant 0 : i32
        %dma_start3A_371 = tpu.memref_slice %arg3[%dma_start3A_370, %add3A_369] : memref<2x320000xi32, #tpu.memory_space<hbm>> -> memref<1x128xi32, #tpu.memory_space<hbm>>
        %dma_start3A_372 = tpu.memref_squeeze %dma_start3A_371 : memref<1x128xi32, #tpu.memory_space<hbm>> -> memref<128xi32, #tpu.memory_space<hbm>>
        %dma_start3A_373 = tpu.memref_slice %arg3[%dma_start3A_370, %add3A_369] : memref<2x320000xi32, #tpu.memory_space<hbm>> -> memref<1x128xi32, #tpu.memory_space<hbm>>
        %dma_start3A_374 = tpu.memref_squeeze %dma_start3A_373 : memref<1x128xi32, #tpu.memory_space<hbm>> -> memref<128xi32, #tpu.memory_space<hbm>>
        tpu.enqueue_dma source(%dma_start3A_374 : memref<128xi32, #tpu.memory_space<hbm>>) target(%arg7 : memref<128xi32, #tpu.memory_space<vmem>>) target_semaphore(%arg17 : memref<!tpu.dma_semaphore, #tpu.memory_space<semaphore_mem>>)
        %dma_start3A_375 = arith.constant 1 : i32
        %dma_start3A_376 = arith.constant 0 : i32
        %dma_start3A_377 = arith.constant 0 : i32
        %dma_start3A_378 = tpu.memref_slice %arg11[%dma_start3A_376, %dma_start3A_377] : memref<1x128xi32, #tpu.memory_space<vmem>> -> memref<1x128xi32, #tpu.memory_space<vmem>>
        %dma_start3A_379 = tpu.memref_squeeze %dma_start3A_378 : memref<1x128xi32, #tpu.memory_space<vmem>> -> memref<128xi32, #tpu.memory_space<vmem>>
        %dma_start3A_380 = tpu.memref_slice %arg3[%dma_start3A_375, %add3A_369] : memref<2x320000xi32, #tpu.memory_space<hbm>> -> memref<1x128xi32, #tpu.memory_space<hbm>>
        %dma_start3A_381 = tpu.memref_squeeze %dma_start3A_380 : memref<1x128xi32, #tpu.memory_space<hbm>> -> memref<128xi32, #tpu.memory_space<hbm>>
        %dma_start3A_382 = arith.constant 0 : i32
        %dma_start3A_383 = tpu.memref_slice %arg11[%dma_start3A_376, %dma_start3A_382] : memref<1x128xi32, #tpu.memory_space<vmem>> -> memref<1x128xi32, #tpu.memory_space<vmem>>
        %dma_start3A_384 = tpu.memref_squeeze %dma_start3A_383 : memref<1x128xi32, #tpu.memory_space<vmem>> -> memref<128xi32, #tpu.memory_space<vmem>>
        %dma_start3A_385 = tpu.memref_slice %arg3[%dma_start3A_375, %add3A_369] : memref<2x320000xi32, #tpu.memory_space<hbm>> -> memref<1x128xi32, #tpu.memory_space<hbm>>
        %dma_start3A_386 = tpu.memref_squeeze %dma_start3A_385 : memref<1x128xi32, #tpu.memory_space<hbm>> -> memref<128xi32, #tpu.memory_space<hbm>>
        tpu.enqueue_dma source(%dma_start3A_386 : memref<128xi32, #tpu.memory_space<hbm>>) target(%dma_start3A_384 : memref<128xi32, #tpu.memory_space<vmem>>) target_semaphore(%arg17 : memref<!tpu.dma_semaphore, #tpu.memory_space<semaphore_mem>>)
      } else {
      }
      %add3A_214 = arith.constant 2 : i32
      %add3A_215 = arith.addi %add3A_198, %add3A_214 : i32
      %mul3A_216 = arith.constant 2048 : i32
      %mul3A_217 = arith.muli %add3A_215, %mul3A_216 : i32
      %add3A_218 = arith.addi %add3A, %mul3A_217 : i32
      %dma_wait3A_219 = arith.constant 0 : i32
      %dma_wait3A_220 = tpu.memref_slice %arg3[%dma_wait3A_219, %add3A_218] : memref<2x320000xi32, #tpu.memory_space<hbm>> -> memref<1x128xi32, #tpu.memory_space<hbm>>
      %dma_wait3A_221 = tpu.memref_squeeze %dma_wait3A_220 : memref<1x128xi32, #tpu.memory_space<hbm>> -> memref<128xi32, #tpu.memory_space<hbm>>
      %dma_wait3A_222 = tpu.memref_slice %arg3[%dma_wait3A_219, %add3A_218] : memref<2x320000xi32, #tpu.memory_space<hbm>> -> memref<1x128xi32, #tpu.memory_space<hbm>>
      %dma_wait3A_223 = tpu.memref_squeeze %dma_wait3A_222 : memref<1x128xi32, #tpu.memory_space<hbm>> -> memref<128xi32, #tpu.memory_space<hbm>>
      tpu.wait_dma2 semaphore(%arg19 : memref<!tpu.dma_semaphore, #tpu.memory_space<semaphore_mem>>) src(%dma_wait3A_223 : memref<128xi32, #tpu.memory_space<hbm>>) dst(%arg9 : memref<128xi32, #tpu.memory_space<vmem>>)
      %dma_wait3A_224 = arith.constant 1 : i32
      %dma_wait3A_225 = arith.constant 0 : i32
      %dma_wait3A_226 = arith.constant 0 : i32
      %dma_wait3A_227 = tpu.memref_slice %arg13[%dma_wait3A_225, %dma_wait3A_226] : memref<1x128xi32, #tpu.memory_space<vmem>> -> memref<1x128xi32, #tpu.memory_space<vmem>>
      %dma_wait3A_228 = tpu.memref_squeeze %dma_wait3A_227 : memref<1x128xi32, #tpu.memory_space<vmem>> -> memref<128xi32, #tpu.memory_space<vmem>>
      %dma_wait3A_229 = tpu.memref_slice %arg3[%dma_wait3A_224, %add3A_218] : memref<2x320000xi32, #tpu.memory_space<hbm>> -> memref<1x128xi32, #tpu.memory_space<hbm>>
      %dma_wait3A_230 = tpu.memref_squeeze %dma_wait3A_229 : memref<1x128xi32, #tpu.memory_space<hbm>> -> memref<128xi32, #tpu.memory_space<hbm>>
      %dma_wait3A_231 = arith.constant 0 : i32
      %dma_wait3A_232 = tpu.memref_slice %arg13[%dma_wait3A_225, %dma_wait3A_231] : memref<1x128xi32, #tpu.memory_space<vmem>> -> memref<1x128xi32, #tpu.memory_space<vmem>>
      %dma_wait3A_233 = tpu.memref_squeeze %dma_wait3A_232 : memref<1x128xi32, #tpu.memory_space<vmem>> -> memref<128xi32, #tpu.memory_space<vmem>>
      %dma_wait3A_234 = tpu.memref_slice %arg3[%dma_wait3A_224, %add3A_218] : memref<2x320000xi32, #tpu.memory_space<hbm>> -> memref<1x128xi32, #tpu.memory_space<hbm>>
      %dma_wait3A_235 = tpu.memref_squeeze %dma_wait3A_234 : memref<1x128xi32, #tpu.memory_space<hbm>> -> memref<128xi32, #tpu.memory_space<hbm>>
      tpu.wait_dma2 semaphore(%arg19 : memref<!tpu.dma_semaphore, #tpu.memory_space<semaphore_mem>>) src(%dma_wait3A_235 : memref<128xi32, #tpu.memory_space<hbm>>) dst(%dma_wait3A_233 : memref<128xi32, #tpu.memory_space<vmem>>)
      %dma_start3A_236 = arith.constant 0 : i32
      %dma_start3A_237 = arith.constant 0 : i32
      %dma_start3A_238 = tpu.memref_slice %arg2[%dma_start3A_236, %dma_start3A_237] : memref<10000x128xf32, #tpu.memory_space<hbm>> -> memref<10000x128xf32, #tpu.memory_space<hbm>>
      tpu.enqueue_indirect_dma source(%dma_start3A_238 : memref<10000x128xf32, #tpu.memory_space<hbm>>) target(%arg15 : memref<128x128xf32, #tpu.memory_space<vmem>>) offsets(%arg9 : memref<128xi32, #tpu.memory_space<vmem>>) semaphore(%arg21 : memref<!tpu.dma_semaphore, #tpu.memory_space<semaphore_mem>>)
      %add3A_239 = arith.constant 1 : i32
      %add3A_240 = arith.addi %mul3A_196, %add3A_239 : i32
      %dma_wait3A_241 = arith.constant 0 : i32
      %dma_wait3A_242 = arith.constant 0 : i32
      %dma_wait3A_243 = tpu.memref_slice %arg2[%dma_wait3A_241, %dma_wait3A_242] : memref<10000x128xf32, #tpu.memory_space<hbm>> -> memref<10000x128xf32, #tpu.memory_space<hbm>>
      tpu.wait_indirect_dma semaphore(%arg22 : memref<!tpu.dma_semaphore, #tpu.memory_space<semaphore_mem>>) src(%dma_wait3A_243 : memref<10000x128xf32, #tpu.memory_space<hbm>>) dst(%arg16 : memref<128x128xf32, #tpu.memory_space<vmem>>)
      %run_scoped3A_244 = arith.constant 0 : i32
      "tpu.region"() ({
        %run_scoped3A_365 = tpu.sem_alloc : memref<!tpu.dma_semaphore, #tpu.memory_space<semaphore_mem>>
        %dma_start3A_366 = arith.constant 0 : i32
        %dma_start3A_367 = tpu.memref_slice %arg12[%run_scoped3A_244, %dma_start3A_366] : memref<1x128xi32, #tpu.memory_space<vmem>> -> memref<1x128xi32, #tpu.memory_space<vmem>>
        %dma_start3A_368 = tpu.memref_squeeze %dma_start3A_367 : memref<1x128xi32, #tpu.memory_space<vmem>> -> memref<128xi32, #tpu.memory_space<vmem>>
        %dma_start3A_369 = arith.constant 0 : i32
        %dma_start3A_370 = arith.constant 0 : i32
        %dma_start3A_371 = tpu.memref_slice %arg6[%dma_start3A_369, %dma_start3A_370] : memref<10000x128xf32, #tpu.memory_space<vmem_shared>> -> memref<10000x128xf32, #tpu.memory_space<vmem_shared>>
        tpu.enqueue_indirect_dma source(%arg16 : memref<128x128xf32, #tpu.memory_space<vmem>>) target(%dma_start3A_371 : memref<10000x128xf32, #tpu.memory_space<vmem_shared>>) offsets(%dma_start3A_368 : memref<128xi32, #tpu.memory_space<vmem>>) semaphore(%run_scoped3A_365 : memref<!tpu.dma_semaphore, #tpu.memory_space<semaphore_mem>>) {add = true}
        %dma_wait3A_372 = arith.constant 0 : i32
        %dma_wait3A_373 = tpu.memref_slice %arg12[%run_scoped3A_244, %dma_wait3A_372] : memref<1x128xi32, #tpu.memory_space<vmem>> -> memref<1x128xi32, #tpu.memory_space<vmem>>
        %dma_wait3A_374 = tpu.memref_squeeze %dma_wait3A_373 : memref<1x128xi32, #tpu.memory_space<vmem>> -> memref<128xi32, #tpu.memory_space<vmem>>
        %dma_wait3A_375 = arith.constant 0 : i32
        %dma_wait3A_376 = arith.constant 0 : i32
        %dma_wait3A_377 = tpu.memref_slice %arg6[%dma_wait3A_375, %dma_wait3A_376] : memref<10000x128xf32, #tpu.memory_space<vmem_shared>> -> memref<10000x128xf32, #tpu.memory_space<vmem_shared>>
        tpu.wait_indirect_dma semaphore(%run_scoped3A_365 : memref<!tpu.dma_semaphore, #tpu.memory_space<semaphore_mem>>) src(%arg16 : memref<128x128xf32, #tpu.memory_space<vmem>>) dst(%dma_wait3A_377 : memref<10000x128xf32, #tpu.memory_space<vmem_shared>>)
        tpu.yield
      }) : () -> ()
      %add3A_245 = arith.constant 4 : i32
      %add3A_246 = arith.addi %add3A_240, %add3A_245 : i32
      %lt3A_247 = arith.constant 78 : i32
      %lt3A_248 = arith.cmpi slt, %add3A_246, %lt3A_247 : i32
      %eq3A_249 = arith.constant 78 : i32
      %eq3A_250 = arith.cmpi eq, %add3A_246, %eq3A_249 : i32
      %and3A_251 = arith.andi %eq3A_250, %lt3A_18 : i1
      %or3A_252 = arith.ori %lt3A_248, %and3A_251 : i1
      %convert_element_type3A_253 = arith.extui %or3A_252 : i1 to i32
      %cond3A_254 = arith.constant 0 : i32
      %cond3A_255 = arith.cmpi ne, %convert_element_type3A_253, %cond3A_254 : i32
      scf.if %cond3A_255 {
        %add3A_365 = arith.constant 4 : i32
        %add3A_366 = arith.addi %add3A_240, %add3A_365 : i32
        %mul3A_367 = arith.constant 2048 : i32
        %mul3A_368 = arith.muli %add3A_366, %mul3A_367 : i32
        %add3A_369 = arith.addi %add3A, %mul3A_368 : i32
        %dma_start3A_370 = arith.constant 0 : i32
        %dma_start3A_371 = tpu.memref_slice %arg3[%dma_start3A_370, %add3A_369] : memref<2x320000xi32, #tpu.memory_space<hbm>> -> memref<1x128xi32, #tpu.memory_space<hbm>>
        %dma_start3A_372 = tpu.memref_squeeze %dma_start3A_371 : memref<1x128xi32, #tpu.memory_space<hbm>> -> memref<128xi32, #tpu.memory_space<hbm>>
        %dma_start3A_373 = tpu.memref_slice %arg3[%dma_start3A_370, %add3A_369] : memref<2x320000xi32, #tpu.memory_space<hbm>> -> memref<1x128xi32, #tpu.memory_space<hbm>>
        %dma_start3A_374 = tpu.memref_squeeze %dma_start3A_373 : memref<1x128xi32, #tpu.memory_space<hbm>> -> memref<128xi32, #tpu.memory_space<hbm>>
        tpu.enqueue_dma source(%dma_start3A_374 : memref<128xi32, #tpu.memory_space<hbm>>) target(%arg8 : memref<128xi32, #tpu.memory_space<vmem>>) target_semaphore(%arg18 : memref<!tpu.dma_semaphore, #tpu.memory_space<semaphore_mem>>)
        %dma_start3A_375 = arith.constant 1 : i32
        %dma_start3A_376 = arith.constant 0 : i32
        %dma_start3A_377 = arith.constant 0 : i32
        %dma_start3A_378 = tpu.memref_slice %arg12[%dma_start3A_376, %dma_start3A_377] : memref<1x128xi32, #tpu.memory_space<vmem>> -> memref<1x128xi32, #tpu.memory_space<vmem>>
        %dma_start3A_379 = tpu.memref_squeeze %dma_start3A_378 : memref<1x128xi32, #tpu.memory_space<vmem>> -> memref<128xi32, #tpu.memory_space<vmem>>
        %dma_start3A_380 = tpu.memref_slice %arg3[%dma_start3A_375, %add3A_369] : memref<2x320000xi32, #tpu.memory_space<hbm>> -> memref<1x128xi32, #tpu.memory_space<hbm>>
        %dma_start3A_381 = tpu.memref_squeeze %dma_start3A_380 : memref<1x128xi32, #tpu.memory_space<hbm>> -> memref<128xi32, #tpu.memory_space<hbm>>
        %dma_start3A_382 = arith.constant 0 : i32
        %dma_start3A_383 = tpu.memref_slice %arg12[%dma_start3A_376, %dma_start3A_382] : memref<1x128xi32, #tpu.memory_space<vmem>> -> memref<1x128xi32, #tpu.memory_space<vmem>>
        %dma_start3A_384 = tpu.memref_squeeze %dma_start3A_383 : memref<1x128xi32, #tpu.memory_space<vmem>> -> memref<128xi32, #tpu.memory_space<vmem>>
        %dma_start3A_385 = tpu.memref_slice %arg3[%dma_start3A_375, %add3A_369] : memref<2x320000xi32, #tpu.memory_space<hbm>> -> memref<1x128xi32, #tpu.memory_space<hbm>>
        %dma_start3A_386 = tpu.memref_squeeze %dma_start3A_385 : memref<1x128xi32, #tpu.memory_space<hbm>> -> memref<128xi32, #tpu.memory_space<hbm>>
        tpu.enqueue_dma source(%dma_start3A_386 : memref<128xi32, #tpu.memory_space<hbm>>) target(%dma_start3A_384 : memref<128xi32, #tpu.memory_space<vmem>>) target_semaphore(%arg18 : memref<!tpu.dma_semaphore, #tpu.memory_space<semaphore_mem>>)
      } else {
      }
      %add3A_256 = arith.constant 2 : i32
      %add3A_257 = arith.addi %add3A_240, %add3A_256 : i32
      %mul3A_258 = arith.constant 2048 : i32
      %mul3A_259 = arith.muli %add3A_257, %mul3A_258 : i32
      %add3A_260 = arith.addi %add3A, %mul3A_259 : i32
      %dma_wait3A_261 = arith.constant 0 : i32
      %dma_wait3A_262 = tpu.memref_slice %arg3[%dma_wait3A_261, %add3A_260] : memref<2x320000xi32, #tpu.memory_space<hbm>> -> memref<1x128xi32, #tpu.memory_space<hbm>>
      %dma_wait3A_263 = tpu.memref_squeeze %dma_wait3A_262 : memref<1x128xi32, #tpu.memory_space<hbm>> -> memref<128xi32, #tpu.memory_space<hbm>>
      %dma_wait3A_264 = tpu.memref_slice %arg3[%dma_wait3A_261, %add3A_260] : memref<2x320000xi32, #tpu.memory_space<hbm>> -> memref<1x128xi32, #tpu.memory_space<hbm>>
      %dma_wait3A_265 = tpu.memref_squeeze %dma_wait3A_264 : memref<1x128xi32, #tpu.memory_space<hbm>> -> memref<128xi32, #tpu.memory_space<hbm>>
      tpu.wait_dma2 semaphore(%arg20 : memref<!tpu.dma_semaphore, #tpu.memory_space<semaphore_mem>>) src(%dma_wait3A_265 : memref<128xi32, #tpu.memory_space<hbm>>) dst(%arg10 : memref<128xi32, #tpu.memory_space<vmem>>)
      %dma_wait3A_266 = arith.constant 1 : i32
      %dma_wait3A_267 = arith.constant 0 : i32
      %dma_wait3A_268 = arith.constant 0 : i32
      %dma_wait3A_269 = tpu.memref_slice %arg14[%dma_wait3A_267, %dma_wait3A_268] : memref<1x128xi32, #tpu.memory_space<vmem>> -> memref<1x128xi32, #tpu.memory_space<vmem>>
      %dma_wait3A_270 = tpu.memref_squeeze %dma_wait3A_269 : memref<1x128xi32, #tpu.memory_space<vmem>> -> memref<128xi32, #tpu.memory_space<vmem>>
      %dma_wait3A_271 = tpu.memref_slice %arg3[%dma_wait3A_266, %add3A_260] : memref<2x320000xi32, #tpu.memory_space<hbm>> -> memref<1x128xi32, #tpu.memory_space<hbm>>
      %dma_wait3A_272 = tpu.memref_squeeze %dma_wait3A_271 : memref<1x128xi32, #tpu.memory_space<hbm>> -> memref<128xi32, #tpu.memory_space<hbm>>
      %dma_wait3A_273 = arith.constant 0 : i32
      %dma_wait3A_274 = tpu.memref_slice %arg14[%dma_wait3A_267, %dma_wait3A_273] : memref<1x128xi32, #tpu.memory_space<vmem>> -> memref<1x128xi32, #tpu.memory_space<vmem>>
      %dma_wait3A_275 = tpu.memref_squeeze %dma_wait3A_274 : memref<1x128xi32, #tpu.memory_space<vmem>> -> memref<128xi32, #tpu.memory_space<vmem>>
      %dma_wait3A_276 = tpu.memref_slice %arg3[%dma_wait3A_266, %add3A_260] : memref<2x320000xi32, #tpu.memory_space<hbm>> -> memref<1x128xi32, #tpu.memory_space<hbm>>
      %dma_wait3A_277 = tpu.memref_squeeze %dma_wait3A_276 : memref<1x128xi32, #tpu.memory_space<hbm>> -> memref<128xi32, #tpu.memory_space<hbm>>
      tpu.wait_dma2 semaphore(%arg20 : memref<!tpu.dma_semaphore, #tpu.memory_space<semaphore_mem>>) src(%dma_wait3A_277 : memref<128xi32, #tpu.memory_space<hbm>>) dst(%dma_wait3A_275 : memref<128xi32, #tpu.memory_space<vmem>>)
      %dma_start3A_278 = arith.constant 0 : i32
      %dma_start3A_279 = arith.constant 0 : i32
      %dma_start3A_280 = tpu.memref_slice %arg2[%dma_start3A_278, %dma_start3A_279] : memref<10000x128xf32, #tpu.memory_space<hbm>> -> memref<10000x128xf32, #tpu.memory_space<hbm>>
      tpu.enqueue_indirect_dma source(%dma_start3A_280 : memref<10000x128xf32, #tpu.memory_space<hbm>>) target(%arg16 : memref<128x128xf32, #tpu.memory_space<vmem>>) offsets(%arg10 : memref<128xi32, #tpu.memory_space<vmem>>) semaphore(%arg22 : memref<!tpu.dma_semaphore, #tpu.memory_space<semaphore_mem>>)
      %add3A_281 = arith.constant 2 : i32
      %add3A_282 = arith.addi %mul3A_196, %add3A_281 : i32
      %dma_wait3A_283 = arith.constant 0 : i32
      %dma_wait3A_284 = arith.constant 0 : i32
      %dma_wait3A_285 = tpu.memref_slice %arg2[%dma_wait3A_283, %dma_wait3A_284] : memref<10000x128xf32, #tpu.memory_space<hbm>> -> memref<10000x128xf32, #tpu.memory_space<hbm>>
      tpu.wait_indirect_dma semaphore(%arg21 : memref<!tpu.dma_semaphore, #tpu.memory_space<semaphore_mem>>) src(%dma_wait3A_285 : memref<10000x128xf32, #tpu.memory_space<hbm>>) dst(%arg15 : memref<128x128xf32, #tpu.memory_space<vmem>>)
      %run_scoped3A_286 = arith.constant 0 : i32
      "tpu.region"() ({
        %run_scoped3A_365 = tpu.sem_alloc : memref<!tpu.dma_semaphore, #tpu.memory_space<semaphore_mem>>
        %dma_start3A_366 = arith.constant 0 : i32
        %dma_start3A_367 = tpu.memref_slice %arg13[%run_scoped3A_286, %dma_start3A_366] : memref<1x128xi32, #tpu.memory_space<vmem>> -> memref<1x128xi32, #tpu.memory_space<vmem>>
        %dma_start3A_368 = tpu.memref_squeeze %dma_start3A_367 : memref<1x128xi32, #tpu.memory_space<vmem>> -> memref<128xi32, #tpu.memory_space<vmem>>
        %dma_start3A_369 = arith.constant 0 : i32
        %dma_start3A_370 = arith.constant 0 : i32
        %dma_start3A_371 = tpu.memref_slice %arg6[%dma_start3A_369, %dma_start3A_370] : memref<10000x128xf32, #tpu.memory_space<vmem_shared>> -> memref<10000x128xf32, #tpu.memory_space<vmem_shared>>
        tpu.enqueue_indirect_dma source(%arg15 : memref<128x128xf32, #tpu.memory_space<vmem>>) target(%dma_start3A_371 : memref<10000x128xf32, #tpu.memory_space<vmem_shared>>) offsets(%dma_start3A_368 : memref<128xi32, #tpu.memory_space<vmem>>) semaphore(%run_scoped3A_365 : memref<!tpu.dma_semaphore, #tpu.memory_space<semaphore_mem>>) {add = true}
        %dma_wait3A_372 = arith.constant 0 : i32
        %dma_wait3A_373 = tpu.memref_slice %arg13[%run_scoped3A_286, %dma_wait3A_372] : memref<1x128xi32, #tpu.memory_space<vmem>> -> memref<1x128xi32, #tpu.memory_space<vmem>>
        %dma_wait3A_374 = tpu.memref_squeeze %dma_wait3A_373 : memref<1x128xi32, #tpu.memory_space<vmem>> -> memref<128xi32, #tpu.memory_space<vmem>>
        %dma_wait3A_375 = arith.constant 0 : i32
        %dma_wait3A_376 = arith.constant 0 : i32
        %dma_wait3A_377 = tpu.memref_slice %arg6[%dma_wait3A_375, %dma_wait3A_376] : memref<10000x128xf32, #tpu.memory_space<vmem_shared>> -> memref<10000x128xf32, #tpu.memory_space<vmem_shared>>
        tpu.wait_indirect_dma semaphore(%run_scoped3A_365 : memref<!tpu.dma_semaphore, #tpu.memory_space<semaphore_mem>>) src(%arg15 : memref<128x128xf32, #tpu.memory_space<vmem>>) dst(%dma_wait3A_377 : memref<10000x128xf32, #tpu.memory_space<vmem_shared>>)
        tpu.yield
      }) : () -> ()
      %add3A_287 = arith.constant 4 : i32
      %add3A_288 = arith.addi %add3A_282, %add3A_287 : i32
      %lt3A_289 = arith.constant 78 : i32
      %lt3A_290 = arith.cmpi slt, %add3A_288, %lt3A_289 : i32
      %eq3A_291 = arith.constant 78 : i32
      %eq3A_292 = arith.cmpi eq, %add3A_288, %eq3A_291 : i32
      %and3A_293 = arith.andi %eq3A_292, %lt3A_18 : i1
      %or3A_294 = arith.ori %lt3A_290, %and3A_293 : i1
      %convert_element_type3A_295 = arith.extui %or3A_294 : i1 to i32
      %cond3A_296 = arith.constant 0 : i32
      %cond3A_297 = arith.cmpi ne, %convert_element_type3A_295, %cond3A_296 : i32
      scf.if %cond3A_297 {
        %add3A_365 = arith.constant 4 : i32
        %add3A_366 = arith.addi %add3A_282, %add3A_365 : i32
        %mul3A_367 = arith.constant 2048 : i32
        %mul3A_368 = arith.muli %add3A_366, %mul3A_367 : i32
        %add3A_369 = arith.addi %add3A, %mul3A_368 : i32
        %dma_start3A_370 = arith.constant 0 : i32
        %dma_start3A_371 = tpu.memref_slice %arg3[%dma_start3A_370, %add3A_369] : memref<2x320000xi32, #tpu.memory_space<hbm>> -> memref<1x128xi32, #tpu.memory_space<hbm>>
        %dma_start3A_372 = tpu.memref_squeeze %dma_start3A_371 : memref<1x128xi32, #tpu.memory_space<hbm>> -> memref<128xi32, #tpu.memory_space<hbm>>
        %dma_start3A_373 = tpu.memref_slice %arg3[%dma_start3A_370, %add3A_369] : memref<2x320000xi32, #tpu.memory_space<hbm>> -> memref<1x128xi32, #tpu.memory_space<hbm>>
        %dma_start3A_374 = tpu.memref_squeeze %dma_start3A_373 : memref<1x128xi32, #tpu.memory_space<hbm>> -> memref<128xi32, #tpu.memory_space<hbm>>
        tpu.enqueue_dma source(%dma_start3A_374 : memref<128xi32, #tpu.memory_space<hbm>>) target(%arg9 : memref<128xi32, #tpu.memory_space<vmem>>) target_semaphore(%arg19 : memref<!tpu.dma_semaphore, #tpu.memory_space<semaphore_mem>>)
        %dma_start3A_375 = arith.constant 1 : i32
        %dma_start3A_376 = arith.constant 0 : i32
        %dma_start3A_377 = arith.constant 0 : i32
        %dma_start3A_378 = tpu.memref_slice %arg13[%dma_start3A_376, %dma_start3A_377] : memref<1x128xi32, #tpu.memory_space<vmem>> -> memref<1x128xi32, #tpu.memory_space<vmem>>
        %dma_start3A_379 = tpu.memref_squeeze %dma_start3A_378 : memref<1x128xi32, #tpu.memory_space<vmem>> -> memref<128xi32, #tpu.memory_space<vmem>>
        %dma_start3A_380 = tpu.memref_slice %arg3[%dma_start3A_375, %add3A_369] : memref<2x320000xi32, #tpu.memory_space<hbm>> -> memref<1x128xi32, #tpu.memory_space<hbm>>
        %dma_start3A_381 = tpu.memref_squeeze %dma_start3A_380 : memref<1x128xi32, #tpu.memory_space<hbm>> -> memref<128xi32, #tpu.memory_space<hbm>>
        %dma_start3A_382 = arith.constant 0 : i32
        %dma_start3A_383 = tpu.memref_slice %arg13[%dma_start3A_376, %dma_start3A_382] : memref<1x128xi32, #tpu.memory_space<vmem>> -> memref<1x128xi32, #tpu.memory_space<vmem>>
        %dma_start3A_384 = tpu.memref_squeeze %dma_start3A_383 : memref<1x128xi32, #tpu.memory_space<vmem>> -> memref<128xi32, #tpu.memory_space<vmem>>
        %dma_start3A_385 = tpu.memref_slice %arg3[%dma_start3A_375, %add3A_369] : memref<2x320000xi32, #tpu.memory_space<hbm>> -> memref<1x128xi32, #tpu.memory_space<hbm>>
        %dma_start3A_386 = tpu.memref_squeeze %dma_start3A_385 : memref<1x128xi32, #tpu.memory_space<hbm>> -> memref<128xi32, #tpu.memory_space<hbm>>
        tpu.enqueue_dma source(%dma_start3A_386 : memref<128xi32, #tpu.memory_space<hbm>>) target(%dma_start3A_384 : memref<128xi32, #tpu.memory_space<vmem>>) target_semaphore(%arg19 : memref<!tpu.dma_semaphore, #tpu.memory_space<semaphore_mem>>)
      } else {
      }
      %add3A_298 = arith.constant 2 : i32
      %add3A_299 = arith.addi %add3A_282, %add3A_298 : i32
      %mul3A_300 = arith.constant 2048 : i32
      %mul3A_301 = arith.muli %add3A_299, %mul3A_300 : i32
      %add3A_302 = arith.addi %add3A, %mul3A_301 : i32
      %dma_wait3A_303 = arith.constant 0 : i32
      %dma_wait3A_304 = tpu.memref_slice %arg3[%dma_wait3A_303, %add3A_302] : memref<2x320000xi32, #tpu.memory_space<hbm>> -> memref<1x128xi32, #tpu.memory_space<hbm>>
      %dma_wait3A_305 = tpu.memref_squeeze %dma_wait3A_304 : memref<1x128xi32, #tpu.memory_space<hbm>> -> memref<128xi32, #tpu.memory_space<hbm>>
      %dma_wait3A_306 = tpu.memref_slice %arg3[%dma_wait3A_303, %add3A_302] : memref<2x320000xi32, #tpu.memory_space<hbm>> -> memref<1x128xi32, #tpu.memory_space<hbm>>
      %dma_wait3A_307 = tpu.memref_squeeze %dma_wait3A_306 : memref<1x128xi32, #tpu.memory_space<hbm>> -> memref<128xi32, #tpu.memory_space<hbm>>
      tpu.wait_dma2 semaphore(%arg17 : memref<!tpu.dma_semaphore, #tpu.memory_space<semaphore_mem>>) src(%dma_wait3A_307 : memref<128xi32, #tpu.memory_space<hbm>>) dst(%arg7 : memref<128xi32, #tpu.memory_space<vmem>>)
      %dma_wait3A_308 = arith.constant 1 : i32
      %dma_wait3A_309 = arith.constant 0 : i32
      %dma_wait3A_310 = arith.constant 0 : i32
      %dma_wait3A_311 = tpu.memref_slice %arg11[%dma_wait3A_309, %dma_wait3A_310] : memref<1x128xi32, #tpu.memory_space<vmem>> -> memref<1x128xi32, #tpu.memory_space<vmem>>
      %dma_wait3A_312 = tpu.memref_squeeze %dma_wait3A_311 : memref<1x128xi32, #tpu.memory_space<vmem>> -> memref<128xi32, #tpu.memory_space<vmem>>
      %dma_wait3A_313 = tpu.memref_slice %arg3[%dma_wait3A_308, %add3A_302] : memref<2x320000xi32, #tpu.memory_space<hbm>> -> memref<1x128xi32, #tpu.memory_space<hbm>>
      %dma_wait3A_314 = tpu.memref_squeeze %dma_wait3A_313 : memref<1x128xi32, #tpu.memory_space<hbm>> -> memref<128xi32, #tpu.memory_space<hbm>>
      %dma_wait3A_315 = arith.constant 0 : i32
      %dma_wait3A_316 = tpu.memref_slice %arg11[%dma_wait3A_309, %dma_wait3A_315] : memref<1x128xi32, #tpu.memory_space<vmem>> -> memref<1x128xi32, #tpu.memory_space<vmem>>
      %dma_wait3A_317 = tpu.memref_squeeze %dma_wait3A_316 : memref<1x128xi32, #tpu.memory_space<vmem>> -> memref<128xi32, #tpu.memory_space<vmem>>
      %dma_wait3A_318 = tpu.memref_slice %arg3[%dma_wait3A_308, %add3A_302] : memref<2x320000xi32, #tpu.memory_space<hbm>> -> memref<1x128xi32, #tpu.memory_space<hbm>>
      %dma_wait3A_319 = tpu.memref_squeeze %dma_wait3A_318 : memref<1x128xi32, #tpu.memory_space<hbm>> -> memref<128xi32, #tpu.memory_space<hbm>>
      tpu.wait_dma2 semaphore(%arg17 : memref<!tpu.dma_semaphore, #tpu.memory_space<semaphore_mem>>) src(%dma_wait3A_319 : memref<128xi32, #tpu.memory_space<hbm>>) dst(%dma_wait3A_317 : memref<128xi32, #tpu.memory_space<vmem>>)
      %dma_start3A_320 = arith.constant 0 : i32
      %dma_start3A_321 = arith.constant 0 : i32
      %dma_start3A_322 = tpu.memref_slice %arg2[%dma_start3A_320, %dma_start3A_321] : memref<10000x128xf32, #tpu.memory_space<hbm>> -> memref<10000x128xf32, #tpu.memory_space<hbm>>
      tpu.enqueue_indirect_dma source(%dma_start3A_322 : memref<10000x128xf32, #tpu.memory_space<hbm>>) target(%arg15 : memref<128x128xf32, #tpu.memory_space<vmem>>) offsets(%arg7 : memref<128xi32, #tpu.memory_space<vmem>>) semaphore(%arg21 : memref<!tpu.dma_semaphore, #tpu.memory_space<semaphore_mem>>)
      %add3A_323 = arith.constant 3 : i32
      %add3A_324 = arith.addi %mul3A_196, %add3A_323 : i32
      %dma_wait3A_325 = arith.constant 0 : i32
      %dma_wait3A_326 = arith.constant 0 : i32
      %dma_wait3A_327 = tpu.memref_slice %arg2[%dma_wait3A_325, %dma_wait3A_326] : memref<10000x128xf32, #tpu.memory_space<hbm>> -> memref<10000x128xf32, #tpu.memory_space<hbm>>
      tpu.wait_indirect_dma semaphore(%arg22 : memref<!tpu.dma_semaphore, #tpu.memory_space<semaphore_mem>>) src(%dma_wait3A_327 : memref<10000x128xf32, #tpu.memory_space<hbm>>) dst(%arg16 : memref<128x128xf32, #tpu.memory_space<vmem>>)
      %run_scoped3A_328 = arith.constant 0 : i32
      "tpu.region"() ({
        %run_scoped3A_365 = tpu.sem_alloc : memref<!tpu.dma_semaphore, #tpu.memory_space<semaphore_mem>>
        %dma_start3A_366 = arith.constant 0 : i32
        %dma_start3A_367 = tpu.memref_slice %arg14[%run_scoped3A_328, %dma_start3A_366] : memref<1x128xi32, #tpu.memory_space<vmem>> -> memref<1x128xi32, #tpu.memory_space<vmem>>
        %dma_start3A_368 = tpu.memref_squeeze %dma_start3A_367 : memref<1x128xi32, #tpu.memory_space<vmem>> -> memref<128xi32, #tpu.memory_space<vmem>>
        %dma_start3A_369 = arith.constant 0 : i32
        %dma_start3A_370 = arith.constant 0 : i32
        %dma_start3A_371 = tpu.memref_slice %arg6[%dma_start3A_369, %dma_start3A_370] : memref<10000x128xf32, #tpu.memory_space<vmem_shared>> -> memref<10000x128xf32, #tpu.memory_space<vmem_shared>>
        tpu.enqueue_indirect_dma source(%arg16 : memref<128x128xf32, #tpu.memory_space<vmem>>) target(%dma_start3A_371 : memref<10000x128xf32, #tpu.memory_space<vmem_shared>>) offsets(%dma_start3A_368 : memref<128xi32, #tpu.memory_space<vmem>>) semaphore(%run_scoped3A_365 : memref<!tpu.dma_semaphore, #tpu.memory_space<semaphore_mem>>) {add = true}
        %dma_wait3A_372 = arith.constant 0 : i32
        %dma_wait3A_373 = tpu.memref_slice %arg14[%run_scoped3A_328, %dma_wait3A_372] : memref<1x128xi32, #tpu.memory_space<vmem>> -> memref<1x128xi32, #tpu.memory_space<vmem>>
        %dma_wait3A_374 = tpu.memref_squeeze %dma_wait3A_373 : memref<1x128xi32, #tpu.memory_space<vmem>> -> memref<128xi32, #tpu.memory_space<vmem>>
        %dma_wait3A_375 = arith.constant 0 : i32
        %dma_wait3A_376 = arith.constant 0 : i32
        %dma_wait3A_377 = tpu.memref_slice %arg6[%dma_wait3A_375, %dma_wait3A_376] : memref<10000x128xf32, #tpu.memory_space<vmem_shared>> -> memref<10000x128xf32, #tpu.memory_space<vmem_shared>>
        tpu.wait_indirect_dma semaphore(%run_scoped3A_365 : memref<!tpu.dma_semaphore, #tpu.memory_space<semaphore_mem>>) src(%arg16 : memref<128x128xf32, #tpu.memory_space<vmem>>) dst(%dma_wait3A_377 : memref<10000x128xf32, #tpu.memory_space<vmem_shared>>)
        tpu.yield
      }) : () -> ()
      %add3A_329 = arith.constant 4 : i32
      %add3A_330 = arith.addi %add3A_324, %add3A_329 : i32
      %lt3A_331 = arith.constant 78 : i32
      %lt3A_332 = arith.cmpi slt, %add3A_330, %lt3A_331 : i32
      %eq3A_333 = arith.constant 78 : i32
      %eq3A_334 = arith.cmpi eq, %add3A_330, %eq3A_333 : i32
      %and3A_335 = arith.andi %eq3A_334, %lt3A_18 : i1
      %or3A_336 = arith.ori %lt3A_332, %and3A_335 : i1
      %convert_element_type3A_337 = arith.extui %or3A_336 : i1 to i32
      %cond3A_338 = arith.constant 0 : i32
      %cond3A_339 = arith.cmpi ne, %convert_element_type3A_337, %cond3A_338 : i32
      scf.if %cond3A_339 {
        %add3A_365 = arith.constant 4 : i32
        %add3A_366 = arith.addi %add3A_324, %add3A_365 : i32
        %mul3A_367 = arith.constant 2048 : i32
        %mul3A_368 = arith.muli %add3A_366, %mul3A_367 : i32
        %add3A_369 = arith.addi %add3A, %mul3A_368 : i32
        %dma_start3A_370 = arith.constant 0 : i32
        %dma_start3A_371 = tpu.memref_slice %arg3[%dma_start3A_370, %add3A_369] : memref<2x320000xi32, #tpu.memory_space<hbm>> -> memref<1x128xi32, #tpu.memory_space<hbm>>
        %dma_start3A_372 = tpu.memref_squeeze %dma_start3A_371 : memref<1x128xi32, #tpu.memory_space<hbm>> -> memref<128xi32, #tpu.memory_space<hbm>>
        %dma_start3A_373 = tpu.memref_slice %arg3[%dma_start3A_370, %add3A_369] : memref<2x320000xi32, #tpu.memory_space<hbm>> -> memref<1x128xi32, #tpu.memory_space<hbm>>
        %dma_start3A_374 = tpu.memref_squeeze %dma_start3A_373 : memref<1x128xi32, #tpu.memory_space<hbm>> -> memref<128xi32, #tpu.memory_space<hbm>>
        tpu.enqueue_dma source(%dma_start3A_374 : memref<128xi32, #tpu.memory_space<hbm>>) target(%arg10 : memref<128xi32, #tpu.memory_space<vmem>>) target_semaphore(%arg20 : memref<!tpu.dma_semaphore, #tpu.memory_space<semaphore_mem>>)
        %dma_start3A_375 = arith.constant 1 : i32
        %dma_start3A_376 = arith.constant 0 : i32
        %dma_start3A_377 = arith.constant 0 : i32
        %dma_start3A_378 = tpu.memref_slice %arg14[%dma_start3A_376, %dma_start3A_377] : memref<1x128xi32, #tpu.memory_space<vmem>> -> memref<1x128xi32, #tpu.memory_space<vmem>>
        %dma_start3A_379 = tpu.memref_squeeze %dma_start3A_378 : memref<1x128xi32, #tpu.memory_space<vmem>> -> memref<128xi32, #tpu.memory_space<vmem>>
        %dma_start3A_380 = tpu.memref_slice %arg3[%dma_start3A_375, %add3A_369] : memref<2x320000xi32, #tpu.memory_space<hbm>> -> memref<1x128xi32, #tpu.memory_space<hbm>>
        %dma_start3A_381 = tpu.memref_squeeze %dma_start3A_380 : memref<1x128xi32, #tpu.memory_space<hbm>> -> memref<128xi32, #tpu.memory_space<hbm>>
        %dma_start3A_382 = arith.constant 0 : i32
        %dma_start3A_383 = tpu.memref_slice %arg14[%dma_start3A_376, %dma_start3A_382] : memref<1x128xi32, #tpu.memory_space<vmem>> -> memref<1x128xi32, #tpu.memory_space<vmem>>
        %dma_start3A_384 = tpu.memref_squeeze %dma_start3A_383 : memref<1x128xi32, #tpu.memory_space<vmem>> -> memref<128xi32, #tpu.memory_space<vmem>>
        %dma_start3A_385 = tpu.memref_slice %arg3[%dma_start3A_375, %add3A_369] : memref<2x320000xi32, #tpu.memory_space<hbm>> -> memref<1x128xi32, #tpu.memory_space<hbm>>
        %dma_start3A_386 = tpu.memref_squeeze %dma_start3A_385 : memref<1x128xi32, #tpu.memory_space<hbm>> -> memref<128xi32, #tpu.memory_space<hbm>>
        tpu.enqueue_dma source(%dma_start3A_386 : memref<128xi32, #tpu.memory_space<hbm>>) target(%dma_start3A_384 : memref<128xi32, #tpu.memory_space<vmem>>) target_semaphore(%arg20 : memref<!tpu.dma_semaphore, #tpu.memory_space<semaphore_mem>>)
      } else {
      }
      %add3A_340 = arith.constant 2 : i32
      %add3A_341 = arith.addi %add3A_324, %add3A_340 : i32
      %mul3A_342 = arith.constant 2048 : i32
      %mul3A_343 = arith.muli %add3A_341, %mul3A_342 : i32
      %add3A_344 = arith.addi %add3A, %mul3A_343 : i32
      %dma_wait3A_345 = arith.constant 0 : i32
      %dma_wait3A_346 = tpu.memref_slice %arg3[%dma_wait3A_345, %add3A_344] : memref<2x320000xi32, #tpu.memory_space<hbm>> -> memref<1x128xi32, #tpu.memory_space<hbm>>
      %dma_wait3A_347 = tpu.memref_squeeze %dma_wait3A_346 : memref<1x128xi32, #tpu.memory_space<hbm>> -> memref<128xi32, #tpu.memory_space<hbm>>
      %dma_wait3A_348 = tpu.memref_slice %arg3[%dma_wait3A_345, %add3A_344] : memref<2x320000xi32, #tpu.memory_space<hbm>> -> memref<1x128xi32, #tpu.memory_space<hbm>>
      %dma_wait3A_349 = tpu.memref_squeeze %dma_wait3A_348 : memref<1x128xi32, #tpu.memory_space<hbm>> -> memref<128xi32, #tpu.memory_space<hbm>>
      tpu.wait_dma2 semaphore(%arg18 : memref<!tpu.dma_semaphore, #tpu.memory_space<semaphore_mem>>) src(%dma_wait3A_349 : memref<128xi32, #tpu.memory_space<hbm>>) dst(%arg8 : memref<128xi32, #tpu.memory_space<vmem>>)
      %dma_wait3A_350 = arith.constant 1 : i32
      %dma_wait3A_351 = arith.constant 0 : i32
      %dma_wait3A_352 = arith.constant 0 : i32
      %dma_wait3A_353 = tpu.memref_slice %arg12[%dma_wait3A_351, %dma_wait3A_352] : memref<1x128xi32, #tpu.memory_space<vmem>> -> memref<1x128xi32, #tpu.memory_space<vmem>>
      %dma_wait3A_354 = tpu.memref_squeeze %dma_wait3A_353 : memref<1x128xi32, #tpu.memory_space<vmem>> -> memref<128xi32, #tpu.memory_space<vmem>>
      %dma_wait3A_355 = tpu.memref_slice %arg3[%dma_wait3A_350, %add3A_344] : memref<2x320000xi32, #tpu.memory_space<hbm>> -> memref<1x128xi32, #tpu.memory_space<hbm>>
      %dma_wait3A_356 = tpu.memref_squeeze %dma_wait3A_355 : memref<1x128xi32, #tpu.memory_space<hbm>> -> memref<128xi32, #tpu.memory_space<hbm>>
      %dma_wait3A_357 = arith.constant 0 : i32
      %dma_wait3A_358 = tpu.memref_slice %arg12[%dma_wait3A_351, %dma_wait3A_357] : memref<1x128xi32, #tpu.memory_space<vmem>> -> memref<1x128xi32, #tpu.memory_space<vmem>>
      %dma_wait3A_359 = tpu.memref_squeeze %dma_wait3A_358 : memref<1x128xi32, #tpu.memory_space<vmem>> -> memref<128xi32, #tpu.memory_space<vmem>>
      %dma_wait3A_360 = tpu.memref_slice %arg3[%dma_wait3A_350, %add3A_344] : memref<2x320000xi32, #tpu.memory_space<hbm>> -> memref<1x128xi32, #tpu.memory_space<hbm>>
      %dma_wait3A_361 = tpu.memref_squeeze %dma_wait3A_360 : memref<1x128xi32, #tpu.memory_space<hbm>> -> memref<128xi32, #tpu.memory_space<hbm>>
      tpu.wait_dma2 semaphore(%arg18 : memref<!tpu.dma_semaphore, #tpu.memory_space<semaphore_mem>>) src(%dma_wait3A_361 : memref<128xi32, #tpu.memory_space<hbm>>) dst(%dma_wait3A_359 : memref<128xi32, #tpu.memory_space<vmem>>)
      %dma_start3A_362 = arith.constant 0 : i32
      %dma_start3A_363 = arith.constant 0 : i32
      %dma_start3A_364 = tpu.memref_slice %arg2[%dma_start3A_362, %dma_start3A_363] : memref<10000x128xf32, #tpu.memory_space<hbm>> -> memref<10000x128xf32, #tpu.memory_space<hbm>>
      tpu.enqueue_indirect_dma source(%dma_start3A_364 : memref<10000x128xf32, #tpu.memory_space<hbm>>) target(%arg16 : memref<128x128xf32, #tpu.memory_space<vmem>>) offsets(%arg8 : memref<128xi32, #tpu.memory_space<vmem>>) semaphore(%arg22 : memref<!tpu.dma_semaphore, #tpu.memory_space<semaphore_mem>>)
    }
    %scan3A_141 = arith.constant 19 : i32
    %dma_wait3A_142 = arith.constant 0 : i32
    %dma_wait3A_143 = arith.constant 0 : i32
    %dma_wait3A_144 = tpu.memref_slice %arg2[%dma_wait3A_142, %dma_wait3A_143] : memref<10000x128xf32, #tpu.memory_space<hbm>> -> memref<10000x128xf32, #tpu.memory_space<hbm>>
    tpu.wait_indirect_dma semaphore(%arg21 : memref<!tpu.dma_semaphore, #tpu.memory_space<semaphore_mem>>) src(%dma_wait3A_144 : memref<10000x128xf32, #tpu.memory_space<hbm>>) dst(%arg15 : memref<128x128xf32, #tpu.memory_space<vmem>>)
    %run_scoped3A = arith.constant 0 : i32
    "tpu.region"() ({
      %run_scoped3A_194 = tpu.sem_alloc : memref<!tpu.dma_semaphore, #tpu.memory_space<semaphore_mem>>
      %dma_start3A_195 = arith.constant 0 : i32
      %dma_start3A_196 = tpu.memref_slice %arg11[%run_scoped3A, %dma_start3A_195] : memref<1x128xi32, #tpu.memory_space<vmem>> -> memref<1x128xi32, #tpu.memory_space<vmem>>
      %dma_start3A_197 = tpu.memref_squeeze %dma_start3A_196 : memref<1x128xi32, #tpu.memory_space<vmem>> -> memref<128xi32, #tpu.memory_space<vmem>>
      %dma_start3A_198 = arith.constant 0 : i32
      %dma_start3A_199 = arith.constant 0 : i32
      %dma_start3A_200 = tpu.memref_slice %arg6[%dma_start3A_198, %dma_start3A_199] : memref<10000x128xf32, #tpu.memory_space<vmem_shared>> -> memref<10000x128xf32, #tpu.memory_space<vmem_shared>>
      tpu.enqueue_indirect_dma source(%arg15 : memref<128x128xf32, #tpu.memory_space<vmem>>) target(%dma_start3A_200 : memref<10000x128xf32, #tpu.memory_space<vmem_shared>>) offsets(%dma_start3A_197 : memref<128xi32, #tpu.memory_space<vmem>>) semaphore(%run_scoped3A_194 : memref<!tpu.dma_semaphore, #tpu.memory_space<semaphore_mem>>) {add = true}
      %dma_wait3A_201 = arith.constant 0 : i32
      %dma_wait3A_202 = tpu.memref_slice %arg11[%run_scoped3A, %dma_wait3A_201] : memref<1x128xi32, #tpu.memory_space<vmem>> -> memref<1x128xi32, #tpu.memory_space<vmem>>
      %dma_wait3A_203 = tpu.memref_squeeze %dma_wait3A_202 : memref<1x128xi32, #tpu.memory_space<vmem>> -> memref<128xi32, #tpu.memory_space<vmem>>
      %dma_wait3A_204 = arith.constant 0 : i32
      %dma_wait3A_205 = arith.constant 0 : i32
      %dma_wait3A_206 = tpu.memref_slice %arg6[%dma_wait3A_204, %dma_wait3A_205] : memref<10000x128xf32, #tpu.memory_space<vmem_shared>> -> memref<10000x128xf32, #tpu.memory_space<vmem_shared>>
      tpu.wait_indirect_dma semaphore(%run_scoped3A_194 : memref<!tpu.dma_semaphore, #tpu.memory_space<semaphore_mem>>) src(%arg15 : memref<128x128xf32, #tpu.memory_space<vmem>>) dst(%dma_wait3A_206 : memref<10000x128xf32, #tpu.memory_space<vmem_shared>>)
      tpu.yield
    }) : () -> ()
    %and3A = arith.constant true
    %and3A_145 = arith.andi %and3A, %lt3A_18 : i1
    %or3A = arith.constant false
    %or3A_146 = arith.ori %or3A, %and3A_145 : i1
    %convert_element_type3A_147 = arith.extui %or3A_146 : i1 to i32
    %cond3A_148 = arith.constant 0 : i32
    %cond3A_149 = arith.cmpi ne, %convert_element_type3A_147, %cond3A_148 : i32
    scf.if %cond3A_149 {
      %add3A_194 = arith.constant 159744 : i32
      %add3A_195 = arith.addi %add3A, %add3A_194 : i32
      %dma_wait3A_196 = arith.constant 0 : i32
      %dma_wait3A_197 = tpu.memref_slice %arg3[%dma_wait3A_196, %add3A_195] : memref<2x320000xi32, #tpu.memory_space<hbm>> -> memref<1x128xi32, #tpu.memory_space<hbm>>
      %dma_wait3A_198 = tpu.memref_squeeze %dma_wait3A_197 : memref<1x128xi32, #tpu.memory_space<hbm>> -> memref<128xi32, #tpu.memory_space<hbm>>
      %dma_wait3A_199 = tpu.memref_slice %arg3[%dma_wait3A_196, %add3A_195] : memref<2x320000xi32, #tpu.memory_space<hbm>> -> memref<1x128xi32, #tpu.memory_space<hbm>>
      %dma_wait3A_200 = tpu.memref_squeeze %dma_wait3A_199 : memref<1x128xi32, #tpu.memory_space<hbm>> -> memref<128xi32, #tpu.memory_space<hbm>>
      tpu.wait_dma2 semaphore(%arg19 : memref<!tpu.dma_semaphore, #tpu.memory_space<semaphore_mem>>) src(%dma_wait3A_200 : memref<128xi32, #tpu.memory_space<hbm>>) dst(%arg9 : memref<128xi32, #tpu.memory_space<vmem>>)
      %dma_wait3A_201 = arith.constant 1 : i32
      %dma_wait3A_202 = arith.constant 0 : i32
      %dma_wait3A_203 = arith.constant 0 : i32
      %dma_wait3A_204 = tpu.memref_slice %arg13[%dma_wait3A_202, %dma_wait3A_203] : memref<1x128xi32, #tpu.memory_space<vmem>> -> memref<1x128xi32, #tpu.memory_space<vmem>>
      %dma_wait3A_205 = tpu.memref_squeeze %dma_wait3A_204 : memref<1x128xi32, #tpu.memory_space<vmem>> -> memref<128xi32, #tpu.memory_space<vmem>>
      %dma_wait3A_206 = tpu.memref_slice %arg3[%dma_wait3A_201, %add3A_195] : memref<2x320000xi32, #tpu.memory_space<hbm>> -> memref<1x128xi32, #tpu.memory_space<hbm>>
      %dma_wait3A_207 = tpu.memref_squeeze %dma_wait3A_206 : memref<1x128xi32, #tpu.memory_space<hbm>> -> memref<128xi32, #tpu.memory_space<hbm>>
      %dma_wait3A_208 = arith.constant 0 : i32
      %dma_wait3A_209 = tpu.memref_slice %arg13[%dma_wait3A_202, %dma_wait3A_208] : memref<1x128xi32, #tpu.memory_space<vmem>> -> memref<1x128xi32, #tpu.memory_space<vmem>>
      %dma_wait3A_210 = tpu.memref_squeeze %dma_wait3A_209 : memref<1x128xi32, #tpu.memory_space<vmem>> -> memref<128xi32, #tpu.memory_space<vmem>>
      %dma_wait3A_211 = tpu.memref_slice %arg3[%dma_wait3A_201, %add3A_195] : memref<2x320000xi32, #tpu.memory_space<hbm>> -> memref<1x128xi32, #tpu.memory_space<hbm>>
      %dma_wait3A_212 = tpu.memref_squeeze %dma_wait3A_211 : memref<1x128xi32, #tpu.memory_space<hbm>> -> memref<128xi32, #tpu.memory_space<hbm>>
      tpu.wait_dma2 semaphore(%arg19 : memref<!tpu.dma_semaphore, #tpu.memory_space<semaphore_mem>>) src(%dma_wait3A_212 : memref<128xi32, #tpu.memory_space<hbm>>) dst(%dma_wait3A_210 : memref<128xi32, #tpu.memory_space<vmem>>)
      %dma_start3A_213 = arith.constant 0 : i32
      %dma_start3A_214 = arith.constant 0 : i32
      %dma_start3A_215 = tpu.memref_slice %arg2[%dma_start3A_213, %dma_start3A_214] : memref<10000x128xf32, #tpu.memory_space<hbm>> -> memref<10000x128xf32, #tpu.memory_space<hbm>>
      tpu.enqueue_indirect_dma source(%dma_start3A_215 : memref<10000x128xf32, #tpu.memory_space<hbm>>) target(%arg15 : memref<128x128xf32, #tpu.memory_space<vmem>>) offsets(%arg9 : memref<128xi32, #tpu.memory_space<vmem>>) semaphore(%arg21 : memref<!tpu.dma_semaphore, #tpu.memory_space<semaphore_mem>>)
    } else {
    }
    %dma_wait3A_150 = arith.constant 0 : i32
    %dma_wait3A_151 = arith.constant 0 : i32
    %dma_wait3A_152 = tpu.memref_slice %arg2[%dma_wait3A_150, %dma_wait3A_151] : memref<10000x128xf32, #tpu.memory_space<hbm>> -> memref<10000x128xf32, #tpu.memory_space<hbm>>
    tpu.wait_indirect_dma semaphore(%arg22 : memref<!tpu.dma_semaphore, #tpu.memory_space<semaphore_mem>>) src(%dma_wait3A_152 : memref<10000x128xf32, #tpu.memory_space<hbm>>) dst(%arg16 : memref<128x128xf32, #tpu.memory_space<vmem>>)
    %run_scoped3A_153 = arith.constant 0 : i32
    "tpu.region"() ({
      %run_scoped3A_194 = tpu.sem_alloc : memref<!tpu.dma_semaphore, #tpu.memory_space<semaphore_mem>>
      %dma_start3A_195 = arith.constant 0 : i32
      %dma_start3A_196 = tpu.memref_slice %arg12[%run_scoped3A_153, %dma_start3A_195] : memref<1x128xi32, #tpu.memory_space<vmem>> -> memref<1x128xi32, #tpu.memory_space<vmem>>
      %dma_start3A_197 = tpu.memref_squeeze %dma_start3A_196 : memref<1x128xi32, #tpu.memory_space<vmem>> -> memref<128xi32, #tpu.memory_space<vmem>>
      %dma_start3A_198 = arith.constant 0 : i32
      %dma_start3A_199 = arith.constant 0 : i32
      %dma_start3A_200 = tpu.memref_slice %arg6[%dma_start3A_198, %dma_start3A_199] : memref<10000x128xf32, #tpu.memory_space<vmem_shared>> -> memref<10000x128xf32, #tpu.memory_space<vmem_shared>>
      tpu.enqueue_indirect_dma source(%arg16 : memref<128x128xf32, #tpu.memory_space<vmem>>) target(%dma_start3A_200 : memref<10000x128xf32, #tpu.memory_space<vmem_shared>>) offsets(%dma_start3A_197 : memref<128xi32, #tpu.memory_space<vmem>>) semaphore(%run_scoped3A_194 : memref<!tpu.dma_semaphore, #tpu.memory_space<semaphore_mem>>) {add = true}
      %dma_wait3A_201 = arith.constant 0 : i32
      %dma_wait3A_202 = tpu.memref_slice %arg12[%run_scoped3A_153, %dma_wait3A_201] : memref<1x128xi32, #tpu.memory_space<vmem>> -> memref<1x128xi32, #tpu.memory_space<vmem>>
      %dma_wait3A_203 = tpu.memref_squeeze %dma_wait3A_202 : memref<1x128xi32, #tpu.memory_space<vmem>> -> memref<128xi32, #tpu.memory_space<vmem>>
      %dma_wait3A_204 = arith.constant 0 : i32
      %dma_wait3A_205 = arith.constant 0 : i32
      %dma_wait3A_206 = tpu.memref_slice %arg6[%dma_wait3A_204, %dma_wait3A_205] : memref<10000x128xf32, #tpu.memory_space<vmem_shared>> -> memref<10000x128xf32, #tpu.memory_space<vmem_shared>>
      tpu.wait_indirect_dma semaphore(%run_scoped3A_194 : memref<!tpu.dma_semaphore, #tpu.memory_space<semaphore_mem>>) src(%arg16 : memref<128x128xf32, #tpu.memory_space<vmem>>) dst(%dma_wait3A_206 : memref<10000x128xf32, #tpu.memory_space<vmem_shared>>)
      tpu.yield
    }) : () -> ()
    %and3A_154 = arith.constant false
    %and3A_155 = arith.andi %and3A_154, %lt3A_18 : i1
    %or3A_156 = arith.constant false
    %or3A_157 = arith.ori %or3A_156, %and3A_155 : i1
    %convert_element_type3A_158 = arith.extui %or3A_157 : i1 to i32
    %cond3A_159 = arith.constant 0 : i32
    %cond3A_160 = arith.cmpi ne, %convert_element_type3A_158, %cond3A_159 : i32
    scf.if %cond3A_160 {
      %add3A_194 = arith.constant 161792 : i32
      %add3A_195 = arith.addi %add3A, %add3A_194 : i32
      %dma_wait3A_196 = arith.constant 0 : i32
      %dma_wait3A_197 = tpu.memref_slice %arg3[%dma_wait3A_196, %add3A_195] : memref<2x320000xi32, #tpu.memory_space<hbm>> -> memref<1x128xi32, #tpu.memory_space<hbm>>
      %dma_wait3A_198 = tpu.memref_squeeze %dma_wait3A_197 : memref<1x128xi32, #tpu.memory_space<hbm>> -> memref<128xi32, #tpu.memory_space<hbm>>
      %dma_wait3A_199 = tpu.memref_slice %arg3[%dma_wait3A_196, %add3A_195] : memref<2x320000xi32, #tpu.memory_space<hbm>> -> memref<1x128xi32, #tpu.memory_space<hbm>>
      %dma_wait3A_200 = tpu.memref_squeeze %dma_wait3A_199 : memref<1x128xi32, #tpu.memory_space<hbm>> -> memref<128xi32, #tpu.memory_space<hbm>>
      tpu.wait_dma2 semaphore(%arg20 : memref<!tpu.dma_semaphore, #tpu.memory_space<semaphore_mem>>) src(%dma_wait3A_200 : memref<128xi32, #tpu.memory_space<hbm>>) dst(%arg10 : memref<128xi32, #tpu.memory_space<vmem>>)
      %dma_wait3A_201 = arith.constant 1 : i32
      %dma_wait3A_202 = arith.constant 0 : i32
      %dma_wait3A_203 = arith.constant 0 : i32
      %dma_wait3A_204 = tpu.memref_slice %arg14[%dma_wait3A_202, %dma_wait3A_203] : memref<1x128xi32, #tpu.memory_space<vmem>> -> memref<1x128xi32, #tpu.memory_space<vmem>>
      %dma_wait3A_205 = tpu.memref_squeeze %dma_wait3A_204 : memref<1x128xi32, #tpu.memory_space<vmem>> -> memref<128xi32, #tpu.memory_space<vmem>>
      %dma_wait3A_206 = tpu.memref_slice %arg3[%dma_wait3A_201, %add3A_195] : memref<2x320000xi32, #tpu.memory_space<hbm>> -> memref<1x128xi32, #tpu.memory_space<hbm>>
      %dma_wait3A_207 = tpu.memref_squeeze %dma_wait3A_206 : memref<1x128xi32, #tpu.memory_space<hbm>> -> memref<128xi32, #tpu.memory_space<hbm>>
      %dma_wait3A_208 = arith.constant 0 : i32
      %dma_wait3A_209 = tpu.memref_slice %arg14[%dma_wait3A_202, %dma_wait3A_208] : memref<1x128xi32, #tpu.memory_space<vmem>> -> memref<1x128xi32, #tpu.memory_space<vmem>>
      %dma_wait3A_210 = tpu.memref_squeeze %dma_wait3A_209 : memref<1x128xi32, #tpu.memory_space<vmem>> -> memref<128xi32, #tpu.memory_space<vmem>>
      %dma_wait3A_211 = tpu.memref_slice %arg3[%dma_wait3A_201, %add3A_195] : memref<2x320000xi32, #tpu.memory_space<hbm>> -> memref<1x128xi32, #tpu.memory_space<hbm>>
      %dma_wait3A_212 = tpu.memref_squeeze %dma_wait3A_211 : memref<1x128xi32, #tpu.memory_space<hbm>> -> memref<128xi32, #tpu.memory_space<hbm>>
      tpu.wait_dma2 semaphore(%arg20 : memref<!tpu.dma_semaphore, #tpu.memory_space<semaphore_mem>>) src(%dma_wait3A_212 : memref<128xi32, #tpu.memory_space<hbm>>) dst(%dma_wait3A_210 : memref<128xi32, #tpu.memory_space<vmem>>)
      %dma_start3A_213 = arith.constant 0 : i32
      %dma_start3A_214 = arith.constant 0 : i32
      %dma_start3A_215 = tpu.memref_slice %arg2[%dma_start3A_213, %dma_start3A_214] : memref<10000x128xf32, #tpu.memory_space<hbm>> -> memref<10000x128xf32, #tpu.memory_space<hbm>>
      tpu.enqueue_indirect_dma source(%dma_start3A_215 : memref<10000x128xf32, #tpu.memory_space<hbm>>) target(%arg16 : memref<128x128xf32, #tpu.memory_space<vmem>>) offsets(%arg10 : memref<128xi32, #tpu.memory_space<vmem>>) semaphore(%arg22 : memref<!tpu.dma_semaphore, #tpu.memory_space<semaphore_mem>>)
    } else {
    }
    %convert_element_type3A_161 = arith.extui %lt3A_18 : i1 to i32
    %cond3A_162 = arith.constant 0 : i32
    %cond3A_163 = arith.cmpi ne, %convert_element_type3A_161, %cond3A_162 : i32
    scf.if %cond3A_163 {
      %dma_wait3A_194 = arith.constant 0 : i32
      %dma_wait3A_195 = arith.constant 0 : i32
      %dma_wait3A_196 = tpu.memref_slice %arg2[%dma_wait3A_194, %dma_wait3A_195] : memref<10000x128xf32, #tpu.memory_space<hbm>> -> memref<10000x128xf32, #tpu.memory_space<hbm>>
      tpu.wait_indirect_dma semaphore(%arg21 : memref<!tpu.dma_semaphore, #tpu.memory_space<semaphore_mem>>) src(%dma_wait3A_196 : memref<10000x128xf32, #tpu.memory_space<hbm>>) dst(%arg15 : memref<128x128xf32, #tpu.memory_space<vmem>>)
      %run_scoped3A_197 = arith.constant 0 : i32
      "tpu.region"() ({
        %run_scoped3A_198 = tpu.sem_alloc : memref<!tpu.dma_semaphore, #tpu.memory_space<semaphore_mem>>
        %dma_start3A_199 = arith.constant 0 : i32
        %dma_start3A_200 = tpu.memref_slice %arg13[%run_scoped3A_197, %dma_start3A_199] : memref<1x128xi32, #tpu.memory_space<vmem>> -> memref<1x128xi32, #tpu.memory_space<vmem>>
        %dma_start3A_201 = tpu.memref_squeeze %dma_start3A_200 : memref<1x128xi32, #tpu.memory_space<vmem>> -> memref<128xi32, #tpu.memory_space<vmem>>
        %dma_start3A_202 = arith.constant 0 : i32
        %dma_start3A_203 = arith.constant 0 : i32
        %dma_start3A_204 = tpu.memref_slice %arg6[%dma_start3A_202, %dma_start3A_203] : memref<10000x128xf32, #tpu.memory_space<vmem_shared>> -> memref<10000x128xf32, #tpu.memory_space<vmem_shared>>
        tpu.enqueue_indirect_dma source(%arg15 : memref<128x128xf32, #tpu.memory_space<vmem>>) target(%dma_start3A_204 : memref<10000x128xf32, #tpu.memory_space<vmem_shared>>) offsets(%dma_start3A_201 : memref<128xi32, #tpu.memory_space<vmem>>) semaphore(%run_scoped3A_198 : memref<!tpu.dma_semaphore, #tpu.memory_space<semaphore_mem>>) {add = true}
        %dma_wait3A_205 = arith.constant 0 : i32
        %dma_wait3A_206 = tpu.memref_slice %arg13[%run_scoped3A_197, %dma_wait3A_205] : memref<1x128xi32, #tpu.memory_space<vmem>> -> memref<1x128xi32, #tpu.memory_space<vmem>>
        %dma_wait3A_207 = tpu.memref_squeeze %dma_wait3A_206 : memref<1x128xi32, #tpu.memory_space<vmem>> -> memref<128xi32, #tpu.memory_space<vmem>>
        %dma_wait3A_208 = arith.constant 0 : i32
        %dma_wait3A_209 = arith.constant 0 : i32
        %dma_wait3A_210 = tpu.memref_slice %arg6[%dma_wait3A_208, %dma_wait3A_209] : memref<10000x128xf32, #tpu.memory_space<vmem_shared>> -> memref<10000x128xf32, #tpu.memory_space<vmem_shared>>
        tpu.wait_indirect_dma semaphore(%run_scoped3A_198 : memref<!tpu.dma_semaphore, #tpu.memory_space<semaphore_mem>>) src(%arg15 : memref<128x128xf32, #tpu.memory_space<vmem>>) dst(%dma_wait3A_210 : memref<10000x128xf32, #tpu.memory_space<vmem_shared>>)
        tpu.yield
      }) : () -> ()
    } else {
    }
    %barrier3A_164 = arith.constant 0 : index
    tpu.barrier barrier_id(%barrier3A_164)
    %add3A_165 = arith.constant 0 : i32
    %add3A_166 = arith.addi %mul3A_0, %add3A_165 : i32
    "tpu.region"() ({
      %run_scoped3A_194 = tpu.sem_alloc : memref<!tpu.dma_semaphore, #tpu.memory_space<semaphore_mem>>
      %dma_start3A_195 = arith.constant 0 : i32
      %dma_start3A_196 = tpu.memref_slice %arg6[%add3A_166, %dma_start3A_195] : memref<10000x128xf32, #tpu.memory_space<vmem_shared>> -> memref<128x128xf32, #tpu.memory_space<vmem_shared>>
      %dma_start3A_197 = arith.constant 0 : i32
      %dma_start3A_198 = tpu.memref_slice %arg6[%add3A_166, %dma_start3A_197] : memref<10000x128xf32, #tpu.memory_space<vmem_shared>> -> memref<128x128xf32, #tpu.memory_space<vmem_shared>>
      tpu.enqueue_dma source(%dma_start3A_198 : memref<128x128xf32, #tpu.memory_space<vmem_shared>>) target(%arg15 : memref<128x128xf32, #tpu.memory_space<vmem>>) target_semaphore(%run_scoped3A_194 : memref<!tpu.dma_semaphore, #tpu.memory_space<semaphore_mem>>)
      %dma_wait3A_199 = arith.constant 0 : i32
      %dma_wait3A_200 = tpu.memref_slice %arg6[%add3A_166, %dma_wait3A_199] : memref<10000x128xf32, #tpu.memory_space<vmem_shared>> -> memref<128x128xf32, #tpu.memory_space<vmem_shared>>
      %dma_wait3A_201 = arith.constant 0 : i32
      %dma_wait3A_202 = tpu.memref_slice %arg6[%add3A_166, %dma_wait3A_201] : memref<10000x128xf32, #tpu.memory_space<vmem_shared>> -> memref<128x128xf32, #tpu.memory_space<vmem_shared>>
      tpu.wait_dma2 semaphore(%run_scoped3A_194 : memref<!tpu.dma_semaphore, #tpu.memory_space<semaphore_mem>>) src(%dma_wait3A_202 : memref<128x128xf32, #tpu.memory_space<vmem_shared>>) dst(%arg15 : memref<128x128xf32, #tpu.memory_space<vmem>>)
      tpu.yield
    }) : () -> ()
    %add3A_167 = arith.constant 0 : i32
    %add3A_168 = arith.addi %mul3A_0, %add3A_167 : i32
    "tpu.region"() ({
      %run_scoped3A_194 = tpu.sem_alloc : memref<!tpu.dma_semaphore, #tpu.memory_space<semaphore_mem>>
      %dma_start3A_195 = arith.constant 0 : i32
      %dma_start3A_196 = tpu.memref_slice %arg5[%arg0, %add3A_168, %dma_start3A_195] : memref<2x10000x128xf32, #tpu.memory_space<hbm>> -> memref<1x128x128xf32, #tpu.memory_space<hbm>>
      %dma_start3A_197 = tpu.memref_squeeze %dma_start3A_196 : memref<1x128x128xf32, #tpu.memory_space<hbm>> -> memref<128x128xf32, #tpu.memory_space<hbm>>
      %dma_start3A_198 = arith.constant 0 : i32
      %dma_start3A_199 = tpu.memref_slice %arg5[%arg0, %add3A_168, %dma_start3A_198] : memref<2x10000x128xf32, #tpu.memory_space<hbm>> -> memref<1x128x128xf32, #tpu.memory_space<hbm>>
      %dma_start3A_200 = tpu.memref_squeeze %dma_start3A_199 : memref<1x128x128xf32, #tpu.memory_space<hbm>> -> memref<128x128xf32, #tpu.memory_space<hbm>>
      tpu.enqueue_dma source(%arg15 : memref<128x128xf32, #tpu.memory_space<vmem>>) target(%dma_start3A_200 : memref<128x128xf32, #tpu.memory_space<hbm>>) target_semaphore(%run_scoped3A_194 : memref<!tpu.dma_semaphore, #tpu.memory_space<semaphore_mem>>)
      %dma_wait3A_201 = arith.constant 0 : i32
      %dma_wait3A_202 = tpu.memref_slice %arg5[%arg0, %add3A_168, %dma_wait3A_201] : memref<2x10000x128xf32, #tpu.memory_space<hbm>> -> memref<1x128x128xf32, #tpu.memory_space<hbm>>
      %dma_wait3A_203 = tpu.memref_squeeze %dma_wait3A_202 : memref<1x128x128xf32, #tpu.memory_space<hbm>> -> memref<128x128xf32, #tpu.memory_space<hbm>>
      %dma_wait3A_204 = arith.constant 0 : i32
      %dma_wait3A_205 = tpu.memref_slice %arg5[%arg0, %add3A_168, %dma_wait3A_204] : memref<2x10000x128xf32, #tpu.memory_space<hbm>> -> memref<1x128x128xf32, #tpu.memory_space<hbm>>
      %dma_wait3A_206 = tpu.memref_squeeze %dma_wait3A_205 : memref<1x128x128xf32, #tpu.memory_space<hbm>> -> memref<128x128xf32, #tpu.memory_space<hbm>>
      tpu.wait_dma2 semaphore(%run_scoped3A_194 : memref<!tpu.dma_semaphore, #tpu.memory_space<semaphore_mem>>) src(%arg15 : memref<128x128xf32, #tpu.memory_space<vmem>>) dst(%dma_wait3A_206 : memref<128x128xf32, #tpu.memory_space<hbm>>)
      tpu.yield
    }) : () -> ()
    %add3A_169 = arith.constant 128 : i32
    %add3A_170 = arith.addi %mul3A_0, %add3A_169 : i32
    "tpu.region"() ({
      %run_scoped3A_194 = tpu.sem_alloc : memref<!tpu.dma_semaphore, #tpu.memory_space<semaphore_mem>>
      %dma_start3A_195 = arith.constant 0 : i32
      %dma_start3A_196 = tpu.memref_slice %arg6[%add3A_170, %dma_start3A_195] : memref<10000x128xf32, #tpu.memory_space<vmem_shared>> -> memref<128x128xf32, #tpu.memory_space<vmem_shared>>
      %dma_start3A_197 = arith.constant 0 : i32
      %dma_start3A_198 = tpu.memref_slice %arg6[%add3A_170, %dma_start3A_197] : memref<10000x128xf32, #tpu.memory_space<vmem_shared>> -> memref<128x128xf32, #tpu.memory_space<vmem_shared>>
      tpu.enqueue_dma source(%dma_start3A_198 : memref<128x128xf32, #tpu.memory_space<vmem_shared>>) target(%arg15 : memref<128x128xf32, #tpu.memory_space<vmem>>) target_semaphore(%run_scoped3A_194 : memref<!tpu.dma_semaphore, #tpu.memory_space<semaphore_mem>>)
      %dma_wait3A_199 = arith.constant 0 : i32
      %dma_wait3A_200 = tpu.memref_slice %arg6[%add3A_170, %dma_wait3A_199] : memref<10000x128xf32, #tpu.memory_space<vmem_shared>> -> memref<128x128xf32, #tpu.memory_space<vmem_shared>>
      %dma_wait3A_201 = arith.constant 0 : i32
      %dma_wait3A_202 = tpu.memref_slice %arg6[%add3A_170, %dma_wait3A_201] : memref<10000x128xf32, #tpu.memory_space<vmem_shared>> -> memref<128x128xf32, #tpu.memory_space<vmem_shared>>
      tpu.wait_dma2 semaphore(%run_scoped3A_194 : memref<!tpu.dma_semaphore, #tpu.memory_space<semaphore_mem>>) src(%dma_wait3A_202 : memref<128x128xf32, #tpu.memory_space<vmem_shared>>) dst(%arg15 : memref<128x128xf32, #tpu.memory_space<vmem>>)
      tpu.yield
    }) : () -> ()
    %add3A_171 = arith.constant 128 : i32
    %add3A_172 = arith.addi %mul3A_0, %add3A_171 : i32
    "tpu.region"() ({
      %run_scoped3A_194 = tpu.sem_alloc : memref<!tpu.dma_semaphore, #tpu.memory_space<semaphore_mem>>
      %dma_start3A_195 = arith.constant 0 : i32
      %dma_start3A_196 = tpu.memref_slice %arg5[%arg0, %add3A_172, %dma_start3A_195] : memref<2x10000x128xf32, #tpu.memory_space<hbm>> -> memref<1x128x128xf32, #tpu.memory_space<hbm>>
      %dma_start3A_197 = tpu.memref_squeeze %dma_start3A_196 : memref<1x128x128xf32, #tpu.memory_space<hbm>> -> memref<128x128xf32, #tpu.memory_space<hbm>>
      %dma_start3A_198 = arith.constant 0 : i32
      %dma_start3A_199 = tpu.memref_slice %arg5[%arg0, %add3A_172, %dma_start3A_198] : memref<2x10000x128xf32, #tpu.memory_space<hbm>> -> memref<1x128x128xf32, #tpu.memory_space<hbm>>
      %dma_start3A_200 = tpu.memref_squeeze %dma_start3A_199 : memref<1x128x128xf32, #tpu.memory_space<hbm>> -> memref<128x128xf32, #tpu.memory_space<hbm>>
      tpu.enqueue_dma source(%arg15 : memref<128x128xf32, #tpu.memory_space<vmem>>) target(%dma_start3A_200 : memref<128x128xf32, #tpu.memory_space<hbm>>) target_semaphore(%run_scoped3A_194 : memref<!tpu.dma_semaphore, #tpu.memory_space<semaphore_mem>>)
      %dma_wait3A_201 = arith.constant 0 : i32
      %dma_wait3A_202 = tpu.memref_slice %arg5[%arg0, %add3A_172, %dma_wait3A_201] : memref<2x10000x128xf32, #tpu.memory_space<hbm>> -> memref<1x128x128xf32, #tpu.memory_space<hbm>>
      %dma_wait3A_203 = tpu.memref_squeeze %dma_wait3A_202 : memref<1x128x128xf32, #tpu.memory_space<hbm>> -> memref<128x128xf32, #tpu.memory_space<hbm>>
      %dma_wait3A_204 = arith.constant 0 : i32
      %dma_wait3A_205 = tpu.memref_slice %arg5[%arg0, %add3A_172, %dma_wait3A_204] : memref<2x10000x128xf32, #tpu.memory_space<hbm>> -> memref<1x128x128xf32, #tpu.memory_space<hbm>>
      %dma_wait3A_206 = tpu.memref_squeeze %dma_wait3A_205 : memref<1x128x128xf32, #tpu.memory_space<hbm>> -> memref<128x128xf32, #tpu.memory_space<hbm>>
      tpu.wait_dma2 semaphore(%run_scoped3A_194 : memref<!tpu.dma_semaphore, #tpu.memory_space<semaphore_mem>>) src(%arg15 : memref<128x128xf32, #tpu.memory_space<vmem>>) dst(%dma_wait3A_206 : memref<128x128xf32, #tpu.memory_space<hbm>>)
      tpu.yield
    }) : () -> ()
    %add3A_173 = arith.constant 256 : i32
    %add3A_174 = arith.addi %mul3A_0, %add3A_173 : i32
    "tpu.region"() ({
      %run_scoped3A_194 = tpu.sem_alloc : memref<!tpu.dma_semaphore, #tpu.memory_space<semaphore_mem>>
      %dma_start3A_195 = arith.constant 0 : i32
      %dma_start3A_196 = tpu.memref_slice %arg6[%add3A_174, %dma_start3A_195] : memref<10000x128xf32, #tpu.memory_space<vmem_shared>> -> memref<128x128xf32, #tpu.memory_space<vmem_shared>>
      %dma_start3A_197 = arith.constant 0 : i32
      %dma_start3A_198 = tpu.memref_slice %arg6[%add3A_174, %dma_start3A_197] : memref<10000x128xf32, #tpu.memory_space<vmem_shared>> -> memref<128x128xf32, #tpu.memory_space<vmem_shared>>
      tpu.enqueue_dma source(%dma_start3A_198 : memref<128x128xf32, #tpu.memory_space<vmem_shared>>) target(%arg15 : memref<128x128xf32, #tpu.memory_space<vmem>>) target_semaphore(%run_scoped3A_194 : memref<!tpu.dma_semaphore, #tpu.memory_space<semaphore_mem>>)
      %dma_wait3A_199 = arith.constant 0 : i32
      %dma_wait3A_200 = tpu.memref_slice %arg6[%add3A_174, %dma_wait3A_199] : memref<10000x128xf32, #tpu.memory_space<vmem_shared>> -> memref<128x128xf32, #tpu.memory_space<vmem_shared>>
      %dma_wait3A_201 = arith.constant 0 : i32
      %dma_wait3A_202 = tpu.memref_slice %arg6[%add3A_174, %dma_wait3A_201] : memref<10000x128xf32, #tpu.memory_space<vmem_shared>> -> memref<128x128xf32, #tpu.memory_space<vmem_shared>>
      tpu.wait_dma2 semaphore(%run_scoped3A_194 : memref<!tpu.dma_semaphore, #tpu.memory_space<semaphore_mem>>) src(%dma_wait3A_202 : memref<128x128xf32, #tpu.memory_space<vmem_shared>>) dst(%arg15 : memref<128x128xf32, #tpu.memory_space<vmem>>)
      tpu.yield
    }) : () -> ()
    %add3A_175 = arith.constant 256 : i32
    %add3A_176 = arith.addi %mul3A_0, %add3A_175 : i32
    "tpu.region"() ({
      %run_scoped3A_194 = tpu.sem_alloc : memref<!tpu.dma_semaphore, #tpu.memory_space<semaphore_mem>>
      %dma_start3A_195 = arith.constant 0 : i32
      %dma_start3A_196 = tpu.memref_slice %arg5[%arg0, %add3A_176, %dma_start3A_195] : memref<2x10000x128xf32, #tpu.memory_space<hbm>> -> memref<1x128x128xf32, #tpu.memory_space<hbm>>
      %dma_start3A_197 = tpu.memref_squeeze %dma_start3A_196 : memref<1x128x128xf32, #tpu.memory_space<hbm>> -> memref<128x128xf32, #tpu.memory_space<hbm>>
      %dma_start3A_198 = arith.constant 0 : i32
      %dma_start3A_199 = tpu.memref_slice %arg5[%arg0, %add3A_176, %dma_start3A_198] : memref<2x10000x128xf32, #tpu.memory_space<hbm>> -> memref<1x128x128xf32, #tpu.memory_space<hbm>>
      %dma_start3A_200 = tpu.memref_squeeze %dma_start3A_199 : memref<1x128x128xf32, #tpu.memory_space<hbm>> -> memref<128x128xf32, #tpu.memory_space<hbm>>
      tpu.enqueue_dma source(%arg15 : memref<128x128xf32, #tpu.memory_space<vmem>>) target(%dma_start3A_200 : memref<128x128xf32, #tpu.memory_space<hbm>>) target_semaphore(%run_scoped3A_194 : memref<!tpu.dma_semaphore, #tpu.memory_space<semaphore_mem>>)
      %dma_wait3A_201 = arith.constant 0 : i32
      %dma_wait3A_202 = tpu.memref_slice %arg5[%arg0, %add3A_176, %dma_wait3A_201] : memref<2x10000x128xf32, #tpu.memory_space<hbm>> -> memref<1x128x128xf32, #tpu.memory_space<hbm>>
      %dma_wait3A_203 = tpu.memref_squeeze %dma_wait3A_202 : memref<1x128x128xf32, #tpu.memory_space<hbm>> -> memref<128x128xf32, #tpu.memory_space<hbm>>
      %dma_wait3A_204 = arith.constant 0 : i32
      %dma_wait3A_205 = tpu.memref_slice %arg5[%arg0, %add3A_176, %dma_wait3A_204] : memref<2x10000x128xf32, #tpu.memory_space<hbm>> -> memref<1x128x128xf32, #tpu.memory_space<hbm>>
      %dma_wait3A_206 = tpu.memref_squeeze %dma_wait3A_205 : memref<1x128x128xf32, #tpu.memory_space<hbm>> -> memref<128x128xf32, #tpu.memory_space<hbm>>
      tpu.wait_dma2 semaphore(%run_scoped3A_194 : memref<!tpu.dma_semaphore, #tpu.memory_space<semaphore_mem>>) src(%arg15 : memref<128x128xf32, #tpu.memory_space<vmem>>) dst(%dma_wait3A_206 : memref<128x128xf32, #tpu.memory_space<hbm>>)
      tpu.yield
    }) : () -> ()
    %add3A_177 = arith.constant 384 : i32
    %add3A_178 = arith.addi %mul3A_0, %add3A_177 : i32
    "tpu.region"() ({
      %run_scoped3A_194 = tpu.sem_alloc : memref<!tpu.dma_semaphore, #tpu.memory_space<semaphore_mem>>
      %dma_start3A_195 = arith.constant 0 : i32
      %dma_start3A_196 = tpu.memref_slice %arg6[%add3A_178, %dma_start3A_195] : memref<10000x128xf32, #tpu.memory_space<vmem_shared>> -> memref<128x128xf32, #tpu.memory_space<vmem_shared>>
      %dma_start3A_197 = arith.constant 0 : i32
      %dma_start3A_198 = tpu.memref_slice %arg6[%add3A_178, %dma_start3A_197] : memref<10000x128xf32, #tpu.memory_space<vmem_shared>> -> memref<128x128xf32, #tpu.memory_space<vmem_shared>>
      tpu.enqueue_dma source(%dma_start3A_198 : memref<128x128xf32, #tpu.memory_space<vmem_shared>>) target(%arg15 : memref<128x128xf32, #tpu.memory_space<vmem>>) target_semaphore(%run_scoped3A_194 : memref<!tpu.dma_semaphore, #tpu.memory_space<semaphore_mem>>)
      %dma_wait3A_199 = arith.constant 0 : i32
      %dma_wait3A_200 = tpu.memref_slice %arg6[%add3A_178, %dma_wait3A_199] : memref<10000x128xf32, #tpu.memory_space<vmem_shared>> -> memref<128x128xf32, #tpu.memory_space<vmem_shared>>
      %dma_wait3A_201 = arith.constant 0 : i32
      %dma_wait3A_202 = tpu.memref_slice %arg6[%add3A_178, %dma_wait3A_201] : memref<10000x128xf32, #tpu.memory_space<vmem_shared>> -> memref<128x128xf32, #tpu.memory_space<vmem_shared>>
      tpu.wait_dma2 semaphore(%run_scoped3A_194 : memref<!tpu.dma_semaphore, #tpu.memory_space<semaphore_mem>>) src(%dma_wait3A_202 : memref<128x128xf32, #tpu.memory_space<vmem_shared>>) dst(%arg15 : memref<128x128xf32, #tpu.memory_space<vmem>>)
      tpu.yield
    }) : () -> ()
    %add3A_179 = arith.constant 384 : i32
    %add3A_180 = arith.addi %mul3A_0, %add3A_179 : i32
    "tpu.region"() ({
      %run_scoped3A_194 = tpu.sem_alloc : memref<!tpu.dma_semaphore, #tpu.memory_space<semaphore_mem>>
      %dma_start3A_195 = arith.constant 0 : i32
      %dma_start3A_196 = tpu.memref_slice %arg5[%arg0, %add3A_180, %dma_start3A_195] : memref<2x10000x128xf32, #tpu.memory_space<hbm>> -> memref<1x128x128xf32, #tpu.memory_space<hbm>>
      %dma_start3A_197 = tpu.memref_squeeze %dma_start3A_196 : memref<1x128x128xf32, #tpu.memory_space<hbm>> -> memref<128x128xf32, #tpu.memory_space<hbm>>
      %dma_start3A_198 = arith.constant 0 : i32
      %dma_start3A_199 = tpu.memref_slice %arg5[%arg0, %add3A_180, %dma_start3A_198] : memref<2x10000x128xf32, #tpu.memory_space<hbm>> -> memref<1x128x128xf32, #tpu.memory_space<hbm>>
      %dma_start3A_200 = tpu.memref_squeeze %dma_start3A_199 : memref<1x128x128xf32, #tpu.memory_space<hbm>> -> memref<128x128xf32, #tpu.memory_space<hbm>>
      tpu.enqueue_dma source(%arg15 : memref<128x128xf32, #tpu.memory_space<vmem>>) target(%dma_start3A_200 : memref<128x128xf32, #tpu.memory_space<hbm>>) target_semaphore(%run_scoped3A_194 : memref<!tpu.dma_semaphore, #tpu.memory_space<semaphore_mem>>)
      %dma_wait3A_201 = arith.constant 0 : i32
      %dma_wait3A_202 = tpu.memref_slice %arg5[%arg0, %add3A_180, %dma_wait3A_201] : memref<2x10000x128xf32, #tpu.memory_space<hbm>> -> memref<1x128x128xf32, #tpu.memory_space<hbm>>
      %dma_wait3A_203 = tpu.memref_squeeze %dma_wait3A_202 : memref<1x128x128xf32, #tpu.memory_space<hbm>> -> memref<128x128xf32, #tpu.memory_space<hbm>>
      %dma_wait3A_204 = arith.constant 0 : i32
      %dma_wait3A_205 = tpu.memref_slice %arg5[%arg0, %add3A_180, %dma_wait3A_204] : memref<2x10000x128xf32, #tpu.memory_space<hbm>> -> memref<1x128x128xf32, #tpu.memory_space<hbm>>
      %dma_wait3A_206 = tpu.memref_squeeze %dma_wait3A_205 : memref<1x128x128xf32, #tpu.memory_space<hbm>> -> memref<128x128xf32, #tpu.memory_space<hbm>>
      tpu.wait_dma2 semaphore(%run_scoped3A_194 : memref<!tpu.dma_semaphore, #tpu.memory_space<semaphore_mem>>) src(%arg15 : memref<128x128xf32, #tpu.memory_space<vmem>>) dst(%dma_wait3A_206 : memref<128x128xf32, #tpu.memory_space<hbm>>)
      tpu.yield
    }) : () -> ()
    %add3A_181 = arith.constant 624 : i32
    %add3A_182 = arith.addi %mul3A_0, %add3A_181 : i32
    %sub3A_183 = arith.constant 112 : i32
    %sub3A_184 = arith.subi %add3A_182, %sub3A_183 : i32
    "tpu.region"() ({
      %run_scoped3A_194 = tpu.sem_alloc : memref<!tpu.dma_semaphore, #tpu.memory_space<semaphore_mem>>
      %dma_start3A_195 = arith.constant 0 : i32
      %dma_start3A_196 = arith.constant 0 : i32
      %dma_start3A_197 = tpu.memref_slice %arg15[%dma_start3A_195, %dma_start3A_196] : memref<128x128xf32, #tpu.memory_space<vmem>> -> memref<112x128xf32, #tpu.memory_space<vmem>>
      %dma_start3A_198 = arith.constant 0 : i32
      %dma_start3A_199 = tpu.memref_slice %arg6[%sub3A_184, %dma_start3A_198] : memref<10000x128xf32, #tpu.memory_space<vmem_shared>> -> memref<112x128xf32, #tpu.memory_space<vmem_shared>>
      %dma_start3A_200 = arith.constant 0 : i32
      %dma_start3A_201 = arith.constant 0 : i32
      %dma_start3A_202 = tpu.memref_slice %arg15[%dma_start3A_200, %dma_start3A_201] : memref<128x128xf32, #tpu.memory_space<vmem>> -> memref<112x128xf32, #tpu.memory_space<vmem>>
      %dma_start3A_203 = arith.constant 0 : i32
      %dma_start3A_204 = tpu.memref_slice %arg6[%sub3A_184, %dma_start3A_203] : memref<10000x128xf32, #tpu.memory_space<vmem_shared>> -> memref<112x128xf32, #tpu.memory_space<vmem_shared>>
      tpu.enqueue_dma source(%dma_start3A_204 : memref<112x128xf32, #tpu.memory_space<vmem_shared>>) target(%dma_start3A_202 : memref<112x128xf32, #tpu.memory_space<vmem>>) target_semaphore(%run_scoped3A_194 : memref<!tpu.dma_semaphore, #tpu.memory_space<semaphore_mem>>)
      %dma_wait3A_205 = arith.constant 0 : i32
      %dma_wait3A_206 = arith.constant 0 : i32
      %dma_wait3A_207 = tpu.memref_slice %arg15[%dma_wait3A_205, %dma_wait3A_206] : memref<128x128xf32, #tpu.memory_space<vmem>> -> memref<112x128xf32, #tpu.memory_space<vmem>>
      %dma_wait3A_208 = arith.constant 0 : i32
      %dma_wait3A_209 = tpu.memref_slice %arg6[%sub3A_184, %dma_wait3A_208] : memref<10000x128xf32, #tpu.memory_space<vmem_shared>> -> memref<112x128xf32, #tpu.memory_space<vmem_shared>>
      %dma_wait3A_210 = arith.constant 0 : i32
      %dma_wait3A_211 = arith.constant 0 : i32
      %dma_wait3A_212 = tpu.memref_slice %arg15[%dma_wait3A_210, %dma_wait3A_211] : memref<128x128xf32, #tpu.memory_space<vmem>> -> memref<112x128xf32, #tpu.memory_space<vmem>>
      %dma_wait3A_213 = arith.constant 0 : i32
      %dma_wait3A_214 = tpu.memref_slice %arg6[%sub3A_184, %dma_wait3A_213] : memref<10000x128xf32, #tpu.memory_space<vmem_shared>> -> memref<112x128xf32, #tpu.memory_space<vmem_shared>>
      tpu.wait_dma2 semaphore(%run_scoped3A_194 : memref<!tpu.dma_semaphore, #tpu.memory_space<semaphore_mem>>) src(%dma_wait3A_214 : memref<112x128xf32, #tpu.memory_space<vmem_shared>>) dst(%dma_wait3A_212 : memref<112x128xf32, #tpu.memory_space<vmem>>)
      tpu.yield
    }) : () -> ()
    %add3A_185 = arith.constant 624 : i32
    %add3A_186 = arith.addi %mul3A_0, %add3A_185 : i32
    %sub3A_187 = arith.constant 112 : i32
    %sub3A_188 = arith.subi %add3A_186, %sub3A_187 : i32
    "tpu.region"() ({
      %run_scoped3A_194 = tpu.sem_alloc : memref<!tpu.dma_semaphore, #tpu.memory_space<semaphore_mem>>
      %dma_start3A_195 = arith.constant 0 : i32
      %dma_start3A_196 = arith.constant 0 : i32
      %dma_start3A_197 = tpu.memref_slice %arg15[%dma_start3A_195, %dma_start3A_196] : memref<128x128xf32, #tpu.memory_space<vmem>> -> memref<112x128xf32, #tpu.memory_space<vmem>>
      %dma_start3A_198 = arith.constant 0 : i32
      %dma_start3A_199 = tpu.memref_slice %arg5[%arg0, %sub3A_188, %dma_start3A_198] : memref<2x10000x128xf32, #tpu.memory_space<hbm>> -> memref<1x112x128xf32, #tpu.memory_space<hbm>>
      %dma_start3A_200 = tpu.memref_squeeze %dma_start3A_199 : memref<1x112x128xf32, #tpu.memory_space<hbm>> -> memref<112x128xf32, #tpu.memory_space<hbm>>
      %dma_start3A_201 = arith.constant 0 : i32
      %dma_start3A_202 = tpu.memref_slice %arg5[%arg0, %sub3A_188, %dma_start3A_201] : memref<2x10000x128xf32, #tpu.memory_space<hbm>> -> memref<1x112x128xf32, #tpu.memory_space<hbm>>
      %dma_start3A_203 = tpu.memref_squeeze %dma_start3A_202 : memref<1x112x128xf32, #tpu.memory_space<hbm>> -> memref<112x128xf32, #tpu.memory_space<hbm>>
      %dma_start3A_204 = arith.constant 0 : i32
      %dma_start3A_205 = arith.constant 0 : i32
      %dma_start3A_206 = tpu.memref_slice %arg15[%dma_start3A_204, %dma_start3A_205] : memref<128x128xf32, #tpu.memory_space<vmem>> -> memref<112x128xf32, #tpu.memory_space<vmem>>
      tpu.enqueue_dma source(%dma_start3A_206 : memref<112x128xf32, #tpu.memory_space<vmem>>) target(%dma_start3A_203 : memref<112x128xf32, #tpu.memory_space<hbm>>) target_semaphore(%run_scoped3A_194 : memref<!tpu.dma_semaphore, #tpu.memory_space<semaphore_mem>>)
      %dma_wait3A_207 = arith.constant 0 : i32
      %dma_wait3A_208 = arith.constant 0 : i32
      %dma_wait3A_209 = tpu.memref_slice %arg15[%dma_wait3A_207, %dma_wait3A_208] : memref<128x128xf32, #tpu.memory_space<vmem>> -> memref<112x128xf32, #tpu.memory_space<vmem>>
      %dma_wait3A_210 = arith.constant 0 : i32
      %dma_wait3A_211 = tpu.memref_slice %arg5[%arg0, %sub3A_188, %dma_wait3A_210] : memref<2x10000x128xf32, #tpu.memory_space<hbm>> -> memref<1x112x128xf32, #tpu.memory_space<hbm>>
      %dma_wait3A_212 = tpu.memref_squeeze %dma_wait3A_211 : memref<1x112x128xf32, #tpu.memory_space<hbm>> -> memref<112x128xf32, #tpu.memory_space<hbm>>
      %dma_wait3A_213 = arith.constant 0 : i32
      %dma_wait3A_214 = tpu.memref_slice %arg5[%arg0, %sub3A_188, %dma_wait3A_213] : memref<2x10000x128xf32, #tpu.memory_space<hbm>> -> memref<1x112x128xf32, #tpu.memory_space<hbm>>
      %dma_wait3A_215 = tpu.memref_squeeze %dma_wait3A_214 : memref<1x112x128xf32, #tpu.memory_space<hbm>> -> memref<112x128xf32, #tpu.memory_space<hbm>>
      %dma_wait3A_216 = arith.constant 0 : i32
      %dma_wait3A_217 = arith.constant 0 : i32
      %dma_wait3A_218 = tpu.memref_slice %arg15[%dma_wait3A_216, %dma_wait3A_217] : memref<128x128xf32, #tpu.memory_space<vmem>> -> memref<112x128xf32, #tpu.memory_space<vmem>>
      tpu.wait_dma2 semaphore(%run_scoped3A_194 : memref<!tpu.dma_semaphore, #tpu.memory_space<semaphore_mem>>) src(%dma_wait3A_218 : memref<112x128xf32, #tpu.memory_space<vmem>>) dst(%dma_wait3A_215 : memref<112x128xf32, #tpu.memory_space<hbm>>)
      tpu.yield
    }) : () -> ()
    %eq3A_189 = arith.constant 0 : i32
    %eq3A_190 = arith.cmpi eq, %arg1, %eq3A_189 : i32
    %convert_element_type3A_191 = arith.extui %eq3A_190 : i1 to i32
    %cond3A_192 = arith.constant 0 : i32
    %cond3A_193 = arith.cmpi ne, %convert_element_type3A_191, %cond3A_192 : i32
    scf.if %cond3A_193 {
      "tpu.region"() ({
        %run_scoped3A_194 = tpu.sem_alloc : memref<!tpu.dma_semaphore, #tpu.memory_space<semaphore_mem>>
        %dma_start3A_195 = arith.constant 0 : i32
        %dma_start3A_196 = arith.constant 0 : i32
        %dma_start3A_197 = tpu.memref_slice %arg15[%dma_start3A_195, %dma_start3A_196] : memref<128x128xf32, #tpu.memory_space<vmem>> -> memref<16x128xf32, #tpu.memory_space<vmem>>
        %dma_start3A_198 = arith.constant 9984 : i32
        %dma_start3A_199 = arith.constant 0 : i32
        %dma_start3A_200 = tpu.memref_slice %arg6[%dma_start3A_198, %dma_start3A_199] : memref<10000x128xf32, #tpu.memory_space<vmem_shared>> -> memref<16x128xf32, #tpu.memory_space<vmem_shared>>
        %dma_start3A_201 = arith.constant 0 : i32
        %dma_start3A_202 = arith.constant 0 : i32
        %dma_start3A_203 = tpu.memref_slice %arg15[%dma_start3A_201, %dma_start3A_202] : memref<128x128xf32, #tpu.memory_space<vmem>> -> memref<16x128xf32, #tpu.memory_space<vmem>>
        %dma_start3A_204 = arith.constant 9984 : i32
        %dma_start3A_205 = arith.constant 0 : i32
        %dma_start3A_206 = tpu.memref_slice %arg6[%dma_start3A_204, %dma_start3A_205] : memref<10000x128xf32, #tpu.memory_space<vmem_shared>> -> memref<16x128xf32, #tpu.memory_space<vmem_shared>>
        tpu.enqueue_dma source(%dma_start3A_206 : memref<16x128xf32, #tpu.memory_space<vmem_shared>>) target(%dma_start3A_203 : memref<16x128xf32, #tpu.memory_space<vmem>>) target_semaphore(%run_scoped3A_194 : memref<!tpu.dma_semaphore, #tpu.memory_space<semaphore_mem>>)
        %dma_wait3A_207 = arith.constant 0 : i32
        %dma_wait3A_208 = arith.constant 0 : i32
        %dma_wait3A_209 = tpu.memref_slice %arg15[%dma_wait3A_207, %dma_wait3A_208] : memref<128x128xf32, #tpu.memory_space<vmem>> -> memref<16x128xf32, #tpu.memory_space<vmem>>
        %dma_wait3A_210 = arith.constant 9984 : i32
        %dma_wait3A_211 = arith.constant 0 : i32
        %dma_wait3A_212 = tpu.memref_slice %arg6[%dma_wait3A_210, %dma_wait3A_211] : memref<10000x128xf32, #tpu.memory_space<vmem_shared>> -> memref<16x128xf32, #tpu.memory_space<vmem_shared>>
        %dma_wait3A_213 = arith.constant 0 : i32
        %dma_wait3A_214 = arith.constant 0 : i32
        %dma_wait3A_215 = tpu.memref_slice %arg15[%dma_wait3A_213, %dma_wait3A_214] : memref<128x128xf32, #tpu.memory_space<vmem>> -> memref<16x128xf32, #tpu.memory_space<vmem>>
        %dma_wait3A_216 = arith.constant 9984 : i32
        %dma_wait3A_217 = arith.constant 0 : i32
        %dma_wait3A_218 = tpu.memref_slice %arg6[%dma_wait3A_216, %dma_wait3A_217] : memref<10000x128xf32, #tpu.memory_space<vmem_shared>> -> memref<16x128xf32, #tpu.memory_space<vmem_shared>>
        tpu.wait_dma2 semaphore(%run_scoped3A_194 : memref<!tpu.dma_semaphore, #tpu.memory_space<semaphore_mem>>) src(%dma_wait3A_218 : memref<16x128xf32, #tpu.memory_space<vmem_shared>>) dst(%dma_wait3A_215 : memref<16x128xf32, #tpu.memory_space<vmem>>)
        tpu.yield
      }) : () -> ()
      "tpu.region"() ({
        %run_scoped3A_194 = tpu.sem_alloc : memref<!tpu.dma_semaphore, #tpu.memory_space<semaphore_mem>>
        %dma_start3A_195 = arith.constant 0 : i32
        %dma_start3A_196 = arith.constant 0 : i32
        %dma_start3A_197 = tpu.memref_slice %arg15[%dma_start3A_195, %dma_start3A_196] : memref<128x128xf32, #tpu.memory_space<vmem>> -> memref<16x128xf32, #tpu.memory_space<vmem>>
        %dma_start3A_198 = arith.constant 9984 : i32
        %dma_start3A_199 = arith.constant 0 : i32
        %dma_start3A_200 = tpu.memref_slice %arg5[%arg0, %dma_start3A_198, %dma_start3A_199] : memref<2x10000x128xf32, #tpu.memory_space<hbm>> -> memref<1x16x128xf32, #tpu.memory_space<hbm>>
        %dma_start3A_201 = tpu.memref_squeeze %dma_start3A_200 : memref<1x16x128xf32, #tpu.memory_space<hbm>> -> memref<16x128xf32, #tpu.memory_space<hbm>>
        %dma_start3A_202 = arith.constant 9984 : i32
        %dma_start3A_203 = arith.constant 0 : i32
        %dma_start3A_204 = tpu.memref_slice %arg5[%arg0, %dma_start3A_202, %dma_start3A_203] : memref<2x10000x128xf32, #tpu.memory_space<hbm>> -> memref<1x16x128xf32, #tpu.memory_space<hbm>>
        %dma_start3A_205 = tpu.memref_squeeze %dma_start3A_204 : memref<1x16x128xf32, #tpu.memory_space<hbm>> -> memref<16x128xf32, #tpu.memory_space<hbm>>
        %dma_start3A_206 = arith.constant 0 : i32
        %dma_start3A_207 = arith.constant 0 : i32
        %dma_start3A_208 = tpu.memref_slice %arg15[%dma_start3A_206, %dma_start3A_207] : memref<128x128xf32, #tpu.memory_space<vmem>> -> memref<16x128xf32, #tpu.memory_space<vmem>>
        tpu.enqueue_dma source(%dma_start3A_208 : memref<16x128xf32, #tpu.memory_space<vmem>>) target(%dma_start3A_205 : memref<16x128xf32, #tpu.memory_space<hbm>>) target_semaphore(%run_scoped3A_194 : memref<!tpu.dma_semaphore, #tpu.memory_space<semaphore_mem>>)
        %dma_wait3A_209 = arith.constant 0 : i32
        %dma_wait3A_210 = arith.constant 0 : i32
        %dma_wait3A_211 = tpu.memref_slice %arg15[%dma_wait3A_209, %dma_wait3A_210] : memref<128x128xf32, #tpu.memory_space<vmem>> -> memref<16x128xf32, #tpu.memory_space<vmem>>
        %dma_wait3A_212 = arith.constant 9984 : i32
        %dma_wait3A_213 = arith.constant 0 : i32
        %dma_wait3A_214 = tpu.memref_slice %arg5[%arg0, %dma_wait3A_212, %dma_wait3A_213] : memref<2x10000x128xf32, #tpu.memory_space<hbm>> -> memref<1x16x128xf32, #tpu.memory_space<hbm>>
        %dma_wait3A_215 = tpu.memref_squeeze %dma_wait3A_214 : memref<1x16x128xf32, #tpu.memory_space<hbm>> -> memref<16x128xf32, #tpu.memory_space<hbm>>
        %dma_wait3A_216 = arith.constant 9984 : i32
        %dma_wait3A_217 = arith.constant 0 : i32
        %dma_wait3A_218 = tpu.memref_slice %arg5[%arg0, %dma_wait3A_216, %dma_wait3A_217] : memref<2x10000x128xf32, #tpu.memory_space<hbm>> -> memref<1x16x128xf32, #tpu.memory_space<hbm>>
        %dma_wait3A_219 = tpu.memref_squeeze %dma_wait3A_218 : memref<1x16x128xf32, #tpu.memory_space<hbm>> -> memref<16x128xf32, #tpu.memory_space<hbm>>
        %dma_wait3A_220 = arith.constant 0 : i32
        %dma_wait3A_221 = arith.constant 0 : i32
        %dma_wait3A_222 = tpu.memref_slice %arg15[%dma_wait3A_220, %dma_wait3A_221] : memref<128x128xf32, #tpu.memory_space<vmem>> -> memref<16x128xf32, #tpu.memory_space<vmem>>
        tpu.wait_dma2 semaphore(%run_scoped3A_194 : memref<!tpu.dma_semaphore, #tpu.memory_space<semaphore_mem>>) src(%dma_wait3A_222 : memref<16x128xf32, #tpu.memory_space<vmem>>) dst(%dma_wait3A_219 : memref<16x128xf32, #tpu.memory_space<hbm>>)
        tpu.yield
      }) : () -> ()
    } else {
    }
    return
  }
}

module attributes {stable_mosaic.version = 14 : i64} {
  func.func @body(%arg0: i32, %arg1: memref<2x1000x128xf32, #tpu.memory_space<vmem>>, %arg2: memref<2x1000x1xf32, #tpu.memory_space<vmem>>, %arg3: memref<1000x128xf32, #tpu.memory_space<vmem>>, %arg4: memref<128x128xf32, #tpu.memory_space<vmem>>, %arg5: memref<128x128xf32, #tpu.memory_space<vmem>>, %arg6: memref<1x128xf32, #tpu.memory_space<vmem>>, %arg7: memref<1000x128xf32, #tpu.memory_space<vmem>>) attributes {dimension_semantics = [#tpu.dimension_semantics<arbitrary>], iteration_bounds = array<i64: 10>, scalar_prefetch = 0 : i64, scratch_operands = 0 : i64, tpu.core_type = #tpu.core_type<tc>, window_params = [{transform_indices = @transform_0, window_bounds = array<i64: 2, 1000, 128>}, {transform_indices = @transform_1, window_bounds = array<i64: 2, 1000, 1>}, {transform_indices = @transform_2, window_bounds = array<i64: 1000, 128>}, {pipeline_mode = #tpu.pipeline_mode<synchronous>, transform_indices = @transform_3, window_bounds = array<i64: 128, 128>}, {pipeline_mode = #tpu.pipeline_mode<synchronous>, transform_indices = @transform_4, window_bounds = array<i64: 128, 128>}, {pipeline_mode = #tpu.pipeline_mode<synchronous>, transform_indices = @transform_5, window_bounds = array<i64: 1, 128>}, {transform_indices = @transform_6, window_bounds = array<i64: 1000, 128>}]} {
    %get3A = arith.constant 0 : index
    %get3A_0 = arith.constant 0 : index
    %get3A_1 = arith.constant 0 : index
    %get3A_2 = vector.load %arg1[%get3A, %get3A_0, %get3A_1] : memref<2x1000x128xf32, #tpu.memory_space<vmem>>, vector<1x1000x128xf32>
    %get3A_3 = vector.shape_cast %get3A_2 : vector<1x1000x128xf32> to vector<1000x128xf32>
    %get3A_4 = arith.constant 1 : index
    %get3A_5 = arith.constant 0 : index
    %get3A_6 = arith.constant 0 : index
    %get3A_7 = vector.load %arg1[%get3A_4, %get3A_5, %get3A_6] : memref<2x1000x128xf32, #tpu.memory_space<vmem>>, vector<1x1000x128xf32>
    %get3A_8 = vector.shape_cast %get3A_7 : vector<1x1000x128xf32> to vector<1000x128xf32>
    %add3A = arith.addf %get3A_3, %get3A_8 : vector<1000x128xf32>
    %get3A_9 = arith.constant 0 : index
    %get3A_10 = arith.constant 0 : index
    %get3A_11 = arith.constant 0 : index
    %get3A_12 = vector.load %arg2[%get3A_9, %get3A_10, %get3A_11] : memref<2x1000x1xf32, #tpu.memory_space<vmem>>, vector<1x1000x1xf32>
    %get3A_13 = vector.shape_cast %get3A_12 : vector<1x1000x1xf32> to vector<1000x1xf32>
    %get3A_14 = arith.constant 1 : index
    %get3A_15 = arith.constant 0 : index
    %get3A_16 = arith.constant 0 : index
    %get3A_17 = vector.load %arg2[%get3A_14, %get3A_15, %get3A_16] : memref<2x1000x1xf32, #tpu.memory_space<vmem>>, vector<1x1000x1xf32>
    %get3A_18 = vector.shape_cast %get3A_17 : vector<1x1000x1xf32> to vector<1000x1xf32>
    %add3A_19 = arith.addf %get3A_13, %get3A_18 : vector<1000x1xf32>
    %max3A = arith.constant 1.000000e+00 : f32
    %max3A_20 = vector.broadcast %max3A : f32 to vector<1000x1xf32>
    %max3A_21 = arith.maximumf %add3A_19, %max3A_20 : vector<1000x1xf32>
    %div3A = vector.broadcast %max3A_21 : vector<1000x1xf32> to vector<1000x128xf32>
    %div3A_22 = arith.divf %add3A, %div3A : vector<1000x128xf32>
    %get3A_23 = arith.constant 0 : index
    %get3A_24 = arith.constant 0 : index
    %get3A_25 = vector.load %arg4[%get3A_23, %get3A_24] : memref<128x128xf32, #tpu.memory_space<vmem>>, vector<128x128xf32>
    %dot_general3A = arith.constant dense<0.000000e+00> : vector<1000x128xf32>
    %dot_general3A_26 = tpu.matmul %div3A_22, %get3A_25, %dot_general3A {dimension_numbers = #tpu.dot_dimension_numbers<[1], [0], [0], [1], [0, 0, 1, 1], [], []>, transpose_lhs_hint = false} : vector<1000x128xf32>, vector<128x128xf32>, vector<1000x128xf32> -> vector<1000x128xf32>
    %get3A_27 = arith.constant 0 : index
    %get3A_28 = arith.constant 0 : index
    %get3A_29 = vector.load %arg3[%get3A_27, %get3A_28] : memref<1000x128xf32, #tpu.memory_space<vmem>>, vector<1000x128xf32>
    %get3A_30 = arith.constant 0 : index
    %get3A_31 = arith.constant 0 : index
    %get3A_32 = vector.load %arg5[%get3A_30, %get3A_31] : memref<128x128xf32, #tpu.memory_space<vmem>>, vector<128x128xf32>
    %dot_general3A_33 = arith.constant dense<0.000000e+00> : vector<1000x128xf32>
    %dot_general3A_34 = tpu.matmul %get3A_29, %get3A_32, %dot_general3A_33 {dimension_numbers = #tpu.dot_dimension_numbers<[1], [0], [0], [1], [0, 0, 1, 1], [], []>, transpose_lhs_hint = false} : vector<1000x128xf32>, vector<128x128xf32>, vector<1000x128xf32> -> vector<1000x128xf32>
    %add3A_35 = arith.addf %dot_general3A_26, %dot_general3A_34 : vector<1000x128xf32>
    %get3A_36 = arith.constant 0 : index
    %get3A_37 = arith.constant 0 : index
    %get3A_38 = vector.load %arg6[%get3A_36, %get3A_37] : memref<1x128xf32, #tpu.memory_space<vmem>>, vector<1x128xf32>
    %add3A_39 = vector.broadcast %get3A_38 : vector<1x128xf32> to vector<1000x128xf32>
    %add3A_40 = arith.addf %add3A_35, %add3A_39 : vector<1000x128xf32>
    %max3A_41 = arith.constant 0.000000e+00 : f32
    %max3A_42 = vector.broadcast %max3A_41 : f32 to vector<1000x128xf32>
    %max3A_43 = arith.maximumf %add3A_40, %max3A_42 : vector<1000x128xf32>
    %swap3A = arith.constant 0 : index
    %swap3A_44 = arith.constant 0 : index
    %swap3A_45 = vector.load %arg7[%swap3A, %swap3A_44] : memref<1000x128xf32, #tpu.memory_space<vmem>>, vector<1000x128xf32>
    tpu.vector_store %arg7[%swap3A, %swap3A_44], %max3A_43 {strides = array<i32>} : memref<1000x128xf32, #tpu.memory_space<vmem>>, vector<1000x128xf32>,
    return
  }
  func.func @transform_0(%arg0: i32) -> (i32, i32, i32) {
    %c0_i32 = arith.constant 0 : i32
    %c0_i32_0 = arith.constant 0 : i32
    %c0_i32_1 = arith.constant 0 : i32
    return %c0_i32, %arg0, %c0_i32_0 : i32, i32, i32
  }
  func.func @transform_1(%arg0: i32) -> (i32, i32, i32) {
    %c0_i32 = arith.constant 0 : i32
    %c0_i32_0 = arith.constant 0 : i32
    %c0_i32_1 = arith.constant 0 : i32
    return %c0_i32, %arg0, %c0_i32_0 : i32, i32, i32
  }
  func.func @transform_2(%arg0: i32) -> (i32, i32) {
    %c0_i32 = arith.constant 0 : i32
    %c0_i32_0 = arith.constant 0 : i32
    return %arg0, %c0_i32 : i32, i32
  }
  func.func @transform_3(%arg0: i32) -> (i32, i32) {
    %c0_i32 = arith.constant 0 : i32
    %c0_i32_0 = arith.constant 0 : i32
    %c0_i32_1 = arith.constant 0 : i32
    return %c0_i32, %c0_i32_0 : i32, i32
  }
  func.func @transform_4(%arg0: i32) -> (i32, i32) {
    %c0_i32 = arith.constant 0 : i32
    %c0_i32_0 = arith.constant 0 : i32
    %c0_i32_1 = arith.constant 0 : i32
    return %c0_i32, %c0_i32_0 : i32, i32
  }
  func.func @transform_5(%arg0: i32) -> (i32, i32) {
    %c0_i32 = arith.constant 0 : i32
    %c0_i32_0 = arith.constant 0 : i32
    %c0_i32_1 = arith.constant 0 : i32
    return %c0_i32, %c0_i32_0 : i32, i32
  }
  func.func @transform_6(%arg0: i32) -> (i32, i32) {
    %c0_i32 = arith.constant 0 : i32
    %c0_i32_0 = arith.constant 0 : i32
    return %arg0, %c0_i32 : i32, i32
  }
}

module attributes {stable_mosaic.version = 14 : i64} {
  func.func @body(%arg0: i32, %arg1: memref<2x1000x128xf32, #tpu.memory_space<vmem>>, %arg2: memref<2x1000x1xf32, #tpu.memory_space<vmem>>, %arg3: memref<1000x128xf32, #tpu.memory_space<vmem>>, %arg4: memref<128x128xf32, #tpu.memory_space<vmem>>, %arg5: memref<128x128xf32, #tpu.memory_space<vmem>>, %arg6: memref<1x128xf32, #tpu.memory_space<vmem>>, %arg7: memref<1000x128xf32, #tpu.memory_space<vmem>>) attributes {dimension_semantics = [#tpu.dimension_semantics<arbitrary>], iteration_bounds = array<i64: 10>, scalar_prefetch = 0 : i64, scratch_operands = 0 : i64, tpu.core_type = #tpu.core_type<tc>, window_params = [{transform_indices = @transform_0, window_bounds = array<i64: 2, 1000, 128>}, {transform_indices = @transform_1, window_bounds = array<i64: 2, 1000, 1>}, {transform_indices = @transform_2, window_bounds = array<i64: 1000, 128>}, {pipeline_mode = #tpu.pipeline_mode<synchronous>, transform_indices = @transform_3, window_bounds = array<i64: 128, 128>}, {pipeline_mode = #tpu.pipeline_mode<synchronous>, transform_indices = @transform_4, window_bounds = array<i64: 128, 128>}, {pipeline_mode = #tpu.pipeline_mode<synchronous>, transform_indices = @transform_5, window_bounds = array<i64: 1, 128>}, {transform_indices = @transform_6, window_bounds = array<i64: 1000, 128>}]} {
    %get3A = arith.constant 0 : index
    %get3A_0 = arith.constant 0 : index
    %get3A_1 = arith.constant 0 : index
    %get3A_2 = vector.load %arg1[%get3A, %get3A_0, %get3A_1] : memref<2x1000x128xf32, #tpu.memory_space<vmem>>, vector<1x1000x128xf32>
    %get3A_3 = vector.shape_cast %get3A_2 : vector<1x1000x128xf32> to vector<1000x128xf32>
    %get3A_4 = arith.constant 1 : index
    %get3A_5 = arith.constant 0 : index
    %get3A_6 = arith.constant 0 : index
    %get3A_7 = vector.load %arg1[%get3A_4, %get3A_5, %get3A_6] : memref<2x1000x128xf32, #tpu.memory_space<vmem>>, vector<1x1000x128xf32>
    %get3A_8 = vector.shape_cast %get3A_7 : vector<1x1000x128xf32> to vector<1000x128xf32>
    %add3A = arith.addf %get3A_3, %get3A_8 : vector<1000x128xf32>
    %get3A_9 = arith.constant 0 : index
    %get3A_10 = arith.constant 0 : index
    %get3A_11 = arith.constant 0 : index
    %get3A_12 = vector.load %arg2[%get3A_9, %get3A_10, %get3A_11] : memref<2x1000x1xf32, #tpu.memory_space<vmem>>, vector<1x1000x1xf32>
    %get3A_13 = vector.shape_cast %get3A_12 : vector<1x1000x1xf32> to vector<1000x1xf32>
    %get3A_14 = arith.constant 1 : index
    %get3A_15 = arith.constant 0 : index
    %get3A_16 = arith.constant 0 : index
    %get3A_17 = vector.load %arg2[%get3A_14, %get3A_15, %get3A_16] : memref<2x1000x1xf32, #tpu.memory_space<vmem>>, vector<1x1000x1xf32>
    %get3A_18 = vector.shape_cast %get3A_17 : vector<1x1000x1xf32> to vector<1000x1xf32>
    %add3A_19 = arith.addf %get3A_13, %get3A_18 : vector<1000x1xf32>
    %max3A = arith.constant 1.000000e+00 : f32
    %max3A_20 = vector.broadcast %max3A : f32 to vector<1000x1xf32>
    %max3A_21 = arith.maximumf %add3A_19, %max3A_20 : vector<1000x1xf32>
    %div3A = vector.broadcast %max3A_21 : vector<1000x1xf32> to vector<1000x128xf32>
    %div3A_22 = arith.divf %add3A, %div3A : vector<1000x128xf32>
    %get3A_23 = arith.constant 0 : index
    %get3A_24 = arith.constant 0 : index
    %get3A_25 = vector.load %arg4[%get3A_23, %get3A_24] : memref<128x128xf32, #tpu.memory_space<vmem>>, vector<128x128xf32>
    %dot_general3A = arith.constant dense<0.000000e+00> : vector<1000x128xf32>
    %dot_general3A_26 = tpu.matmul %div3A_22, %get3A_25, %dot_general3A {dimension_numbers = #tpu.dot_dimension_numbers<[1], [0], [0], [1], [0, 0, 1, 1], [], []>, transpose_lhs_hint = false} : vector<1000x128xf32>, vector<128x128xf32>, vector<1000x128xf32> -> vector<1000x128xf32>
    %get3A_27 = arith.constant 0 : index
    %get3A_28 = arith.constant 0 : index
    %get3A_29 = vector.load %arg3[%get3A_27, %get3A_28] : memref<1000x128xf32, #tpu.memory_space<vmem>>, vector<1000x128xf32>
    %get3A_30 = arith.constant 0 : index
    %get3A_31 = arith.constant 0 : index
    %get3A_32 = vector.load %arg5[%get3A_30, %get3A_31] : memref<128x128xf32, #tpu.memory_space<vmem>>, vector<128x128xf32>
    %dot_general3A_33 = arith.constant dense<0.000000e+00> : vector<1000x128xf32>
    %dot_general3A_34 = tpu.matmul %get3A_29, %get3A_32, %dot_general3A_33 {dimension_numbers = #tpu.dot_dimension_numbers<[1], [0], [0], [1], [0, 0, 1, 1], [], []>, transpose_lhs_hint = false} : vector<1000x128xf32>, vector<128x128xf32>, vector<1000x128xf32> -> vector<1000x128xf32>
    %add3A_35 = arith.addf %dot_general3A_26, %dot_general3A_34 : vector<1000x128xf32>
    %get3A_36 = arith.constant 0 : index
    %get3A_37 = arith.constant 0 : index
    %get3A_38 = vector.load %arg6[%get3A_36, %get3A_37] : memref<1x128xf32, #tpu.memory_space<vmem>>, vector<1x128xf32>
    %add3A_39 = vector.broadcast %get3A_38 : vector<1x128xf32> to vector<1000x128xf32>
    %add3A_40 = arith.addf %add3A_35, %add3A_39 : vector<1000x128xf32>
    %swap3A = arith.constant 0 : index
    %swap3A_41 = arith.constant 0 : index
    %swap3A_42 = vector.load %arg7[%swap3A, %swap3A_41] : memref<1000x128xf32, #tpu.memory_space<vmem>>, vector<1000x128xf32>
    tpu.vector_store %arg7[%swap3A, %swap3A_41], %add3A_40 {strides = array<i32>} : memref<1000x128xf32, #tpu.memory_space<vmem>>, vector<1000x128xf32>,
    return
  }
  func.func @transform_0(%arg0: i32) -> (i32, i32, i32) {
    %c0_i32 = arith.constant 0 : i32
    %c0_i32_0 = arith.constant 0 : i32
    %c0_i32_1 = arith.constant 0 : i32
    return %c0_i32, %arg0, %c0_i32_0 : i32, i32, i32
  }
  func.func @transform_1(%arg0: i32) -> (i32, i32, i32) {
    %c0_i32 = arith.constant 0 : i32
    %c0_i32_0 = arith.constant 0 : i32
    %c0_i32_1 = arith.constant 0 : i32
    return %c0_i32, %arg0, %c0_i32_0 : i32, i32, i32
  }
  func.func @transform_2(%arg0: i32) -> (i32, i32) {
    %c0_i32 = arith.constant 0 : i32
    %c0_i32_0 = arith.constant 0 : i32
    return %arg0, %c0_i32 : i32, i32
  }
  func.func @transform_3(%arg0: i32) -> (i32, i32) {
    %c0_i32 = arith.constant 0 : i32
    %c0_i32_0 = arith.constant 0 : i32
    %c0_i32_1 = arith.constant 0 : i32
    return %c0_i32, %c0_i32_0 : i32, i32
  }
  func.func @transform_4(%arg0: i32) -> (i32, i32) {
    %c0_i32 = arith.constant 0 : i32
    %c0_i32_0 = arith.constant 0 : i32
    %c0_i32_1 = arith.constant 0 : i32
    return %c0_i32, %c0_i32_0 : i32, i32
  }
  func.func @transform_5(%arg0: i32) -> (i32, i32) {
    %c0_i32 = arith.constant 0 : i32
    %c0_i32_0 = arith.constant 0 : i32
    %c0_i32_1 = arith.constant 0 : i32
    return %c0_i32, %c0_i32_0 : i32, i32
  }
  func.func @transform_6(%arg0: i32) -> (i32, i32) {
    %c0_i32 = arith.constant 0 : i32
    %c0_i32_0 = arith.constant 0 : i32
    return %arg0, %c0_i32 : i32, i32
  }
}

</mosaic_0001>

<sc_bundles>
// kernel: kernel.6.cloned.1.call-start
scs
__scs_entry_jumppad:
0x0: {  	(pc) =	sbr.rel $0x88, $3  }
0x1: {  	(tag) =	ssettag $0x0;
	lr =	simm.s32 $0x1  }
0x2: {  	[smem:$0x3F99] =	sst lr;
	_ =	strace $0xD0000000  }
0x3: {  	_ = 	snop  }
0x4: {  	_ = 	snop  }
0x5: {  	_ = 	snop  }
0x6: {  	_ = 	snop  }
0x7: {  	_ = 	snop  }
__scs_overlays_trampoline_lowered:
0x8: {  	[smem:$0x3FA8] =	sst s0  }
0x9: {  	[smem:$0x3FA9] =	sst s1  }
0xa: {  	[smem:$0x3FAA] =	sst s2  }
0xb: {  	[smem:$0x3FAB] =	sst s3  }
0xc: {  	[smem:$0x3FAC] =	sst s4  }
0xd: {  	[smem:$0x3FAD] =	sst s5  }
0xe: {  	[smem:$0x3FAE] =	sst s6  }
0xf: {  	[smem:$0x3FAF] =	sst s7  }
0x10: {  	[smem:$0x3FB0] =	sst s8  }
0x11: {  	[smem:$0x3FB1] =	sst s9;
	s0 =	simm.s32 @!p0 $0x0  }
0x12: {  	s1 =	sld [smem:$0x3F97];
	s0 =	simm.s32 @p0 $0x1  }
0x13: {  	[smem:$0x3FB2] =	sst s0;
	s0 =	simm.s32 @!p1 $0x0  }
0x14: {  	s2 =	sld [smem:$0x3F96];
	s0 =	simm.s32 @p1 $0x1  }
0x15: {  	[smem:$0x3FB3] =	sst s0;
	s0 =	simm.s32 @!p2 $0x0  }
0x16: {  	s3 =	sld [smem:$0x3FDB];
	s0 =	simm.s32 @p2 $0x1  }
0x17: {  	s4 =	simm.s32 $0x1BF5;
	[smem:$0x3FB5] =	sst s0  }
0x18: {  	s0 =	sld [smem:$0x3F98];
	_ =	swait.ge [sflag:s4], $0x0  }
0x19: {  	s7 =	sld [smem:$0x3F99]  }
0x1a: {  	s8 =	sadd.s32 $0xFFFFE003, lr  }
0x1b: {  	s9 =	sadd.s32 $0xFFFFFEF7, lr;
	s5 =	simm.s32 $0xFFFFFFFF;
	p2 =	slt.u32 s8, $0xFFFFF086  }
0x1c: {  	p1 =	slt.u32 s9, $0xF7A;
	s5 =	simm.s32 @!p2 $0x0  }
0x1d: {  	s5 =	simm.s32 @p1 $0x1;
	p0 =	seq.s32 s7, s2  }
0x1e: {  	s7 =	smul.u32 @!p0 $0xF7A, s2;
	p2 =	seq.s32 @!p0 s5, $0x0  }
0x1f: {  	s9 =	smul.u32 $0xF7A, s1;
	s8 =	simm.s32 @!p0 $0x1BF5;
	p2 =	por !p2, p0  }
0x20: {  	[sflag:s8] =	ssyncset.s32 @!p0 $0xFFFFF086;
	s6 =	sadd.s32 @!p0 s3, s7;
	s7 =	simm.s32 @!p0 $0x108  }
0x21: {  	s3 =	sadd.s32 s3, s9;
	s6 =	sadd.s32 @!p0 $0x88, s6;
	s7 =	simm.s32 @p2 $0x1082  }
0x22: {  	[simem:s7], [sflag:s8] =	dma.local @!p0 [hbm:s6], $0xF7A  }
0x23: {  	s9 =	sor.u32 $0xD0000000, s2;
	s6 =	simm.s32 $0x108;
	_ =	swait.ge @!p0 [sflag:s8], $0x0  }
0x24: {  	s3 =	sadd.s32 $0x88, s3;
	s6 =	simm.s32 @!p1 $0x1082;
	[sflag:s4] =	ssyncset.s32 $0xFFFFF086  }
0x25: {  	[simem:s6], [sflag:s4] =	dma.local [hbm:s3], $0xF7A  }
0x26: {  	[smem:$0x3F99] =	sst s1;
	(tag) =	ssettag s2;
	_ =	strace s9  }
0x27: {  	s1 =	sld [smem:$0x3FA9]  }
0x28: {  	s2 =	sld [smem:$0x3FAA]  }
0x29: {  	s4 =	sld [smem:$0x3FAC]  }
0x2a: {  	p0 =	seq.s32 s5, $0x0;
	s5 =	sld [smem:$0x3FAD]  }
0x2b: {  	s6 =	sld [smem:$0x3FAE]  }
0x2c: {  	s7 =	sld [smem:$0x3FAF]  }
0x2d: {  	s3 =	simm.s32 $0x108;
	s8 =	sld [smem:$0x3FB0]  }
0x2e: {  	s3 =	simm.s32 @!p0 $0x1082;
	s9 =	sld [smem:$0x3FB1]  }
0x2f: {  	lr =	sadd.s32 s0, s3;
	s0 =	sld [smem:$0x3FA8]  }
0x30: {  	s3 =	sld [smem:$0x3FAB]  }
0x31: {  	[smem:$0x3FB4] =	sst s10  }
0x32: {  	s10 =	sld [smem:$0x3FB2];
	_ =	sdelay $0x3  }
0x33: {  	p0 =	seq.s32 s10, $0x1;
	s10 =	sld [smem:$0x3FB4];
	_ =	sdelay $0x3  }
0x34: {  	[smem:$0x3FB4] =	sst s10  }
0x35: {  	s10 =	sld [smem:$0x3FB3];
	_ =	sdelay $0x3  }
0x36: {  	p1 =	seq.s32 s10, $0x1;
	s10 =	sld [smem:$0x3FB4];
	_ =	sdelay $0x3  }
0x37: {  	[smem:$0x3FB4] =	sst s10  }
0x38: {  	s10 =	sld [smem:$0x3FB5]  }
0x39: {  	_ = 	snop;
	(pc) =	sbr.ind lr, $3  }
0x3a: {  	_ = 	snop  }
0x3b: {  	_ = 	snop  }
0x3c: {  	p2 =	seq.s32 s10, $0x1;
	s10 =	sld [smem:$0x3FB4]  }
0x3d: {  	_ =	shalt  }
0x3e: {  	_ =	shalt  }
0x3f: {  	_ =	shalt  }
0x40: {  	_ =	shalt  }
0x41: {  	_ =	shalt  }
0x42: {  	_ =	shalt  }
0x43: {  	_ =	shalt  }
0x44: {  	_ =	shalt  }
0x45: {  	_ =	shalt  }
0x46: {  	_ =	shalt  }
0x47: {  	_ =	shalt  }
0x48: {  	_ =	shalt  }
0x49: {  	_ =	shalt  }
0x4a: {  	_ =	shalt  }
0x4b: {  	_ =	shalt  }
0x4c: {  	_ =	shalt  }
0x4d: {  	_ =	shalt  }
0x4e: {  	_ =	shalt  }
0x4f: {  	_ =	shalt  }
0x50: {  	_ =	shalt  }
0x51: {  	_ =	shalt  }
0x52: {  	_ =	shalt  }
0x53: {  	_ =	shalt  }
0x54: {  	_ =	shalt  }
0x55: {  	_ =	shalt  }
0x56: {  	_ =	shalt  }
0x57: {  	_ =	shalt  }
0x58: {  	_ =	shalt  }
0x59: {  	_ =	shalt  }
0x5a: {  	_ =	shalt  }
0x5b: {  	_ =	shalt  }
0x5c: {  	_ =	shalt  }
0x5d: {  	_ =	shalt  }
0x5e: {  	_ =	shalt  }
0x5f: {  	_ =	shalt  }
0x60: {  	_ =	shalt  }
0x61: {  	_ =	shalt  }
0x62: {  	_ =	shalt  }
0x63: {  	_ =	shalt  }
0x64: {  	_ =	shalt  }
0x65: {  	_ =	shalt  }
0x66: {  	_ =	shalt  }
0x67: {  	_ =	shalt  }
0x68: {  	_ =	shalt  }
0x69: {  	_ =	shalt  }
0x6a: {  	_ =	shalt  }
0x6b: {  	_ =	shalt  }
0x6c: {  	_ =	shalt  }
0x6d: {  	_ =	shalt  }
0x6e: {  	_ =	shalt  }
0x6f: {  	_ =	shalt  }
0x70: {  	_ =	shalt  }
0x71: {  	_ =	shalt  }
0x72: {  	_ =	shalt  }
0x73: {  	_ =	shalt  }
0x74: {  	_ =	shalt  }
0x75: {  	_ =	shalt  }
0x76: {  	_ =	shalt  }
0x77: {  	_ =	shalt  }
0x78: {  	_ =	shalt  }
0x79: {  	_ =	shalt  }
0x7a: {  	_ =	shalt  }
0x7b: {  	_ =	shalt  }
0x7c: {  	_ =	shalt  }
0x7d: {  	_ =	shalt  }
0x7e: {  	_ =	shalt  }
0x7f: {  	_ =	shalt  }
0x80: {  	_ =	shalt  }
0x81: {  	_ =	shalt  }
0x82: {  	_ =	shalt  }
0x83: {  	_ =	shalt  }
0x84: {  	_ =	shalt  }
0x85: {  	_ =	shalt  }
0x86: {  	_ =	shalt  }
0x87: {  	_ =	shalt  }
.Lfunc_end0:
.L_simem_size_0:
called_computation_lowered:
.L_overlay_start_0:
0x88: {  	s2 =	sld [smem:$0x3FD9]  }
0x89: {  	s3 =	sld [smem:$0x3FFE];
	_ =	sdelay $0x1  }
0x8a: {  	s1 =	srdreg.scid  }
0x8b: {  	s0 =	sand.u32 $0x1, s1  }
0x8c: {  	s17 =	sshll.u32 s0, $0xA;
	s2 =	sadd.s32 s3, s2  }
0x8d: {  	s2 =	sadd.s32 s2, s17  }
0x8e: {  	[smem:$0x3FC0] =	sst s2  }
0x8f: {  	_ = 	snop  }
0x90: {  	s2 =	sld [smem:$0x3FC9]  }
0x91: {  	s18 =	sld [smem:$0x3FC8]  }
0x92: {  	s4 =	sld [smem:$0x3FD0];
	(tm) =	ssettm $0x1  }
0x93: {  	s5 =	sld [smem:$0x3FFB];
	_ =	sdelay $0x3  }
0x94: {  	_ =	strace s5  }
0x95: {  	s5 =	sld [smem:$0x3FFC];
	_ =	sdelay $0x3  }
0x96: {  	_ =	strace s5  }
0x97: {  	s5 =	sld [smem:$0x3FFD];
	_ =	sdelay $0x3  }
0x98: {  	_ =	strace s5  }
0x99: {  	_ =	strace $0x8FFFFFFF  }
0x9a: {  	s19 =	sld [smem:$0x3FDB];
	_ =	sdelay $0x1  }
0x9b: {  	s6 =	simm.s32 $_scs_section_size  }
0x9c: {  	s7 =	simm.s32 $_size__tile_overlayer_lowered;
	s8 =	simm.s32 $_tile_overlayer_lowered  }
0x9d: {  	s22 =	simm.s32 $0x1BFF;
	s21 =	sshll.u32 s8, $0x1;
	s5 =	sadd.s32 s6, s19  }
0x9e: {  	s9 =	simm.s32 $0x0;
	s20 =	sshll.u32 s7, $0x1;
	s7 =	sadd.s32 s21, s5  }
0x9f: {  	[timem:s9], [sflag:s22] =	dma.local [hbm:s7], s20  }
0xa0: {  	_ =	swait.ge [sflag:s22], s20  }
0xa1: {  	s6 =	ssub.s32 $0x0, s20;
	[sflag:s22] =	ssyncset.done $0x0  }
0xa2: {  	[sflag:s22] =	ssyncadd.s32 s6;
	_ =	sdelay $0x1  }
0xa3: {  	s23 =	simm.s32 $0x1B8B  }
0xa4: {  	_ =	swait.ge [sflag:s23], $0x1  }
0xa5: {  	[sflag:s23] =	ssyncset.done $0x0  }
0xa6: {  	s25 =	simm.s32 $0x1B8E;
	s24 =	sld [smem:$0x3FFE];
	[sflag:s23] =	ssyncadd.s32 $0xFFFFFFFF  }
0xa7: {  	s26 =	simm.s32 $execute0_lowered;
	[smem:$0x3FD2] =	sst s25  }
0xa8: {  	s7 =	sshll.u32 s26, $0x1;
	_ =	strace $0x80000046;
	[dreg:$0x1] =	wrdreg $0xFFFFFFFF  }
0xa9: {  	s28 =	simm.s32 $_size_execute0_lowered;
	s5 =	sadd.s32 s5, s7;
	[dreg:$0x0] =	wrdreg $0x0  }
0xaa: {  	s7 =	sshll.u32 s28, $0x1;
	[dreg:$0x2] =	wrdreg s5  }
0xab: {  	[dreg:$0x3] =	wrdreg s7  }
0xac: {  	[dreg:$0x4] =	wrdreg $0xC0  }
0xad: {  	_ =	task [dreg:s9], $0x5FFFF  }
0xae: {  	[dreg:$0x1] =	wrdreg $0xFFFFFFFF  }
0xaf: {  	[dreg:$0x0] =	wrdreg $0x60  }
0xb0: {  	[dreg:$0x2] =	wrdreg s2  }
0xb1: {  	[dreg:$0x3] =	wrdreg s18  }
0xb2: {  	[dreg:$0x4] =	wrdreg s4  }
0xb3: {  	[dreg:$0x5] =	wrdreg s24  }
0xb4: {  	[dreg:$0x6] =	wrdreg $0x0  }
0xb5: {  	[dreg:$0x7] =	wrdreg $0x1BC800  }
0xb6: {  	[dreg:$0x8] =	wrdreg $0x9  }
0xb7: {  	_ =	task.clear_ibuf [dreg:s9], $0x9FFFF;
	_ =	strace $0x90000046  }
0xb8: {  	s29 =	simm.s32 $0x9;
	_ =	strace $0x80000048  }
0xb9: {  	_ =	swait.ge [sflag:s29], $0x1  }
0xba: {  	[sflag:s29] =	ssyncadd.s32 $0xFFFFFFFF  }
0xbb: {  	_ =	strace $0x90000048  }
0xbc: {  	_ =	sfence  }
0xbd: {  	s30 =	sld [smem:$0x0];
	_ =	sdelay $0x2  }
0xbe: {  	s31 =	sshll.u32 s1, $0xD;
	s1 =	sshrl.u32 s1, $0x2  }
0xbf: {  	s3 =	sand.u32 $0x4000, s31;
	s1 =	sadd.s32 s1, s30  }
0xc0: {  	s0 =	sor.u32 s3, s0;
	s1 =	sshll.u32 s1, $0x11  }
0xc1: {  	s0 =	sor.u32 s1, s0  }
0xc2: {  	s0 =	sadd.s32 $0x8F2B, s0  }
0xc3: {  	[sflag:s0] =	ssyncadd.remote.s32 $0x1  }
0xc4: {  	_ =	sfence.sel $0xFFFF  }
0xc5: {  	[dreg:$0x0] =	wrdreg $0xFFFFFFFF;
	(pc) =	sbr.abs _section_cstart, $3  }
0xc6: {  	[dreg:$0x1] =	wrdreg $0xFFFFFFFF  }
0xc7: {  	_ =	task.clear_ibuf [dreg:s9], $0x2FFFF;
	_ =	strace $0x9FFFFFFF  }
0xc8: {  	(tm) =	ssettm $0x7FFFFFFF  }
0xc9: {  	_ =	shalt  }
tec
execute0_lowered:
.L_overlay_start_1:
0x0: {  	(tag) =	ssettag $0x1  }
0x1: {  	s0 =	rddreg [dreg:$0x0]  }
0x2: {  	s2 =	rddreg [dreg:$0x1]  }
0x3: {  	s1 =	rddreg [dreg:$0x3]  }
0x4: {  	s4 =	rddreg [dreg:$0x4]  }
0x5: {  	s5 =	rddreg [dreg:$0x5];
	s3 =	stileid.u32;
	s6 =	simm.s32 $0x0  }
0x6: {  	s8 =	srdreg.scid;
	s30 =	simm.s32 $0x13B80;
	s7 =	smul.u32 $0x280, s3  }
0x7: {  	[smem:$0x7FF] =	sst s6;
	s8 =	sand.u32 $0x1, s8;
	s9 =	smul.u32 $0x500, s3  }
0x8: {  	s10 =	sadd.s32 $0x3A00, s1;
	s14 =	smul.u32 $0x13800, s3;
	s16 =	sshll.u32 s3, $0x7  }
0x9: {  	p0 =	sne.s32 s3, $0x0;
	p1 =	slt.u32 s3, $0x2;
	s11 =	smul.u32 $0x27100, s8  }
0xa: {  	p2 =	sgt.u32 s3, $0x1;
	_ =	strace $0x80000047;
	s17 =	smul.u32 $0x138800, s8  }
0xb: {  	s12 =	sshll.u32 s8, $0x7;
	s13 =	ssub.s32 $0x2, s8;
	s8 =	smul.u32 $0x4E200, s8  }
0xc: {  	s15 =	sshrl.u32 s13, $0x1;
	s9 =	sor.u32 s12, s9;
	s18 =	sadd.s32 $0x8000, s14  }
0xd: {  	s19 =	sadd.s32 $0xC000, s14;
	s31 =	sadd.s32 s7, s5;
	s12 =	ssub.s32 s13, s15  }
0xe: {  	s11 =	sadd.s32 s16, s11;
	s13 =	smul.u32 $0x4E000, s3;
	s15 =	sadd.s32 $0x4000, s14  }
0xf: {  	s21 =	sadd.s32 s14, s17;
	s14 =	sadd.s32 $0x10000, s14;
	s20 =	sadd.s32 s17, s18  }
0x10: {  	s9 =	sshrl.u32 s9, $0x3;
	[dreg:$0x13] =	wrdreg s31;
	s16 =	sshrl.u32 s21, $0x3  }
0x11: {  	s22 =	sadd.s32 s17, s15;
	s21 =	sadd.s32 s17, s19;
	s23 =	sshrl.u32 s20, $0x3  }
0x12: {  	s26 =	sadd.s32 s17, s14;
	s17 =	sshrl.u32 s17, $0x3;
	s28 =	sadd.s32 s14, s4  }
0x13: {  	s16 =	sadd.s32 s10, s16;
	s24 =	sshrl.u32 s21, $0x3;
	[dreg:$0x11] =	wrdreg s28  }
0x14: {  	s13 =	sshrl.u32 s13, $0x2;
	[dreg:$0x7] =	wrdreg s16;
	s25 =	sadd.s32 s10, s24  }
0x15: {  	s20 =	sshrl.u32 s7, $0x3;
	s21 =	sadd.s32 s13, s4;
	[dreg:$0xa] =	wrdreg s25  }
0x16: {  	s16 =	sshrl.u32 s22, $0x3;
	s22 =	sadd.s32 s15, s4;
	[dreg:$0xd] =	wrdreg s21  }
0x17: {  	s9 =	sadd.s32 s9, s1;
	s24 =	sadd.s32 s19, s4;
	[dreg:$0xe] =	wrdreg s22  }
0x18: {  	s19 =	sadd.s32 $0x10, s2;
	s13 =	smax.u32 s12, $0x1;
	[dreg:$0x10] =	wrdreg s24  }
0x19: {  	s12 =	simm.s32 $0x7;
	s16 =	sadd.s32 s10, s16;
	[dreg:$0x18] =	wrdreg s13  }
0x1a: {  	s13 =	simm.s32 $0x17C80;
	[dreg:$0x8] =	wrdreg s16;
	s16 =	sadd.s32 s10, s23  }
0x1b: {  	s23 =	sadd.s32 s18, s4;
	[dreg:$0x9] =	wrdreg s16;
	s16 =	sshrl.u32 s26, $0x3  }
0x1c: {  	[dreg:$0xf] =	wrdreg s23;
	s26 =	sshrl.u32 s11, $0x2;
	s16 =	sadd.s32 s10, s16  }
0x1d: {  	s10 =	sadd.s32 s10, s17;
	s11 =	sadd.s32 s2, s26;
	[dreg:$0xb] =	wrdreg s16  }
0x1e: {  	s16 =	sadd.s32 s20, s1;
	s1 =	sadd.s32 $0x2800, s1;
	[dreg:$0x14] =	wrdreg s11  }
0x1f: {  	s17 =	sshll.u32 s3, $0x8;
	s7 =	sadd.s32 $0x27000, s10;
	[dreg:$0xc] =	wrdreg s1  }
0x20: {  	s8 =	sadd.s32 s17, s8;
	s10 =	sadd.s32 $0x3000, s9;
	[dreg:$0x16] =	wrdreg s7  }
0x21: {  	s20 =	sadd.s32 $0x200, s11;
	s21 =	sadd.s32 $0x210, s11;
	[dreg:$0x17] =	wrdreg s10  }
0x22: {  	s22 =	sadd.s32 $0x400, s11;
	s23 =	sadd.s32 $0x410, s11;
	[dreg:$0x1c] =	wrdreg s20  }
0x23: {  	s24 =	sadd.s32 $0x600, s11;
	s9 =	simm.s32 $0x1;
	[dreg:$0x1d] =	wrdreg s21  }
0x24: {  	s25 =	sadd.s32 $0x2A00, s16;
	s1 =	sadd.s32 s26, s19;
	[dreg:$0x1e] =	wrdreg s22  }
0x25: {  	s14 =	sadd.s32 $0x7000, s8;
	s15 =	sadd.s32 $0x6000, s8;
	[dreg:$0x1f] =	wrdreg s23  }
0x26: {  	s16 =	sadd.s32 $0x5000, s8;
	s18 =	sadd.s32 $0x4000, s8;
	[smem:$0x7FC] =	sst s24  }
0x27: {  	s20 =	simm.s32 $0x1BF80;
	s23 =	simm.s32 $0x13880;
	s24 =	simm.s32 $0x13A80  }
0x28: {  	s8 =	simm.s32 $0x13C00;
	s10 =	simm.s32 $0x80;
	[dreg:$0x12] =	wrdreg s25  }
0x29: {  	s21 =	simm.s32 $0x2;
	s22 =	simm.s32 $0x0;
	[dreg:$0x15] =	wrdreg s1  }
0x2a: {  	s1 =	sshrl.u32 s14, $0x3;
	s3 =	sshrl.u32 s15, $0x3;
	s7 =	sshrl.u32 s16, $0x3  }
0x2b: {  	[dreg:$0x1a] =	wrdreg s18;
	s25 =	sadd.s32 $0x610, s11;
	s11 =	simm.s32 $0x13C80  }
0x2c: {  	s18 =	simm.s32 $0x1BF00;
	s14 =	simm.s32 $0x5;
	s15 =	simm.s32 $0x3  }
0x2d: {  	s16 =	simm.s32 $0x6;
	s26 =	sadd.s32 s1, s2;
	s17 =	sadd.s32 s3, s2  }
0x2e: {  	s29 =	sadd.s32 s7, s2;
	s7 =	sadd.s32 $0x138000, s4;
	[smem:$0x7FD] =	sst s25  }
0x2f: {  	s25 =	simm.s32 $0x13900;
	s1 =	simm.s32 $0x13B00;
	[dreg:$0x19] =	wrdreg s17  }
0x30: {  	s3 =	simm.s32 $0x13980;
	s17 =	simm.s32 $0x4;
	[dreg:$0x1b] =	wrdreg s7  }
.LBB2_1:
0x31: {  	[smem:$0x7FB] =	sst s22  }
0x32: {  	s2 =	rddreg [dreg:$0x2]  }
0x33: {  	[tilespmem:s11], [sflag:$0x7] =	stream.linear.gather [hbm4b:s2+s6], $0x4000, $0x38;
	[tilespmem:$0x1C200] =	vst v63  }
0x34: {  	_ =	swait.ge [sflag:s12], $0x4000  }
0x35: {  	[sflag:s12] =	ssyncset.done $0x0  }
0x36: {  	s22 =	rddreg [dreg:$0xd];
	[sflag:s12] =	ssyncadd.s32 $0xFFFFC000  }
0x37: {  	[spmem:s22] =	stream.linear.scatter [tilespmem:s11], [sflag:$0x7], $0x4000, $0x38;
	[tilespmem:$0x1C200] =	vst v63  }
0x38: {  	_ =	swait.ge [sflag:s12], $0x4000  }
0x39: {  	[sflag:s12] =	ssyncset.done $0x0  }
0x3a: {  	s22 =	rddreg [dreg:$0xe];
	[sflag:s12] =	ssyncadd.s32 $0xFFFFC000  }
0x3b: {  	[spmem:s22] =	stream.linear.scatter [tilespmem:s11], [sflag:$0x7], $0x4000, $0x38;
	[tilespmem:$0x1C200] =	vst v63  }
0x3c: {  	_ =	swait.ge [sflag:s12], $0x4000  }
0x3d: {  	[sflag:s12] =	ssyncset.done $0x0  }
0x3e: {  	s22 =	rddreg [dreg:$0xf];
	[sflag:s12] =	ssyncadd.s32 $0xFFFFC000  }
0x3f: {  	[spmem:s22] =	stream.linear.scatter [tilespmem:s11], [sflag:$0x7], $0x4000, $0x38;
	[tilespmem:$0x1C200] =	vst v63  }
0x40: {  	_ =	swait.ge [sflag:s12], $0x4000  }
0x41: {  	[sflag:s12] =	ssyncset.done $0x0  }
0x42: {  	s22 =	rddreg [dreg:$0x10];
	[sflag:s12] =	ssyncadd.s32 $0xFFFFC000  }
0x43: {  	[spmem:s22] =	stream.linear.scatter [tilespmem:s11], [sflag:$0x7], $0x4000, $0x38;
	[tilespmem:$0x1C200] =	vst v63  }
0x44: {  	_ =	swait.ge [sflag:s12], $0x4000  }
0x45: {  	[sflag:s12] =	ssyncset.done $0x0  }
0x46: {  	[sflag:s12] =	ssyncadd.s32 $0xFFFFC000  }
0x47: {  	[spmem:s28] =	stream.linear.scatter [tilespmem:s11], [sflag:$0x7], $0x3800, $0x38;
	[tilespmem:$0x1C200] =	vst v63  }
0x48: {  	_ =	swait.ge [sflag:s12], $0x3800  }
0x49: {  	[sflag:s12] =	ssyncset.done $0x0  }
0x4a: {  	s22 =	simm.s32 @!p0 $0x13C80;
	[sflag:s12] =	ssyncadd.s32 $0xFFFFC800  }
0x4b: {  	[spmem:s7] =	stream.linear.scatter @!p0 [tilespmem:s22], [sflag:$0x7], $0x800, $0x38;
	[tilespmem:$0x1C200] =	vst v63  }
0x4c: {  	s22 =	simm.s32 @!p0 $0x7  }
0x4d: {  	_ =	swait.ge @!p0 [sflag:s22], $0x800  }
0x4e: {  	[sflag:s22] =	ssyncset.done @!p0 $0x0  }
0x4f: {  	[sflag:s22] =	ssyncadd.s32 @!p0 $0xFFFFF800;
	s22 =	rddreg [dreg:$0xc]  }
0x50: {  	[tilespmem:s18], [sflag:$0x7] =	stream.linear.gather [hbm4b:s22+s6], $0x80, $0x38;
	[tilespmem:$0x1C200] =	vst v63  }
0x51: {  	_ =	swait.ge [sflag:s12], $0x80  }
0x52: {  	[sflag:s12] =	ssyncset.done $0x0  }
0x53: {  	s28 =	rddreg [dreg:$0x12];
	[sflag:s12] =	ssyncadd.s32 $0xFFFFFF80  }
0x54: {  	[tilespmem:s20], [sflag:$0x7] =	stream.linear.gather [hbm4b:s28+s6], $0x280, $0x38;
	[tilespmem:$0x1C200] =	vst v63  }
0x55: {  	_ =	swait.ge [sflag:s12], $0x280  }
0x56: {  	[sflag:s12] =	ssyncset.done $0x0  }
0x57: {  	[sflag:s12] =	ssyncadd.s32 $0xFFFFFD80  }
0x58: {  	[spmem:s31] =	stream.linear.scatter [tilespmem:s20], [sflag:$0x7], $0x280, $0x38;
	[tilespmem:$0x1C200] =	vst v63  }
0x59: {  	_ =	swait.ge [sflag:s12], $0x280  }
0x5a: {  	[sflag:s12] =	ssyncset.done $0x0  }
0x5b: {  	[sflag:s12] =	ssyncadd.s32 $0xFFFFFD80  }
0x5c: {  	[bflag:$0x0] =	sbarrier.arrive $0xFFFF  }
0x5d: {  	s7 =	rddreg [dreg:$0x14]  }
0x5e: {  	s20 =	rddreg [dreg:$0x15]  }
0x5f: {  	[tilespmem:s23], [sflag:$0x1] =	stream.linear.gather [hbm4b:s7+s6], $0x80, $0x38;
	[tilespmem:$0x1C200] =	vst v63  }
0x60: {  	s22 =	rddreg [dreg:$0x1c]  }
0x61: {  	[tilespmem:s24], [sflag:$0x1] =	stream.linear.gather [hbm4b:s20+s6], $0x80, $0x38;
	[tilespmem:$0x1C200] =	vst v63  }
0x62: {  	s28 =	rddreg [dreg:$0x1d]  }
0x63: {  	[tilespmem:s25], [sflag:$0x2] =	stream.linear.gather [hbm4b:s22+s6], $0x80, $0x38;
	[tilespmem:$0x1C200] =	vst v63  }
0x64: {  	s7 =	rddreg [dreg:$0x1e]  }
0x65: {  	[tilespmem:s1], [sflag:$0x2] =	stream.linear.gather [hbm4b:s28+s6], $0x80, $0x38;
	[tilespmem:$0x1C200] =	vst v63  }
0x66: {  	s20 =	rddreg [dreg:$0x1f]  }
0x67: {  	[tilespmem:s3], [sflag:$0x3] =	stream.linear.gather [hbm4b:s7+s6], $0x80, $0x38;
	[tilespmem:$0x1C200] =	vst v63  }
0x68: {  	s22 =	sld [smem:$0x7FC]  }
0x69: {  	[tilespmem:s30], [sflag:$0x3] =	stream.linear.gather [hbm4b:s20+s6], $0x80, $0x38;
	[tilespmem:$0x1C200] =	vst v63  }
0x6a: {  	s28 =	sld [smem:$0x7FD];
	s7 =	simm.s32 $0x13A00  }
0x6b: {  	[tilespmem:s7], [sflag:$0x4] =	stream.linear.gather [hbm4b:s22+s6], $0x80, $0x38;
	[tilespmem:$0x1C200] =	vst v63  }
0x6c: {  	_ = 	snop  }
0x6d: {  	[tilespmem:s8], [sflag:$0x4] =	stream.linear.gather [hbm4b:s28+s6], $0x80, $0x38;
	[tilespmem:$0x1C200] =	vst v63  }
0x6e: {  	_ =	swait.ge [sflag:s9], $0x80  }
0x6f: {  	[sflag:s9] =	ssyncset.done $0x0  }
0x70: {  	[sflag:s9] =	ssyncadd.s32 $0xFFFFFF80  }
0x71: {  	_ =	swait.ge [sflag:s9], $0x80  }
0x72: {  	[sflag:s9] =	ssyncset.done $0x0  }
0x73: {  	[sflag:s9] =	ssyncadd.s32 $0xFFFFFF80  }
0x74: {  	[tilespmem:s11], [sflag:$0x5] =	stream.indirect.gather [hbm4b:s0+s10], $0x80, s23, s10, $0xb8;
	[tilespmem:$0x1C200] =	vst v63  }
0x75: {  	_ =	swait.ge [sflag:s21], $0x80  }
0x76: {  	[sflag:s21] =	ssyncset.done $0x0  }
0x77: {  	[sflag:s21] =	ssyncadd.s32 $0xFFFFFF80  }
0x78: {  	_ =	swait.ge [sflag:s21], $0x80  }
0x79: {  	[sflag:s21] =	ssyncset.done $0x0  }
0x7a: {  	s22 =	simm.s32 $0x0;
	s31 =	rddreg [dreg:$0x1a];
	[sflag:s21] =	ssyncadd.s32 $0xFFFFFF80  }
0x7b: {  	[tilespmem:s13], [sflag:$0x6] =	stream.indirect.gather [hbm4b:s0+s10], $0x80, s25, s10, $0xb8;
	[tilespmem:$0x1C200] =	vst v63  }
.LBB2_2:
0x7c: {  	_ =	swait.ge [sflag:s14], $0x4000  }
0x7d: {  	[sflag:s14] =	ssyncset.done $0x0  }
0x7e: {  	[sflag:s14] =	ssyncadd.s32 $0xFFFFC000  }
0x7f: {  	[spmem:s4] =	stream.indirect.scatter.add.f32 [tilespmem:s11], [sflag:$0x7], $0x80, s24, s10, $0xb8;
	[tilespmem:$0x1C200] =	vst v63  }
0x80: {  	_ =	swait.ge [sflag:s12], $0x4000  }
0x81: {  	[sflag:s12] =	ssyncset.done $0x0  }
0x82: {  	[sflag:s12] =	ssyncadd.s32 $0xFFFFC000  }
0x83: {  	[spmem:s5] =	stream.indirect.scatter.add.f32 [tilespmem:s18], [sflag:$0x7], $0x1, s24, s10, $0xb8;
	[tilespmem:$0x1C200] =	vst v63  }
0x84: {  	_ =	swait.ge [sflag:s12], $0x80  }
0x85: {  	[sflag:s12] =	ssyncset.done $0x0  }
0x86: {  	[sflag:s12] =	ssyncadd.s32 $0xFFFFFF80  }
0x87: {  	s20 =	sshrl.u32 s31, $0x3;
	s2 =	rddreg [dreg:$0x1]  }
0x88: {  	s28 =	sadd.s32 s2, s20  }
0x89: {  	[tilespmem:s23], [sflag:$0x1] =	stream.linear.gather [hbm4b:s28+s6], $0x80, $0x38;
	[tilespmem:$0x1C200] =	vst v63  }
0x8a: {  	s20 =	sadd.s32 s20, s19  }
0x8b: {  	[tilespmem:s24], [sflag:$0x1] =	stream.linear.gather [hbm4b:s20+s6], $0x80, $0x38;
	[tilespmem:$0x1C200] =	vst v63  }
0x8c: {  	_ =	swait.ge [sflag:s15], $0x80  }
0x8d: {  	[sflag:s15] =	ssyncset.done $0x0  }
0x8e: {  	[sflag:s15] =	ssyncadd.s32 $0xFFFFFF80  }
0x8f: {  	_ =	swait.ge [sflag:s15], $0x80  }
0x90: {  	[sflag:s15] =	ssyncset.done $0x0  }
0x91: {  	[sflag:s15] =	ssyncadd.s32 $0xFFFFFF80  }
0x92: {  	[tilespmem:s11], [sflag:$0x5] =	stream.indirect.gather [hbm4b:s0+s10], $0x80, s3, s10, $0xb8;
	[tilespmem:$0x1C200] =	vst v63  }
0x93: {  	_ =	swait.ge [sflag:s16], $0x4000  }
0x94: {  	[sflag:s16] =	ssyncset.done $0x0  }
0x95: {  	[sflag:s16] =	ssyncadd.s32 $0xFFFFC000  }
0x96: {  	[spmem:s4] =	stream.indirect.scatter.add.f32 [tilespmem:s13], [sflag:$0x7], $0x80, s1, s10, $0xb8;
	[tilespmem:$0x1C200] =	vst v63  }
0x97: {  	_ =	swait.ge [sflag:s12], $0x4000  }
0x98: {  	[sflag:s12] =	ssyncset.done $0x0  }
0x99: {  	[sflag:s12] =	ssyncadd.s32 $0xFFFFC000  }
0x9a: {  	[spmem:s5] =	stream.indirect.scatter.add.f32 [tilespmem:s18], [sflag:$0x7], $0x1, s1, s10, $0xb8;
	[tilespmem:$0x1C200] =	vst v63  }
0x9b: {  	_ =	swait.ge [sflag:s12], $0x80  }
0x9c: {  	[sflag:s12] =	ssyncset.done $0x0  }
0x9d: {  	s28 =	sadd.s32 s22, s29;
	[sflag:s12] =	ssyncadd.s32 $0xFFFFFF80  }
0x9e: {  	[tilespmem:s25], [sflag:$0x2] =	stream.linear.gather [hbm4b:s28+s6], $0x80, $0x38;
	[tilespmem:$0x1C200] =	vst v63  }
0x9f: {  	s20 =	sadd.s32 $0x10, s28  }
0xa0: {  	[tilespmem:s1], [sflag:$0x2] =	stream.linear.gather [hbm4b:s20+s6], $0x80, $0x38;
	[tilespmem:$0x1C200] =	vst v63  }
0xa1: {  	_ =	swait.ge [sflag:s17], $0x80  }
0xa2: {  	[sflag:s17] =	ssyncset.done $0x0  }
0xa3: {  	[sflag:s17] =	ssyncadd.s32 $0xFFFFFF80  }
0xa4: {  	_ =	swait.ge [sflag:s17], $0x80  }
0xa5: {  	[sflag:s17] =	ssyncset.done $0x0  }
0xa6: {  	[sflag:s17] =	ssyncadd.s32 $0xFFFFFF80  }
0xa7: {  	[tilespmem:s13], [sflag:$0x6] =	stream.indirect.gather [hbm4b:s0+s10], $0x80, s7, s10, $0xb8;
	[tilespmem:$0x1C200] =	vst v63  }
0xa8: {  	_ =	swait.ge [sflag:s14], $0x4000  }
0xa9: {  	[sflag:s14] =	ssyncset.done $0x0  }
0xaa: {  	[sflag:s14] =	ssyncadd.s32 $0xFFFFC000  }
0xab: {  	[spmem:s4] =	stream.indirect.scatter.add.f32 [tilespmem:s11], [sflag:$0x7], $0x80, s30, s10, $0xb8;
	[tilespmem:$0x1C200] =	vst v63  }
0xac: {  	_ =	swait.ge [sflag:s12], $0x4000  }
0xad: {  	[sflag:s12] =	ssyncset.done $0x0  }
0xae: {  	p3 =	seq.s32 @!p1 s22, $0x9000;
	[sflag:s12] =	ssyncadd.s32 $0xFFFFC000  }
0xaf: {  	[spmem:s5] =	stream.indirect.scatter.add.f32 [tilespmem:s18], [sflag:$0x7], $0x1, s30, s10, $0xb8;
	[tilespmem:$0x1C200] =	vst v63  }
0xb0: {  	p3 =	por p1, !p3;
	_ =	swait.ge [sflag:s12], $0x80  }
0xb1: {  	[sflag:s12] =	ssyncset.done $0x0;
	s2 =	rddreg @p3 [dreg:$0x19]  }
0xb2: {  	[sflag:s12] =	ssyncadd.s32 $0xFFFFFF80;
	s20 =	sadd.s32 @p3 s22, s2  }
0xb3: {  	[tilespmem:s3], [sflag:$0x3] =	stream.linear.gather @p3 [hbm4b:s20+s6], $0x80, $0x38;
	[tilespmem:$0x1C200] =	vst v63  }
0xb4: {  	s20 =	sadd.s32 @p3 $0x10, s20  }
0xb5: {  	[tilespmem:s30], [sflag:$0x3] =	stream.linear.gather @p3 [hbm4b:s20+s6], $0x80, $0x38;
	[tilespmem:$0x1C200] =	vst v63  }
0xb6: {  	_ =	swait.ge [sflag:s9], $0x80  }
0xb7: {  	[sflag:s9] =	ssyncset.done $0x0  }
0xb8: {  	[sflag:s9] =	ssyncadd.s32 $0xFFFFFF80  }
0xb9: {  	_ =	swait.ge [sflag:s9], $0x80  }
0xba: {  	[sflag:s9] =	ssyncset.done $0x0  }
0xbb: {  	[sflag:s9] =	ssyncadd.s32 $0xFFFFFF80  }
0xbc: {  	[tilespmem:s11], [sflag:$0x5] =	stream.indirect.gather [hbm4b:s0+s10], $0x80, s23, s10, $0xb8;
	[tilespmem:$0x1C200] =	vst v63  }
0xbd: {  	_ =	swait.ge [sflag:s16], $0x4000  }
0xbe: {  	[sflag:s16] =	ssyncset.done $0x0  }
0xbf: {  	[sflag:s16] =	ssyncadd.s32 $0xFFFFC000  }
0xc0: {  	[spmem:s4] =	stream.indirect.scatter.add.f32 [tilespmem:s13], [sflag:$0x7], $0x80, s8, s10, $0xb8;
	[tilespmem:$0x1C200] =	vst v63  }
0xc1: {  	_ =	swait.ge [sflag:s12], $0x4000  }
0xc2: {  	[sflag:s12] =	ssyncset.done $0x0  }
0xc3: {  	[sflag:s12] =	ssyncadd.s32 $0xFFFFC000  }
0xc4: {  	[spmem:s5] =	stream.indirect.scatter.add.f32 [tilespmem:s18], [sflag:$0x7], $0x1, s8, s10, $0xb8;
	[tilespmem:$0x1C200] =	vst v63  }
0xc5: {  	p3 =	seq.s32 s22, $0x9000;
	_ =	swait.ge [sflag:s12], $0x80  }
0xc6: {  	s20 =	sadd.s32 @!p3 s22, s26;
	[sflag:s12] =	ssyncset.done $0x0  }
0xc7: {  	s28 =	simm.s32 @!p3 $0x0;
	s2 =	simm.s32 @!p3 $0x13A00;
	[sflag:s12] =	ssyncadd.s32 $0xFFFFFF80  }
0xc8: {  	[tilespmem:s2], [sflag:$0x4] =	stream.linear.gather @!p3 [hbm4b:s20+s28], $0x80, $0x38;
	[tilespmem:$0x1C200] =	vst v63  }
0xc9: {  	s2 =	sadd.s32 @!p3 $0x10, s20;
	s20 =	simm.s32 @!p3 $0x13C00  }
0xca: {  	[tilespmem:s20], [sflag:$0x4] =	stream.linear.gather @!p3 [hbm4b:s2+s28], $0x80, $0x38;
	[tilespmem:$0x1C200] =	vst v63  }
0xcb: {  	s22 =	sadd.s32 $0x800, s22;
	_ =	swait.ge [sflag:s21], $0x80  }
0xcc: {  	p3 =	sne.s32 s22, $0x9800;
	[sflag:s21] =	ssyncset.done $0x0  }
.Ltmp0:
0xcd: {  	[sflag:s21] =	ssyncadd.s32 $0xFFFFFF80;
	(pc) =	sbr.rel @p3 .LBB2_2-.Ltmp0, $4  }
0xce: {  	_ =	swait.ge [sflag:s21], $0x80  }
0xcf: {  	[sflag:s21] =	ssyncset.done $0x0  }
0xd0: {  	s31 =	sadd.s32 $0x4000, s31;
	[sflag:s21] =	ssyncadd.s32 $0xFFFFFF80  }
0xd1: {  	[tilespmem:s13], [sflag:$0x6] =	stream.indirect.gather [hbm4b:s0+s10], $0x80, s25, s10, $0xb8;
	[tilespmem:$0x1C200] =	vst v63  }
0xd2: {  	_ =	swait.ge [sflag:s14], $0x4000  }
0xd3: {  	[sflag:s14] =	ssyncset.done $0x0  }
0xd4: {  	[sflag:s14] =	ssyncadd.s32 $0xFFFFC000  }
0xd5: {  	[spmem:s4] =	stream.indirect.scatter.add.f32 [tilespmem:s11], [sflag:$0x7], $0x80, s24, s10, $0xb8;
	[tilespmem:$0x1C200] =	vst v63  }
0xd6: {  	_ =	swait.ge [sflag:s12], $0x4000  }
0xd7: {  	[sflag:s12] =	ssyncset.done $0x0  }
0xd8: {  	[sflag:s12] =	ssyncadd.s32 $0xFFFFC000  }
0xd9: {  	[spmem:s5] =	stream.indirect.scatter.add.f32 [tilespmem:s18], [sflag:$0x7], $0x1, s24, s10, $0xb8;
	[tilespmem:$0x1C200] =	vst v63  }
0xda: {  	_ =	swait.ge [sflag:s12], $0x80  }
0xdb: {  	[sflag:s12] =	ssyncset.done $0x0  }
0xdc: {  	s2 =	simm.s32 @!p2 $0x3;
	[sflag:s12] =	ssyncadd.s32 $0xFFFFFF80  }
0xdd: {  	_ =	swait.ge @!p2 [sflag:s2], $0x80  }
0xde: {  	[sflag:s2] =	ssyncset.done @!p2 $0x0  }
0xdf: {  	[sflag:s2] =	ssyncadd.s32 @!p2 $0xFFFFFF80  }
0xe0: {  	_ =	swait.ge @!p2 [sflag:s2], $0x80  }
0xe1: {  	s20 =	simm.s32 @!p2 $0x13980;
	[sflag:s2] =	ssyncset.done @!p2 $0x0  }
0xe2: {  	s22 =	simm.s32 @!p2 $0x13C80;
	[sflag:s2] =	ssyncadd.s32 @!p2 $0xFFFFFF80;
	s2 =	simm.s32 @!p2 $0x80  }
0xe3: {  	[tilespmem:s22], [sflag:$0x5] =	stream.indirect.gather @!p2 [hbm4b:s0+s2], $0x80, s20, s2, $0xb8;
	[tilespmem:$0x1C200] =	vst v63  }
0xe4: {  	_ =	swait.ge [sflag:s16], $0x4000  }
0xe5: {  	[sflag:s16] =	ssyncset.done $0x0  }
0xe6: {  	[sflag:s16] =	ssyncadd.s32 $0xFFFFC000  }
0xe7: {  	[spmem:s4] =	stream.indirect.scatter.add.f32 [tilespmem:s13], [sflag:$0x7], $0x80, s1, s10, $0xb8;
	[tilespmem:$0x1C200] =	vst v63  }
0xe8: {  	_ =	swait.ge [sflag:s12], $0x4000  }
0xe9: {  	[sflag:s12] =	ssyncset.done $0x0  }
0xea: {  	[sflag:s12] =	ssyncadd.s32 $0xFFFFC000  }
0xeb: {  	[spmem:s5] =	stream.indirect.scatter.add.f32 [tilespmem:s18], [sflag:$0x7], $0x1, s1, s10, $0xb8;
	[tilespmem:$0x1C200] =	vst v63  }
0xec: {  	_ =	swait.ge [sflag:s12], $0x80  }
0xed: {  	[sflag:s12] =	ssyncset.done $0x0  }
0xee: {  	s20 =	simm.s32 @!p2 $0x5;
	[sflag:s12] =	ssyncadd.s32 $0xFFFFFF80  }
0xef: {  	_ =	swait.ge @!p2 [sflag:s20], $0x4000  }
0xf0: {  	[sflag:s20] =	ssyncset.done @!p2 $0x0  }
0xf1: {  	[sflag:s20] =	ssyncadd.s32 @!p2 $0xFFFFC000;
	s20 =	simm.s32 @!p2 $0x13B80  }
0xf2: {  	[spmem:s4] =	stream.indirect.scatter.add.f32 @!p2 [tilespmem:s22], [sflag:$0x7], $0x80, s20, s2, $0xb8;
	[tilespmem:$0x1C200] =	vst v63  }
0xf3: {  	s22 =	simm.s32 @!p2 $0x7  }
0xf4: {  	_ =	swait.ge @!p2 [sflag:s22], $0x4000  }
0xf5: {  	[sflag:s22] =	ssyncset.done @!p2 $0x0  }
0xf6: {  	s28 =	simm.s32 @!p2 $0x1BF00;
	[sflag:s22] =	ssyncadd.s32 @!p2 $0xFFFFC000  }
0xf7: {  	[spmem:s5] =	stream.indirect.scatter.add.f32 @!p2 [tilespmem:s28], [sflag:$0x7], $0x1, s20, s2, $0xb8;
	[tilespmem:$0x1C200] =	vst v63  }
0xf8: {  	_ =	swait.ge @!p2 [sflag:s22], $0x80  }
0xf9: {  	[sflag:s22] =	ssyncset.done @!p2 $0x0  }
0xfa: {  	[sflag:s22] =	ssyncadd.s32 @!p2 $0xFFFFFF80  }
0xfb: {  	[bflag:$0x0] =	sbarrier.arrive $0xFFFF  }
0xfc: {  	s7 =	rddreg [dreg:$0xd]  }
0xfd: {  	[tilespmem:s11], [sflag:$0x7] =	stream.linear.gather [spmem:s7], $0x4000, $0x38;
	[tilespmem:$0x1C200] =	vst v63  }
0xfe: {  	_ =	swait.ge [sflag:s12], $0x4000  }
0xff: {  	[sflag:s12] =	ssyncset.done $0x0  }
0x100: {  	s20 =	rddreg [dreg:$0x7];
	[sflag:s12] =	ssyncadd.s32 $0xFFFFC000  }
0x101: {  	[hbm4b:s20+s6] =	stream.linear.scatter [tilespmem:s11], [sflag:$0x7], $0x4000, $0x38;
	[tilespmem:$0x1C200] =	vst v63  }
0x102: {  	_ =	swait.ge [sflag:s12], $0x4000  }
0x103: {  	[sflag:s12] =	ssyncset.done $0x0  }
0x104: {  	s22 =	rddreg [dreg:$0xe];
	[sflag:s12] =	ssyncadd.s32 $0xFFFFC000  }
0x105: {  	[tilespmem:s11], [sflag:$0x7] =	stream.linear.gather [spmem:s22], $0x4000, $0x38;
	[tilespmem:$0x1C200] =	vst v63  }
0x106: {  	_ =	swait.ge [sflag:s12], $0x4000  }
0x107: {  	[sflag:s12] =	ssyncset.done $0x0  }
0x108: {  	s7 =	rddreg [dreg:$0x8];
	[sflag:s12] =	ssyncadd.s32 $0xFFFFC000  }
0x109: {  	[hbm4b:s7+s6] =	stream.linear.scatter [tilespmem:s11], [sflag:$0x7], $0x4000, $0x38;
	[tilespmem:$0x1C200] =	vst v63  }
0x10a: {  	_ =	swait.ge [sflag:s12], $0x4000  }
0x10b: {  	[sflag:s12] =	ssyncset.done $0x0  }
0x10c: {  	s20 =	rddreg [dreg:$0xf];
	[sflag:s12] =	ssyncadd.s32 $0xFFFFC000  }
0x10d: {  	[tilespmem:s11], [sflag:$0x7] =	stream.linear.gather [spmem:s20], $0x4000, $0x38;
	[tilespmem:$0x1C200] =	vst v63  }
0x10e: {  	_ =	swait.ge [sflag:s12], $0x4000  }
0x10f: {  	[sflag:s12] =	ssyncset.done $0x0  }
0x110: {  	s22 =	rddreg [dreg:$0x9];
	[sflag:s12] =	ssyncadd.s32 $0xFFFFC000  }
0x111: {  	[hbm4b:s22+s6] =	stream.linear.scatter [tilespmem:s11], [sflag:$0x7], $0x4000, $0x38;
	[tilespmem:$0x1C200] =	vst v63  }
0x112: {  	_ =	swait.ge [sflag:s12], $0x4000  }
0x113: {  	[sflag:s12] =	ssyncset.done $0x0  }
0x114: {  	s7 =	rddreg [dreg:$0x10];
	[sflag:s12] =	ssyncadd.s32 $0xFFFFC000  }
0x115: {  	[tilespmem:s11], [sflag:$0x7] =	stream.linear.gather [spmem:s7], $0x4000, $0x38;
	[tilespmem:$0x1C200] =	vst v63  }
0x116: {  	_ =	swait.ge [sflag:s12], $0x4000  }
0x117: {  	[sflag:s12] =	ssyncset.done $0x0  }
0x118: {  	s20 =	rddreg [dreg:$0xa];
	[sflag:s12] =	ssyncadd.s32 $0xFFFFC000  }
0x119: {  	[hbm4b:s20+s6] =	stream.linear.scatter [tilespmem:s11], [sflag:$0x7], $0x4000, $0x38;
	[tilespmem:$0x1C200] =	vst v63  }
0x11a: {  	_ =	swait.ge [sflag:s12], $0x4000  }
0x11b: {  	[sflag:s12] =	ssyncset.done $0x0  }
0x11c: {  	s28 =	rddreg [dreg:$0x11];
	[sflag:s12] =	ssyncadd.s32 $0xFFFFC000  }
0x11d: {  	[tilespmem:s11], [sflag:$0x7] =	stream.linear.gather [spmem:s28], $0x3800, $0x38;
	[tilespmem:$0x1C200] =	vst v63  }
0x11e: {  	_ =	swait.ge [sflag:s12], $0x3800  }
0x11f: {  	[sflag:s12] =	ssyncset.done $0x0  }
0x120: {  	s22 =	rddreg [dreg:$0xb];
	[sflag:s12] =	ssyncadd.s32 $0xFFFFC800  }
0x121: {  	[hbm4b:s22+s6] =	stream.linear.scatter [tilespmem:s11], [sflag:$0x7], $0x3800, $0x38;
	[tilespmem:$0x1C200] =	vst v63  }
0x122: {  	_ =	swait.ge [sflag:s12], $0x3800  }
0x123: {  	s31 =	simm.s32 @!p0 $0x13C80;
	[sflag:s12] =	ssyncset.done $0x0  }
0x124: {  	s20 =	simm.s32 @!p0 $0x7;
	s7 =	rddreg [dreg:$0x1b];
	[sflag:s12] =	ssyncadd.s32 $0xFFFFC800  }
0x125: {  	[tilespmem:s31], [sflag:$0x7] =	stream.linear.gather @!p0 [spmem:s7], $0x800, $0x38;
	[tilespmem:$0x1C200] =	vst v63  }
0x126: {  	_ =	swait.ge @!p0 [sflag:s20], $0x800  }
0x127: {  	[sflag:s20] =	ssyncset.done @!p0 $0x0  }
0x128: {  	s22 =	simm.s32 @!p0 $0x0;
	s2 =	rddreg [dreg:$0x16];
	[sflag:s20] =	ssyncadd.s32 @!p0 $0xFFFFF800  }
0x129: {  	[hbm4b:s2+s22] =	stream.linear.scatter @!p0 [tilespmem:s31], [sflag:$0x7], $0x800, $0x38;
	[tilespmem:$0x1C200] =	vst v63  }
0x12a: {  	_ =	swait.ge @!p0 [sflag:s20], $0x800  }
0x12b: {  	[sflag:s20] =	ssyncset.done @!p0 $0x0  }
0x12c: {  	s31 =	rddreg [dreg:$0x13];
	[sflag:s20] =	ssyncadd.s32 @!p0 $0xFFFFF800;
	s20 =	simm.s32 $0x1BF80  }
0x12d: {  	[tilespmem:s20], [sflag:$0x7] =	stream.linear.gather [spmem:s31], $0x280, $0x38;
	[tilespmem:$0x1C200] =	vst v63  }
0x12e: {  	_ =	swait.ge [sflag:s12], $0x280  }
0x12f: {  	[sflag:s12] =	ssyncset.done $0x0  }
0x130: {  	s22 =	simm.s32 $0x100;
	s2 =	rddreg [dreg:$0x17];
	[sflag:s12] =	ssyncadd.s32 $0xFFFFFD80  }
0x131: {  	[hbm4b:s2+s10] =	stream.strided.scatter [tilespmem:s20], [sflag:$0x7], $0x280, s22, s10, $0x38;
	[tilespmem:$0x1C200] =	vst v63  }
0x132: {  	_ =	swait.ge [sflag:s12], $0x280  }
0x133: {  	s2 =	sld [smem:$0x7FB];
	_ =	sdelay $0x2  }
0x134: {  	s22 =	sadd.s32 $0x1, s2;
	s2 =	rddreg [dreg:$0x18]  }
0x135: {  	p3 =	sne.s32 s22, s2  }
.Ltmp1:
0x136: {  	_ = 	snop;
	(pc) =	sbr.rel @p3 .LBB2_1-.Ltmp1, $3  }
0x137: {  	_ =	sdelay $0x1  }
0x138: {  	[sflag:s12] =	ssyncset.done $0x0  }
0x139: {  	[sflag:s12] =	ssyncadd.s32 $0xFFFFFD80  }
0x13a: {  	_ =	sfence.sel $0x180000  }
0x13b: {  	[bflag:$0x0] =	sbarrier.arrive $0xFFFF  }
0x13c: {  	_ =	strace $0x90000047  }
0x13d: {  	[bflag:$0x2] =	sbarrier.arrive $0xFFFF  }
0x13e: {  	s0 =	rddreg [dreg:$0x6]  }
0x13f: {  	s0 =	sadd.s32 @!p0 $0x100000, s0  }
0x140: {  	[sflag:s0] =	ssyncadd.tile.s32 @!p0 $0x1;
	_ =	shalt  }
.Lfunc_end2:
_tile_overlayer_lowered:
.L_overlay_start_2:
0x141: {  	(tag) =	ssettag $0x2  }
0x142: {  	s0 =	rddreg [dreg:$0x0];
	s2 =	stileid.u32  }
0x143: {  	s1 =	rddreg [dreg:$0x1];
	p0 =	sne.s32 s2, $0x0  }
0x144: {  	s3 =	rddreg [dreg:$0x2];
	[bflag:$0x3] =	sbarrier.arrive $0xFFFF;
	s2 =	simm.s32 @!p0 $0x1C07  }
0x145: {  	[timem:s3], [sflag:s2] =	dma.local @!p0 [hbm:s0], s1  }
0x146: {  	s0 =	simm.s32 @!p0 $0x7  }
0x147: {  	_ =	swait.ge @!p0 [sflag:s0], s1  }
0x148: {  	s1 =	ssub.s32 @!p0 $0x0, s1;
	[sflag:s0] =	ssyncset.done @!p0 $0x0  }
0x149: {  	[sflag:s0] =	ssyncadd.s32 @!p0 s1  }
0x14a: {  	[bflag:$0x3] =	sbarrier.arrive $0xFFFF  }
0x14b: {  	_ =	shalt  }

// kernel: kernel.9.cloned.1.call-start
scs
__scs_entry_jumppad:
0x0: {  	(pc) =	sbr.rel $0x88, $3  }
0x1: {  	(tag) =	ssettag $0x0;
	lr =	simm.s32 $0x1  }
0x2: {  	[smem:$0x3F99] =	sst lr;
	_ =	strace $0xD0000000  }
0x3: {  	_ = 	snop  }
0x4: {  	_ = 	snop  }
0x5: {  	_ = 	snop  }
0x6: {  	_ = 	snop  }
0x7: {  	_ = 	snop  }
__scs_overlays_trampoline_lowered:
0x8: {  	[smem:$0x3FA8] =	sst s0  }
0x9: {  	[smem:$0x3FA9] =	sst s1  }
0xa: {  	[smem:$0x3FAA] =	sst s2  }
0xb: {  	[smem:$0x3FAB] =	sst s3  }
0xc: {  	[smem:$0x3FAC] =	sst s4  }
0xd: {  	[smem:$0x3FAD] =	sst s5  }
0xe: {  	[smem:$0x3FAE] =	sst s6  }
0xf: {  	[smem:$0x3FAF] =	sst s7  }
0x10: {  	[smem:$0x3FB0] =	sst s8  }
0x11: {  	[smem:$0x3FB1] =	sst s9;
	s0 =	simm.s32 @!p0 $0x0  }
0x12: {  	s1 =	sld [smem:$0x3F97];
	s0 =	simm.s32 @p0 $0x1  }
0x13: {  	[smem:$0x3FB2] =	sst s0;
	s0 =	simm.s32 @!p1 $0x0  }
0x14: {  	s2 =	sld [smem:$0x3F96];
	s0 =	simm.s32 @p1 $0x1  }
0x15: {  	[smem:$0x3FB3] =	sst s0;
	s0 =	simm.s32 @!p2 $0x0  }
0x16: {  	s3 =	sld [smem:$0x3FDB];
	s0 =	simm.s32 @p2 $0x1  }
0x17: {  	s4 =	simm.s32 $0x1BF5;
	[smem:$0x3FB5] =	sst s0  }
0x18: {  	s0 =	sld [smem:$0x3F98];
	_ =	swait.ge [sflag:s4], $0x0  }
0x19: {  	s7 =	sld [smem:$0x3F99]  }
0x1a: {  	s8 =	sadd.s32 $0xFFFFE003, lr  }
0x1b: {  	s9 =	sadd.s32 $0xFFFFFEF7, lr;
	s5 =	simm.s32 $0xFFFFFFFF;
	p2 =	slt.u32 s8, $0xFFFFF086  }
0x1c: {  	p1 =	slt.u32 s9, $0xF7A;
	s5 =	simm.s32 @!p2 $0x0  }
0x1d: {  	s5 =	simm.s32 @p1 $0x1;
	p0 =	seq.s32 s7, s2  }
0x1e: {  	s7 =	smul.u32 @!p0 $0xF7A, s2;
	p2 =	seq.s32 @!p0 s5, $0x0  }
0x1f: {  	s9 =	smul.u32 $0xF7A, s1;
	s8 =	simm.s32 @!p0 $0x1BF5;
	p2 =	por !p2, p0  }
0x20: {  	[sflag:s8] =	ssyncset.s32 @!p0 $0xFFFFF086;
	s6 =	sadd.s32 @!p0 s3, s7;
	s7 =	simm.s32 @!p0 $0x108  }
0x21: {  	s3 =	sadd.s32 s3, s9;
	s6 =	sadd.s32 @!p0 $0x88, s6;
	s7 =	simm.s32 @p2 $0x1082  }
0x22: {  	[simem:s7], [sflag:s8] =	dma.local @!p0 [hbm:s6], $0xF7A  }
0x23: {  	s9 =	sor.u32 $0xD0000000, s2;
	s6 =	simm.s32 $0x108;
	_ =	swait.ge @!p0 [sflag:s8], $0x0  }
0x24: {  	s3 =	sadd.s32 $0x88, s3;
	s6 =	simm.s32 @!p1 $0x1082;
	[sflag:s4] =	ssyncset.s32 $0xFFFFF086  }
0x25: {  	[simem:s6], [sflag:s4] =	dma.local [hbm:s3], $0xF7A  }
0x26: {  	[smem:$0x3F99] =	sst s1;
	(tag) =	ssettag s2;
	_ =	strace s9  }
0x27: {  	s1 =	sld [smem:$0x3FA9]  }
0x28: {  	s2 =	sld [smem:$0x3FAA]  }
0x29: {  	s4 =	sld [smem:$0x3FAC]  }
0x2a: {  	p0 =	seq.s32 s5, $0x0;
	s5 =	sld [smem:$0x3FAD]  }
0x2b: {  	s6 =	sld [smem:$0x3FAE]  }
0x2c: {  	s7 =	sld [smem:$0x3FAF]  }
0x2d: {  	s3 =	simm.s32 $0x108;
	s8 =	sld [smem:$0x3FB0]  }
0x2e: {  	s3 =	simm.s32 @!p0 $0x1082;
	s9 =	sld [smem:$0x3FB1]  }
0x2f: {  	lr =	sadd.s32 s0, s3;
	s0 =	sld [smem:$0x3FA8]  }
0x30: {  	s3 =	sld [smem:$0x3FAB]  }
0x31: {  	[smem:$0x3FB4] =	sst s10  }
0x32: {  	s10 =	sld [smem:$0x3FB2];
	_ =	sdelay $0x3  }
0x33: {  	p0 =	seq.s32 s10, $0x1;
	s10 =	sld [smem:$0x3FB4];
	_ =	sdelay $0x3  }
0x34: {  	[smem:$0x3FB4] =	sst s10  }
0x35: {  	s10 =	sld [smem:$0x3FB3];
	_ =	sdelay $0x3  }
0x36: {  	p1 =	seq.s32 s10, $0x1;
	s10 =	sld [smem:$0x3FB4];
	_ =	sdelay $0x3  }
0x37: {  	[smem:$0x3FB4] =	sst s10  }
0x38: {  	s10 =	sld [smem:$0x3FB5]  }
0x39: {  	_ = 	snop;
	(pc) =	sbr.ind lr, $3  }
0x3a: {  	_ = 	snop  }
0x3b: {  	_ = 	snop  }
0x3c: {  	p2 =	seq.s32 s10, $0x1;
	s10 =	sld [smem:$0x3FB4]  }
0x3d: {  	_ =	shalt  }
0x3e: {  	_ =	shalt  }
0x3f: {  	_ =	shalt  }
0x40: {  	_ =	shalt  }
0x41: {  	_ =	shalt  }
0x42: {  	_ =	shalt  }
0x43: {  	_ =	shalt  }
0x44: {  	_ =	shalt  }
0x45: {  	_ =	shalt  }
0x46: {  	_ =	shalt  }
0x47: {  	_ =	shalt  }
0x48: {  	_ =	shalt  }
0x49: {  	_ =	shalt  }
0x4a: {  	_ =	shalt  }
0x4b: {  	_ =	shalt  }
0x4c: {  	_ =	shalt  }
0x4d: {  	_ =	shalt  }
0x4e: {  	_ =	shalt  }
0x4f: {  	_ =	shalt  }
0x50: {  	_ =	shalt  }
0x51: {  	_ =	shalt  }
0x52: {  	_ =	shalt  }
0x53: {  	_ =	shalt  }
0x54: {  	_ =	shalt  }
0x55: {  	_ =	shalt  }
0x56: {  	_ =	shalt  }
0x57: {  	_ =	shalt  }
0x58: {  	_ =	shalt  }
0x59: {  	_ =	shalt  }
0x5a: {  	_ =	shalt  }
0x5b: {  	_ =	shalt  }
0x5c: {  	_ =	shalt  }
0x5d: {  	_ =	shalt  }
0x5e: {  	_ =	shalt  }
0x5f: {  	_ =	shalt  }
0x60: {  	_ =	shalt  }
0x61: {  	_ =	shalt  }
0x62: {  	_ =	shalt  }
0x63: {  	_ =	shalt  }
0x64: {  	_ =	shalt  }
0x65: {  	_ =	shalt  }
0x66: {  	_ =	shalt  }
0x67: {  	_ =	shalt  }
0x68: {  	_ =	shalt  }
0x69: {  	_ =	shalt  }
0x6a: {  	_ =	shalt  }
0x6b: {  	_ =	shalt  }
0x6c: {  	_ =	shalt  }
0x6d: {  	_ =	shalt  }
0x6e: {  	_ =	shalt  }
0x6f: {  	_ =	shalt  }
0x70: {  	_ =	shalt  }
0x71: {  	_ =	shalt  }
0x72: {  	_ =	shalt  }
0x73: {  	_ =	shalt  }
0x74: {  	_ =	shalt  }
0x75: {  	_ =	shalt  }
0x76: {  	_ =	shalt  }
0x77: {  	_ =	shalt  }
0x78: {  	_ =	shalt  }
0x79: {  	_ =	shalt  }
0x7a: {  	_ =	shalt  }
0x7b: {  	_ =	shalt  }
0x7c: {  	_ =	shalt  }
0x7d: {  	_ =	shalt  }
0x7e: {  	_ =	shalt  }
0x7f: {  	_ =	shalt  }
0x80: {  	_ =	shalt  }
0x81: {  	_ =	shalt  }
0x82: {  	_ =	shalt  }
0x83: {  	_ =	shalt  }
0x84: {  	_ =	shalt  }
0x85: {  	_ =	shalt  }
0x86: {  	_ =	shalt  }
0x87: {  	_ =	shalt  }
.Lfunc_end0:
.L_simem_size_0:
called_computation.1_lowered:
.L_overlay_start_0:
0x88: {  	s2 =	sld [smem:$0x3FD9]  }
0x89: {  	s3 =	sld [smem:$0x3FFE];
	_ =	sdelay $0x1  }
0x8a: {  	s1 =	srdreg.scid  }
0x8b: {  	s0 =	sand.u32 $0x1, s1  }
0x8c: {  	s17 =	sshll.u32 s0, $0xA;
	s2 =	sadd.s32 s3, s2  }
0x8d: {  	s2 =	sadd.s32 s2, s17  }
0x8e: {  	[smem:$0x3FC0] =	sst s2  }
0x8f: {  	_ = 	snop  }
0x90: {  	s2 =	sld [smem:$0x3FC8]  }
0x91: {  	s18 =	sld [smem:$0x3FD0];
	(tm) =	ssettm $0x1  }
0x92: {  	s4 =	sld [smem:$0x3FFB];
	_ =	sdelay $0x3  }
0x93: {  	_ =	strace s4  }
0x94: {  	s4 =	sld [smem:$0x3FFC];
	_ =	sdelay $0x3  }
0x95: {  	_ =	strace s4  }
0x96: {  	s4 =	sld [smem:$0x3FFD];
	_ =	sdelay $0x3  }
0x97: {  	_ =	strace s4  }
0x98: {  	_ =	strace $0x8FFFFFFF  }
0x99: {  	s19 =	sld [smem:$0x3FDB];
	_ =	sdelay $0x1  }
0x9a: {  	s5 =	simm.s32 $_scs_section_size  }
0x9b: {  	s6 =	simm.s32 $_size__tile_overlayer_lowered;
	s7 =	simm.s32 $_tile_overlayer_lowered  }
0x9c: {  	s22 =	simm.s32 $0x1BFF;
	s21 =	sshll.u32 s7, $0x1;
	s4 =	sadd.s32 s5, s19  }
0x9d: {  	s8 =	simm.s32 $0x0;
	s20 =	sshll.u32 s6, $0x1;
	s6 =	sadd.s32 s21, s4  }
0x9e: {  	[timem:s8], [sflag:s22] =	dma.local [hbm:s6], s20  }
0x9f: {  	_ =	swait.ge [sflag:s22], s20  }
0xa0: {  	s5 =	ssub.s32 $0x0, s20;
	[sflag:s22] =	ssyncset.done $0x0  }
0xa1: {  	[sflag:s22] =	ssyncadd.s32 s5;
	_ =	sdelay $0x1  }
0xa2: {  	s23 =	simm.s32 $0x1B8B  }
0xa3: {  	_ =	swait.ge [sflag:s23], $0x1  }
0xa4: {  	[sflag:s23] =	ssyncset.done $0x0  }
0xa5: {  	s25 =	simm.s32 $0x1B8E;
	s24 =	sld [smem:$0x3FFE];
	[sflag:s23] =	ssyncadd.s32 $0xFFFFFFFF  }
0xa6: {  	s26 =	simm.s32 $execute0_lowered;
	[smem:$0x3FD2] =	sst s25  }
0xa7: {  	s6 =	sshll.u32 s26, $0x1;
	_ =	strace $0x80000049;
	[dreg:$0x1] =	wrdreg $0xFFFFFFFF  }
0xa8: {  	s28 =	simm.s32 $_size_execute0_lowered;
	s4 =	sadd.s32 s4, s6;
	[dreg:$0x0] =	wrdreg $0x0  }
0xa9: {  	s6 =	sshll.u32 s28, $0x1;
	[dreg:$0x2] =	wrdreg s4  }
0xaa: {  	[dreg:$0x3] =	wrdreg s6  }
0xab: {  	[dreg:$0x4] =	wrdreg $0xC0  }
0xac: {  	_ =	task [dreg:s8], $0x5FFFF  }
0xad: {  	[dreg:$0x1] =	wrdreg $0xFFFFFFFF  }
0xae: {  	[dreg:$0x0] =	wrdreg $0x60  }
0xaf: {  	[dreg:$0x2] =	wrdreg s24  }
0xb0: {  	[dreg:$0x3] =	wrdreg s2  }
0xb1: {  	[dreg:$0x4] =	wrdreg s18  }
0xb2: {  	[dreg:$0x5] =	wrdreg $0x0  }
0xb3: {  	[dreg:$0x6] =	wrdreg $0x9  }
0xb4: {  	_ =	task.clear_ibuf [dreg:s8], $0x7FFFF;
	_ =	strace $0x90000049  }
0xb5: {  	s29 =	simm.s32 $0x9;
	_ =	strace $0x8000004B  }
0xb6: {  	_ =	swait.ge [sflag:s29], $0x1  }
0xb7: {  	[sflag:s29] =	ssyncadd.s32 $0xFFFFFFFF  }
0xb8: {  	_ =	strace $0x9000004B  }
0xb9: {  	_ =	sfence  }
0xba: {  	s30 =	sld [smem:$0x0];
	_ =	sdelay $0x2  }
0xbb: {  	s31 =	sshll.u32 s1, $0xD;
	s1 =	sshrl.u32 s1, $0x2  }
0xbc: {  	s3 =	sand.u32 $0x4000, s31;
	s1 =	sadd.s32 s1, s30  }
0xbd: {  	s0 =	sor.u32 s3, s0;
	s1 =	sshll.u32 s1, $0x11  }
0xbe: {  	s0 =	sor.u32 s1, s0  }
0xbf: {  	s0 =	sadd.s32 $0x8F2B, s0  }
0xc0: {  	[sflag:s0] =	ssyncadd.remote.s32 $0x1  }
0xc1: {  	_ =	sfence.sel $0xFFFF  }
0xc2: {  	[dreg:$0x0] =	wrdreg $0xFFFFFFFF;
	(pc) =	sbr.abs _section_cstart, $3  }
0xc3: {  	[dreg:$0x1] =	wrdreg $0xFFFFFFFF  }
0xc4: {  	_ =	task.clear_ibuf [dreg:s8], $0x2FFFF;
	_ =	strace $0x9FFFFFFF  }
0xc5: {  	(tm) =	ssettm $0x7FFFFFFF  }
tec
execute0_lowered:
.L_overlay_start_1:
0x0: {  	(tag) =	ssettag $0x1  }
0x1: {  	s0 =	rddreg [dreg:$0x0]  }
0x2: {  	s1 =	rddreg [dreg:$0x1]  }
0x3: {  	s3 =	rddreg [dreg:$0x3];
	s4 =	simm.s32 $0x0  }
0x4: {  	s2 =	srdreg.scid;
	s6 =	stileid.u32;
	s28 =	simm.s32 $0x1  }
0x5: {  	s29 =	simm.s32 $0x2;
	s30 =	simm.s32 $0x17C80;
	s31 =	simm.s32 $0x5  }
0x6: {  	[smem:$0x7FF] =	sst s4;
	s2 =	sand.u32 $0x1, s2;
	s8 =	smul.u32 $0x4E000, s6  }
0x7: {  	s5 =	sadd.s32 $0x2800, s0;
	s12 =	smul.u32 $0x13800, s6;
	s0 =	sadd.s32 $0x9FE00, s0  }
0x8: {  	s10 =	sshll.u32 s6, $0x7;
	p0 =	sne.s32 s6, $0x0;
	s22 =	smul.u32 $0x27100, s2  }
0x9: {  	p1 =	slt.u32 s6, $0x2;
	p2 =	sgt.u32 s6, $0x1;
	s15 =	smul.u32 $0x138800, s2  }
0xa: {  	_ =	strace $0x8000004A;
	s7 =	ssub.s32 $0x2, s2;
	s2 =	smul.u32 $0x4E200, s2  }
0xb: {  	s9 =	sshrl.u32 s7, $0x1;
	s8 =	sshrl.u32 s8, $0x2;
	s13 =	sadd.s32 $0x4000, s12  }
0xc: {  	s24 =	sadd.s32 $0x8000, s12;
	s14 =	sadd.s32 $0xC000, s12;
	s16 =	sadd.s32 $0x10000, s12  }
0xd: {  	s7 =	ssub.s32 s7, s9;
	s9 =	sadd.s32 s10, s22;
	s10 =	sadd.s32 s8, s3  }
0xe: {  	s23 =	sadd.s32 s13, s3;
	s11 =	sadd.s32 s24, s3;
	s25 =	sadd.s32 s14, s3  }
0xf: {  	s17 =	sadd.s32 s12, s15;
	s12 =	sadd.s32 $0x10, s1;
	s8 =	sadd.s32 s15, s24  }
0x10: {  	s19 =	sadd.s32 s15, s14;
	s21 =	sadd.s32 s15, s16;
	[dreg:$0x6] =	wrdreg s23  }
0x11: {  	s22 =	sshrl.u32 s15, $0x3;
	s24 =	sshll.u32 s6, $0x8;
	[dreg:$0x7] =	wrdreg s11  }
0x12: {  	s6 =	simm.s32 $0x4;
	[dreg:$0x8] =	wrdreg s25;
	s11 =	sadd.s32 s16, s3  }
0x13: {  	s23 =	sadd.s32 $0x138000, s3;
	s9 =	sshrl.u32 s9, $0x2;
	[dreg:$0x5] =	wrdreg s10  }
0x14: {  	s17 =	sshrl.u32 s17, $0x3;
	s8 =	sshrl.u32 s8, $0x3;
	[dreg:$0x9] =	wrdreg s11  }
0x15: {  	s18 =	sadd.s32 s1, s9;
	s9 =	sadd.s32 s9, s12;
	[dreg:$0xa] =	wrdreg s23  }
0x16: {  	s26 =	sadd.s32 s0, s17;
	s17 =	sadd.s32 s15, s13;
	[dreg:$0xc] =	wrdreg s9  }
0x17: {  	s13 =	sshrl.u32 s19, $0x3;
	s8 =	sadd.s32 s0, s8;
	[dreg:$0xd] =	wrdreg s26  }
0x18: {  	s9 =	sshrl.u32 s17, $0x3;
	[dreg:$0xf] =	wrdreg s8;
	s20 =	sadd.s32 s0, s13  }
0x19: {  	s8 =	sshrl.u32 s21, $0x3;
	s26 =	sadd.s32 s24, s2;
	[dreg:$0xb] =	wrdreg s18  }
0x1a: {  	s17 =	sadd.s32 $0x200, s18;
	s19 =	sadd.s32 $0x210, s18;
	[dreg:$0x10] =	wrdreg s20  }
0x1b: {  	s21 =	sadd.s32 $0x410, s18;
	s9 =	sadd.s32 s0, s9;
	[dreg:$0x16] =	wrdreg s17  }
0x1c: {  	s13 =	sadd.s32 $0x6000, s26;
	s14 =	sadd.s32 $0x5000, s26;
	[dreg:$0x17] =	wrdreg s19  }
0x1d: {  	s20 =	sadd.s32 $0x400, s18;
	[dreg:$0x19] =	wrdreg s21;
	s17 =	simm.s32 $0x13900  }
0x1e: {  	s19 =	simm.s32 $0x13980;
	s21 =	simm.s32 $0x13A00;
	[dreg:$0xe] =	wrdreg s9  }
0x1f: {  	s9 =	sadd.s32 s0, s22;
	s0 =	sadd.s32 s0, s8;
	s8 =	smax.u32 s7, $0x1  }
0x20: {  	s7 =	sshrl.u32 s13, $0x3;
	s16 =	sshrl.u32 s14, $0x3;
	[dreg:$0x18] =	wrdreg s20  }
0x21: {  	s14 =	simm.s32 $0x7;
	s20 =	simm.s32 $0x13B80;
	[dreg:$0x11] =	wrdreg s0  }
0x22: {  	s13 =	simm.s32 $0x6;
	s25 =	sadd.s32 $0x27000, s9;
	[dreg:$0x13] =	wrdreg s8  }
0x23: {  	s9 =	sadd.s32 $0x7000, s26;
	s15 =	sadd.s32 s7, s1;
	[dreg:$0x12] =	wrdreg s25  }
0x24: {  	s24 =	sadd.s32 s16, s1;
	s0 =	sadd.s32 $0x4000, s26;
	[dreg:$0x14] =	wrdreg s15  }
0x25: {  	s26 =	sadd.s32 $0x610, s18;
	s16 =	simm.s32 $0x13A80;
	[dreg:$0x15] =	wrdreg s0  }
0x26: {  	s2 =	sshrl.u32 s9, $0x3;
	s25 =	sadd.s32 $0x600, s18;
	[dreg:$0x1b] =	wrdreg s26  }
0x27: {  	s15 =	simm.s32 $0x13880;
	s18 =	simm.s32 $0x13B00;
	s26 =	simm.s32 $0x13C00  }
0x28: {  	s0 =	simm.s32 $0x3;
	s9 =	simm.s32 $0x0;
	s22 =	sadd.s32 s2, s1  }
0x29: {  	[dreg:$0x1a] =	wrdreg s25;
	s2 =	simm.s32 $0x13C80;
	s25 =	simm.s32 $0x80  }
.LBB2_1:
0x2a: {  	[dreg:$0x1c] =	wrdreg s9  }
0x2b: {  	s7 =	rddreg [dreg:$0x2]  }
0x2c: {  	[tilespmem:s2], [sflag:$0x7] =	stream.linear.gather [hbm4b:s7+s4], $0x4000, $0x38;
	[tilespmem:$0x1BC80] =	vst v63  }
0x2d: {  	_ =	swait.ge [sflag:s14], $0x4000  }
0x2e: {  	[sflag:s14] =	ssyncset.done $0x0  }
0x2f: {  	[sflag:s14] =	ssyncadd.s32 $0xFFFFC000  }
0x30: {  	[spmem:s10] =	stream.linear.scatter [tilespmem:s2], [sflag:$0x7], $0x4000, $0x38;
	[tilespmem:$0x1BC80] =	vst v63  }
0x31: {  	_ =	swait.ge [sflag:s14], $0x4000  }
0x32: {  	[sflag:s14] =	ssyncset.done $0x0  }
0x33: {  	s10 =	rddreg [dreg:$0x6];
	[sflag:s14] =	ssyncadd.s32 $0xFFFFC000  }
0x34: {  	[spmem:s10] =	stream.linear.scatter [tilespmem:s2], [sflag:$0x7], $0x4000, $0x38;
	[tilespmem:$0x1BC80] =	vst v63  }
0x35: {  	_ =	swait.ge [sflag:s14], $0x4000  }
0x36: {  	[sflag:s14] =	ssyncset.done $0x0  }
0x37: {  	s8 =	rddreg [dreg:$0x7];
	[sflag:s14] =	ssyncadd.s32 $0xFFFFC000  }
0x38: {  	[spmem:s8] =	stream.linear.scatter [tilespmem:s2], [sflag:$0x7], $0x4000, $0x38;
	[tilespmem:$0x1BC80] =	vst v63  }
0x39: {  	_ =	swait.ge [sflag:s14], $0x4000  }
0x3a: {  	[sflag:s14] =	ssyncset.done $0x0  }
0x3b: {  	s9 =	rddreg [dreg:$0x8];
	[sflag:s14] =	ssyncadd.s32 $0xFFFFC000  }
0x3c: {  	[spmem:s9] =	stream.linear.scatter [tilespmem:s2], [sflag:$0x7], $0x4000, $0x38;
	[tilespmem:$0x1BC80] =	vst v63  }
0x3d: {  	_ =	swait.ge [sflag:s14], $0x4000  }
0x3e: {  	[sflag:s14] =	ssyncset.done $0x0  }
0x3f: {  	[sflag:s14] =	ssyncadd.s32 $0xFFFFC000  }
0x40: {  	[spmem:s11] =	stream.linear.scatter [tilespmem:s2], [sflag:$0x7], $0x3800, $0x38;
	[tilespmem:$0x1BC80] =	vst v63  }
0x41: {  	_ =	swait.ge [sflag:s14], $0x3800  }
0x42: {  	[sflag:s14] =	ssyncset.done $0x0  }
0x43: {  	s8 =	simm.s32 @!p0 $0x13C80;
	[sflag:s14] =	ssyncadd.s32 $0xFFFFC800  }
0x44: {  	[spmem:s23] =	stream.linear.scatter @!p0 [tilespmem:s8], [sflag:$0x7], $0x800, $0x38;
	[tilespmem:$0x1BC80] =	vst v63  }
0x45: {  	s8 =	simm.s32 @!p0 $0x7  }
0x46: {  	_ =	swait.ge @!p0 [sflag:s8], $0x800  }
0x47: {  	[sflag:s8] =	ssyncset.done @!p0 $0x0  }
0x48: {  	[sflag:s8] =	ssyncadd.s32 @!p0 $0xFFFFF800  }
0x49: {  	[bflag:$0x0] =	sbarrier.arrive $0xFFFF  }
0x4a: {  	s10 =	rddreg [dreg:$0xb]  }
0x4b: {  	[tilespmem:s15], [sflag:$0x1] =	stream.linear.gather [hbm4b:s10+s4], $0x80, $0x38;
	[tilespmem:$0x1BC80] =	vst v63  }
0x4c: {  	s11 =	rddreg [dreg:$0xc]  }
0x4d: {  	[tilespmem:s16], [sflag:$0x1] =	stream.linear.gather [hbm4b:s11+s4], $0x80, $0x38;
	[tilespmem:$0x1BC80] =	vst v63  }
0x4e: {  	s23 =	rddreg [dreg:$0x16]  }
0x4f: {  	[tilespmem:s17], [sflag:$0x2] =	stream.linear.gather [hbm4b:s23+s4], $0x80, $0x38;
	[tilespmem:$0x1BC80] =	vst v63  }
0x50: {  	s8 =	rddreg [dreg:$0x17]  }
0x51: {  	[tilespmem:s18], [sflag:$0x2] =	stream.linear.gather [hbm4b:s8+s4], $0x80, $0x38;
	[tilespmem:$0x1BC80] =	vst v63  }
0x52: {  	s9 =	rddreg [dreg:$0x18]  }
0x53: {  	[tilespmem:s19], [sflag:$0x3] =	stream.linear.gather [hbm4b:s9+s4], $0x80, $0x38;
	[tilespmem:$0x1BC80] =	vst v63  }
0x54: {  	s10 =	rddreg [dreg:$0x19]  }
0x55: {  	[tilespmem:s20], [sflag:$0x3] =	stream.linear.gather [hbm4b:s10+s4], $0x80, $0x38;
	[tilespmem:$0x1BC80] =	vst v63  }
0x56: {  	s11 =	rddreg [dreg:$0x1a]  }
0x57: {  	[tilespmem:s21], [sflag:$0x4] =	stream.linear.gather [hbm4b:s11+s4], $0x80, $0x38;
	[tilespmem:$0x1BC80] =	vst v63  }
0x58: {  	s23 =	rddreg [dreg:$0x1b]  }
0x59: {  	[tilespmem:s26], [sflag:$0x4] =	stream.linear.gather [hbm4b:s23+s4], $0x80, $0x38;
	[tilespmem:$0x1BC80] =	vst v63  }
0x5a: {  	_ =	swait.ge [sflag:s28], $0x80  }
0x5b: {  	[sflag:s28] =	ssyncset.done $0x0  }
0x5c: {  	[sflag:s28] =	ssyncadd.s32 $0xFFFFFF80  }
0x5d: {  	_ =	swait.ge [sflag:s28], $0x80  }
0x5e: {  	[sflag:s28] =	ssyncset.done $0x0  }
0x5f: {  	[sflag:s28] =	ssyncadd.s32 $0xFFFFFF80  }
0x60: {  	[tilespmem:s2], [sflag:$0x5] =	stream.indirect.gather [hbm4b:s5+s25], $0x80, s15, s25, $0xb8;
	[tilespmem:$0x1BC80] =	vst v63  }
0x61: {  	_ =	swait.ge [sflag:s29], $0x80  }
0x62: {  	[sflag:s29] =	ssyncset.done $0x0  }
0x63: {  	[sflag:s29] =	ssyncadd.s32 $0xFFFFFF80  }
0x64: {  	_ =	swait.ge [sflag:s29], $0x80  }
0x65: {  	[sflag:s29] =	ssyncset.done $0x0;
	s8 =	rddreg [dreg:$0x15]  }
0x66: {  	s9 =	simm.s32 $0x0;
	s23 =	rddreg [dreg:$0x14];
	[sflag:s29] =	ssyncadd.s32 $0xFFFFFF80  }
0x67: {  	[tilespmem:s30], [sflag:$0x6] =	stream.indirect.gather [hbm4b:s5+s25], $0x80, s17, s25, $0xb8;
	[tilespmem:$0x1BC80] =	vst v63  }
.LBB2_2:
0x68: {  	_ =	swait.ge [sflag:s31], $0x4000  }
0x69: {  	[sflag:s31] =	ssyncset.done $0x0  }
0x6a: {  	[sflag:s31] =	ssyncadd.s32 $0xFFFFC000  }
0x6b: {  	[spmem:s3] =	stream.indirect.scatter.add.f32 [tilespmem:s2], [sflag:$0x7], $0x80, s16, s25, $0xb8;
	[tilespmem:$0x1BC80] =	vst v63  }
0x6c: {  	_ =	swait.ge [sflag:s14], $0x4000  }
0x6d: {  	s10 =	sshrl.u32 s8, $0x3;
	[sflag:s14] =	ssyncset.done $0x0  }
0x6e: {  	s11 =	sadd.s32 s1, s10;
	[sflag:s14] =	ssyncadd.s32 $0xFFFFC000  }
0x6f: {  	[tilespmem:s15], [sflag:$0x1] =	stream.linear.gather [hbm4b:s11+s4], $0x80, $0x38;
	[tilespmem:$0x1BC80] =	vst v63  }
0x70: {  	s10 =	sadd.s32 s10, s12  }
0x71: {  	[tilespmem:s16], [sflag:$0x1] =	stream.linear.gather [hbm4b:s10+s4], $0x80, $0x38;
	[tilespmem:$0x1BC80] =	vst v63  }
0x72: {  	_ =	swait.ge [sflag:s0], $0x80  }
0x73: {  	[sflag:s0] =	ssyncset.done $0x0  }
0x74: {  	[sflag:s0] =	ssyncadd.s32 $0xFFFFFF80  }
0x75: {  	_ =	swait.ge [sflag:s0], $0x80  }
0x76: {  	[sflag:s0] =	ssyncset.done $0x0  }
0x77: {  	[sflag:s0] =	ssyncadd.s32 $0xFFFFFF80  }
0x78: {  	[tilespmem:s2], [sflag:$0x5] =	stream.indirect.gather [hbm4b:s5+s25], $0x80, s19, s25, $0xb8;
	[tilespmem:$0x1BC80] =	vst v63  }
0x79: {  	_ =	swait.ge [sflag:s13], $0x4000  }
0x7a: {  	[sflag:s13] =	ssyncset.done $0x0  }
0x7b: {  	[sflag:s13] =	ssyncadd.s32 $0xFFFFC000  }
0x7c: {  	[spmem:s3] =	stream.indirect.scatter.add.f32 [tilespmem:s30], [sflag:$0x7], $0x80, s18, s25, $0xb8;
	[tilespmem:$0x1BC80] =	vst v63  }
0x7d: {  	_ =	swait.ge [sflag:s14], $0x4000  }
0x7e: {  	[sflag:s14] =	ssyncset.done $0x0  }
0x7f: {  	s11 =	sadd.s32 s9, s24;
	[sflag:s14] =	ssyncadd.s32 $0xFFFFC000  }
0x80: {  	[tilespmem:s17], [sflag:$0x2] =	stream.linear.gather [hbm4b:s11+s4], $0x80, $0x38;
	[tilespmem:$0x1BC80] =	vst v63  }
0x81: {  	s10 =	sadd.s32 $0x10, s11  }
0x82: {  	[tilespmem:s18], [sflag:$0x2] =	stream.linear.gather [hbm4b:s10+s4], $0x80, $0x38;
	[tilespmem:$0x1BC80] =	vst v63  }
0x83: {  	_ =	swait.ge [sflag:s6], $0x80  }
0x84: {  	[sflag:s6] =	ssyncset.done $0x0  }
0x85: {  	[sflag:s6] =	ssyncadd.s32 $0xFFFFFF80  }
0x86: {  	_ =	swait.ge [sflag:s6], $0x80  }
0x87: {  	[sflag:s6] =	ssyncset.done $0x0  }
0x88: {  	[sflag:s6] =	ssyncadd.s32 $0xFFFFFF80  }
0x89: {  	[tilespmem:s30], [sflag:$0x6] =	stream.indirect.gather [hbm4b:s5+s25], $0x80, s21, s25, $0xb8;
	[tilespmem:$0x1BC80] =	vst v63  }
0x8a: {  	_ =	swait.ge [sflag:s31], $0x4000  }
0x8b: {  	[sflag:s31] =	ssyncset.done $0x0  }
0x8c: {  	[sflag:s31] =	ssyncadd.s32 $0xFFFFC000  }
0x8d: {  	[spmem:s3] =	stream.indirect.scatter.add.f32 [tilespmem:s2], [sflag:$0x7], $0x80, s20, s25, $0xb8;
	[tilespmem:$0x1BC80] =	vst v63  }
0x8e: {  	p3 =	seq.s32 @!p1 s9, $0x9000;
	_ =	swait.ge [sflag:s14], $0x4000  }
0x8f: {  	p3 =	por p1, !p3;
	[sflag:s14] =	ssyncset.done $0x0  }
0x90: {  	s10 =	sadd.s32 @p3 s9, s23;
	[sflag:s14] =	ssyncadd.s32 $0xFFFFC000  }
0x91: {  	[tilespmem:s19], [sflag:$0x3] =	stream.linear.gather @p3 [hbm4b:s10+s4], $0x80, $0x38;
	[tilespmem:$0x1BC80] =	vst v63  }
0x92: {  	s10 =	sadd.s32 @p3 $0x10, s10  }
0x93: {  	[tilespmem:s20], [sflag:$0x3] =	stream.linear.gather @p3 [hbm4b:s10+s4], $0x80, $0x38;
	[tilespmem:$0x1BC80] =	vst v63  }
0x94: {  	_ =	swait.ge [sflag:s28], $0x80  }
0x95: {  	[sflag:s28] =	ssyncset.done $0x0  }
0x96: {  	[sflag:s28] =	ssyncadd.s32 $0xFFFFFF80  }
0x97: {  	_ =	swait.ge [sflag:s28], $0x80  }
0x98: {  	[sflag:s28] =	ssyncset.done $0x0  }
0x99: {  	[sflag:s28] =	ssyncadd.s32 $0xFFFFFF80  }
0x9a: {  	[tilespmem:s2], [sflag:$0x5] =	stream.indirect.gather [hbm4b:s5+s25], $0x80, s15, s25, $0xb8;
	[tilespmem:$0x1BC80] =	vst v63  }
0x9b: {  	_ =	swait.ge [sflag:s13], $0x4000  }
0x9c: {  	[sflag:s13] =	ssyncset.done $0x0  }
0x9d: {  	[sflag:s13] =	ssyncadd.s32 $0xFFFFC000  }
0x9e: {  	[spmem:s3] =	stream.indirect.scatter.add.f32 [tilespmem:s30], [sflag:$0x7], $0x80, s26, s25, $0xb8;
	[tilespmem:$0x1BC80] =	vst v63  }
0x9f: {  	p3 =	seq.s32 s9, $0x9000;
	_ =	swait.ge [sflag:s14], $0x4000  }
0xa0: {  	s10 =	sadd.s32 @!p3 s9, s22;
	[sflag:s14] =	ssyncset.done $0x0  }
0xa1: {  	s11 =	simm.s32 @!p3 $0x0;
	s7 =	simm.s32 @!p3 $0x13A00;
	[sflag:s14] =	ssyncadd.s32 $0xFFFFC000  }
0xa2: {  	[tilespmem:s7], [sflag:$0x4] =	stream.linear.gather @!p3 [hbm4b:s10+s11], $0x80, $0x38;
	[tilespmem:$0x1BC80] =	vst v63  }
0xa3: {  	s7 =	sadd.s32 @!p3 $0x10, s10;
	s10 =	simm.s32 @!p3 $0x13C00  }
0xa4: {  	[tilespmem:s10], [sflag:$0x4] =	stream.linear.gather @!p3 [hbm4b:s7+s11], $0x80, $0x38;
	[tilespmem:$0x1BC80] =	vst v63  }
0xa5: {  	s9 =	sadd.s32 $0x800, s9;
	_ =	swait.ge [sflag:s29], $0x80  }
0xa6: {  	p3 =	sne.s32 s9, $0x9800;
	[sflag:s29] =	ssyncset.done $0x0  }
.Ltmp0:
0xa7: {  	[sflag:s29] =	ssyncadd.s32 $0xFFFFFF80;
	(pc) =	sbr.rel @p3 .LBB2_2-.Ltmp0, $4  }
0xa8: {  	_ =	swait.ge [sflag:s29], $0x80  }
0xa9: {  	[sflag:s29] =	ssyncset.done $0x0  }
0xaa: {  	s8 =	sadd.s32 $0x4000, s8;
	[sflag:s29] =	ssyncadd.s32 $0xFFFFFF80  }
0xab: {  	[tilespmem:s30], [sflag:$0x6] =	stream.indirect.gather [hbm4b:s5+s25], $0x80, s17, s25, $0xb8;
	[tilespmem:$0x1BC80] =	vst v63  }
0xac: {  	_ =	swait.ge [sflag:s31], $0x4000  }
0xad: {  	[sflag:s31] =	ssyncset.done $0x0  }
0xae: {  	[sflag:s31] =	ssyncadd.s32 $0xFFFFC000  }
0xaf: {  	[spmem:s3] =	stream.indirect.scatter.add.f32 [tilespmem:s2], [sflag:$0x7], $0x80, s16, s25, $0xb8;
	[tilespmem:$0x1BC80] =	vst v63  }
0xb0: {  	_ =	swait.ge [sflag:s14], $0x4000  }
0xb1: {  	[sflag:s14] =	ssyncset.done $0x0  }
0xb2: {  	s7 =	simm.s32 @p2 $0x6;
	[sflag:s14] =	ssyncadd.s32 $0xFFFFC000  }
0xb3: {  	_ =	swait.ge @p2 [sflag:s7], $0x4000  }
0xb4: {  	s8 =	simm.s32 @p2 $0x13B00;
	[sflag:s7] =	ssyncset.done @p2 $0x0  }
0xb5: {  	s9 =	simm.s32 @p2 $0x17C80;
	[sflag:s7] =	ssyncadd.s32 @p2 $0xFFFFC000;
	s7 =	simm.s32 @p2 $0x80  }
0xb6: {  	[spmem:s3] =	stream.indirect.scatter.add.f32 @p2 [tilespmem:s9], [sflag:$0x7], $0x80, s8, s7, $0xb8;
	[tilespmem:$0x1BC80] =	vst v63  }
0xb7: {  	s7 =	simm.s32 @!p2 $0x3  }
0xb8: {  	_ =	swait.ge @!p2 [sflag:s7], $0x80  }
0xb9: {  	[sflag:s7] =	ssyncset.done @!p2 $0x0  }
0xba: {  	[sflag:s7] =	ssyncadd.s32 @!p2 $0xFFFFFF80  }
0xbb: {  	_ =	swait.ge @!p2 [sflag:s7], $0x80  }
0xbc: {  	s8 =	simm.s32 @!p2 $0x13980;
	[sflag:s7] =	ssyncset.done @!p2 $0x0  }
0xbd: {  	s9 =	simm.s32 @!p2 $0x13C80;
	[sflag:s7] =	ssyncadd.s32 @!p2 $0xFFFFFF80;
	s7 =	simm.s32 @!p2 $0x80  }
0xbe: {  	[tilespmem:s9], [sflag:$0x5] =	stream.indirect.gather @!p2 [hbm4b:s5+s7], $0x80, s8, s7, $0xb8;
	[tilespmem:$0x1BC80] =	vst v63  }
0xbf: {  	s8 =	simm.s32 @!p2 $0x6  }
0xc0: {  	_ =	swait.ge @!p2 [sflag:s8], $0x4000  }
0xc1: {  	[sflag:s8] =	ssyncset.done @!p2 $0x0  }
0xc2: {  	s10 =	simm.s32 @!p2 $0x17C80;
	[sflag:s8] =	ssyncadd.s32 @!p2 $0xFFFFC000;
	s8 =	simm.s32 @!p2 $0x13B00  }
0xc3: {  	[spmem:s3] =	stream.indirect.scatter.add.f32 @!p2 [tilespmem:s10], [sflag:$0x7], $0x80, s8, s7, $0xb8;
	[tilespmem:$0x1BC80] =	vst v63  }
0xc4: {  	s8 =	simm.s32 @!p2 $0x7  }
0xc5: {  	_ =	swait.ge @!p2 [sflag:s8], $0x4000  }
0xc6: {  	[sflag:s8] =	ssyncset.done @!p2 $0x0  }
0xc7: {  	[sflag:s8] =	ssyncadd.s32 @!p2 $0xFFFFC000;
	s8 =	simm.s32 @!p2 $0x5  }
0xc8: {  	_ =	swait.ge @!p2 [sflag:s8], $0x4000  }
0xc9: {  	[sflag:s8] =	ssyncset.done @!p2 $0x0  }
0xca: {  	[sflag:s8] =	ssyncadd.s32 @!p2 $0xFFFFC000;
	s8 =	simm.s32 @!p2 $0x13B80  }
0xcb: {  	[spmem:s3] =	stream.indirect.scatter.add.f32 @!p2 [tilespmem:s9], [sflag:$0x7], $0x80, s8, s7, $0xb8;
	[tilespmem:$0x1BC80] =	vst v63  }
0xcc: {  	_ =	swait.ge [sflag:s14], $0x4000  }
0xcd: {  	[sflag:s14] =	ssyncset.done $0x0  }
0xce: {  	[sflag:s14] =	ssyncadd.s32 $0xFFFFC000  }
0xcf: {  	[bflag:$0x0] =	sbarrier.arrive $0xFFFF  }
0xd0: {  	s9 =	rddreg [dreg:$0x5]  }
0xd1: {  	[tilespmem:s2], [sflag:$0x7] =	stream.linear.gather [spmem:s9], $0x4000, $0x38;
	[tilespmem:$0x1BC80] =	vst v63  }
0xd2: {  	_ =	swait.ge [sflag:s14], $0x4000  }
0xd3: {  	[sflag:s14] =	ssyncset.done $0x0  }
0xd4: {  	s10 =	rddreg [dreg:$0xd];
	[sflag:s14] =	ssyncadd.s32 $0xFFFFC000  }
0xd5: {  	[hbm4b:s10+s4] =	stream.linear.scatter [tilespmem:s2], [sflag:$0x7], $0x4000, $0x38;
	[tilespmem:$0x1BC80] =	vst v63  }
0xd6: {  	_ =	swait.ge [sflag:s14], $0x4000  }
0xd7: {  	[sflag:s14] =	ssyncset.done $0x0  }
0xd8: {  	s11 =	rddreg [dreg:$0x6];
	[sflag:s14] =	ssyncadd.s32 $0xFFFFC000  }
0xd9: {  	[tilespmem:s2], [sflag:$0x7] =	stream.linear.gather [spmem:s11], $0x4000, $0x38;
	[tilespmem:$0x1BC80] =	vst v63  }
0xda: {  	_ =	swait.ge [sflag:s14], $0x4000  }
0xdb: {  	[sflag:s14] =	ssyncset.done $0x0  }
0xdc: {  	s23 =	rddreg [dreg:$0xe];
	[sflag:s14] =	ssyncadd.s32 $0xFFFFC000  }
0xdd: {  	[hbm4b:s23+s4] =	stream.linear.scatter [tilespmem:s2], [sflag:$0x7], $0x4000, $0x38;
	[tilespmem:$0x1BC80] =	vst v63  }
0xde: {  	_ =	swait.ge [sflag:s14], $0x4000  }
0xdf: {  	[sflag:s14] =	ssyncset.done $0x0  }
0xe0: {  	s8 =	rddreg [dreg:$0x7];
	[sflag:s14] =	ssyncadd.s32 $0xFFFFC000  }
0xe1: {  	[tilespmem:s2], [sflag:$0x7] =	stream.linear.gather [spmem:s8], $0x4000, $0x38;
	[tilespmem:$0x1BC80] =	vst v63  }
0xe2: {  	_ =	swait.ge [sflag:s14], $0x4000  }
0xe3: {  	[sflag:s14] =	ssyncset.done $0x0  }
0xe4: {  	s9 =	rddreg [dreg:$0xf];
	[sflag:s14] =	ssyncadd.s32 $0xFFFFC000  }
0xe5: {  	[hbm4b:s9+s4] =	stream.linear.scatter [tilespmem:s2], [sflag:$0x7], $0x4000, $0x38;
	[tilespmem:$0x1BC80] =	vst v63  }
0xe6: {  	_ =	swait.ge [sflag:s14], $0x4000  }
0xe7: {  	[sflag:s14] =	ssyncset.done $0x0  }
0xe8: {  	s10 =	rddreg [dreg:$0x8];
	[sflag:s14] =	ssyncadd.s32 $0xFFFFC000  }
0xe9: {  	[tilespmem:s2], [sflag:$0x7] =	stream.linear.gather [spmem:s10], $0x4000, $0x38;
	[tilespmem:$0x1BC80] =	vst v63  }
0xea: {  	_ =	swait.ge [sflag:s14], $0x4000  }
0xeb: {  	[sflag:s14] =	ssyncset.done $0x0  }
0xec: {  	s11 =	rddreg [dreg:$0x10];
	[sflag:s14] =	ssyncadd.s32 $0xFFFFC000  }
0xed: {  	[hbm4b:s11+s4] =	stream.linear.scatter [tilespmem:s2], [sflag:$0x7], $0x4000, $0x38;
	[tilespmem:$0x1BC80] =	vst v63  }
0xee: {  	_ =	swait.ge [sflag:s14], $0x4000  }
0xef: {  	[sflag:s14] =	ssyncset.done $0x0  }
0xf0: {  	s11 =	rddreg [dreg:$0x9];
	[sflag:s14] =	ssyncadd.s32 $0xFFFFC000  }
0xf1: {  	[tilespmem:s2], [sflag:$0x7] =	stream.linear.gather [spmem:s11], $0x3800, $0x38;
	[tilespmem:$0x1BC80] =	vst v63  }
0xf2: {  	_ =	swait.ge [sflag:s14], $0x3800  }
0xf3: {  	[sflag:s14] =	ssyncset.done $0x0  }
0xf4: {  	s23 =	rddreg [dreg:$0x11];
	[sflag:s14] =	ssyncadd.s32 $0xFFFFC800  }
0xf5: {  	[hbm4b:s23+s4] =	stream.linear.scatter [tilespmem:s2], [sflag:$0x7], $0x3800, $0x38;
	[tilespmem:$0x1BC80] =	vst v63  }
0xf6: {  	_ =	swait.ge [sflag:s14], $0x3800  }
0xf7: {  	s7 =	simm.s32 @!p0 $0x13C80;
	[sflag:s14] =	ssyncset.done $0x0  }
0xf8: {  	s8 =	simm.s32 @!p0 $0x7;
	s23 =	rddreg [dreg:$0xa];
	[sflag:s14] =	ssyncadd.s32 $0xFFFFC800  }
0xf9: {  	[tilespmem:s7], [sflag:$0x7] =	stream.linear.gather @!p0 [spmem:s23], $0x800, $0x38;
	[tilespmem:$0x1BC80] =	vst v63  }
0xfa: {  	_ =	swait.ge @!p0 [sflag:s8], $0x800  }
0xfb: {  	[sflag:s8] =	ssyncset.done @!p0 $0x0  }
0xfc: {  	s9 =	simm.s32 @!p0 $0x0;
	s10 =	rddreg [dreg:$0x12];
	[sflag:s8] =	ssyncadd.s32 @!p0 $0xFFFFF800  }
0xfd: {  	[hbm4b:s10+s9] =	stream.linear.scatter @!p0 [tilespmem:s7], [sflag:$0x7], $0x800, $0x38;
	[tilespmem:$0x1BC80] =	vst v63  }
0xfe: {  	s10 =	rddreg [dreg:$0x5];
	_ =	swait.ge @!p0 [sflag:s8], $0x800  }
0xff: {  	s7 =	rddreg [dreg:$0x1c]  }
0x100: {  	s9 =	sadd.s32 $0x1, s7;
	s7 =	rddreg [dreg:$0x13]  }
0x101: {  	p3 =	sne.s32 s9, s7  }
.Ltmp1:
0x102: {  	_ = 	snop;
	(pc) =	sbr.rel @p3 .LBB2_1-.Ltmp1, $3  }
0x103: {  	_ =	sdelay $0x1  }
0x104: {  	[sflag:s8] =	ssyncset.done @!p0 $0x0  }
0x105: {  	[sflag:s8] =	ssyncadd.s32 @!p0 $0xFFFFF800  }
0x106: {  	_ =	sfence.sel $0x180000  }
0x107: {  	[bflag:$0x0] =	sbarrier.arrive $0xFFFF  }
0x108: {  	_ =	strace $0x9000004A  }
0x109: {  	[bflag:$0x2] =	sbarrier.arrive $0xFFFF  }
0x10a: {  	s0 =	rddreg [dreg:$0x4]  }
0x10b: {  	s0 =	sadd.s32 @!p0 $0x100000, s0  }
0x10c: {  	[sflag:s0] =	ssyncadd.tile.s32 @!p0 $0x1;
	_ =	shalt  }
.Lfunc_end2:
_tile_overlayer_lowered:
.L_overlay_start_2:
0x10d: {  	(tag) =	ssettag $0x2  }
0x10e: {  	s0 =	rddreg [dreg:$0x0];
	s2 =	stileid.u32  }
0x10f: {  	s1 =	rddreg [dreg:$0x1];
	p0 =	sne.s32 s2, $0x0  }
0x110: {  	s3 =	rddreg [dreg:$0x2];
	[bflag:$0x3] =	sbarrier.arrive $0xFFFF;
	s2 =	simm.s32 @!p0 $0x1C07  }
0x111: {  	[timem:s3], [sflag:s2] =	dma.local @!p0 [hbm:s0], s1  }
0x112: {  	s0 =	simm.s32 @!p0 $0x7  }
0x113: {  	_ =	swait.ge @!p0 [sflag:s0], s1  }
0x114: {  	s1 =	ssub.s32 @!p0 $0x0, s1;
	[sflag:s0] =	ssyncset.done @!p0 $0x0  }
0x115: {  	[sflag:s0] =	ssyncadd.s32 @!p0 s1  }
0x116: {  	[bflag:$0x3] =	sbarrier.arrive $0xFFFF  }
0x117: {  	_ =	shalt  }

</sc_bundles>
